<compile_context>
chip_gen: v7x
topology: tpu7x:2x2x1
jax: 0.10.2.dev20260603
libtpu: 0.0.44.dev20260713+nightly
codegen_flags: <defaults>
</compile_context>

<pallas_src>
import functools

import jax
import jax.numpy as jnp
from jax import lax
from jax.experimental import pallas as pl
from jax.experimental.pallas import tpu as pltpu
from jax.experimental.pallas import tpu_sc as plsc

N = 10000
E = 320000
D_IN = 128
C = 64
NB = 4

NC = 2
NS = 16
NW = NC * NS

K = 80
G = 5
GR = G * K
RPW = E // NW
NGRP = RPW // GR
EPT = E // NS
G2 = 2
GR2 = G2 * K
NGRPS = EPT // GR2
NPAD = 10240
NPT = NPAD // NS

_MESH = plsc.VectorSubcoreMesh(core_axis_name="c", subcore_axis_name="s")



def _pack2(lo, hi):
    lo16 = lax.bitcast_convert_type(lo.astype(jnp.bfloat16), jnp.uint16)
    hi16 = lax.bitcast_convert_type(hi.astype(jnp.bfloat16), jnp.uint16)
    w = hi16.astype(jnp.uint32) << 16 | lo16.astype(jnp.uint32)
    return lax.bitcast_convert_type(w, jnp.float32)


def _unpack2(w):
    u = lax.bitcast_convert_type(w, jnp.uint32)
    lo = lax.bitcast_convert_type((u & 0xFFFF).astype(jnp.uint16), jnp.bfloat16)
    hi = lax.bitcast_convert_type((u >> 16).astype(jnp.uint16), jnp.bfloat16)
    return lo, hi


def _node_ff_body(p1_ref, p3_ref, wpp_ref, bpp_ref, t1_ref):
    x = jnp.dot(p1_ref[...], wpp_ref[...], preferred_element_type=jnp.float32)
    h = jnp.maximum(x + bpp_ref[...], 0.0)
    t1_ref[:, 0:C] = _pack2(h, p3_ref[:, 1, :])
    t1_ref[:, C:2 * C] = _pack2(p3_ref[:, 0, :], p3_ref[:, 2, :])


def _edge_ff_body(gi_ref, gj_ref, basis_ref, diff_ref, wt_ref, wb_ref,
                  bpi_ref, wt6_ref, sel4_ref, seld_ref, s0_ref, s1_ref):
    bf = jnp.bfloat16
    lo_i, _ = _unpack2(gi_ref[...])
    lo_j, hi_j = _unpack2(gj_ref[...])
    inter = (jnp.dot(lo_i, wt_ref[...], preferred_element_type=jnp.float32)
             + jnp.dot(lo_j, wb_ref[...], preferred_element_type=jnp.float32)
             + bpi_ref[...])
    bse = jnp.dot(basis_ref[...], sel4_ref[...], preferred_element_type=jnp.float32)
    prod = (inter * bse).astype(bf)
    t6 = jnp.maximum(jnp.dot(prod, wt6_ref[...], preferred_element_type=jnp.float32), 0.0)
    dfe = jnp.dot(diff_ref[...], seld_ref[...], preferred_element_type=jnp.float32)
    a = t6[:, 0:2 * C]
    b = t6[:, 2 * C:4 * C]
    f = t6[:, 4 * C:6 * C]
    lane = lax.broadcasted_iota(jnp.int32, a.shape, 1)
    p = jnp.where(lane < C, jnp.float32(1.0), lo_j.astype(jnp.float32))
    s0_ref[...] = a * p + dfe[:, 0:2 * C] * f
    s1_ref[...] = b * hi_j.astype(jnp.float32) + dfe[:, 2 * C:4 * C] * f


def _finalize_body(a_ref, b_ref, p1t_ref, p3t_ref):
    a = a_ref[...]
    b = b_ref[...]
    p1n = a[:, 0:C]
    p30 = a[:, C:2 * C]
    p31 = b[:, 0:C]
    p32 = b[:, C:2 * C]
    s = p30 * p30 + p31 * p31 + p32 * p32 + p1n
    p1t_ref[...] = s
    p3t_ref[:, 0, :] = p30 * s
    p3t_ref[:, 1, :] = p31 * s
    p3t_ref[:, 2, :] = p32 * s



@functools.partial(
    pl.kernel,
    out_type=(jax.ShapeDtypeStruct((E, 2 * C), jnp.float32),
              jax.ShapeDtypeStruct((E, 2 * C), jnp.float32)),
    mesh=_MESH,
    compiler_params=pltpu.CompilerParams(needs_layout_passes=False),
    scratch_types=[
        pltpu.VMEM((2 * GR,), jnp.int32),
        pltpu.VMEM((2 * GR,), jnp.int32),
        pltpu.VMEM((GR,), jnp.int32),
        pltpu.VMEM((GR,), jnp.int32),
        pltpu.VMEM((GR, 2 * C), jnp.float32),
        pltpu.VMEM((GR, 2 * C), jnp.float32),
        pltpu.SemaphoreType.DMA,
        pltpu.SemaphoreType.DMA,
        pltpu.SemaphoreType.DMA,
        pltpu.SemaphoreType.DMA,
        pltpu.SemaphoreType.DMA,
        pltpu.SemaphoreType.DMA,
    ],
)
def _sc_gather(t1_hbm, idx2_hbm, gi_hbm, gj_hbm,
               pr0, pr1, ix0, ix1, rh0, rh1, p0, p1, g0, g1, o0, o1):
    wid = lax.axis_index("s") * NC + lax.axis_index("c")
    rbase = wid * RPW
    prs = (pr0, pr1)
    ixs = (ix0, ix1)
    rh = (rh0, rh1)
    psem = (p0, p1)
    gsem = (g0, g1)
    osem = (o0, o1)
    lanes = lax.iota(jnp.int32, 16)

    def run_segment(parity, out_hbm):

        def start_pairs(g, h):
            base = pl.multiple_of(2 * rbase + g * (2 * GR), 8)
            pltpu.async_copy(idx2_hbm.at[pl.ds(base, 2 * GR)],
                             prs[h], psem[h])

        def wait_pairs(h):
            pltpu.make_async_copy(idx2_hbm.at[pl.ds(0, 2 * GR)],
                                  prs[h], psem[h]).wait()

        def deint(h):
            for q in range(GR // 16):
                pos = lanes * 2 + (q * 32 + parity)
                ixs[h][pl.ds(q * 16, 16)] = plsc.load_gather(prs[h], [pos])

        def start_gathers(h):
            for b in range(G):
                pltpu.async_copy(
                    t1_hbm.at[ixs[h].at[pl.ds(b * K, K)]],
                    rh[h].at[pl.ds(b * K, K)], gsem[h])

        def wait_gathers(h):
            for b in range(G):
                pltpu.make_async_copy(
                    t1_hbm.at[ixs[h].at[pl.ds(0, K)]],
                    rh[h].at[pl.ds(b * K, K)], gsem[h]).wait()

        def start_write(g, h):
            base = pl.multiple_of(rbase + g * GR, 8)
            pltpu.async_copy(rh[h], out_hbm.at[pl.ds(base, GR)], osem[h])

        def wait_write(h):
            pltpu.make_async_copy(rh[h], out_hbm.at[pl.ds(0, GR)], osem[h]).wait()

        start_pairs(0, 0)
        wait_pairs(0)
        deint(0)
        start_gathers(0)
        start_pairs(1, 1)

        def body(t2, carry):
            for hh in range(2):
                g = 1 + 2 * t2 + hh
                h = (1 + hh) % 2

                @pl.when(g >= 2)
                def _():
                    wait_write(h)

                wait_pairs(h)
                deint(h)
                start_gathers(h)

                @pl.when(g + 1 <= NGRP - 1)
                def _():
                    start_pairs(g + 1, 1 - h)

                hp = 1 - h
                wait_gathers(hp)
                start_write(g - 1, hp)
            return carry

        lax.fori_loop(0, (NGRP - 1) // 2, body, 0)
        wait_gathers(0)
        start_write(NGRP - 1, 0)
        wait_write(1)
        wait_write(0)

    run_segment(0, gi_hbm)
    run_segment(1, gj_hbm)


@functools.partial(
    pl.kernel,
    out_type=jax.ShapeDtypeStruct((NC, NPAD, 2 * C), jnp.float32),
    mesh=_MESH,
    compiler_params=pltpu.CompilerParams(needs_layout_passes=False),
    scratch_types=[
        pltpu.VMEM((GR2, 2 * C), jnp.float32),
        pltpu.VMEM((GR2, 2 * C), jnp.float32),
        pltpu.VMEM((2 * GR2,), jnp.int32),
        pltpu.VMEM((2 * GR2,), jnp.int32),
        [pltpu.VMEM((K,), jnp.int32) for _ in range(2 * G2)],
        pltpu.SemaphoreType.DMA,
        pltpu.SemaphoreType.DMA,
        pltpu.SemaphoreType.DMA,
        pltpu.SemaphoreType.DMA,
        pltpu.VMEM_SHARED((NPAD, 2 * C), jnp.float32),
    ],
)
def _sc_scatter(s0_hbm, s1_hbm, idx2_hbm, out_hbm,
                rh0, rh1, pr0, pr1, ibs, g0, g1, o0, o1, acc):
    c = lax.axis_index("c")
    s = lax.axis_index("s")
    rh = (rh0, rh1)
    prs = (pr0, pr1)
    ib = (ibs[0:G2], ibs[G2:2 * G2])
    gsem = (g0, g1)
    osem = (o0, o1)
    lanes = lax.iota(jnp.int32, 16)

    zero16 = jnp.zeros((16,), jnp.float32)

    def zrow(r, carry):
        for q in range(2 * C // 16):
            rh0[r, pl.ds(q * 16, 16)] = zero16
        return carry

    lax.fori_loop(0, GR2, zrow, 0)
    nbase = s * NPT
    for q in range(NPT // GR2):
        pltpu.sync_copy(rh0, acc.at[pl.ds(nbase + q * GR2, GR2)])
    plsc.subcore_barrier()

    ebase = s * EPT

    def start_read(g, h):
        base = pl.multiple_of(ebase + g * GR2, 8)

        @pl.when(c == 0)
        def _():
            pltpu.async_copy(s0_hbm.at[pl.ds(base, GR2)], rh[h], gsem[h])

        @pl.when(c == 1)
        def _():
            pltpu.async_copy(s1_hbm.at[pl.ds(base, GR2)], rh[h], gsem[h])

        pltpu.async_copy(idx2_hbm.at[pl.ds(pl.multiple_of(2 * base, 8), 2 * GR2)],
                         prs[h], gsem[h])

    def wait_read(h):
        pltpu.make_async_copy(s0_hbm.at[pl.ds(0, GR2)], rh[h], gsem[h]).wait()
        pltpu.make_async_copy(idx2_hbm.at[pl.ds(0, 2 * GR2)],
                              prs[h], gsem[h]).wait()

    def deint(h):
        for b in range(G2):
            for q in range(K // 16):
                pos = lanes * 2 + 2 * (b * K + q * 16)
                ib[h][b][pl.ds(q * 16, 16)] = plsc.load_gather(prs[h], [pos])

    def start_adds(h):
        for b in range(G2):
            pltpu.async_copy(rh[h].at[pl.ds(b * K, K)],
                             acc.at[ib[h][b]], osem[h], add=True)

    def wait_adds(h):
        for b in range(G2):
            pltpu.make_async_copy(rh[h].at[pl.ds(b * K, K)],
                                  acc.at[ib[h][0]], osem[h]).wait()

    start_read(0, 0)

    def body(t2, carry):
        for hh in range(2):
            g = 1 + 2 * t2 + hh
            h = (1 + hh) % 2

            @pl.when(g >= 2)
            def _():
                wait_adds(h)

            start_read(g, h)
            hp = 1 - h
            wait_read(hp)
            deint(hp)
            start_adds(hp)
        return carry

    lax.fori_loop(0, (NGRPS - 1) // 2, body, 0)
    wait_read(0)
    deint(0)
    start_adds(0)
    wait_adds(1)
    wait_adds(0)
    plsc.subcore_barrier()

    for q in range(NPT // GR2):
        pltpu.sync_copy(acc.at[pl.ds(nbase + q * GR2, GR2)], rh0)
        pltpu.sync_copy(rh0, out_hbm.at[c, pl.ds(nbase + q * GR2, GR2)])



def kernel(p1, p3, basis, diff, ind_2, W_pp, b_pp, W_pi, b_pi, W_ii):
    f32 = jnp.float32
    bf = jnp.bfloat16
    W_pi_r = W_pi.reshape(D_IN, C, NB).transpose(0, 2, 1).reshape(D_IN, C * NB)
    zpad = jnp.zeros((C, C * NB), f32)
    W_t_pad = jnp.concatenate([W_pi_r[0:C], zpad], axis=0).astype(bf)
    W_b_pad = jnp.concatenate([W_pi_r[C:2 * C], zpad], axis=0).astype(bf)
    b_pi_r = b_pi.reshape(C, NB).T.reshape(1, C * NB)
    b_pp_r = b_pp.reshape(1, C)
    wii_1 = W_ii[:, 0:C]
    wii_2 = W_ii[:, C:2 * C]
    wii_3 = W_ii[:, 2 * C:3 * C]
    wt6 = jnp.tile(jnp.concatenate([wii_2, wii_3, wii_3, wii_3, wii_1, wii_1],
                                   axis=1), (NB, 1)).astype(bf)
    sel4 = jnp.repeat(jnp.eye(NB, dtype=f32), C, axis=1)
    seld = jnp.concatenate([jnp.zeros((3, C), f32),
                            jnp.repeat(jnp.eye(3, dtype=f32), C, axis=1)], axis=1)

    idx2 = ind_2.reshape(2 * E)

    nblk = 2000
    table1 = pl.pallas_call(
        _node_ff_body,
        grid=(N // nblk,),
        in_specs=[
            pl.BlockSpec((nblk, D_IN), lambda i: (i, 0)),
            pl.BlockSpec((nblk, 3, C), lambda i: (i, 0, 0)),
            pl.BlockSpec((D_IN, C), lambda i: (0, 0)),
            pl.BlockSpec((1, C), lambda i: (0, 0)),
        ],
        out_specs=pl.BlockSpec((nblk, 2 * C), lambda i: (i, 0)),
        out_shape=jax.ShapeDtypeStruct((N, 2 * C), f32),
    )(p1, p3, W_pp, b_pp_r)

    gi, gj = _sc_gather(table1, idx2)

    eblk = 800
    s0, s1 = pl.pallas_call(
        _edge_ff_body,
        grid=(E // eblk,),
        in_specs=[
            pl.BlockSpec((eblk, 2 * C), lambda i: (i, 0)),
            pl.BlockSpec((eblk, 2 * C), lambda i: (i, 0)),
            pl.BlockSpec((eblk, NB), lambda i: (i, 0)),
            pl.BlockSpec((eblk, 3), lambda i: (i, 0)),
            pl.BlockSpec((D_IN, C * NB), lambda i: (0, 0)),
            pl.BlockSpec((D_IN, C * NB), lambda i: (0, 0)),
            pl.BlockSpec((1, C * NB), lambda i: (0, 0)),
            pl.BlockSpec((C * NB, 6 * C), lambda i: (0, 0)),
            pl.BlockSpec((NB, C * NB), lambda i: (0, 0)),
            pl.BlockSpec((3, C * NB), lambda i: (0, 0)),
        ],
        out_specs=[
            pl.BlockSpec((eblk, 2 * C), lambda i: (i, 0)),
            pl.BlockSpec((eblk, 2 * C), lambda i: (i, 0)),
        ],
        out_shape=[
            jax.ShapeDtypeStruct((E, 2 * C), f32),
            jax.ShapeDtypeStruct((E, 2 * C), f32),
        ],
    )(gi, gj, basis, diff, W_t_pad, W_b_pad, b_pi_r, wt6, sel4, seld)

    out01 = _sc_scatter(s0, s1, idx2)[:, :N]

    p1t1, p3t1 = pl.pallas_call(
        _finalize_body,
        grid=(N // nblk,),
        in_specs=[
            pl.BlockSpec((nblk, 2 * C), lambda i: (i, 0)),
            pl.BlockSpec((nblk, 2 * C), lambda i: (i, 0)),
        ],
        out_specs=[
            pl.BlockSpec((nblk, C), lambda i: (i, 0)),
            pl.BlockSpec((nblk, 3, C), lambda i: (i, 0, 0)),
        ],
        out_shape=[
            jax.ShapeDtypeStruct((N, C), f32),
            jax.ShapeDtypeStruct((N, 3, C), f32),
        ],
    )(out01[0], out01[1])

    return (p1t1, p3t1)

# --- scband reference (transcript-rebuilt; emitter-appended) ---
"""Pipeline reference for scband-gcblock-15032385536630 (READ-ONLY COPY).

The authoritative reference and input builder live on the scoring server;
editing this copy changes nothing except your own understanding.
"""

import jax, jax.numpy as jnp
import numpy as np

N = 10000
E = 320000
D_IN = 128
C = 64
NB = 4

def setup_inputs(seed: int = 0) -> dict:
    key = jax.random.key(seed)
    ks = jax.random.split(key, 10)
    p1 = jax.random.normal(ks[0], (N, D_IN), dtype=jnp.float32)
    p3 = jax.random.normal(ks[1], (N, 3, C), dtype=jnp.float32)
    basis = jax.random.uniform(ks[2], (E, NB), dtype=jnp.float32)
    diff = jax.random.normal(ks[3], (E, 3), dtype=jnp.float32)
    ind_2 = jax.random.randint(ks[4], (E, 2), 0, N, dtype=jnp.int32)
    # learned parameters (intended, dimension-consistent PiNet2-style GC block)
    W_pp = jax.random.normal(ks[5], (D_IN, C), dtype=jnp.float32) * 0.05   # pp1_layer FF
    b_pp = jnp.zeros((C,), dtype=jnp.float32)
    W_pi = jax.random.normal(ks[6], (2 * C, C * NB), dtype=jnp.float32) * 0.05  # pi1_layer FF (identity act)
    b_pi = jnp.zeros((C * NB,), dtype=jnp.float32)
    W_ii = jax.random.normal(ks[7], (C, 3 * C), dtype=jnp.float32) * 0.05  # ii1_layer FF (no bias)
    return {"p1": p1, "p3": p3, "basis": basis, "diff": diff, "ind_2": ind_2,
            "W_pp": W_pp, "b_pp": b_pp, "W_pi": W_pi, "b_pi": b_pi, "W_ii": W_ii}

def reference(p1, p3, basis, diff, ind_2, W_pp, b_pp, W_pi, b_pi, W_ii):
    idx_i = ind_2[:, 0]
    idx_j = ind_2[:, 1]
    # pp1_layer: FFLayer on node scalar props
    h = jax.nn.relu(p1 @ W_pp + b_pp)                       # [N, C]
    # pi1_layer: gather both endpoints, concat, linear, contract with radial basis
    inter = jnp.concatenate([h[idx_i], h[idx_j]], axis=-1)  # [E, 2C]
    inter = inter @ W_pi + b_pi                              # [E, C*NB]
    inter = inter.reshape((-1, C, NB))
    i1 = jnp.einsum('pcb,pb->pc', inter, basis)              # [E, C]
    # ii1_layer: edge FF (no bias), triple-width output
    i1 = jax.nn.relu(i1 @ W_ii)                              # [E, 3C]
    i1_1, i1_2, i1_3 = jnp.split(i1, 3, axis=-1)             # each [E, C]
    # ip1_layer: scatter-add edge messages to dst nodes
    p1n = jnp.zeros((N, C), dtype=p1.dtype).at[idx_i].add(i1_2)
    # pix_layer + scale1: gather vector props at src, scale by i1_3
    i3 = p3[idx_j] * i1_3[:, None, :]                        # [E, 3, C]
    # scale2: diff vectors scaled by i1_1, added
    i3 = i3 + diff[:, :, None] * i1_1[:, None, :]            # [E, 3, C]
    # ip3_layer: scatter-add vector messages
    p3n = jnp.zeros((N, 3, C), dtype=p3.dtype).at[idx_i].add(i3)
    # dot_layer + residual; scale3
    p1t1 = jnp.einsum('ixr,ixr->ir', p3n, p3n) + p1n         # [N, C]
    p3t1 = p3n * p1t1[:, None, :]                            # [N, 3, C]
    return (p1t1, p3t1)

if __name__ == "__main__":
    import jax
    _d = setup_inputs()
    print(jax.jit(kernel)(*tuple(_d.values())))

</pallas_src>

<mosaic_0001>
#map = affine_map<(d0, d1) -> (0, 0)>
#map1 = affine_map<(d0, d1) -> (0)>
module attributes {stable_mosaic.version = 14 : i64} {
  func.func @_sc_gather(%arg0: i32, %arg1: i32, %arg2: memref<10000x128xf32, #tpu.memory_space<hbm>>, %arg3: memref<640000xi32, #tpu.memory_space<hbm>>, %arg4: memref<320000x128xf32, #tpu.memory_space<hbm>>, %arg5: memref<320000x128xf32, #tpu.memory_space<hbm>>, %arg6: memref<800xi32, #tpu.memory_space<vmem>>, %arg7: memref<800xi32, #tpu.memory_space<vmem>>, %arg8: memref<400xi32, #tpu.memory_space<vmem>>, %arg9: memref<400xi32, #tpu.memory_space<vmem>>, %arg10: memref<400x128xf32, #tpu.memory_space<vmem>>, %arg11: memref<400x128xf32, #tpu.memory_space<vmem>>, %arg12: memref<!tpu.dma_semaphore, #tpu.memory_space<semaphore_mem>>, %arg13: memref<!tpu.dma_semaphore, #tpu.memory_space<semaphore_mem>>, %arg14: memref<!tpu.dma_semaphore, #tpu.memory_space<semaphore_mem>>, %arg15: memref<!tpu.dma_semaphore, #tpu.memory_space<semaphore_mem>>, %arg16: memref<!tpu.dma_semaphore, #tpu.memory_space<semaphore_mem>>, %arg17: memref<!tpu.dma_semaphore, #tpu.memory_space<semaphore_mem>>) attributes {dimension_semantics = [#tpu.dimension_semantics<core_parallel>, #tpu.dimension_semantics<subcore_parallel>], iteration_bounds = array<i64: 2, 16>, scalar_prefetch = 0 : i64, scratch_operands = 12 : i64, tpu.core_type = #tpu.core_type<sc_vector_subcore>, window_params = [{transform_indices = #map}, {transform_indices = #map1}, {transform_indices = #map}, {transform_indices = #map}]} {
    %mul3A = arith.constant 2 : i32
    %mul3A_0 = arith.muli %arg1, %mul3A : i32
    %add3A = arith.addi %mul3A_0, %arg0 : i32
    %mul3A_1 = arith.constant 10000 : i32
    %mul3A_2 = arith.muli %add3A, %mul3A_1 : i32
    %iota3A = tpu.iota {dimensions = array<i32: 0>} : vector<16xi32>
    %mul3A_3 = arith.constant 2 : i32
    %mul3A_4 = arith.muli %mul3A_3, %mul3A_2 : i32
    %add3A_5 = arith.constant 0 : i32
    %add3A_6 = arith.addi %mul3A_4, %add3A_5 : i32
    %multiple_of3A = tpu.assume_multiple %add3A_6, 8 : i32
    %dma_start3A = tpu.memref_slice %arg3[%multiple_of3A] : memref<640000xi32, #tpu.memory_space<hbm>> -> memref<800xi32, #tpu.memory_space<hbm>>
    %dma_start3A_7 = tpu.memref_slice %arg3[%multiple_of3A] : memref<640000xi32, #tpu.memory_space<hbm>> -> memref<800xi32, #tpu.memory_space<hbm>>
    tpu.enqueue_dma source(%dma_start3A_7 : memref<800xi32, #tpu.memory_space<hbm>>) target(%arg6 : memref<800xi32, #tpu.memory_space<vmem>>) target_semaphore(%arg12 : memref<!tpu.dma_semaphore, #tpu.memory_space<semaphore_mem>>)
    %dma_wait3A = arith.constant 0 : i32
    %dma_wait3A_8 = tpu.memref_slice %arg3[%dma_wait3A] : memref<640000xi32, #tpu.memory_space<hbm>> -> memref<800xi32, #tpu.memory_space<hbm>>
    %dma_wait3A_9 = arith.constant 0 : i32
    %dma_wait3A_10 = tpu.memref_slice %arg3[%dma_wait3A_9] : memref<640000xi32, #tpu.memory_space<hbm>> -> memref<800xi32, #tpu.memory_space<hbm>>
    tpu.wait_dma2 semaphore(%arg12 : memref<!tpu.dma_semaphore, #tpu.memory_space<semaphore_mem>>) src(%dma_wait3A_10 : memref<800xi32, #tpu.memory_space<hbm>>) dst(%arg6 : memref<800xi32, #tpu.memory_space<vmem>>)
    %mul3A_11 = arith.constant 2 : i32
    %mul3A_12 = vector.broadcast %mul3A_11 : i32 to vector<16xi32>
    %mul3A_13 = arith.muli %iota3A, %mul3A_12 : vector<16xi32>
    %add3A_14 = arith.constant 0 : i32
    %add3A_15 = vector.broadcast %add3A_14 : i32 to vector<16xi32>
    %add3A_16 = arith.addi %mul3A_13, %add3A_15 : vector<16xi32>
    %gather3A = tpu.vector_load_idx %arg6[%add3A_16] : memref<800xi32, #tpu.memory_space<vmem>>[vector<16xi32>], vector<16xi32>,
    %swap3A = arith.constant 0 : index
    %swap3A_17 = tpu.vector_load %arg8[%swap3A] {strides = array<i32>} : memref<400xi32, #tpu.memory_space<vmem>>, vector<16xi32>,
    tpu.vector_store %arg8[%swap3A], %gather3A {strides = array<i32>} : memref<400xi32, #tpu.memory_space<vmem>>, vector<16xi32>,
    %mul3A_18 = arith.constant 2 : i32
    %mul3A_19 = vector.broadcast %mul3A_18 : i32 to vector<16xi32>
    %mul3A_20 = arith.muli %iota3A, %mul3A_19 : vector<16xi32>
    %add3A_21 = arith.constant 32 : i32
    %add3A_22 = vector.broadcast %add3A_21 : i32 to vector<16xi32>
    %add3A_23 = arith.addi %mul3A_20, %add3A_22 : vector<16xi32>
    %gather3A_24 = tpu.vector_load_idx %arg6[%add3A_23] : memref<800xi32, #tpu.memory_space<vmem>>[vector<16xi32>], vector<16xi32>,
    %swap3A_25 = arith.constant 16 : index
    %swap3A_26 = tpu.vector_load %arg8[%swap3A_25] {strides = array<i32>} : memref<400xi32, #tpu.memory_space<vmem>>, vector<16xi32>,
    tpu.vector_store %arg8[%swap3A_25], %gather3A_24 {strides = array<i32>} : memref<400xi32, #tpu.memory_space<vmem>>, vector<16xi32>,
    %mul3A_27 = arith.constant 2 : i32
    %mul3A_28 = vector.broadcast %mul3A_27 : i32 to vector<16xi32>
    %mul3A_29 = arith.muli %iota3A, %mul3A_28 : vector<16xi32>
    %add3A_30 = arith.constant 64 : i32
    %add3A_31 = vector.broadcast %add3A_30 : i32 to vector<16xi32>
    %add3A_32 = arith.addi %mul3A_29, %add3A_31 : vector<16xi32>
    %gather3A_33 = tpu.vector_load_idx %arg6[%add3A_32] : memref<800xi32, #tpu.memory_space<vmem>>[vector<16xi32>], vector<16xi32>,
    %swap3A_34 = arith.constant 32 : index
    %swap3A_35 = tpu.vector_load %arg8[%swap3A_34] {strides = array<i32>} : memref<400xi32, #tpu.memory_space<vmem>>, vector<16xi32>,
    tpu.vector_store %arg8[%swap3A_34], %gather3A_33 {strides = array<i32>} : memref<400xi32, #tpu.memory_space<vmem>>, vector<16xi32>,
    %mul3A_36 = arith.constant 2 : i32
    %mul3A_37 = vector.broadcast %mul3A_36 : i32 to vector<16xi32>
    %mul3A_38 = arith.muli %iota3A, %mul3A_37 : vector<16xi32>
    %add3A_39 = arith.constant 96 : i32
    %add3A_40 = vector.broadcast %add3A_39 : i32 to vector<16xi32>
    %add3A_41 = arith.addi %mul3A_38, %add3A_40 : vector<16xi32>
    %gather3A_42 = tpu.vector_load_idx %arg6[%add3A_41] : memref<800xi32, #tpu.memory_space<vmem>>[vector<16xi32>], vector<16xi32>,
    %swap3A_43 = arith.constant 48 : index
    %swap3A_44 = tpu.vector_load %arg8[%swap3A_43] {strides = array<i32>} : memref<400xi32, #tpu.memory_space<vmem>>, vector<16xi32>,
    tpu.vector_store %arg8[%swap3A_43], %gather3A_42 {strides = array<i32>} : memref<400xi32, #tpu.memory_space<vmem>>, vector<16xi32>,
    %mul3A_45 = arith.constant 2 : i32
    %mul3A_46 = vector.broadcast %mul3A_45 : i32 to vector<16xi32>
    %mul3A_47 = arith.muli %iota3A, %mul3A_46 : vector<16xi32>
    %add3A_48 = arith.constant 128 : i32
    %add3A_49 = vector.broadcast %add3A_48 : i32 to vector<16xi32>
    %add3A_50 = arith.addi %mul3A_47, %add3A_49 : vector<16xi32>
    %gather3A_51 = tpu.vector_load_idx %arg6[%add3A_50] : memref<800xi32, #tpu.memory_space<vmem>>[vector<16xi32>], vector<16xi32>,
    %swap3A_52 = arith.constant 64 : index
    %swap3A_53 = tpu.vector_load %arg8[%swap3A_52] {strides = array<i32>} : memref<400xi32, #tpu.memory_space<vmem>>, vector<16xi32>,
    tpu.vector_store %arg8[%swap3A_52], %gather3A_51 {strides = array<i32>} : memref<400xi32, #tpu.memory_space<vmem>>, vector<16xi32>,
    %mul3A_54 = arith.constant 2 : i32
    %mul3A_55 = vector.broadcast %mul3A_54 : i32 to vector<16xi32>
    %mul3A_56 = arith.muli %iota3A, %mul3A_55 : vector<16xi32>
    %add3A_57 = arith.constant 160 : i32
    %add3A_58 = vector.broadcast %add3A_57 : i32 to vector<16xi32>
    %add3A_59 = arith.addi %mul3A_56, %add3A_58 : vector<16xi32>
    %gather3A_60 = tpu.vector_load_idx %arg6[%add3A_59] : memref<800xi32, #tpu.memory_space<vmem>>[vector<16xi32>], vector<16xi32>,
    %swap3A_61 = arith.constant 80 : index
    %swap3A_62 = tpu.vector_load %arg8[%swap3A_61] {strides = array<i32>} : memref<400xi32, #tpu.memory_space<vmem>>, vector<16xi32>,
    tpu.vector_store %arg8[%swap3A_61], %gather3A_60 {strides = array<i32>} : memref<400xi32, #tpu.memory_space<vmem>>, vector<16xi32>,
    %mul3A_63 = arith.constant 2 : i32
    %mul3A_64 = vector.broadcast %mul3A_63 : i32 to vector<16xi32>
    %mul3A_65 = arith.muli %iota3A, %mul3A_64 : vector<16xi32>
    %add3A_66 = arith.constant 192 : i32
    %add3A_67 = vector.broadcast %add3A_66 : i32 to vector<16xi32>
    %add3A_68 = arith.addi %mul3A_65, %add3A_67 : vector<16xi32>
    %gather3A_69 = tpu.vector_load_idx %arg6[%add3A_68] : memref<800xi32, #tpu.memory_space<vmem>>[vector<16xi32>], vector<16xi32>,
    %swap3A_70 = arith.constant 96 : index
    %swap3A_71 = tpu.vector_load %arg8[%swap3A_70] {strides = array<i32>} : memref<400xi32, #tpu.memory_space<vmem>>, vector<16xi32>,
    tpu.vector_store %arg8[%swap3A_70], %gather3A_69 {strides = array<i32>} : memref<400xi32, #tpu.memory_space<vmem>>, vector<16xi32>,
    %mul3A_72 = arith.constant 2 : i32
    %mul3A_73 = vector.broadcast %mul3A_72 : i32 to vector<16xi32>
    %mul3A_74 = arith.muli %iota3A, %mul3A_73 : vector<16xi32>
    %add3A_75 = arith.constant 224 : i32
    %add3A_76 = vector.broadcast %add3A_75 : i32 to vector<16xi32>
    %add3A_77 = arith.addi %mul3A_74, %add3A_76 : vector<16xi32>
    %gather3A_78 = tpu.vector_load_idx %arg6[%add3A_77] : memref<800xi32, #tpu.memory_space<vmem>>[vector<16xi32>], vector<16xi32>,
    %swap3A_79 = arith.constant 112 : index
    %swap3A_80 = tpu.vector_load %arg8[%swap3A_79] {strides = array<i32>} : memref<400xi32, #tpu.memory_space<vmem>>, vector<16xi32>,
    tpu.vector_store %arg8[%swap3A_79], %gather3A_78 {strides = array<i32>} : memref<400xi32, #tpu.memory_space<vmem>>, vector<16xi32>,
    %mul3A_81 = arith.constant 2 : i32
    %mul3A_82 = vector.broadcast %mul3A_81 : i32 to vector<16xi32>
    %mul3A_83 = arith.muli %iota3A, %mul3A_82 : vector<16xi32>
    %add3A_84 = arith.constant 256 : i32
    %add3A_85 = vector.broadcast %add3A_84 : i32 to vector<16xi32>
    %add3A_86 = arith.addi %mul3A_83, %add3A_85 : vector<16xi32>
    %gather3A_87 = tpu.vector_load_idx %arg6[%add3A_86] : memref<800xi32, #tpu.memory_space<vmem>>[vector<16xi32>], vector<16xi32>,
    %swap3A_88 = arith.constant 128 : index
    %swap3A_89 = tpu.vector_load %arg8[%swap3A_88] {strides = array<i32>} : memref<400xi32, #tpu.memory_space<vmem>>, vector<16xi32>,
    tpu.vector_store %arg8[%swap3A_88], %gather3A_87 {strides = array<i32>} : memref<400xi32, #tpu.memory_space<vmem>>, vector<16xi32>,
    %mul3A_90 = arith.constant 2 : i32
    %mul3A_91 = vector.broadcast %mul3A_90 : i32 to vector<16xi32>
    %mul3A_92 = arith.muli %iota3A, %mul3A_91 : vector<16xi32>
    %add3A_93 = arith.constant 288 : i32
    %add3A_94 = vector.broadcast %add3A_93 : i32 to vector<16xi32>
    %add3A_95 = arith.addi %mul3A_92, %add3A_94 : vector<16xi32>
    %gather3A_96 = tpu.vector_load_idx %arg6[%add3A_95] : memref<800xi32, #tpu.memory_space<vmem>>[vector<16xi32>], vector<16xi32>,
    %swap3A_97 = arith.constant 144 : index
    %swap3A_98 = tpu.vector_load %arg8[%swap3A_97] {strides = array<i32>} : memref<400xi32, #tpu.memory_space<vmem>>, vector<16xi32>,
    tpu.vector_store %arg8[%swap3A_97], %gather3A_96 {strides = array<i32>} : memref<400xi32, #tpu.memory_space<vmem>>, vector<16xi32>,
    %mul3A_99 = arith.constant 2 : i32
    %mul3A_100 = vector.broadcast %mul3A_99 : i32 to vector<16xi32>
    %mul3A_101 = arith.muli %iota3A, %mul3A_100 : vector<16xi32>
    %add3A_102 = arith.constant 320 : i32
    %add3A_103 = vector.broadcast %add3A_102 : i32 to vector<16xi32>
    %add3A_104 = arith.addi %mul3A_101, %add3A_103 : vector<16xi32>
    %gather3A_105 = tpu.vector_load_idx %arg6[%add3A_104] : memref<800xi32, #tpu.memory_space<vmem>>[vector<16xi32>], vector<16xi32>,
    %swap3A_106 = arith.constant 160 : index
    %swap3A_107 = tpu.vector_load %arg8[%swap3A_106] {strides = array<i32>} : memref<400xi32, #tpu.memory_space<vmem>>, vector<16xi32>,
    tpu.vector_store %arg8[%swap3A_106], %gather3A_105 {strides = array<i32>} : memref<400xi32, #tpu.memory_space<vmem>>, vector<16xi32>,
    %mul3A_108 = arith.constant 2 : i32
    %mul3A_109 = vector.broadcast %mul3A_108 : i32 to vector<16xi32>
    %mul3A_110 = arith.muli %iota3A, %mul3A_109 : vector<16xi32>
    %add3A_111 = arith.constant 352 : i32
    %add3A_112 = vector.broadcast %add3A_111 : i32 to vector<16xi32>
    %add3A_113 = arith.addi %mul3A_110, %add3A_112 : vector<16xi32>
    %gather3A_114 = tpu.vector_load_idx %arg6[%add3A_113] : memref<800xi32, #tpu.memory_space<vmem>>[vector<16xi32>], vector<16xi32>,
    %swap3A_115 = arith.constant 176 : index
    %swap3A_116 = tpu.vector_load %arg8[%swap3A_115] {strides = array<i32>} : memref<400xi32, #tpu.memory_space<vmem>>, vector<16xi32>,
    tpu.vector_store %arg8[%swap3A_115], %gather3A_114 {strides = array<i32>} : memref<400xi32, #tpu.memory_space<vmem>>, vector<16xi32>,
    %mul3A_117 = arith.constant 2 : i32
    %mul3A_118 = vector.broadcast %mul3A_117 : i32 to vector<16xi32>
    %mul3A_119 = arith.muli %iota3A, %mul3A_118 : vector<16xi32>
    %add3A_120 = arith.constant 384 : i32
    %add3A_121 = vector.broadcast %add3A_120 : i32 to vector<16xi32>
    %add3A_122 = arith.addi %mul3A_119, %add3A_121 : vector<16xi32>
    %gather3A_123 = tpu.vector_load_idx %arg6[%add3A_122] : memref<800xi32, #tpu.memory_space<vmem>>[vector<16xi32>], vector<16xi32>,
    %swap3A_124 = arith.constant 192 : index
    %swap3A_125 = tpu.vector_load %arg8[%swap3A_124] {strides = array<i32>} : memref<400xi32, #tpu.memory_space<vmem>>, vector<16xi32>,
    tpu.vector_store %arg8[%swap3A_124], %gather3A_123 {strides = array<i32>} : memref<400xi32, #tpu.memory_space<vmem>>, vector<16xi32>,
    %mul3A_126 = arith.constant 2 : i32
    %mul3A_127 = vector.broadcast %mul3A_126 : i32 to vector<16xi32>
    %mul3A_128 = arith.muli %iota3A, %mul3A_127 : vector<16xi32>
    %add3A_129 = arith.constant 416 : i32
    %add3A_130 = vector.broadcast %add3A_129 : i32 to vector<16xi32>
    %add3A_131 = arith.addi %mul3A_128, %add3A_130 : vector<16xi32>
    %gather3A_132 = tpu.vector_load_idx %arg6[%add3A_131] : memref<800xi32, #tpu.memory_space<vmem>>[vector<16xi32>], vector<16xi32>,
    %swap3A_133 = arith.constant 208 : index
    %swap3A_134 = tpu.vector_load %arg8[%swap3A_133] {strides = array<i32>} : memref<400xi32, #tpu.memory_space<vmem>>, vector<16xi32>,
    tpu.vector_store %arg8[%swap3A_133], %gather3A_132 {strides = array<i32>} : memref<400xi32, #tpu.memory_space<vmem>>, vector<16xi32>,
    %mul3A_135 = arith.constant 2 : i32
    %mul3A_136 = vector.broadcast %mul3A_135 : i32 to vector<16xi32>
    %mul3A_137 = arith.muli %iota3A, %mul3A_136 : vector<16xi32>
    %add3A_138 = arith.constant 448 : i32
    %add3A_139 = vector.broadcast %add3A_138 : i32 to vector<16xi32>
    %add3A_140 = arith.addi %mul3A_137, %add3A_139 : vector<16xi32>
    %gather3A_141 = tpu.vector_load_idx %arg6[%add3A_140] : memref<800xi32, #tpu.memory_space<vmem>>[vector<16xi32>], vector<16xi32>,
    %swap3A_142 = arith.constant 224 : index
    %swap3A_143 = tpu.vector_load %arg8[%swap3A_142] {strides = array<i32>} : memref<400xi32, #tpu.memory_space<vmem>>, vector<16xi32>,
    tpu.vector_store %arg8[%swap3A_142], %gather3A_141 {strides = array<i32>} : memref<400xi32, #tpu.memory_space<vmem>>, vector<16xi32>,
    %mul3A_144 = arith.constant 2 : i32
    %mul3A_145 = vector.broadcast %mul3A_144 : i32 to vector<16xi32>
    %mul3A_146 = arith.muli %iota3A, %mul3A_145 : vector<16xi32>
    %add3A_147 = arith.constant 480 : i32
    %add3A_148 = vector.broadcast %add3A_147 : i32 to vector<16xi32>
    %add3A_149 = arith.addi %mul3A_146, %add3A_148 : vector<16xi32>
    %gather3A_150 = tpu.vector_load_idx %arg6[%add3A_149] : memref<800xi32, #tpu.memory_space<vmem>>[vector<16xi32>], vector<16xi32>,
    %swap3A_151 = arith.constant 240 : index
    %swap3A_152 = tpu.vector_load %arg8[%swap3A_151] {strides = array<i32>} : memref<400xi32, #tpu.memory_space<vmem>>, vector<16xi32>,
    tpu.vector_store %arg8[%swap3A_151], %gather3A_150 {strides = array<i32>} : memref<400xi32, #tpu.memory_space<vmem>>, vector<16xi32>,
    %mul3A_153 = arith.constant 2 : i32
    %mul3A_154 = vector.broadcast %mul3A_153 : i32 to vector<16xi32>
    %mul3A_155 = arith.muli %iota3A, %mul3A_154 : vector<16xi32>
    %add3A_156 = arith.constant 512 : i32
    %add3A_157 = vector.broadcast %add3A_156 : i32 to vector<16xi32>
    %add3A_158 = arith.addi %mul3A_155, %add3A_157 : vector<16xi32>
    %gather3A_159 = tpu.vector_load_idx %arg6[%add3A_158] : memref<800xi32, #tpu.memory_space<vmem>>[vector<16xi32>], vector<16xi32>,
    %swap3A_160 = arith.constant 256 : index
    %swap3A_161 = tpu.vector_load %arg8[%swap3A_160] {strides = array<i32>} : memref<400xi32, #tpu.memory_space<vmem>>, vector<16xi32>,
    tpu.vector_store %arg8[%swap3A_160], %gather3A_159 {strides = array<i32>} : memref<400xi32, #tpu.memory_space<vmem>>, vector<16xi32>,
    %mul3A_162 = arith.constant 2 : i32
    %mul3A_163 = vector.broadcast %mul3A_162 : i32 to vector<16xi32>
    %mul3A_164 = arith.muli %iota3A, %mul3A_163 : vector<16xi32>
    %add3A_165 = arith.constant 544 : i32
    %add3A_166 = vector.broadcast %add3A_165 : i32 to vector<16xi32>
    %add3A_167 = arith.addi %mul3A_164, %add3A_166 : vector<16xi32>
    %gather3A_168 = tpu.vector_load_idx %arg6[%add3A_167] : memref<800xi32, #tpu.memory_space<vmem>>[vector<16xi32>], vector<16xi32>,
    %swap3A_169 = arith.constant 272 : index
    %swap3A_170 = tpu.vector_load %arg8[%swap3A_169] {strides = array<i32>} : memref<400xi32, #tpu.memory_space<vmem>>, vector<16xi32>,
    tpu.vector_store %arg8[%swap3A_169], %gather3A_168 {strides = array<i32>} : memref<400xi32, #tpu.memory_space<vmem>>, vector<16xi32>,
    %mul3A_171 = arith.constant 2 : i32
    %mul3A_172 = vector.broadcast %mul3A_171 : i32 to vector<16xi32>
    %mul3A_173 = arith.muli %iota3A, %mul3A_172 : vector<16xi32>
    %add3A_174 = arith.constant 576 : i32
    %add3A_175 = vector.broadcast %add3A_174 : i32 to vector<16xi32>
    %add3A_176 = arith.addi %mul3A_173, %add3A_175 : vector<16xi32>
    %gather3A_177 = tpu.vector_load_idx %arg6[%add3A_176] : memref<800xi32, #tpu.memory_space<vmem>>[vector<16xi32>], vector<16xi32>,
    %swap3A_178 = arith.constant 288 : index
    %swap3A_179 = tpu.vector_load %arg8[%swap3A_178] {strides = array<i32>} : memref<400xi32, #tpu.memory_space<vmem>>, vector<16xi32>,
    tpu.vector_store %arg8[%swap3A_178], %gather3A_177 {strides = array<i32>} : memref<400xi32, #tpu.memory_space<vmem>>, vector<16xi32>,
    %mul3A_180 = arith.constant 2 : i32
    %mul3A_181 = vector.broadcast %mul3A_180 : i32 to vector<16xi32>
    %mul3A_182 = arith.muli %iota3A, %mul3A_181 : vector<16xi32>
    %add3A_183 = arith.constant 608 : i32
    %add3A_184 = vector.broadcast %add3A_183 : i32 to vector<16xi32>
    %add3A_185 = arith.addi %mul3A_182, %add3A_184 : vector<16xi32>
    %gather3A_186 = tpu.vector_load_idx %arg6[%add3A_185] : memref<800xi32, #tpu.memory_space<vmem>>[vector<16xi32>], vector<16xi32>,
    %swap3A_187 = arith.constant 304 : index
    %swap3A_188 = tpu.vector_load %arg8[%swap3A_187] {strides = array<i32>} : memref<400xi32, #tpu.memory_space<vmem>>, vector<16xi32>,
    tpu.vector_store %arg8[%swap3A_187], %gather3A_186 {strides = array<i32>} : memref<400xi32, #tpu.memory_space<vmem>>, vector<16xi32>,
    %mul3A_189 = arith.constant 2 : i32
    %mul3A_190 = vector.broadcast %mul3A_189 : i32 to vector<16xi32>
    %mul3A_191 = arith.muli %iota3A, %mul3A_190 : vector<16xi32>
    %add3A_192 = arith.constant 640 : i32
    %add3A_193 = vector.broadcast %add3A_192 : i32 to vector<16xi32>
    %add3A_194 = arith.addi %mul3A_191, %add3A_193 : vector<16xi32>
    %gather3A_195 = tpu.vector_load_idx %arg6[%add3A_194] : memref<800xi32, #tpu.memory_space<vmem>>[vector<16xi32>], vector<16xi32>,
    %swap3A_196 = arith.constant 320 : index
    %swap3A_197 = tpu.vector_load %arg8[%swap3A_196] {strides = array<i32>} : memref<400xi32, #tpu.memory_space<vmem>>, vector<16xi32>,
    tpu.vector_store %arg8[%swap3A_196], %gather3A_195 {strides = array<i32>} : memref<400xi32, #tpu.memory_space<vmem>>, vector<16xi32>,
    %mul3A_198 = arith.constant 2 : i32
    %mul3A_199 = vector.broadcast %mul3A_198 : i32 to vector<16xi32>
    %mul3A_200 = arith.muli %iota3A, %mul3A_199 : vector<16xi32>
    %add3A_201 = arith.constant 672 : i32
    %add3A_202 = vector.broadcast %add3A_201 : i32 to vector<16xi32>
    %add3A_203 = arith.addi %mul3A_200, %add3A_202 : vector<16xi32>
    %gather3A_204 = tpu.vector_load_idx %arg6[%add3A_203] : memref<800xi32, #tpu.memory_space<vmem>>[vector<16xi32>], vector<16xi32>,
    %swap3A_205 = arith.constant 336 : index
    %swap3A_206 = tpu.vector_load %arg8[%swap3A_205] {strides = array<i32>} : memref<400xi32, #tpu.memory_space<vmem>>, vector<16xi32>,
    tpu.vector_store %arg8[%swap3A_205], %gather3A_204 {strides = array<i32>} : memref<400xi32, #tpu.memory_space<vmem>>, vector<16xi32>,
    %mul3A_207 = arith.constant 2 : i32
    %mul3A_208 = vector.broadcast %mul3A_207 : i32 to vector<16xi32>
    %mul3A_209 = arith.muli %iota3A, %mul3A_208 : vector<16xi32>
    %add3A_210 = arith.constant 704 : i32
    %add3A_211 = vector.broadcast %add3A_210 : i32 to vector<16xi32>
    %add3A_212 = arith.addi %mul3A_209, %add3A_211 : vector<16xi32>
    %gather3A_213 = tpu.vector_load_idx %arg6[%add3A_212] : memref<800xi32, #tpu.memory_space<vmem>>[vector<16xi32>], vector<16xi32>,
    %swap3A_214 = arith.constant 352 : index
    %swap3A_215 = tpu.vector_load %arg8[%swap3A_214] {strides = array<i32>} : memref<400xi32, #tpu.memory_space<vmem>>, vector<16xi32>,
    tpu.vector_store %arg8[%swap3A_214], %gather3A_213 {strides = array<i32>} : memref<400xi32, #tpu.memory_space<vmem>>, vector<16xi32>,
    %mul3A_216 = arith.constant 2 : i32
    %mul3A_217 = vector.broadcast %mul3A_216 : i32 to vector<16xi32>
    %mul3A_218 = arith.muli %iota3A, %mul3A_217 : vector<16xi32>
    %add3A_219 = arith.constant 736 : i32
    %add3A_220 = vector.broadcast %add3A_219 : i32 to vector<16xi32>
    %add3A_221 = arith.addi %mul3A_218, %add3A_220 : vector<16xi32>
    %gather3A_222 = tpu.vector_load_idx %arg6[%add3A_221] : memref<800xi32, #tpu.memory_space<vmem>>[vector<16xi32>], vector<16xi32>,
    %swap3A_223 = arith.constant 368 : index
    %swap3A_224 = tpu.vector_load %arg8[%swap3A_223] {strides = array<i32>} : memref<400xi32, #tpu.memory_space<vmem>>, vector<16xi32>,
    tpu.vector_store %arg8[%swap3A_223], %gather3A_222 {strides = array<i32>} : memref<400xi32, #tpu.memory_space<vmem>>, vector<16xi32>,
    %mul3A_225 = arith.constant 2 : i32
    %mul3A_226 = vector.broadcast %mul3A_225 : i32 to vector<16xi32>
    %mul3A_227 = arith.muli %iota3A, %mul3A_226 : vector<16xi32>
    %add3A_228 = arith.constant 768 : i32
    %add3A_229 = vector.broadcast %add3A_228 : i32 to vector<16xi32>
    %add3A_230 = arith.addi %mul3A_227, %add3A_229 : vector<16xi32>
    %gather3A_231 = tpu.vector_load_idx %arg6[%add3A_230] : memref<800xi32, #tpu.memory_space<vmem>>[vector<16xi32>], vector<16xi32>,
    %swap3A_232 = arith.constant 384 : index
    %swap3A_233 = tpu.vector_load %arg8[%swap3A_232] {strides = array<i32>} : memref<400xi32, #tpu.memory_space<vmem>>, vector<16xi32>,
    tpu.vector_store %arg8[%swap3A_232], %gather3A_231 {strides = array<i32>} : memref<400xi32, #tpu.memory_space<vmem>>, vector<16xi32>,
    %dma_start3A_234 = arith.constant 0 : i32
    %dma_start3A_235 = arith.constant 0 : i32
    %dma_start3A_236 = tpu.memref_slice %arg10[%dma_start3A_234, %dma_start3A_235] : memref<400x128xf32, #tpu.memory_space<vmem>> -> memref<80x128xf32, #tpu.memory_space<vmem>>
    %dma_start3A_237 = arith.constant 0 : i32
    %dma_start3A_238 = tpu.memref_slice %arg8[%dma_start3A_237] : memref<400xi32, #tpu.memory_space<vmem>> -> memref<80xi32, #tpu.memory_space<vmem>>
    %dma_start3A_239 = arith.constant 0 : i32
    %dma_start3A_240 = arith.constant 0 : i32
    %dma_start3A_241 = tpu.memref_slice %arg2[%dma_start3A_239, %dma_start3A_240] : memref<10000x128xf32, #tpu.memory_space<hbm>> -> memref<10000x128xf32, #tpu.memory_space<hbm>>
    tpu.enqueue_indirect_dma source(%dma_start3A_241 : memref<10000x128xf32, #tpu.memory_space<hbm>>) target(%dma_start3A_236 : memref<80x128xf32, #tpu.memory_space<vmem>>) offsets(%dma_start3A_238 : memref<80xi32, #tpu.memory_space<vmem>>) semaphore(%arg14 : memref<!tpu.dma_semaphore, #tpu.memory_space<semaphore_mem>>)
    %dma_start3A_242 = arith.constant 80 : i32
    %dma_start3A_243 = arith.constant 0 : i32
    %dma_start3A_244 = tpu.memref_slice %arg10[%dma_start3A_242, %dma_start3A_243] : memref<400x128xf32, #tpu.memory_space<vmem>> -> memref<80x128xf32, #tpu.memory_space<vmem>>
    %dma_start3A_245 = arith.constant 80 : i32
    %dma_start3A_246 = tpu.memref_slice %arg8[%dma_start3A_245] : memref<400xi32, #tpu.memory_space<vmem>> -> memref<80xi32, #tpu.memory_space<vmem>>
    %dma_start3A_247 = arith.constant 0 : i32
    %dma_start3A_248 = arith.constant 0 : i32
    %dma_start3A_249 = tpu.memref_slice %arg2[%dma_start3A_247, %dma_start3A_248] : memref<10000x128xf32, #tpu.memory_space<hbm>> -> memref<10000x128xf32, #tpu.memory_space<hbm>>
    tpu.enqueue_indirect_dma source(%dma_start3A_249 : memref<10000x128xf32, #tpu.memory_space<hbm>>) target(%dma_start3A_244 : memref<80x128xf32, #tpu.memory_space<vmem>>) offsets(%dma_start3A_246 : memref<80xi32, #tpu.memory_space<vmem>>) semaphore(%arg14 : memref<!tpu.dma_semaphore, #tpu.memory_space<semaphore_mem>>)
    %dma_start3A_250 = arith.constant 160 : i32
    %dma_start3A_251 = arith.constant 0 : i32
    %dma_start3A_252 = tpu.memref_slice %arg10[%dma_start3A_250, %dma_start3A_251] : memref<400x128xf32, #tpu.memory_space<vmem>> -> memref<80x128xf32, #tpu.memory_space<vmem>>
    %dma_start3A_253 = arith.constant 160 : i32
    %dma_start3A_254 = tpu.memref_slice %arg8[%dma_start3A_253] : memref<400xi32, #tpu.memory_space<vmem>> -> memref<80xi32, #tpu.memory_space<vmem>>
    %dma_start3A_255 = arith.constant 0 : i32
    %dma_start3A_256 = arith.constant 0 : i32
    %dma_start3A_257 = tpu.memref_slice %arg2[%dma_start3A_255, %dma_start3A_256] : memref<10000x128xf32, #tpu.memory_space<hbm>> -> memref<10000x128xf32, #tpu.memory_space<hbm>>
    tpu.enqueue_indirect_dma source(%dma_start3A_257 : memref<10000x128xf32, #tpu.memory_space<hbm>>) target(%dma_start3A_252 : memref<80x128xf32, #tpu.memory_space<vmem>>) offsets(%dma_start3A_254 : memref<80xi32, #tpu.memory_space<vmem>>) semaphore(%arg14 : memref<!tpu.dma_semaphore, #tpu.memory_space<semaphore_mem>>)
    %dma_start3A_258 = arith.constant 240 : i32
    %dma_start3A_259 = arith.constant 0 : i32
    %dma_start3A_260 = tpu.memref_slice %arg10[%dma_start3A_258, %dma_start3A_259] : memref<400x128xf32, #tpu.memory_space<vmem>> -> memref<80x128xf32, #tpu.memory_space<vmem>>
    %dma_start3A_261 = arith.constant 240 : i32
    %dma_start3A_262 = tpu.memref_slice %arg8[%dma_start3A_261] : memref<400xi32, #tpu.memory_space<vmem>> -> memref<80xi32, #tpu.memory_space<vmem>>
    %dma_start3A_263 = arith.constant 0 : i32
    %dma_start3A_264 = arith.constant 0 : i32
    %dma_start3A_265 = tpu.memref_slice %arg2[%dma_start3A_263, %dma_start3A_264] : memref<10000x128xf32, #tpu.memory_space<hbm>> -> memref<10000x128xf32, #tpu.memory_space<hbm>>
    tpu.enqueue_indirect_dma source(%dma_start3A_265 : memref<10000x128xf32, #tpu.memory_space<hbm>>) target(%dma_start3A_260 : memref<80x128xf32, #tpu.memory_space<vmem>>) offsets(%dma_start3A_262 : memref<80xi32, #tpu.memory_space<vmem>>) semaphore(%arg14 : memref<!tpu.dma_semaphore, #tpu.memory_space<semaphore_mem>>)
    %dma_start3A_266 = arith.constant 320 : i32
    %dma_start3A_267 = arith.constant 0 : i32
    %dma_start3A_268 = tpu.memref_slice %arg10[%dma_start3A_266, %dma_start3A_267] : memref<400x128xf32, #tpu.memory_space<vmem>> -> memref<80x128xf32, #tpu.memory_space<vmem>>
    %dma_start3A_269 = arith.constant 320 : i32
    %dma_start3A_270 = tpu.memref_slice %arg8[%dma_start3A_269] : memref<400xi32, #tpu.memory_space<vmem>> -> memref<80xi32, #tpu.memory_space<vmem>>
    %dma_start3A_271 = arith.constant 0 : i32
    %dma_start3A_272 = arith.constant 0 : i32
    %dma_start3A_273 = tpu.memref_slice %arg2[%dma_start3A_271, %dma_start3A_272] : memref<10000x128xf32, #tpu.memory_space<hbm>> -> memref<10000x128xf32, #tpu.memory_space<hbm>>
    tpu.enqueue_indirect_dma source(%dma_start3A_273 : memref<10000x128xf32, #tpu.memory_space<hbm>>) target(%dma_start3A_268 : memref<80x128xf32, #tpu.memory_space<vmem>>) offsets(%dma_start3A_270 : memref<80xi32, #tpu.memory_space<vmem>>) semaphore(%arg14 : memref<!tpu.dma_semaphore, #tpu.memory_space<semaphore_mem>>)
    %mul3A_274 = arith.constant 2 : i32
    %mul3A_275 = arith.muli %mul3A_274, %mul3A_2 : i32
    %add3A_276 = arith.constant 800 : i32
    %add3A_277 = arith.addi %mul3A_275, %add3A_276 : i32
    %multiple_of3A_278 = tpu.assume_multiple %add3A_277, 8 : i32
    %dma_start3A_279 = tpu.memref_slice %arg3[%multiple_of3A_278] : memref<640000xi32, #tpu.memory_space<hbm>> -> memref<800xi32, #tpu.memory_space<hbm>>
    %dma_start3A_280 = tpu.memref_slice %arg3[%multiple_of3A_278] : memref<640000xi32, #tpu.memory_space<hbm>> -> memref<800xi32, #tpu.memory_space<hbm>>
    tpu.enqueue_dma source(%dma_start3A_280 : memref<800xi32, #tpu.memory_space<hbm>>) target(%arg7 : memref<800xi32, #tpu.memory_space<vmem>>) target_semaphore(%arg13 : memref<!tpu.dma_semaphore, #tpu.memory_space<semaphore_mem>>)
    %scan3A = arith.constant 0 : i32
    %scan3A_281 = arith.constant 0 : i32
    %scan3A_282 = arith.constant 12 : i32
    %scan3A_283 = arith.addi %scan3A_281, %scan3A_282 : i32
    %scan3A_284 = arith.constant 1 : i32
    scf.for %scan3A_693 = %scan3A_281 to %scan3A_283 step %scan3A_284  : i32 {
      %mul3A_694 = arith.constant 2 : i32
      %mul3A_695 = arith.muli %mul3A_694, %scan3A_693 : i32
      %add3A_696 = arith.constant 1 : i32
      %add3A_697 = arith.addi %add3A_696, %mul3A_695 : i32
      %add3A_698 = arith.constant 0 : i32
      %add3A_699 = arith.addi %add3A_697, %add3A_698 : i32
      %ge3A = arith.constant 2 : i32
      %ge3A_700 = arith.cmpi sge, %add3A_699, %ge3A : i32
      %convert_element_type3A = arith.extui %ge3A_700 : i1 to i32
      %cond3A = arith.constant 0 : i32
      %cond3A_701 = arith.cmpi ne, %convert_element_type3A, %cond3A : i32
      scf.if %cond3A_701 {
        %dma_wait3A_1363 = arith.constant 0 : i32
        %dma_wait3A_1364 = arith.constant 0 : i32
        %dma_wait3A_1365 = tpu.memref_slice %arg4[%dma_wait3A_1363, %dma_wait3A_1364] : memref<320000x128xf32, #tpu.memory_space<hbm>> -> memref<400x128xf32, #tpu.memory_space<hbm>>
        %dma_wait3A_1366 = arith.constant 0 : i32
        %dma_wait3A_1367 = arith.constant 0 : i32
        %dma_wait3A_1368 = tpu.memref_slice %arg4[%dma_wait3A_1366, %dma_wait3A_1367] : memref<320000x128xf32, #tpu.memory_space<hbm>> -> memref<400x128xf32, #tpu.memory_space<hbm>>
        tpu.wait_dma2 semaphore(%arg17 : memref<!tpu.dma_semaphore, #tpu.memory_space<semaphore_mem>>) src(%arg11 : memref<400x128xf32, #tpu.memory_space<vmem>>) dst(%dma_wait3A_1368 : memref<400x128xf32, #tpu.memory_space<hbm>>)
      } else {
      }
      %dma_wait3A_702 = arith.constant 0 : i32
      %dma_wait3A_703 = tpu.memref_slice %arg3[%dma_wait3A_702] : memref<640000xi32, #tpu.memory_space<hbm>> -> memref<800xi32, #tpu.memory_space<hbm>>
      %dma_wait3A_704 = arith.constant 0 : i32
      %dma_wait3A_705 = tpu.memref_slice %arg3[%dma_wait3A_704] : memref<640000xi32, #tpu.memory_space<hbm>> -> memref<800xi32, #tpu.memory_space<hbm>>
      tpu.wait_dma2 semaphore(%arg13 : memref<!tpu.dma_semaphore, #tpu.memory_space<semaphore_mem>>) src(%dma_wait3A_705 : memref<800xi32, #tpu.memory_space<hbm>>) dst(%arg7 : memref<800xi32, #tpu.memory_space<vmem>>)
      %mul3A_706 = arith.constant 2 : i32
      %mul3A_707 = vector.broadcast %mul3A_706 : i32 to vector<16xi32>
      %mul3A_708 = arith.muli %iota3A, %mul3A_707 : vector<16xi32>
      %add3A_709 = arith.constant 0 : i32
      %add3A_710 = vector.broadcast %add3A_709 : i32 to vector<16xi32>
      %add3A_711 = arith.addi %mul3A_708, %add3A_710 : vector<16xi32>
      %gather3A_712 = tpu.vector_load_idx %arg7[%add3A_711] : memref<800xi32, #tpu.memory_space<vmem>>[vector<16xi32>], vector<16xi32>,
      %swap3A_713 = arith.constant 0 : index
      %swap3A_714 = tpu.vector_load %arg9[%swap3A_713] {strides = array<i32>} : memref<400xi32, #tpu.memory_space<vmem>>, vector<16xi32>,
      tpu.vector_store %arg9[%swap3A_713], %gather3A_712 {strides = array<i32>} : memref<400xi32, #tpu.memory_space<vmem>>, vector<16xi32>,
      %mul3A_715 = arith.constant 2 : i32
      %mul3A_716 = vector.broadcast %mul3A_715 : i32 to vector<16xi32>
      %mul3A_717 = arith.muli %iota3A, %mul3A_716 : vector<16xi32>
      %add3A_718 = arith.constant 32 : i32
      %add3A_719 = vector.broadcast %add3A_718 : i32 to vector<16xi32>
      %add3A_720 = arith.addi %mul3A_717, %add3A_719 : vector<16xi32>
      %gather3A_721 = tpu.vector_load_idx %arg7[%add3A_720] : memref<800xi32, #tpu.memory_space<vmem>>[vector<16xi32>], vector<16xi32>,
      %swap3A_722 = arith.constant 16 : index
      %swap3A_723 = tpu.vector_load %arg9[%swap3A_722] {strides = array<i32>} : memref<400xi32, #tpu.memory_space<vmem>>, vector<16xi32>,
      tpu.vector_store %arg9[%swap3A_722], %gather3A_721 {strides = array<i32>} : memref<400xi32, #tpu.memory_space<vmem>>, vector<16xi32>,
      %mul3A_724 = arith.constant 2 : i32
      %mul3A_725 = vector.broadcast %mul3A_724 : i32 to vector<16xi32>
      %mul3A_726 = arith.muli %iota3A, %mul3A_725 : vector<16xi32>
      %add3A_727 = arith.constant 64 : i32
      %add3A_728 = vector.broadcast %add3A_727 : i32 to vector<16xi32>
      %add3A_729 = arith.addi %mul3A_726, %add3A_728 : vector<16xi32>
      %gather3A_730 = tpu.vector_load_idx %arg7[%add3A_729] : memref<800xi32, #tpu.memory_space<vmem>>[vector<16xi32>], vector<16xi32>,
      %swap3A_731 = arith.constant 32 : index
      %swap3A_732 = tpu.vector_load %arg9[%swap3A_731] {strides = array<i32>} : memref<400xi32, #tpu.memory_space<vmem>>, vector<16xi32>,
      tpu.vector_store %arg9[%swap3A_731], %gather3A_730 {strides = array<i32>} : memref<400xi32, #tpu.memory_space<vmem>>, vector<16xi32>,
      %mul3A_733 = arith.constant 2 : i32
      %mul3A_734 = vector.broadcast %mul3A_733 : i32 to vector<16xi32>
      %mul3A_735 = arith.muli %iota3A, %mul3A_734 : vector<16xi32>
      %add3A_736 = arith.constant 96 : i32
      %add3A_737 = vector.broadcast %add3A_736 : i32 to vector<16xi32>
      %add3A_738 = arith.addi %mul3A_735, %add3A_737 : vector<16xi32>
      %gather3A_739 = tpu.vector_load_idx %arg7[%add3A_738] : memref<800xi32, #tpu.memory_space<vmem>>[vector<16xi32>], vector<16xi32>,
      %swap3A_740 = arith.constant 48 : index
      %swap3A_741 = tpu.vector_load %arg9[%swap3A_740] {strides = array<i32>} : memref<400xi32, #tpu.memory_space<vmem>>, vector<16xi32>,
      tpu.vector_store %arg9[%swap3A_740], %gather3A_739 {strides = array<i32>} : memref<400xi32, #tpu.memory_space<vmem>>, vector<16xi32>,
      %mul3A_742 = arith.constant 2 : i32
      %mul3A_743 = vector.broadcast %mul3A_742 : i32 to vector<16xi32>
      %mul3A_744 = arith.muli %iota3A, %mul3A_743 : vector<16xi32>
      %add3A_745 = arith.constant 128 : i32
      %add3A_746 = vector.broadcast %add3A_745 : i32 to vector<16xi32>
      %add3A_747 = arith.addi %mul3A_744, %add3A_746 : vector<16xi32>
      %gather3A_748 = tpu.vector_load_idx %arg7[%add3A_747] : memref<800xi32, #tpu.memory_space<vmem>>[vector<16xi32>], vector<16xi32>,
      %swap3A_749 = arith.constant 64 : index
      %swap3A_750 = tpu.vector_load %arg9[%swap3A_749] {strides = array<i32>} : memref<400xi32, #tpu.memory_space<vmem>>, vector<16xi32>,
      tpu.vector_store %arg9[%swap3A_749], %gather3A_748 {strides = array<i32>} : memref<400xi32, #tpu.memory_space<vmem>>, vector<16xi32>,
      %mul3A_751 = arith.constant 2 : i32
      %mul3A_752 = vector.broadcast %mul3A_751 : i32 to vector<16xi32>
      %mul3A_753 = arith.muli %iota3A, %mul3A_752 : vector<16xi32>
      %add3A_754 = arith.constant 160 : i32
      %add3A_755 = vector.broadcast %add3A_754 : i32 to vector<16xi32>
      %add3A_756 = arith.addi %mul3A_753, %add3A_755 : vector<16xi32>
      %gather3A_757 = tpu.vector_load_idx %arg7[%add3A_756] : memref<800xi32, #tpu.memory_space<vmem>>[vector<16xi32>], vector<16xi32>,
      %swap3A_758 = arith.constant 80 : index
      %swap3A_759 = tpu.vector_load %arg9[%swap3A_758] {strides = array<i32>} : memref<400xi32, #tpu.memory_space<vmem>>, vector<16xi32>,
      tpu.vector_store %arg9[%swap3A_758], %gather3A_757 {strides = array<i32>} : memref<400xi32, #tpu.memory_space<vmem>>, vector<16xi32>,
      %mul3A_760 = arith.constant 2 : i32
      %mul3A_761 = vector.broadcast %mul3A_760 : i32 to vector<16xi32>
      %mul3A_762 = arith.muli %iota3A, %mul3A_761 : vector<16xi32>
      %add3A_763 = arith.constant 192 : i32
      %add3A_764 = vector.broadcast %add3A_763 : i32 to vector<16xi32>
      %add3A_765 = arith.addi %mul3A_762, %add3A_764 : vector<16xi32>
      %gather3A_766 = tpu.vector_load_idx %arg7[%add3A_765] : memref<800xi32, #tpu.memory_space<vmem>>[vector<16xi32>], vector<16xi32>,
      %swap3A_767 = arith.constant 96 : index
      %swap3A_768 = tpu.vector_load %arg9[%swap3A_767] {strides = array<i32>} : memref<400xi32, #tpu.memory_space<vmem>>, vector<16xi32>,
      tpu.vector_store %arg9[%swap3A_767], %gather3A_766 {strides = array<i32>} : memref<400xi32, #tpu.memory_space<vmem>>, vector<16xi32>,
      %mul3A_769 = arith.constant 2 : i32
      %mul3A_770 = vector.broadcast %mul3A_769 : i32 to vector<16xi32>
      %mul3A_771 = arith.muli %iota3A, %mul3A_770 : vector<16xi32>
      %add3A_772 = arith.constant 224 : i32
      %add3A_773 = vector.broadcast %add3A_772 : i32 to vector<16xi32>
      %add3A_774 = arith.addi %mul3A_771, %add3A_773 : vector<16xi32>
      %gather3A_775 = tpu.vector_load_idx %arg7[%add3A_774] : memref<800xi32, #tpu.memory_space<vmem>>[vector<16xi32>], vector<16xi32>,
      %swap3A_776 = arith.constant 112 : index
      %swap3A_777 = tpu.vector_load %arg9[%swap3A_776] {strides = array<i32>} : memref<400xi32, #tpu.memory_space<vmem>>, vector<16xi32>,
      tpu.vector_store %arg9[%swap3A_776], %gather3A_775 {strides = array<i32>} : memref<400xi32, #tpu.memory_space<vmem>>, vector<16xi32>,
      %mul3A_778 = arith.constant 2 : i32
      %mul3A_779 = vector.broadcast %mul3A_778 : i32 to vector<16xi32>
      %mul3A_780 = arith.muli %iota3A, %mul3A_779 : vector<16xi32>
      %add3A_781 = arith.constant 256 : i32
      %add3A_782 = vector.broadcast %add3A_781 : i32 to vector<16xi32>
      %add3A_783 = arith.addi %mul3A_780, %add3A_782 : vector<16xi32>
      %gather3A_784 = tpu.vector_load_idx %arg7[%add3A_783] : memref<800xi32, #tpu.memory_space<vmem>>[vector<16xi32>], vector<16xi32>,
      %swap3A_785 = arith.constant 128 : index
      %swap3A_786 = tpu.vector_load %arg9[%swap3A_785] {strides = array<i32>} : memref<400xi32, #tpu.memory_space<vmem>>, vector<16xi32>,
      tpu.vector_store %arg9[%swap3A_785], %gather3A_784 {strides = array<i32>} : memref<400xi32, #tpu.memory_space<vmem>>, vector<16xi32>,
      %mul3A_787 = arith.constant 2 : i32
      %mul3A_788 = vector.broadcast %mul3A_787 : i32 to vector<16xi32>
      %mul3A_789 = arith.muli %iota3A, %mul3A_788 : vector<16xi32>
      %add3A_790 = arith.constant 288 : i32
      %add3A_791 = vector.broadcast %add3A_790 : i32 to vector<16xi32>
      %add3A_792 = arith.addi %mul3A_789, %add3A_791 : vector<16xi32>
      %gather3A_793 = tpu.vector_load_idx %arg7[%add3A_792] : memref<800xi32, #tpu.memory_space<vmem>>[vector<16xi32>], vector<16xi32>,
      %swap3A_794 = arith.constant 144 : index
      %swap3A_795 = tpu.vector_load %arg9[%swap3A_794] {strides = array<i32>} : memref<400xi32, #tpu.memory_space<vmem>>, vector<16xi32>,
      tpu.vector_store %arg9[%swap3A_794], %gather3A_793 {strides = array<i32>} : memref<400xi32, #tpu.memory_space<vmem>>, vector<16xi32>,
      %mul3A_796 = arith.constant 2 : i32
      %mul3A_797 = vector.broadcast %mul3A_796 : i32 to vector<16xi32>
      %mul3A_798 = arith.muli %iota3A, %mul3A_797 : vector<16xi32>
      %add3A_799 = arith.constant 320 : i32
      %add3A_800 = vector.broadcast %add3A_799 : i32 to vector<16xi32>
      %add3A_801 = arith.addi %mul3A_798, %add3A_800 : vector<16xi32>
      %gather3A_802 = tpu.vector_load_idx %arg7[%add3A_801] : memref<800xi32, #tpu.memory_space<vmem>>[vector<16xi32>], vector<16xi32>,
      %swap3A_803 = arith.constant 160 : index
      %swap3A_804 = tpu.vector_load %arg9[%swap3A_803] {strides = array<i32>} : memref<400xi32, #tpu.memory_space<vmem>>, vector<16xi32>,
      tpu.vector_store %arg9[%swap3A_803], %gather3A_802 {strides = array<i32>} : memref<400xi32, #tpu.memory_space<vmem>>, vector<16xi32>,
      %mul3A_805 = arith.constant 2 : i32
      %mul3A_806 = vector.broadcast %mul3A_805 : i32 to vector<16xi32>
      %mul3A_807 = arith.muli %iota3A, %mul3A_806 : vector<16xi32>
      %add3A_808 = arith.constant 352 : i32
      %add3A_809 = vector.broadcast %add3A_808 : i32 to vector<16xi32>
      %add3A_810 = arith.addi %mul3A_807, %add3A_809 : vector<16xi32>
      %gather3A_811 = tpu.vector_load_idx %arg7[%add3A_810] : memref<800xi32, #tpu.memory_space<vmem>>[vector<16xi32>], vector<16xi32>,
      %swap3A_812 = arith.constant 176 : index
      %swap3A_813 = tpu.vector_load %arg9[%swap3A_812] {strides = array<i32>} : memref<400xi32, #tpu.memory_space<vmem>>, vector<16xi32>,
      tpu.vector_store %arg9[%swap3A_812], %gather3A_811 {strides = array<i32>} : memref<400xi32, #tpu.memory_space<vmem>>, vector<16xi32>,
      %mul3A_814 = arith.constant 2 : i32
      %mul3A_815 = vector.broadcast %mul3A_814 : i32 to vector<16xi32>
      %mul3A_816 = arith.muli %iota3A, %mul3A_815 : vector<16xi32>
      %add3A_817 = arith.constant 384 : i32
      %add3A_818 = vector.broadcast %add3A_817 : i32 to vector<16xi32>
      %add3A_819 = arith.addi %mul3A_816, %add3A_818 : vector<16xi32>
      %gather3A_820 = tpu.vector_load_idx %arg7[%add3A_819] : memref<800xi32, #tpu.memory_space<vmem>>[vector<16xi32>], vector<16xi32>,
      %swap3A_821 = arith.constant 192 : index
      %swap3A_822 = tpu.vector_load %arg9[%swap3A_821] {strides = array<i32>} : memref<400xi32, #tpu.memory_space<vmem>>, vector<16xi32>,
      tpu.vector_store %arg9[%swap3A_821], %gather3A_820 {strides = array<i32>} : memref<400xi32, #tpu.memory_space<vmem>>, vector<16xi32>,
      %mul3A_823 = arith.constant 2 : i32
      %mul3A_824 = vector.broadcast %mul3A_823 : i32 to vector<16xi32>
      %mul3A_825 = arith.muli %iota3A, %mul3A_824 : vector<16xi32>
      %add3A_826 = arith.constant 416 : i32
      %add3A_827 = vector.broadcast %add3A_826 : i32 to vector<16xi32>
      %add3A_828 = arith.addi %mul3A_825, %add3A_827 : vector<16xi32>
      %gather3A_829 = tpu.vector_load_idx %arg7[%add3A_828] : memref<800xi32, #tpu.memory_space<vmem>>[vector<16xi32>], vector<16xi32>,
      %swap3A_830 = arith.constant 208 : index
      %swap3A_831 = tpu.vector_load %arg9[%swap3A_830] {strides = array<i32>} : memref<400xi32, #tpu.memory_space<vmem>>, vector<16xi32>,
      tpu.vector_store %arg9[%swap3A_830], %gather3A_829 {strides = array<i32>} : memref<400xi32, #tpu.memory_space<vmem>>, vector<16xi32>,
      %mul3A_832 = arith.constant 2 : i32
      %mul3A_833 = vector.broadcast %mul3A_832 : i32 to vector<16xi32>
      %mul3A_834 = arith.muli %iota3A, %mul3A_833 : vector<16xi32>
      %add3A_835 = arith.constant 448 : i32
      %add3A_836 = vector.broadcast %add3A_835 : i32 to vector<16xi32>
      %add3A_837 = arith.addi %mul3A_834, %add3A_836 : vector<16xi32>
      %gather3A_838 = tpu.vector_load_idx %arg7[%add3A_837] : memref<800xi32, #tpu.memory_space<vmem>>[vector<16xi32>], vector<16xi32>,
      %swap3A_839 = arith.constant 224 : index
      %swap3A_840 = tpu.vector_load %arg9[%swap3A_839] {strides = array<i32>} : memref<400xi32, #tpu.memory_space<vmem>>, vector<16xi32>,
      tpu.vector_store %arg9[%swap3A_839], %gather3A_838 {strides = array<i32>} : memref<400xi32, #tpu.memory_space<vmem>>, vector<16xi32>,
      %mul3A_841 = arith.constant 2 : i32
      %mul3A_842 = vector.broadcast %mul3A_841 : i32 to vector<16xi32>
      %mul3A_843 = arith.muli %iota3A, %mul3A_842 : vector<16xi32>
      %add3A_844 = arith.constant 480 : i32
      %add3A_845 = vector.broadcast %add3A_844 : i32 to vector<16xi32>
      %add3A_846 = arith.addi %mul3A_843, %add3A_845 : vector<16xi32>
      %gather3A_847 = tpu.vector_load_idx %arg7[%add3A_846] : memref<800xi32, #tpu.memory_space<vmem>>[vector<16xi32>], vector<16xi32>,
      %swap3A_848 = arith.constant 240 : index
      %swap3A_849 = tpu.vector_load %arg9[%swap3A_848] {strides = array<i32>} : memref<400xi32, #tpu.memory_space<vmem>>, vector<16xi32>,
      tpu.vector_store %arg9[%swap3A_848], %gather3A_847 {strides = array<i32>} : memref<400xi32, #tpu.memory_space<vmem>>, vector<16xi32>,
      %mul3A_850 = arith.constant 2 : i32
      %mul3A_851 = vector.broadcast %mul3A_850 : i32 to vector<16xi32>
      %mul3A_852 = arith.muli %iota3A, %mul3A_851 : vector<16xi32>
      %add3A_853 = arith.constant 512 : i32
      %add3A_854 = vector.broadcast %add3A_853 : i32 to vector<16xi32>
      %add3A_855 = arith.addi %mul3A_852, %add3A_854 : vector<16xi32>
      %gather3A_856 = tpu.vector_load_idx %arg7[%add3A_855] : memref<800xi32, #tpu.memory_space<vmem>>[vector<16xi32>], vector<16xi32>,
      %swap3A_857 = arith.constant 256 : index
      %swap3A_858 = tpu.vector_load %arg9[%swap3A_857] {strides = array<i32>} : memref<400xi32, #tpu.memory_space<vmem>>, vector<16xi32>,
      tpu.vector_store %arg9[%swap3A_857], %gather3A_856 {strides = array<i32>} : memref<400xi32, #tpu.memory_space<vmem>>, vector<16xi32>,
      %mul3A_859 = arith.constant 2 : i32
      %mul3A_860 = vector.broadcast %mul3A_859 : i32 to vector<16xi32>
      %mul3A_861 = arith.muli %iota3A, %mul3A_860 : vector<16xi32>
      %add3A_862 = arith.constant 544 : i32
      %add3A_863 = vector.broadcast %add3A_862 : i32 to vector<16xi32>
      %add3A_864 = arith.addi %mul3A_861, %add3A_863 : vector<16xi32>
      %gather3A_865 = tpu.vector_load_idx %arg7[%add3A_864] : memref<800xi32, #tpu.memory_space<vmem>>[vector<16xi32>], vector<16xi32>,
      %swap3A_866 = arith.constant 272 : index
      %swap3A_867 = tpu.vector_load %arg9[%swap3A_866] {strides = array<i32>} : memref<400xi32, #tpu.memory_space<vmem>>, vector<16xi32>,
      tpu.vector_store %arg9[%swap3A_866], %gather3A_865 {strides = array<i32>} : memref<400xi32, #tpu.memory_space<vmem>>, vector<16xi32>,
      %mul3A_868 = arith.constant 2 : i32
      %mul3A_869 = vector.broadcast %mul3A_868 : i32 to vector<16xi32>
      %mul3A_870 = arith.muli %iota3A, %mul3A_869 : vector<16xi32>
      %add3A_871 = arith.constant 576 : i32
      %add3A_872 = vector.broadcast %add3A_871 : i32 to vector<16xi32>
      %add3A_873 = arith.addi %mul3A_870, %add3A_872 : vector<16xi32>
      %gather3A_874 = tpu.vector_load_idx %arg7[%add3A_873] : memref<800xi32, #tpu.memory_space<vmem>>[vector<16xi32>], vector<16xi32>,
      %swap3A_875 = arith.constant 288 : index
      %swap3A_876 = tpu.vector_load %arg9[%swap3A_875] {strides = array<i32>} : memref<400xi32, #tpu.memory_space<vmem>>, vector<16xi32>,
      tpu.vector_store %arg9[%swap3A_875], %gather3A_874 {strides = array<i32>} : memref<400xi32, #tpu.memory_space<vmem>>, vector<16xi32>,
      %mul3A_877 = arith.constant 2 : i32
      %mul3A_878 = vector.broadcast %mul3A_877 : i32 to vector<16xi32>
      %mul3A_879 = arith.muli %iota3A, %mul3A_878 : vector<16xi32>
      %add3A_880 = arith.constant 608 : i32
      %add3A_881 = vector.broadcast %add3A_880 : i32 to vector<16xi32>
      %add3A_882 = arith.addi %mul3A_879, %add3A_881 : vector<16xi32>
      %gather3A_883 = tpu.vector_load_idx %arg7[%add3A_882] : memref<800xi32, #tpu.memory_space<vmem>>[vector<16xi32>], vector<16xi32>,
      %swap3A_884 = arith.constant 304 : index
      %swap3A_885 = tpu.vector_load %arg9[%swap3A_884] {strides = array<i32>} : memref<400xi32, #tpu.memory_space<vmem>>, vector<16xi32>,
      tpu.vector_store %arg9[%swap3A_884], %gather3A_883 {strides = array<i32>} : memref<400xi32, #tpu.memory_space<vmem>>, vector<16xi32>,
      %mul3A_886 = arith.constant 2 : i32
      %mul3A_887 = vector.broadcast %mul3A_886 : i32 to vector<16xi32>
      %mul3A_888 = arith.muli %iota3A, %mul3A_887 : vector<16xi32>
      %add3A_889 = arith.constant 640 : i32
      %add3A_890 = vector.broadcast %add3A_889 : i32 to vector<16xi32>
      %add3A_891 = arith.addi %mul3A_888, %add3A_890 : vector<16xi32>
      %gather3A_892 = tpu.vector_load_idx %arg7[%add3A_891] : memref<800xi32, #tpu.memory_space<vmem>>[vector<16xi32>], vector<16xi32>,
      %swap3A_893 = arith.constant 320 : index
      %swap3A_894 = tpu.vector_load %arg9[%swap3A_893] {strides = array<i32>} : memref<400xi32, #tpu.memory_space<vmem>>, vector<16xi32>,
      tpu.vector_store %arg9[%swap3A_893], %gather3A_892 {strides = array<i32>} : memref<400xi32, #tpu.memory_space<vmem>>, vector<16xi32>,
      %mul3A_895 = arith.constant 2 : i32
      %mul3A_896 = vector.broadcast %mul3A_895 : i32 to vector<16xi32>
      %mul3A_897 = arith.muli %iota3A, %mul3A_896 : vector<16xi32>
      %add3A_898 = arith.constant 672 : i32
      %add3A_899 = vector.broadcast %add3A_898 : i32 to vector<16xi32>
      %add3A_900 = arith.addi %mul3A_897, %add3A_899 : vector<16xi32>
      %gather3A_901 = tpu.vector_load_idx %arg7[%add3A_900] : memref<800xi32, #tpu.memory_space<vmem>>[vector<16xi32>], vector<16xi32>,
      %swap3A_902 = arith.constant 336 : index
      %swap3A_903 = tpu.vector_load %arg9[%swap3A_902] {strides = array<i32>} : memref<400xi32, #tpu.memory_space<vmem>>, vector<16xi32>,
      tpu.vector_store %arg9[%swap3A_902], %gather3A_901 {strides = array<i32>} : memref<400xi32, #tpu.memory_space<vmem>>, vector<16xi32>,
      %mul3A_904 = arith.constant 2 : i32
      %mul3A_905 = vector.broadcast %mul3A_904 : i32 to vector<16xi32>
      %mul3A_906 = arith.muli %iota3A, %mul3A_905 : vector<16xi32>
      %add3A_907 = arith.constant 704 : i32
      %add3A_908 = vector.broadcast %add3A_907 : i32 to vector<16xi32>
      %add3A_909 = arith.addi %mul3A_906, %add3A_908 : vector<16xi32>
      %gather3A_910 = tpu.vector_load_idx %arg7[%add3A_909] : memref<800xi32, #tpu.memory_space<vmem>>[vector<16xi32>], vector<16xi32>,
      %swap3A_911 = arith.constant 352 : index
      %swap3A_912 = tpu.vector_load %arg9[%swap3A_911] {strides = array<i32>} : memref<400xi32, #tpu.memory_space<vmem>>, vector<16xi32>,
      tpu.vector_store %arg9[%swap3A_911], %gather3A_910 {strides = array<i32>} : memref<400xi32, #tpu.memory_space<vmem>>, vector<16xi32>,
      %mul3A_913 = arith.constant 2 : i32
      %mul3A_914 = vector.broadcast %mul3A_913 : i32 to vector<16xi32>
      %mul3A_915 = arith.muli %iota3A, %mul3A_914 : vector<16xi32>
      %add3A_916 = arith.constant 736 : i32
      %add3A_917 = vector.broadcast %add3A_916 : i32 to vector<16xi32>
      %add3A_918 = arith.addi %mul3A_915, %add3A_917 : vector<16xi32>
      %gather3A_919 = tpu.vector_load_idx %arg7[%add3A_918] : memref<800xi32, #tpu.memory_space<vmem>>[vector<16xi32>], vector<16xi32>,
      %swap3A_920 = arith.constant 368 : index
      %swap3A_921 = tpu.vector_load %arg9[%swap3A_920] {strides = array<i32>} : memref<400xi32, #tpu.memory_space<vmem>>, vector<16xi32>,
      tpu.vector_store %arg9[%swap3A_920], %gather3A_919 {strides = array<i32>} : memref<400xi32, #tpu.memory_space<vmem>>, vector<16xi32>,
      %mul3A_922 = arith.constant 2 : i32
      %mul3A_923 = vector.broadcast %mul3A_922 : i32 to vector<16xi32>
      %mul3A_924 = arith.muli %iota3A, %mul3A_923 : vector<16xi32>
      %add3A_925 = arith.constant 768 : i32
      %add3A_926 = vector.broadcast %add3A_925 : i32 to vector<16xi32>
      %add3A_927 = arith.addi %mul3A_924, %add3A_926 : vector<16xi32>
      %gather3A_928 = tpu.vector_load_idx %arg7[%add3A_927] : memref<800xi32, #tpu.memory_space<vmem>>[vector<16xi32>], vector<16xi32>,
      %swap3A_929 = arith.constant 384 : index
      %swap3A_930 = tpu.vector_load %arg9[%swap3A_929] {strides = array<i32>} : memref<400xi32, #tpu.memory_space<vmem>>, vector<16xi32>,
      tpu.vector_store %arg9[%swap3A_929], %gather3A_928 {strides = array<i32>} : memref<400xi32, #tpu.memory_space<vmem>>, vector<16xi32>,
      %dma_start3A_931 = arith.constant 0 : i32
      %dma_start3A_932 = arith.constant 0 : i32
      %dma_start3A_933 = tpu.memref_slice %arg11[%dma_start3A_931, %dma_start3A_932] : memref<400x128xf32, #tpu.memory_space<vmem>> -> memref<80x128xf32, #tpu.memory_space<vmem>>
      %dma_start3A_934 = arith.constant 0 : i32
      %dma_start3A_935 = tpu.memref_slice %arg9[%dma_start3A_934] : memref<400xi32, #tpu.memory_space<vmem>> -> memref<80xi32, #tpu.memory_space<vmem>>
      %dma_start3A_936 = arith.constant 0 : i32
      %dma_start3A_937 = arith.constant 0 : i32
      %dma_start3A_938 = tpu.memref_slice %arg2[%dma_start3A_936, %dma_start3A_937] : memref<10000x128xf32, #tpu.memory_space<hbm>> -> memref<10000x128xf32, #tpu.memory_space<hbm>>
      tpu.enqueue_indirect_dma source(%dma_start3A_938 : memref<10000x128xf32, #tpu.memory_space<hbm>>) target(%dma_start3A_933 : memref<80x128xf32, #tpu.memory_space<vmem>>) offsets(%dma_start3A_935 : memref<80xi32, #tpu.memory_space<vmem>>) semaphore(%arg15 : memref<!tpu.dma_semaphore, #tpu.memory_space<semaphore_mem>>)
      %dma_start3A_939 = arith.constant 80 : i32
      %dma_start3A_940 = arith.constant 0 : i32
      %dma_start3A_941 = tpu.memref_slice %arg11[%dma_start3A_939, %dma_start3A_940] : memref<400x128xf32, #tpu.memory_space<vmem>> -> memref<80x128xf32, #tpu.memory_space<vmem>>
      %dma_start3A_942 = arith.constant 80 : i32
      %dma_start3A_943 = tpu.memref_slice %arg9[%dma_start3A_942] : memref<400xi32, #tpu.memory_space<vmem>> -> memref<80xi32, #tpu.memory_space<vmem>>
      %dma_start3A_944 = arith.constant 0 : i32
      %dma_start3A_945 = arith.constant 0 : i32
      %dma_start3A_946 = tpu.memref_slice %arg2[%dma_start3A_944, %dma_start3A_945] : memref<10000x128xf32, #tpu.memory_space<hbm>> -> memref<10000x128xf32, #tpu.memory_space<hbm>>
      tpu.enqueue_indirect_dma source(%dma_start3A_946 : memref<10000x128xf32, #tpu.memory_space<hbm>>) target(%dma_start3A_941 : memref<80x128xf32, #tpu.memory_space<vmem>>) offsets(%dma_start3A_943 : memref<80xi32, #tpu.memory_space<vmem>>) semaphore(%arg15 : memref<!tpu.dma_semaphore, #tpu.memory_space<semaphore_mem>>)
      %dma_start3A_947 = arith.constant 160 : i32
      %dma_start3A_948 = arith.constant 0 : i32
      %dma_start3A_949 = tpu.memref_slice %arg11[%dma_start3A_947, %dma_start3A_948] : memref<400x128xf32, #tpu.memory_space<vmem>> -> memref<80x128xf32, #tpu.memory_space<vmem>>
      %dma_start3A_950 = arith.constant 160 : i32
      %dma_start3A_951 = tpu.memref_slice %arg9[%dma_start3A_950] : memref<400xi32, #tpu.memory_space<vmem>> -> memref<80xi32, #tpu.memory_space<vmem>>
      %dma_start3A_952 = arith.constant 0 : i32
      %dma_start3A_953 = arith.constant 0 : i32
      %dma_start3A_954 = tpu.memref_slice %arg2[%dma_start3A_952, %dma_start3A_953] : memref<10000x128xf32, #tpu.memory_space<hbm>> -> memref<10000x128xf32, #tpu.memory_space<hbm>>
      tpu.enqueue_indirect_dma source(%dma_start3A_954 : memref<10000x128xf32, #tpu.memory_space<hbm>>) target(%dma_start3A_949 : memref<80x128xf32, #tpu.memory_space<vmem>>) offsets(%dma_start3A_951 : memref<80xi32, #tpu.memory_space<vmem>>) semaphore(%arg15 : memref<!tpu.dma_semaphore, #tpu.memory_space<semaphore_mem>>)
      %dma_start3A_955 = arith.constant 240 : i32
      %dma_start3A_956 = arith.constant 0 : i32
      %dma_start3A_957 = tpu.memref_slice %arg11[%dma_start3A_955, %dma_start3A_956] : memref<400x128xf32, #tpu.memory_space<vmem>> -> memref<80x128xf32, #tpu.memory_space<vmem>>
      %dma_start3A_958 = arith.constant 240 : i32
      %dma_start3A_959 = tpu.memref_slice %arg9[%dma_start3A_958] : memref<400xi32, #tpu.memory_space<vmem>> -> memref<80xi32, #tpu.memory_space<vmem>>
      %dma_start3A_960 = arith.constant 0 : i32
      %dma_start3A_961 = arith.constant 0 : i32
      %dma_start3A_962 = tpu.memref_slice %arg2[%dma_start3A_960, %dma_start3A_961] : memref<10000x128xf32, #tpu.memory_space<hbm>> -> memref<10000x128xf32, #tpu.memory_space<hbm>>
      tpu.enqueue_indirect_dma source(%dma_start3A_962 : memref<10000x128xf32, #tpu.memory_space<hbm>>) target(%dma_start3A_957 : memref<80x128xf32, #tpu.memory_space<vmem>>) offsets(%dma_start3A_959 : memref<80xi32, #tpu.memory_space<vmem>>) semaphore(%arg15 : memref<!tpu.dma_semaphore, #tpu.memory_space<semaphore_mem>>)
      %dma_start3A_963 = arith.constant 320 : i32
      %dma_start3A_964 = arith.constant 0 : i32
      %dma_start3A_965 = tpu.memref_slice %arg11[%dma_start3A_963, %dma_start3A_964] : memref<400x128xf32, #tpu.memory_space<vmem>> -> memref<80x128xf32, #tpu.memory_space<vmem>>
      %dma_start3A_966 = arith.constant 320 : i32
      %dma_start3A_967 = tpu.memref_slice %arg9[%dma_start3A_966] : memref<400xi32, #tpu.memory_space<vmem>> -> memref<80xi32, #tpu.memory_space<vmem>>
      %dma_start3A_968 = arith.constant 0 : i32
      %dma_start3A_969 = arith.constant 0 : i32
      %dma_start3A_970 = tpu.memref_slice %arg2[%dma_start3A_968, %dma_start3A_969] : memref<10000x128xf32, #tpu.memory_space<hbm>> -> memref<10000x128xf32, #tpu.memory_space<hbm>>
      tpu.enqueue_indirect_dma source(%dma_start3A_970 : memref<10000x128xf32, #tpu.memory_space<hbm>>) target(%dma_start3A_965 : memref<80x128xf32, #tpu.memory_space<vmem>>) offsets(%dma_start3A_967 : memref<80xi32, #tpu.memory_space<vmem>>) semaphore(%arg15 : memref<!tpu.dma_semaphore, #tpu.memory_space<semaphore_mem>>)
      %add3A_971 = arith.constant 1 : i32
      %add3A_972 = arith.addi %add3A_699, %add3A_971 : i32
      %le3A = arith.constant 24 : i32
      %le3A_973 = arith.cmpi sle, %add3A_972, %le3A : i32
      %convert_element_type3A_974 = arith.extui %le3A_973 : i1 to i32
      %cond3A_975 = arith.constant 0 : i32
      %cond3A_976 = arith.cmpi ne, %convert_element_type3A_974, %cond3A_975 : i32
      scf.if %cond3A_976 {
        %add3A_1363 = arith.constant 1 : i32
        %add3A_1364 = arith.addi %add3A_699, %add3A_1363 : i32
        %mul3A_1365 = arith.constant 2 : i32
        %mul3A_1366 = arith.muli %mul3A_1365, %mul3A_2 : i32
        %mul3A_1367 = arith.constant 800 : i32
        %mul3A_1368 = arith.muli %add3A_1364, %mul3A_1367 : i32
        %add3A_1369 = arith.addi %mul3A_1366, %mul3A_1368 : i32
        %multiple_of3A_1370 = tpu.assume_multiple %add3A_1369, 8 : i32
        %dma_start3A_1371 = tpu.memref_slice %arg3[%multiple_of3A_1370] : memref<640000xi32, #tpu.memory_space<hbm>> -> memref<800xi32, #tpu.memory_space<hbm>>
        %dma_start3A_1372 = tpu.memref_slice %arg3[%multiple_of3A_1370] : memref<640000xi32, #tpu.memory_space<hbm>> -> memref<800xi32, #tpu.memory_space<hbm>>
        tpu.enqueue_dma source(%dma_start3A_1372 : memref<800xi32, #tpu.memory_space<hbm>>) target(%arg6 : memref<800xi32, #tpu.memory_space<vmem>>) target_semaphore(%arg12 : memref<!tpu.dma_semaphore, #tpu.memory_space<semaphore_mem>>)
      } else {
      }
      %dma_wait3A_977 = arith.constant 0 : i32
      %dma_wait3A_978 = arith.constant 0 : i32
      %dma_wait3A_979 = tpu.memref_slice %arg10[%dma_wait3A_977, %dma_wait3A_978] : memref<400x128xf32, #tpu.memory_space<vmem>> -> memref<80x128xf32, #tpu.memory_space<vmem>>
      %dma_wait3A_980 = arith.constant 0 : i32
      %dma_wait3A_981 = tpu.memref_slice %arg8[%dma_wait3A_980] : memref<400xi32, #tpu.memory_space<vmem>> -> memref<80xi32, #tpu.memory_space<vmem>>
      %dma_wait3A_982 = arith.constant 0 : i32
      %dma_wait3A_983 = arith.constant 0 : i32
      %dma_wait3A_984 = tpu.memref_slice %arg2[%dma_wait3A_982, %dma_wait3A_983] : memref<10000x128xf32, #tpu.memory_space<hbm>> -> memref<10000x128xf32, #tpu.memory_space<hbm>>
      tpu.wait_indirect_dma semaphore(%arg14 : memref<!tpu.dma_semaphore, #tpu.memory_space<semaphore_mem>>) src(%dma_wait3A_984 : memref<10000x128xf32, #tpu.memory_space<hbm>>) dst(%dma_wait3A_979 : memref<80x128xf32, #tpu.memory_space<vmem>>)
      %dma_wait3A_985 = arith.constant 80 : i32
      %dma_wait3A_986 = arith.constant 0 : i32
      %dma_wait3A_987 = tpu.memref_slice %arg10[%dma_wait3A_985, %dma_wait3A_986] : memref<400x128xf32, #tpu.memory_space<vmem>> -> memref<80x128xf32, #tpu.memory_space<vmem>>
      %dma_wait3A_988 = arith.constant 0 : i32
      %dma_wait3A_989 = tpu.memref_slice %arg8[%dma_wait3A_988] : memref<400xi32, #tpu.memory_space<vmem>> -> memref<80xi32, #tpu.memory_space<vmem>>
      %dma_wait3A_990 = arith.constant 0 : i32
      %dma_wait3A_991 = arith.constant 0 : i32
      %dma_wait3A_992 = tpu.memref_slice %arg2[%dma_wait3A_990, %dma_wait3A_991] : memref<10000x128xf32, #tpu.memory_space<hbm>> -> memref<10000x128xf32, #tpu.memory_space<hbm>>
      tpu.wait_indirect_dma semaphore(%arg14 : memref<!tpu.dma_semaphore, #tpu.memory_space<semaphore_mem>>) src(%dma_wait3A_992 : memref<10000x128xf32, #tpu.memory_space<hbm>>) dst(%dma_wait3A_987 : memref<80x128xf32, #tpu.memory_space<vmem>>)
      %dma_wait3A_993 = arith.constant 160 : i32
      %dma_wait3A_994 = arith.constant 0 : i32
      %dma_wait3A_995 = tpu.memref_slice %arg10[%dma_wait3A_993, %dma_wait3A_994] : memref<400x128xf32, #tpu.memory_space<vmem>> -> memref<80x128xf32, #tpu.memory_space<vmem>>
      %dma_wait3A_996 = arith.constant 0 : i32
      %dma_wait3A_997 = tpu.memref_slice %arg8[%dma_wait3A_996] : memref<400xi32, #tpu.memory_space<vmem>> -> memref<80xi32, #tpu.memory_space<vmem>>
      %dma_wait3A_998 = arith.constant 0 : i32
      %dma_wait3A_999 = arith.constant 0 : i32
      %dma_wait3A_1000 = tpu.memref_slice %arg2[%dma_wait3A_998, %dma_wait3A_999] : memref<10000x128xf32, #tpu.memory_space<hbm>> -> memref<10000x128xf32, #tpu.memory_space<hbm>>
      tpu.wait_indirect_dma semaphore(%arg14 : memref<!tpu.dma_semaphore, #tpu.memory_space<semaphore_mem>>) src(%dma_wait3A_1000 : memref<10000x128xf32, #tpu.memory_space<hbm>>) dst(%dma_wait3A_995 : memref<80x128xf32, #tpu.memory_space<vmem>>)
      %dma_wait3A_1001 = arith.constant 240 : i32
      %dma_wait3A_1002 = arith.constant 0 : i32
      %dma_wait3A_1003 = tpu.memref_slice %arg10[%dma_wait3A_1001, %dma_wait3A_1002] : memref<400x128xf32, #tpu.memory_space<vmem>> -> memref<80x128xf32, #tpu.memory_space<vmem>>
      %dma_wait3A_1004 = arith.constant 0 : i32
      %dma_wait3A_1005 = tpu.memref_slice %arg8[%dma_wait3A_1004] : memref<400xi32, #tpu.memory_space<vmem>> -> memref<80xi32, #tpu.memory_space<vmem>>
      %dma_wait3A_1006 = arith.constant 0 : i32
      %dma_wait3A_1007 = arith.constant 0 : i32
      %dma_wait3A_1008 = tpu.memref_slice %arg2[%dma_wait3A_1006, %dma_wait3A_1007] : memref<10000x128xf32, #tpu.memory_space<hbm>> -> memref<10000x128xf32, #tpu.memory_space<hbm>>
      tpu.wait_indirect_dma semaphore(%arg14 : memref<!tpu.dma_semaphore, #tpu.memory_space<semaphore_mem>>) src(%dma_wait3A_1008 : memref<10000x128xf32, #tpu.memory_space<hbm>>) dst(%dma_wait3A_1003 : memref<80x128xf32, #tpu.memory_space<vmem>>)
      %dma_wait3A_1009 = arith.constant 320 : i32
      %dma_wait3A_1010 = arith.constant 0 : i32
      %dma_wait3A_1011 = tpu.memref_slice %arg10[%dma_wait3A_1009, %dma_wait3A_1010] : memref<400x128xf32, #tpu.memory_space<vmem>> -> memref<80x128xf32, #tpu.memory_space<vmem>>
      %dma_wait3A_1012 = arith.constant 0 : i32
      %dma_wait3A_1013 = tpu.memref_slice %arg8[%dma_wait3A_1012] : memref<400xi32, #tpu.memory_space<vmem>> -> memref<80xi32, #tpu.memory_space<vmem>>
      %dma_wait3A_1014 = arith.constant 0 : i32
      %dma_wait3A_1015 = arith.constant 0 : i32
      %dma_wait3A_1016 = tpu.memref_slice %arg2[%dma_wait3A_1014, %dma_wait3A_1015] : memref<10000x128xf32, #tpu.memory_space<hbm>> -> memref<10000x128xf32, #tpu.memory_space<hbm>>
      tpu.wait_indirect_dma semaphore(%arg14 : memref<!tpu.dma_semaphore, #tpu.memory_space<semaphore_mem>>) src(%dma_wait3A_1016 : memref<10000x128xf32, #tpu.memory_space<hbm>>) dst(%dma_wait3A_1011 : memref<80x128xf32, #tpu.memory_space<vmem>>)
      %sub3A = arith.constant 1 : i32
      %sub3A_1017 = arith.subi %add3A_699, %sub3A : i32
      %mul3A_1018 = arith.constant 400 : i32
      %mul3A_1019 = arith.muli %sub3A_1017, %mul3A_1018 : i32
      %add3A_1020 = arith.addi %mul3A_2, %mul3A_1019 : i32
      %multiple_of3A_1021 = tpu.assume_multiple %add3A_1020, 8 : i32
      %dma_start3A_1022 = arith.constant 0 : i32
      %dma_start3A_1023 = tpu.memref_slice %arg4[%multiple_of3A_1021, %dma_start3A_1022] : memref<320000x128xf32, #tpu.memory_space<hbm>> -> memref<400x128xf32, #tpu.memory_space<hbm>>
      %dma_start3A_1024 = arith.constant 0 : i32
      %dma_start3A_1025 = tpu.memref_slice %arg4[%multiple_of3A_1021, %dma_start3A_1024] : memref<320000x128xf32, #tpu.memory_space<hbm>> -> memref<400x128xf32, #tpu.memory_space<hbm>>
      tpu.enqueue_dma source(%arg10 : memref<400x128xf32, #tpu.memory_space<vmem>>) target(%dma_start3A_1025 : memref<400x128xf32, #tpu.memory_space<hbm>>) target_semaphore(%arg16 : memref<!tpu.dma_semaphore, #tpu.memory_space<semaphore_mem>>)
      %mul3A_1026 = arith.constant 2 : i32
      %mul3A_1027 = arith.muli %mul3A_1026, %scan3A_693 : i32
      %add3A_1028 = arith.constant 1 : i32
      %add3A_1029 = arith.addi %add3A_1028, %mul3A_1027 : i32
      %add3A_1030 = arith.constant 1 : i32
      %add3A_1031 = arith.addi %add3A_1029, %add3A_1030 : i32
      %ge3A_1032 = arith.constant 2 : i32
      %ge3A_1033 = arith.cmpi sge, %add3A_1031, %ge3A_1032 : i32
      %convert_element_type3A_1034 = arith.extui %ge3A_1033 : i1 to i32
      %cond3A_1035 = arith.constant 0 : i32
      %cond3A_1036 = arith.cmpi ne, %convert_element_type3A_1034, %cond3A_1035 : i32
      scf.if %cond3A_1036 {
        %dma_wait3A_1363 = arith.constant 0 : i32
        %dma_wait3A_1364 = arith.constant 0 : i32
        %dma_wait3A_1365 = tpu.memref_slice %arg4[%dma_wait3A_1363, %dma_wait3A_1364] : memref<320000x128xf32, #tpu.memory_space<hbm>> -> memref<400x128xf32, #tpu.memory_space<hbm>>
        %dma_wait3A_1366 = arith.constant 0 : i32
        %dma_wait3A_1367 = arith.constant 0 : i32
        %dma_wait3A_1368 = tpu.memref_slice %arg4[%dma_wait3A_1366, %dma_wait3A_1367] : memref<320000x128xf32, #tpu.memory_space<hbm>> -> memref<400x128xf32, #tpu.memory_space<hbm>>
        tpu.wait_dma2 semaphore(%arg16 : memref<!tpu.dma_semaphore, #tpu.memory_space<semaphore_mem>>) src(%arg10 : memref<400x128xf32, #tpu.memory_space<vmem>>) dst(%dma_wait3A_1368 : memref<400x128xf32, #tpu.memory_space<hbm>>)
      } else {
      }
      %dma_wait3A_1037 = arith.constant 0 : i32
      %dma_wait3A_1038 = tpu.memref_slice %arg3[%dma_wait3A_1037] : memref<640000xi32, #tpu.memory_space<hbm>> -> memref<800xi32, #tpu.memory_space<hbm>>
      %dma_wait3A_1039 = arith.constant 0 : i32
      %dma_wait3A_1040 = tpu.memref_slice %arg3[%dma_wait3A_1039] : memref<640000xi32, #tpu.memory_space<hbm>> -> memref<800xi32, #tpu.memory_space<hbm>>
      tpu.wait_dma2 semaphore(%arg12 : memref<!tpu.dma_semaphore, #tpu.memory_space<semaphore_mem>>) src(%dma_wait3A_1040 : memref<800xi32, #tpu.memory_space<hbm>>) dst(%arg6 : memref<800xi32, #tpu.memory_space<vmem>>)
      %mul3A_1041 = arith.constant 2 : i32
      %mul3A_1042 = vector.broadcast %mul3A_1041 : i32 to vector<16xi32>
      %mul3A_1043 = arith.muli %iota3A, %mul3A_1042 : vector<16xi32>
      %add3A_1044 = arith.constant 0 : i32
      %add3A_1045 = vector.broadcast %add3A_1044 : i32 to vector<16xi32>
      %add3A_1046 = arith.addi %mul3A_1043, %add3A_1045 : vector<16xi32>
      %gather3A_1047 = tpu.vector_load_idx %arg6[%add3A_1046] : memref<800xi32, #tpu.memory_space<vmem>>[vector<16xi32>], vector<16xi32>,
      %swap3A_1048 = arith.constant 0 : index
      %swap3A_1049 = tpu.vector_load %arg8[%swap3A_1048] {strides = array<i32>} : memref<400xi32, #tpu.memory_space<vmem>>, vector<16xi32>,
      tpu.vector_store %arg8[%swap3A_1048], %gather3A_1047 {strides = array<i32>} : memref<400xi32, #tpu.memory_space<vmem>>, vector<16xi32>,
      %mul3A_1050 = arith.constant 2 : i32
      %mul3A_1051 = vector.broadcast %mul3A_1050 : i32 to vector<16xi32>
      %mul3A_1052 = arith.muli %iota3A, %mul3A_1051 : vector<16xi32>
      %add3A_1053 = arith.constant 32 : i32
      %add3A_1054 = vector.broadcast %add3A_1053 : i32 to vector<16xi32>
      %add3A_1055 = arith.addi %mul3A_1052, %add3A_1054 : vector<16xi32>
      %gather3A_1056 = tpu.vector_load_idx %arg6[%add3A_1055] : memref<800xi32, #tpu.memory_space<vmem>>[vector<16xi32>], vector<16xi32>,
      %swap3A_1057 = arith.constant 16 : index
      %swap3A_1058 = tpu.vector_load %arg8[%swap3A_1057] {strides = array<i32>} : memref<400xi32, #tpu.memory_space<vmem>>, vector<16xi32>,
      tpu.vector_store %arg8[%swap3A_1057], %gather3A_1056 {strides = array<i32>} : memref<400xi32, #tpu.memory_space<vmem>>, vector<16xi32>,
      %mul3A_1059 = arith.constant 2 : i32
      %mul3A_1060 = vector.broadcast %mul3A_1059 : i32 to vector<16xi32>
      %mul3A_1061 = arith.muli %iota3A, %mul3A_1060 : vector<16xi32>
      %add3A_1062 = arith.constant 64 : i32
      %add3A_1063 = vector.broadcast %add3A_1062 : i32 to vector<16xi32>
      %add3A_1064 = arith.addi %mul3A_1061, %add3A_1063 : vector<16xi32>
      %gather3A_1065 = tpu.vector_load_idx %arg6[%add3A_1064] : memref<800xi32, #tpu.memory_space<vmem>>[vector<16xi32>], vector<16xi32>,
      %swap3A_1066 = arith.constant 32 : index
      %swap3A_1067 = tpu.vector_load %arg8[%swap3A_1066] {strides = array<i32>} : memref<400xi32, #tpu.memory_space<vmem>>, vector<16xi32>,
      tpu.vector_store %arg8[%swap3A_1066], %gather3A_1065 {strides = array<i32>} : memref<400xi32, #tpu.memory_space<vmem>>, vector<16xi32>,
      %mul3A_1068 = arith.constant 2 : i32
      %mul3A_1069 = vector.broadcast %mul3A_1068 : i32 to vector<16xi32>
      %mul3A_1070 = arith.muli %iota3A, %mul3A_1069 : vector<16xi32>
      %add3A_1071 = arith.constant 96 : i32
      %add3A_1072 = vector.broadcast %add3A_1071 : i32 to vector<16xi32>
      %add3A_1073 = arith.addi %mul3A_1070, %add3A_1072 : vector<16xi32>
      %gather3A_1074 = tpu.vector_load_idx %arg6[%add3A_1073] : memref<800xi32, #tpu.memory_space<vmem>>[vector<16xi32>], vector<16xi32>,
      %swap3A_1075 = arith.constant 48 : index
      %swap3A_1076 = tpu.vector_load %arg8[%swap3A_1075] {strides = array<i32>} : memref<400xi32, #tpu.memory_space<vmem>>, vector<16xi32>,
      tpu.vector_store %arg8[%swap3A_1075], %gather3A_1074 {strides = array<i32>} : memref<400xi32, #tpu.memory_space<vmem>>, vector<16xi32>,
      %mul3A_1077 = arith.constant 2 : i32
      %mul3A_1078 = vector.broadcast %mul3A_1077 : i32 to vector<16xi32>
      %mul3A_1079 = arith.muli %iota3A, %mul3A_1078 : vector<16xi32>
      %add3A_1080 = arith.constant 128 : i32
      %add3A_1081 = vector.broadcast %add3A_1080 : i32 to vector<16xi32>
      %add3A_1082 = arith.addi %mul3A_1079, %add3A_1081 : vector<16xi32>
      %gather3A_1083 = tpu.vector_load_idx %arg6[%add3A_1082] : memref<800xi32, #tpu.memory_space<vmem>>[vector<16xi32>], vector<16xi32>,
      %swap3A_1084 = arith.constant 64 : index
      %swap3A_1085 = tpu.vector_load %arg8[%swap3A_1084] {strides = array<i32>} : memref<400xi32, #tpu.memory_space<vmem>>, vector<16xi32>,
      tpu.vector_store %arg8[%swap3A_1084], %gather3A_1083 {strides = array<i32>} : memref<400xi32, #tpu.memory_space<vmem>>, vector<16xi32>,
      %mul3A_1086 = arith.constant 2 : i32
      %mul3A_1087 = vector.broadcast %mul3A_1086 : i32 to vector<16xi32>
      %mul3A_1088 = arith.muli %iota3A, %mul3A_1087 : vector<16xi32>
      %add3A_1089 = arith.constant 160 : i32
      %add3A_1090 = vector.broadcast %add3A_1089 : i32 to vector<16xi32>
      %add3A_1091 = arith.addi %mul3A_1088, %add3A_1090 : vector<16xi32>
      %gather3A_1092 = tpu.vector_load_idx %arg6[%add3A_1091] : memref<800xi32, #tpu.memory_space<vmem>>[vector<16xi32>], vector<16xi32>,
      %swap3A_1093 = arith.constant 80 : index
      %swap3A_1094 = tpu.vector_load %arg8[%swap3A_1093] {strides = array<i32>} : memref<400xi32, #tpu.memory_space<vmem>>, vector<16xi32>,
      tpu.vector_store %arg8[%swap3A_1093], %gather3A_1092 {strides = array<i32>} : memref<400xi32, #tpu.memory_space<vmem>>, vector<16xi32>,
      %mul3A_1095 = arith.constant 2 : i32
      %mul3A_1096 = vector.broadcast %mul3A_1095 : i32 to vector<16xi32>
      %mul3A_1097 = arith.muli %iota3A, %mul3A_1096 : vector<16xi32>
      %add3A_1098 = arith.constant 192 : i32
      %add3A_1099 = vector.broadcast %add3A_1098 : i32 to vector<16xi32>
      %add3A_1100 = arith.addi %mul3A_1097, %add3A_1099 : vector<16xi32>
      %gather3A_1101 = tpu.vector_load_idx %arg6[%add3A_1100] : memref<800xi32, #tpu.memory_space<vmem>>[vector<16xi32>], vector<16xi32>,
      %swap3A_1102 = arith.constant 96 : index
      %swap3A_1103 = tpu.vector_load %arg8[%swap3A_1102] {strides = array<i32>} : memref<400xi32, #tpu.memory_space<vmem>>, vector<16xi32>,
      tpu.vector_store %arg8[%swap3A_1102], %gather3A_1101 {strides = array<i32>} : memref<400xi32, #tpu.memory_space<vmem>>, vector<16xi32>,
      %mul3A_1104 = arith.constant 2 : i32
      %mul3A_1105 = vector.broadcast %mul3A_1104 : i32 to vector<16xi32>
      %mul3A_1106 = arith.muli %iota3A, %mul3A_1105 : vector<16xi32>
      %add3A_1107 = arith.constant 224 : i32
      %add3A_1108 = vector.broadcast %add3A_1107 : i32 to vector<16xi32>
      %add3A_1109 = arith.addi %mul3A_1106, %add3A_1108 : vector<16xi32>
      %gather3A_1110 = tpu.vector_load_idx %arg6[%add3A_1109] : memref<800xi32, #tpu.memory_space<vmem>>[vector<16xi32>], vector<16xi32>,
      %swap3A_1111 = arith.constant 112 : index
      %swap3A_1112 = tpu.vector_load %arg8[%swap3A_1111] {strides = array<i32>} : memref<400xi32, #tpu.memory_space<vmem>>, vector<16xi32>,
      tpu.vector_store %arg8[%swap3A_1111], %gather3A_1110 {strides = array<i32>} : memref<400xi32, #tpu.memory_space<vmem>>, vector<16xi32>,
      %mul3A_1113 = arith.constant 2 : i32
      %mul3A_1114 = vector.broadcast %mul3A_1113 : i32 to vector<16xi32>
      %mul3A_1115 = arith.muli %iota3A, %mul3A_1114 : vector<16xi32>
      %add3A_1116 = arith.constant 256 : i32
      %add3A_1117 = vector.broadcast %add3A_1116 : i32 to vector<16xi32>
      %add3A_1118 = arith.addi %mul3A_1115, %add3A_1117 : vector<16xi32>
      %gather3A_1119 = tpu.vector_load_idx %arg6[%add3A_1118] : memref<800xi32, #tpu.memory_space<vmem>>[vector<16xi32>], vector<16xi32>,
      %swap3A_1120 = arith.constant 128 : index
      %swap3A_1121 = tpu.vector_load %arg8[%swap3A_1120] {strides = array<i32>} : memref<400xi32, #tpu.memory_space<vmem>>, vector<16xi32>,
      tpu.vector_store %arg8[%swap3A_1120], %gather3A_1119 {strides = array<i32>} : memref<400xi32, #tpu.memory_space<vmem>>, vector<16xi32>,
      %mul3A_1122 = arith.constant 2 : i32
      %mul3A_1123 = vector.broadcast %mul3A_1122 : i32 to vector<16xi32>
      %mul3A_1124 = arith.muli %iota3A, %mul3A_1123 : vector<16xi32>
      %add3A_1125 = arith.constant 288 : i32
      %add3A_1126 = vector.broadcast %add3A_1125 : i32 to vector<16xi32>
      %add3A_1127 = arith.addi %mul3A_1124, %add3A_1126 : vector<16xi32>
      %gather3A_1128 = tpu.vector_load_idx %arg6[%add3A_1127] : memref<800xi32, #tpu.memory_space<vmem>>[vector<16xi32>], vector<16xi32>,
      %swap3A_1129 = arith.constant 144 : index
      %swap3A_1130 = tpu.vector_load %arg8[%swap3A_1129] {strides = array<i32>} : memref<400xi32, #tpu.memory_space<vmem>>, vector<16xi32>,
      tpu.vector_store %arg8[%swap3A_1129], %gather3A_1128 {strides = array<i32>} : memref<400xi32, #tpu.memory_space<vmem>>, vector<16xi32>,
      %mul3A_1131 = arith.constant 2 : i32
      %mul3A_1132 = vector.broadcast %mul3A_1131 : i32 to vector<16xi32>
      %mul3A_1133 = arith.muli %iota3A, %mul3A_1132 : vector<16xi32>
      %add3A_1134 = arith.constant 320 : i32
      %add3A_1135 = vector.broadcast %add3A_1134 : i32 to vector<16xi32>
      %add3A_1136 = arith.addi %mul3A_1133, %add3A_1135 : vector<16xi32>
      %gather3A_1137 = tpu.vector_load_idx %arg6[%add3A_1136] : memref<800xi32, #tpu.memory_space<vmem>>[vector<16xi32>], vector<16xi32>,
      %swap3A_1138 = arith.constant 160 : index
      %swap3A_1139 = tpu.vector_load %arg8[%swap3A_1138] {strides = array<i32>} : memref<400xi32, #tpu.memory_space<vmem>>, vector<16xi32>,
      tpu.vector_store %arg8[%swap3A_1138], %gather3A_1137 {strides = array<i32>} : memref<400xi32, #tpu.memory_space<vmem>>, vector<16xi32>,
      %mul3A_1140 = arith.constant 2 : i32
      %mul3A_1141 = vector.broadcast %mul3A_1140 : i32 to vector<16xi32>
      %mul3A_1142 = arith.muli %iota3A, %mul3A_1141 : vector<16xi32>
      %add3A_1143 = arith.constant 352 : i32
      %add3A_1144 = vector.broadcast %add3A_1143 : i32 to vector<16xi32>
      %add3A_1145 = arith.addi %mul3A_1142, %add3A_1144 : vector<16xi32>
      %gather3A_1146 = tpu.vector_load_idx %arg6[%add3A_1145] : memref<800xi32, #tpu.memory_space<vmem>>[vector<16xi32>], vector<16xi32>,
      %swap3A_1147 = arith.constant 176 : index
      %swap3A_1148 = tpu.vector_load %arg8[%swap3A_1147] {strides = array<i32>} : memref<400xi32, #tpu.memory_space<vmem>>, vector<16xi32>,
      tpu.vector_store %arg8[%swap3A_1147], %gather3A_1146 {strides = array<i32>} : memref<400xi32, #tpu.memory_space<vmem>>, vector<16xi32>,
      %mul3A_1149 = arith.constant 2 : i32
      %mul3A_1150 = vector.broadcast %mul3A_1149 : i32 to vector<16xi32>
      %mul3A_1151 = arith.muli %iota3A, %mul3A_1150 : vector<16xi32>
      %add3A_1152 = arith.constant 384 : i32
      %add3A_1153 = vector.broadcast %add3A_1152 : i32 to vector<16xi32>
      %add3A_1154 = arith.addi %mul3A_1151, %add3A_1153 : vector<16xi32>
      %gather3A_1155 = tpu.vector_load_idx %arg6[%add3A_1154] : memref<800xi32, #tpu.memory_space<vmem>>[vector<16xi32>], vector<16xi32>,
      %swap3A_1156 = arith.constant 192 : index
      %swap3A_1157 = tpu.vector_load %arg8[%swap3A_1156] {strides = array<i32>} : memref<400xi32, #tpu.memory_space<vmem>>, vector<16xi32>,
      tpu.vector_store %arg8[%swap3A_1156], %gather3A_1155 {strides = array<i32>} : memref<400xi32, #tpu.memory_space<vmem>>, vector<16xi32>,
      %mul3A_1158 = arith.constant 2 : i32
      %mul3A_1159 = vector.broadcast %mul3A_1158 : i32 to vector<16xi32>
      %mul3A_1160 = arith.muli %iota3A, %mul3A_1159 : vector<16xi32>
      %add3A_1161 = arith.constant 416 : i32
      %add3A_1162 = vector.broadcast %add3A_1161 : i32 to vector<16xi32>
      %add3A_1163 = arith.addi %mul3A_1160, %add3A_1162 : vector<16xi32>
      %gather3A_1164 = tpu.vector_load_idx %arg6[%add3A_1163] : memref<800xi32, #tpu.memory_space<vmem>>[vector<16xi32>], vector<16xi32>,
      %swap3A_1165 = arith.constant 208 : index
      %swap3A_1166 = tpu.vector_load %arg8[%swap3A_1165] {strides = array<i32>} : memref<400xi32, #tpu.memory_space<vmem>>, vector<16xi32>,
      tpu.vector_store %arg8[%swap3A_1165], %gather3A_1164 {strides = array<i32>} : memref<400xi32, #tpu.memory_space<vmem>>, vector<16xi32>,
      %mul3A_1167 = arith.constant 2 : i32
      %mul3A_1168 = vector.broadcast %mul3A_1167 : i32 to vector<16xi32>
      %mul3A_1169 = arith.muli %iota3A, %mul3A_1168 : vector<16xi32>
      %add3A_1170 = arith.constant 448 : i32
      %add3A_1171 = vector.broadcast %add3A_1170 : i32 to vector<16xi32>
      %add3A_1172 = arith.addi %mul3A_1169, %add3A_1171 : vector<16xi32>
      %gather3A_1173 = tpu.vector_load_idx %arg6[%add3A_1172] : memref<800xi32, #tpu.memory_space<vmem>>[vector<16xi32>], vector<16xi32>,
      %swap3A_1174 = arith.constant 224 : index
      %swap3A_1175 = tpu.vector_load %arg8[%swap3A_1174] {strides = array<i32>} : memref<400xi32, #tpu.memory_space<vmem>>, vector<16xi32>,
      tpu.vector_store %arg8[%swap3A_1174], %gather3A_1173 {strides = array<i32>} : memref<400xi32, #tpu.memory_space<vmem>>, vector<16xi32>,
      %mul3A_1176 = arith.constant 2 : i32
      %mul3A_1177 = vector.broadcast %mul3A_1176 : i32 to vector<16xi32>
      %mul3A_1178 = arith.muli %iota3A, %mul3A_1177 : vector<16xi32>
      %add3A_1179 = arith.constant 480 : i32
      %add3A_1180 = vector.broadcast %add3A_1179 : i32 to vector<16xi32>
      %add3A_1181 = arith.addi %mul3A_1178, %add3A_1180 : vector<16xi32>
      %gather3A_1182 = tpu.vector_load_idx %arg6[%add3A_1181] : memref<800xi32, #tpu.memory_space<vmem>>[vector<16xi32>], vector<16xi32>,
      %swap3A_1183 = arith.constant 240 : index
      %swap3A_1184 = tpu.vector_load %arg8[%swap3A_1183] {strides = array<i32>} : memref<400xi32, #tpu.memory_space<vmem>>, vector<16xi32>,
      tpu.vector_store %arg8[%swap3A_1183], %gather3A_1182 {strides = array<i32>} : memref<400xi32, #tpu.memory_space<vmem>>, vector<16xi32>,
      %mul3A_1185 = arith.constant 2 : i32
      %mul3A_1186 = vector.broadcast %mul3A_1185 : i32 to vector<16xi32>
      %mul3A_1187 = arith.muli %iota3A, %mul3A_1186 : vector<16xi32>
      %add3A_1188 = arith.constant 512 : i32
      %add3A_1189 = vector.broadcast %add3A_1188 : i32 to vector<16xi32>
      %add3A_1190 = arith.addi %mul3A_1187, %add3A_1189 : vector<16xi32>
      %gather3A_1191 = tpu.vector_load_idx %arg6[%add3A_1190] : memref<800xi32, #tpu.memory_space<vmem>>[vector<16xi32>], vector<16xi32>,
      %swap3A_1192 = arith.constant 256 : index
      %swap3A_1193 = tpu.vector_load %arg8[%swap3A_1192] {strides = array<i32>} : memref<400xi32, #tpu.memory_space<vmem>>, vector<16xi32>,
      tpu.vector_store %arg8[%swap3A_1192], %gather3A_1191 {strides = array<i32>} : memref<400xi32, #tpu.memory_space<vmem>>, vector<16xi32>,
      %mul3A_1194 = arith.constant 2 : i32
      %mul3A_1195 = vector.broadcast %mul3A_1194 : i32 to vector<16xi32>
      %mul3A_1196 = arith.muli %iota3A, %mul3A_1195 : vector<16xi32>
      %add3A_1197 = arith.constant 544 : i32
      %add3A_1198 = vector.broadcast %add3A_1197 : i32 to vector<16xi32>
      %add3A_1199 = arith.addi %mul3A_1196, %add3A_1198 : vector<16xi32>
      %gather3A_1200 = tpu.vector_load_idx %arg6[%add3A_1199] : memref<800xi32, #tpu.memory_space<vmem>>[vector<16xi32>], vector<16xi32>,
      %swap3A_1201 = arith.constant 272 : index
      %swap3A_1202 = tpu.vector_load %arg8[%swap3A_1201] {strides = array<i32>} : memref<400xi32, #tpu.memory_space<vmem>>, vector<16xi32>,
      tpu.vector_store %arg8[%swap3A_1201], %gather3A_1200 {strides = array<i32>} : memref<400xi32, #tpu.memory_space<vmem>>, vector<16xi32>,
      %mul3A_1203 = arith.constant 2 : i32
      %mul3A_1204 = vector.broadcast %mul3A_1203 : i32 to vector<16xi32>
      %mul3A_1205 = arith.muli %iota3A, %mul3A_1204 : vector<16xi32>
      %add3A_1206 = arith.constant 576 : i32
      %add3A_1207 = vector.broadcast %add3A_1206 : i32 to vector<16xi32>
      %add3A_1208 = arith.addi %mul3A_1205, %add3A_1207 : vector<16xi32>
      %gather3A_1209 = tpu.vector_load_idx %arg6[%add3A_1208] : memref<800xi32, #tpu.memory_space<vmem>>[vector<16xi32>], vector<16xi32>,
      %swap3A_1210 = arith.constant 288 : index
      %swap3A_1211 = tpu.vector_load %arg8[%swap3A_1210] {strides = array<i32>} : memref<400xi32, #tpu.memory_space<vmem>>, vector<16xi32>,
      tpu.vector_store %arg8[%swap3A_1210], %gather3A_1209 {strides = array<i32>} : memref<400xi32, #tpu.memory_space<vmem>>, vector<16xi32>,
      %mul3A_1212 = arith.constant 2 : i32
      %mul3A_1213 = vector.broadcast %mul3A_1212 : i32 to vector<16xi32>
      %mul3A_1214 = arith.muli %iota3A, %mul3A_1213 : vector<16xi32>
      %add3A_1215 = arith.constant 608 : i32
      %add3A_1216 = vector.broadcast %add3A_1215 : i32 to vector<16xi32>
      %add3A_1217 = arith.addi %mul3A_1214, %add3A_1216 : vector<16xi32>
      %gather3A_1218 = tpu.vector_load_idx %arg6[%add3A_1217] : memref<800xi32, #tpu.memory_space<vmem>>[vector<16xi32>], vector<16xi32>,
      %swap3A_1219 = arith.constant 304 : index
      %swap3A_1220 = tpu.vector_load %arg8[%swap3A_1219] {strides = array<i32>} : memref<400xi32, #tpu.memory_space<vmem>>, vector<16xi32>,
      tpu.vector_store %arg8[%swap3A_1219], %gather3A_1218 {strides = array<i32>} : memref<400xi32, #tpu.memory_space<vmem>>, vector<16xi32>,
      %mul3A_1221 = arith.constant 2 : i32
      %mul3A_1222 = vector.broadcast %mul3A_1221 : i32 to vector<16xi32>
      %mul3A_1223 = arith.muli %iota3A, %mul3A_1222 : vector<16xi32>
      %add3A_1224 = arith.constant 640 : i32
      %add3A_1225 = vector.broadcast %add3A_1224 : i32 to vector<16xi32>
      %add3A_1226 = arith.addi %mul3A_1223, %add3A_1225 : vector<16xi32>
      %gather3A_1227 = tpu.vector_load_idx %arg6[%add3A_1226] : memref<800xi32, #tpu.memory_space<vmem>>[vector<16xi32>], vector<16xi32>,
      %swap3A_1228 = arith.constant 320 : index
      %swap3A_1229 = tpu.vector_load %arg8[%swap3A_1228] {strides = array<i32>} : memref<400xi32, #tpu.memory_space<vmem>>, vector<16xi32>,
      tpu.vector_store %arg8[%swap3A_1228], %gather3A_1227 {strides = array<i32>} : memref<400xi32, #tpu.memory_space<vmem>>, vector<16xi32>,
      %mul3A_1230 = arith.constant 2 : i32
      %mul3A_1231 = vector.broadcast %mul3A_1230 : i32 to vector<16xi32>
      %mul3A_1232 = arith.muli %iota3A, %mul3A_1231 : vector<16xi32>
      %add3A_1233 = arith.constant 672 : i32
      %add3A_1234 = vector.broadcast %add3A_1233 : i32 to vector<16xi32>
      %add3A_1235 = arith.addi %mul3A_1232, %add3A_1234 : vector<16xi32>
      %gather3A_1236 = tpu.vector_load_idx %arg6[%add3A_1235] : memref<800xi32, #tpu.memory_space<vmem>>[vector<16xi32>], vector<16xi32>,
      %swap3A_1237 = arith.constant 336 : index
      %swap3A_1238 = tpu.vector_load %arg8[%swap3A_1237] {strides = array<i32>} : memref<400xi32, #tpu.memory_space<vmem>>, vector<16xi32>,
      tpu.vector_store %arg8[%swap3A_1237], %gather3A_1236 {strides = array<i32>} : memref<400xi32, #tpu.memory_space<vmem>>, vector<16xi32>,
      %mul3A_1239 = arith.constant 2 : i32
      %mul3A_1240 = vector.broadcast %mul3A_1239 : i32 to vector<16xi32>
      %mul3A_1241 = arith.muli %iota3A, %mul3A_1240 : vector<16xi32>
      %add3A_1242 = arith.constant 704 : i32
      %add3A_1243 = vector.broadcast %add3A_1242 : i32 to vector<16xi32>
      %add3A_1244 = arith.addi %mul3A_1241, %add3A_1243 : vector<16xi32>
      %gather3A_1245 = tpu.vector_load_idx %arg6[%add3A_1244] : memref<800xi32, #tpu.memory_space<vmem>>[vector<16xi32>], vector<16xi32>,
      %swap3A_1246 = arith.constant 352 : index
      %swap3A_1247 = tpu.vector_load %arg8[%swap3A_1246] {strides = array<i32>} : memref<400xi32, #tpu.memory_space<vmem>>, vector<16xi32>,
      tpu.vector_store %arg8[%swap3A_1246], %gather3A_1245 {strides = array<i32>} : memref<400xi32, #tpu.memory_space<vmem>>, vector<16xi32>,
      %mul3A_1248 = arith.constant 2 : i32
      %mul3A_1249 = vector.broadcast %mul3A_1248 : i32 to vector<16xi32>
      %mul3A_1250 = arith.muli %iota3A, %mul3A_1249 : vector<16xi32>
      %add3A_1251 = arith.constant 736 : i32
      %add3A_1252 = vector.broadcast %add3A_1251 : i32 to vector<16xi32>
      %add3A_1253 = arith.addi %mul3A_1250, %add3A_1252 : vector<16xi32>
      %gather3A_1254 = tpu.vector_load_idx %arg6[%add3A_1253] : memref<800xi32, #tpu.memory_space<vmem>>[vector<16xi32>], vector<16xi32>,
      %swap3A_1255 = arith.constant 368 : index
      %swap3A_1256 = tpu.vector_load %arg8[%swap3A_1255] {strides = array<i32>} : memref<400xi32, #tpu.memory_space<vmem>>, vector<16xi32>,
      tpu.vector_store %arg8[%swap3A_1255], %gather3A_1254 {strides = array<i32>} : memref<400xi32, #tpu.memory_space<vmem>>, vector<16xi32>,
      %mul3A_1257 = arith.constant 2 : i32
      %mul3A_1258 = vector.broadcast %mul3A_1257 : i32 to vector<16xi32>
      %mul3A_1259 = arith.muli %iota3A, %mul3A_1258 : vector<16xi32>
      %add3A_1260 = arith.constant 768 : i32
      %add3A_1261 = vector.broadcast %add3A_1260 : i32 to vector<16xi32>
      %add3A_1262 = arith.addi %mul3A_1259, %add3A_1261 : vector<16xi32>
      %gather3A_1263 = tpu.vector_load_idx %arg6[%add3A_1262] : memref<800xi32, #tpu.memory_space<vmem>>[vector<16xi32>], vector<16xi32>,
      %swap3A_1264 = arith.constant 384 : index
      %swap3A_1265 = tpu.vector_load %arg8[%swap3A_1264] {strides = array<i32>} : memref<400xi32, #tpu.memory_space<vmem>>, vector<16xi32>,
      tpu.vector_store %arg8[%swap3A_1264], %gather3A_1263 {strides = array<i32>} : memref<400xi32, #tpu.memory_space<vmem>>, vector<16xi32>,
      %dma_start3A_1266 = arith.constant 0 : i32
      %dma_start3A_1267 = arith.constant 0 : i32
      %dma_start3A_1268 = tpu.memref_slice %arg10[%dma_start3A_1266, %dma_start3A_1267] : memref<400x128xf32, #tpu.memory_space<vmem>> -> memref<80x128xf32, #tpu.memory_space<vmem>>
      %dma_start3A_1269 = arith.constant 0 : i32
      %dma_start3A_1270 = tpu.memref_slice %arg8[%dma_start3A_1269] : memref<400xi32, #tpu.memory_space<vmem>> -> memref<80xi32, #tpu.memory_space<vmem>>
      %dma_start3A_1271 = arith.constant 0 : i32
      %dma_start3A_1272 = arith.constant 0 : i32
      %dma_start3A_1273 = tpu.memref_slice %arg2[%dma_start3A_1271, %dma_start3A_1272] : memref<10000x128xf32, #tpu.memory_space<hbm>> -> memref<10000x128xf32, #tpu.memory_space<hbm>>
      tpu.enqueue_indirect_dma source(%dma_start3A_1273 : memref<10000x128xf32, #tpu.memory_space<hbm>>) target(%dma_start3A_1268 : memref<80x128xf32, #tpu.memory_space<vmem>>) offsets(%dma_start3A_1270 : memref<80xi32, #tpu.memory_space<vmem>>) semaphore(%arg14 : memref<!tpu.dma_semaphore, #tpu.memory_space<semaphore_mem>>)
      %dma_start3A_1274 = arith.constant 80 : i32
      %dma_start3A_1275 = arith.constant 0 : i32
      %dma_start3A_1276 = tpu.memref_slice %arg10[%dma_start3A_1274, %dma_start3A_1275] : memref<400x128xf32, #tpu.memory_space<vmem>> -> memref<80x128xf32, #tpu.memory_space<vmem>>
      %dma_start3A_1277 = arith.constant 80 : i32
      %dma_start3A_1278 = tpu.memref_slice %arg8[%dma_start3A_1277] : memref<400xi32, #tpu.memory_space<vmem>> -> memref<80xi32, #tpu.memory_space<vmem>>
      %dma_start3A_1279 = arith.constant 0 : i32
      %dma_start3A_1280 = arith.constant 0 : i32
      %dma_start3A_1281 = tpu.memref_slice %arg2[%dma_start3A_1279, %dma_start3A_1280] : memref<10000x128xf32, #tpu.memory_space<hbm>> -> memref<10000x128xf32, #tpu.memory_space<hbm>>
      tpu.enqueue_indirect_dma source(%dma_start3A_1281 : memref<10000x128xf32, #tpu.memory_space<hbm>>) target(%dma_start3A_1276 : memref<80x128xf32, #tpu.memory_space<vmem>>) offsets(%dma_start3A_1278 : memref<80xi32, #tpu.memory_space<vmem>>) semaphore(%arg14 : memref<!tpu.dma_semaphore, #tpu.memory_space<semaphore_mem>>)
      %dma_start3A_1282 = arith.constant 160 : i32
      %dma_start3A_1283 = arith.constant 0 : i32
      %dma_start3A_1284 = tpu.memref_slice %arg10[%dma_start3A_1282, %dma_start3A_1283] : memref<400x128xf32, #tpu.memory_space<vmem>> -> memref<80x128xf32, #tpu.memory_space<vmem>>
      %dma_start3A_1285 = arith.constant 160 : i32
      %dma_start3A_1286 = tpu.memref_slice %arg8[%dma_start3A_1285] : memref<400xi32, #tpu.memory_space<vmem>> -> memref<80xi32, #tpu.memory_space<vmem>>
      %dma_start3A_1287 = arith.constant 0 : i32
      %dma_start3A_1288 = arith.constant 0 : i32
      %dma_start3A_1289 = tpu.memref_slice %arg2[%dma_start3A_1287, %dma_start3A_1288] : memref<10000x128xf32, #tpu.memory_space<hbm>> -> memref<10000x128xf32, #tpu.memory_space<hbm>>
      tpu.enqueue_indirect_dma source(%dma_start3A_1289 : memref<10000x128xf32, #tpu.memory_space<hbm>>) target(%dma_start3A_1284 : memref<80x128xf32, #tpu.memory_space<vmem>>) offsets(%dma_start3A_1286 : memref<80xi32, #tpu.memory_space<vmem>>) semaphore(%arg14 : memref<!tpu.dma_semaphore, #tpu.memory_space<semaphore_mem>>)
      %dma_start3A_1290 = arith.constant 240 : i32
      %dma_start3A_1291 = arith.constant 0 : i32
      %dma_start3A_1292 = tpu.memref_slice %arg10[%dma_start3A_1290, %dma_start3A_1291] : memref<400x128xf32, #tpu.memory_space<vmem>> -> memref<80x128xf32, #tpu.memory_space<vmem>>
      %dma_start3A_1293 = arith.constant 240 : i32
      %dma_start3A_1294 = tpu.memref_slice %arg8[%dma_start3A_1293] : memref<400xi32, #tpu.memory_space<vmem>> -> memref<80xi32, #tpu.memory_space<vmem>>
      %dma_start3A_1295 = arith.constant 0 : i32
      %dma_start3A_1296 = arith.constant 0 : i32
      %dma_start3A_1297 = tpu.memref_slice %arg2[%dma_start3A_1295, %dma_start3A_1296] : memref<10000x128xf32, #tpu.memory_space<hbm>> -> memref<10000x128xf32, #tpu.memory_space<hbm>>
      tpu.enqueue_indirect_dma source(%dma_start3A_1297 : memref<10000x128xf32, #tpu.memory_space<hbm>>) target(%dma_start3A_1292 : memref<80x128xf32, #tpu.memory_space<vmem>>) offsets(%dma_start3A_1294 : memref<80xi32, #tpu.memory_space<vmem>>) semaphore(%arg14 : memref<!tpu.dma_semaphore, #tpu.memory_space<semaphore_mem>>)
      %dma_start3A_1298 = arith.constant 320 : i32
      %dma_start3A_1299 = arith.constant 0 : i32
      %dma_start3A_1300 = tpu.memref_slice %arg10[%dma_start3A_1298, %dma_start3A_1299] : memref<400x128xf32, #tpu.memory_space<vmem>> -> memref<80x128xf32, #tpu.memory_space<vmem>>
      %dma_start3A_1301 = arith.constant 320 : i32
      %dma_start3A_1302 = tpu.memref_slice %arg8[%dma_start3A_1301] : memref<400xi32, #tpu.memory_space<vmem>> -> memref<80xi32, #tpu.memory_space<vmem>>
      %dma_start3A_1303 = arith.constant 0 : i32
      %dma_start3A_1304 = arith.constant 0 : i32
      %dma_start3A_1305 = tpu.memref_slice %arg2[%dma_start3A_1303, %dma_start3A_1304] : memref<10000x128xf32, #tpu.memory_space<hbm>> -> memref<10000x128xf32, #tpu.memory_space<hbm>>
      tpu.enqueue_indirect_dma source(%dma_start3A_1305 : memref<10000x128xf32, #tpu.memory_space<hbm>>) target(%dma_start3A_1300 : memref<80x128xf32, #tpu.memory_space<vmem>>) offsets(%dma_start3A_1302 : memref<80xi32, #tpu.memory_space<vmem>>) semaphore(%arg14 : memref<!tpu.dma_semaphore, #tpu.memory_space<semaphore_mem>>)
      %add3A_1306 = arith.constant 1 : i32
      %add3A_1307 = arith.addi %add3A_1031, %add3A_1306 : i32
      %le3A_1308 = arith.constant 24 : i32
      %le3A_1309 = arith.cmpi sle, %add3A_1307, %le3A_1308 : i32
      %convert_element_type3A_1310 = arith.extui %le3A_1309 : i1 to i32
      %cond3A_1311 = arith.constant 0 : i32
      %cond3A_1312 = arith.cmpi ne, %convert_element_type3A_1310, %cond3A_1311 : i32
      scf.if %cond3A_1312 {
        %add3A_1363 = arith.constant 1 : i32
        %add3A_1364 = arith.addi %add3A_1031, %add3A_1363 : i32
        %mul3A_1365 = arith.constant 2 : i32
        %mul3A_1366 = arith.muli %mul3A_1365, %mul3A_2 : i32
        %mul3A_1367 = arith.constant 800 : i32
        %mul3A_1368 = arith.muli %add3A_1364, %mul3A_1367 : i32
        %add3A_1369 = arith.addi %mul3A_1366, %mul3A_1368 : i32
        %multiple_of3A_1370 = tpu.assume_multiple %add3A_1369, 8 : i32
        %dma_start3A_1371 = tpu.memref_slice %arg3[%multiple_of3A_1370] : memref<640000xi32, #tpu.memory_space<hbm>> -> memref<800xi32, #tpu.memory_space<hbm>>
        %dma_start3A_1372 = tpu.memref_slice %arg3[%multiple_of3A_1370] : memref<640000xi32, #tpu.memory_space<hbm>> -> memref<800xi32, #tpu.memory_space<hbm>>
        tpu.enqueue_dma source(%dma_start3A_1372 : memref<800xi32, #tpu.memory_space<hbm>>) target(%arg7 : memref<800xi32, #tpu.memory_space<vmem>>) target_semaphore(%arg13 : memref<!tpu.dma_semaphore, #tpu.memory_space<semaphore_mem>>)
      } else {
      }
      %dma_wait3A_1313 = arith.constant 0 : i32
      %dma_wait3A_1314 = arith.constant 0 : i32
      %dma_wait3A_1315 = tpu.memref_slice %arg11[%dma_wait3A_1313, %dma_wait3A_1314] : memref<400x128xf32, #tpu.memory_space<vmem>> -> memref<80x128xf32, #tpu.memory_space<vmem>>
      %dma_wait3A_1316 = arith.constant 0 : i32
      %dma_wait3A_1317 = tpu.memref_slice %arg9[%dma_wait3A_1316] : memref<400xi32, #tpu.memory_space<vmem>> -> memref<80xi32, #tpu.memory_space<vmem>>
      %dma_wait3A_1318 = arith.constant 0 : i32
      %dma_wait3A_1319 = arith.constant 0 : i32
      %dma_wait3A_1320 = tpu.memref_slice %arg2[%dma_wait3A_1318, %dma_wait3A_1319] : memref<10000x128xf32, #tpu.memory_space<hbm>> -> memref<10000x128xf32, #tpu.memory_space<hbm>>
      tpu.wait_indirect_dma semaphore(%arg15 : memref<!tpu.dma_semaphore, #tpu.memory_space<semaphore_mem>>) src(%dma_wait3A_1320 : memref<10000x128xf32, #tpu.memory_space<hbm>>) dst(%dma_wait3A_1315 : memref<80x128xf32, #tpu.memory_space<vmem>>)
      %dma_wait3A_1321 = arith.constant 80 : i32
      %dma_wait3A_1322 = arith.constant 0 : i32
      %dma_wait3A_1323 = tpu.memref_slice %arg11[%dma_wait3A_1321, %dma_wait3A_1322] : memref<400x128xf32, #tpu.memory_space<vmem>> -> memref<80x128xf32, #tpu.memory_space<vmem>>
      %dma_wait3A_1324 = arith.constant 0 : i32
      %dma_wait3A_1325 = tpu.memref_slice %arg9[%dma_wait3A_1324] : memref<400xi32, #tpu.memory_space<vmem>> -> memref<80xi32, #tpu.memory_space<vmem>>
      %dma_wait3A_1326 = arith.constant 0 : i32
      %dma_wait3A_1327 = arith.constant 0 : i32
      %dma_wait3A_1328 = tpu.memref_slice %arg2[%dma_wait3A_1326, %dma_wait3A_1327] : memref<10000x128xf32, #tpu.memory_space<hbm>> -> memref<10000x128xf32, #tpu.memory_space<hbm>>
      tpu.wait_indirect_dma semaphore(%arg15 : memref<!tpu.dma_semaphore, #tpu.memory_space<semaphore_mem>>) src(%dma_wait3A_1328 : memref<10000x128xf32, #tpu.memory_space<hbm>>) dst(%dma_wait3A_1323 : memref<80x128xf32, #tpu.memory_space<vmem>>)
      %dma_wait3A_1329 = arith.constant 160 : i32
      %dma_wait3A_1330 = arith.constant 0 : i32
      %dma_wait3A_1331 = tpu.memref_slice %arg11[%dma_wait3A_1329, %dma_wait3A_1330] : memref<400x128xf32, #tpu.memory_space<vmem>> -> memref<80x128xf32, #tpu.memory_space<vmem>>
      %dma_wait3A_1332 = arith.constant 0 : i32
      %dma_wait3A_1333 = tpu.memref_slice %arg9[%dma_wait3A_1332] : memref<400xi32, #tpu.memory_space<vmem>> -> memref<80xi32, #tpu.memory_space<vmem>>
      %dma_wait3A_1334 = arith.constant 0 : i32
      %dma_wait3A_1335 = arith.constant 0 : i32
      %dma_wait3A_1336 = tpu.memref_slice %arg2[%dma_wait3A_1334, %dma_wait3A_1335] : memref<10000x128xf32, #tpu.memory_space<hbm>> -> memref<10000x128xf32, #tpu.memory_space<hbm>>
      tpu.wait_indirect_dma semaphore(%arg15 : memref<!tpu.dma_semaphore, #tpu.memory_space<semaphore_mem>>) src(%dma_wait3A_1336 : memref<10000x128xf32, #tpu.memory_space<hbm>>) dst(%dma_wait3A_1331 : memref<80x128xf32, #tpu.memory_space<vmem>>)
      %dma_wait3A_1337 = arith.constant 240 : i32
      %dma_wait3A_1338 = arith.constant 0 : i32
      %dma_wait3A_1339 = tpu.memref_slice %arg11[%dma_wait3A_1337, %dma_wait3A_1338] : memref<400x128xf32, #tpu.memory_space<vmem>> -> memref<80x128xf32, #tpu.memory_space<vmem>>
      %dma_wait3A_1340 = arith.constant 0 : i32
      %dma_wait3A_1341 = tpu.memref_slice %arg9[%dma_wait3A_1340] : memref<400xi32, #tpu.memory_space<vmem>> -> memref<80xi32, #tpu.memory_space<vmem>>
      %dma_wait3A_1342 = arith.constant 0 : i32
      %dma_wait3A_1343 = arith.constant 0 : i32
      %dma_wait3A_1344 = tpu.memref_slice %arg2[%dma_wait3A_1342, %dma_wait3A_1343] : memref<10000x128xf32, #tpu.memory_space<hbm>> -> memref<10000x128xf32, #tpu.memory_space<hbm>>
      tpu.wait_indirect_dma semaphore(%arg15 : memref<!tpu.dma_semaphore, #tpu.memory_space<semaphore_mem>>) src(%dma_wait3A_1344 : memref<10000x128xf32, #tpu.memory_space<hbm>>) dst(%dma_wait3A_1339 : memref<80x128xf32, #tpu.memory_space<vmem>>)
      %dma_wait3A_1345 = arith.constant 320 : i32
      %dma_wait3A_1346 = arith.constant 0 : i32
      %dma_wait3A_1347 = tpu.memref_slice %arg11[%dma_wait3A_1345, %dma_wait3A_1346] : memref<400x128xf32, #tpu.memory_space<vmem>> -> memref<80x128xf32, #tpu.memory_space<vmem>>
      %dma_wait3A_1348 = arith.constant 0 : i32
      %dma_wait3A_1349 = tpu.memref_slice %arg9[%dma_wait3A_1348] : memref<400xi32, #tpu.memory_space<vmem>> -> memref<80xi32, #tpu.memory_space<vmem>>
      %dma_wait3A_1350 = arith.constant 0 : i32
      %dma_wait3A_1351 = arith.constant 0 : i32
      %dma_wait3A_1352 = tpu.memref_slice %arg2[%dma_wait3A_1350, %dma_wait3A_1351] : memref<10000x128xf32, #tpu.memory_space<hbm>> -> memref<10000x128xf32, #tpu.memory_space<hbm>>
      tpu.wait_indirect_dma semaphore(%arg15 : memref<!tpu.dma_semaphore, #tpu.memory_space<semaphore_mem>>) src(%dma_wait3A_1352 : memref<10000x128xf32, #tpu.memory_space<hbm>>) dst(%dma_wait3A_1347 : memref<80x128xf32, #tpu.memory_space<vmem>>)
      %sub3A_1353 = arith.constant 1 : i32
      %sub3A_1354 = arith.subi %add3A_1031, %sub3A_1353 : i32
      %mul3A_1355 = arith.constant 400 : i32
      %mul3A_1356 = arith.muli %sub3A_1354, %mul3A_1355 : i32
      %add3A_1357 = arith.addi %mul3A_2, %mul3A_1356 : i32
      %multiple_of3A_1358 = tpu.assume_multiple %add3A_1357, 8 : i32
      %dma_start3A_1359 = arith.constant 0 : i32
      %dma_start3A_1360 = tpu.memref_slice %arg4[%multiple_of3A_1358, %dma_start3A_1359] : memref<320000x128xf32, #tpu.memory_space<hbm>> -> memref<400x128xf32, #tpu.memory_space<hbm>>
      %dma_start3A_1361 = arith.constant 0 : i32
      %dma_start3A_1362 = tpu.memref_slice %arg4[%multiple_of3A_1358, %dma_start3A_1361] : memref<320000x128xf32, #tpu.memory_space<hbm>> -> memref<400x128xf32, #tpu.memory_space<hbm>>
      tpu.enqueue_dma source(%arg11 : memref<400x128xf32, #tpu.memory_space<vmem>>) target(%dma_start3A_1362 : memref<400x128xf32, #tpu.memory_space<hbm>>) target_semaphore(%arg17 : memref<!tpu.dma_semaphore, #tpu.memory_space<semaphore_mem>>)
    }
    %scan3A_285 = arith.constant 12 : i32
    %dma_wait3A_286 = arith.constant 0 : i32
    %dma_wait3A_287 = arith.constant 0 : i32
    %dma_wait3A_288 = tpu.memref_slice %arg10[%dma_wait3A_286, %dma_wait3A_287] : memref<400x128xf32, #tpu.memory_space<vmem>> -> memref<80x128xf32, #tpu.memory_space<vmem>>
    %dma_wait3A_289 = arith.constant 0 : i32
    %dma_wait3A_290 = tpu.memref_slice %arg8[%dma_wait3A_289] : memref<400xi32, #tpu.memory_space<vmem>> -> memref<80xi32, #tpu.memory_space<vmem>>
    %dma_wait3A_291 = arith.constant 0 : i32
    %dma_wait3A_292 = arith.constant 0 : i32
    %dma_wait3A_293 = tpu.memref_slice %arg2[%dma_wait3A_291, %dma_wait3A_292] : memref<10000x128xf32, #tpu.memory_space<hbm>> -> memref<10000x128xf32, #tpu.memory_space<hbm>>
    tpu.wait_indirect_dma semaphore(%arg14 : memref<!tpu.dma_semaphore, #tpu.memory_space<semaphore_mem>>) src(%dma_wait3A_293 : memref<10000x128xf32, #tpu.memory_space<hbm>>) dst(%dma_wait3A_288 : memref<80x128xf32, #tpu.memory_space<vmem>>)
    %dma_wait3A_294 = arith.constant 80 : i32
    %dma_wait3A_295 = arith.constant 0 : i32
    %dma_wait3A_296 = tpu.memref_slice %arg10[%dma_wait3A_294, %dma_wait3A_295] : memref<400x128xf32, #tpu.memory_space<vmem>> -> memref<80x128xf32, #tpu.memory_space<vmem>>
    %dma_wait3A_297 = arith.constant 0 : i32
    %dma_wait3A_298 = tpu.memref_slice %arg8[%dma_wait3A_297] : memref<400xi32, #tpu.memory_space<vmem>> -> memref<80xi32, #tpu.memory_space<vmem>>
    %dma_wait3A_299 = arith.constant 0 : i32
    %dma_wait3A_300 = arith.constant 0 : i32
    %dma_wait3A_301 = tpu.memref_slice %arg2[%dma_wait3A_299, %dma_wait3A_300] : memref<10000x128xf32, #tpu.memory_space<hbm>> -> memref<10000x128xf32, #tpu.memory_space<hbm>>
    tpu.wait_indirect_dma semaphore(%arg14 : memref<!tpu.dma_semaphore, #tpu.memory_space<semaphore_mem>>) src(%dma_wait3A_301 : memref<10000x128xf32, #tpu.memory_space<hbm>>) dst(%dma_wait3A_296 : memref<80x128xf32, #tpu.memory_space<vmem>>)
    %dma_wait3A_302 = arith.constant 160 : i32
    %dma_wait3A_303 = arith.constant 0 : i32
    %dma_wait3A_304 = tpu.memref_slice %arg10[%dma_wait3A_302, %dma_wait3A_303] : memref<400x128xf32, #tpu.memory_space<vmem>> -> memref<80x128xf32, #tpu.memory_space<vmem>>
    %dma_wait3A_305 = arith.constant 0 : i32
    %dma_wait3A_306 = tpu.memref_slice %arg8[%dma_wait3A_305] : memref<400xi32, #tpu.memory_space<vmem>> -> memref<80xi32, #tpu.memory_space<vmem>>
    %dma_wait3A_307 = arith.constant 0 : i32
    %dma_wait3A_308 = arith.constant 0 : i32
    %dma_wait3A_309 = tpu.memref_slice %arg2[%dma_wait3A_307, %dma_wait3A_308] : memref<10000x128xf32, #tpu.memory_space<hbm>> -> memref<10000x128xf32, #tpu.memory_space<hbm>>
    tpu.wait_indirect_dma semaphore(%arg14 : memref<!tpu.dma_semaphore, #tpu.memory_space<semaphore_mem>>) src(%dma_wait3A_309 : memref<10000x128xf32, #tpu.memory_space<hbm>>) dst(%dma_wait3A_304 : memref<80x128xf32, #tpu.memory_space<vmem>>)
    %dma_wait3A_310 = arith.constant 240 : i32
    %dma_wait3A_311 = arith.constant 0 : i32
    %dma_wait3A_312 = tpu.memref_slice %arg10[%dma_wait3A_310, %dma_wait3A_311] : memref<400x128xf32, #tpu.memory_space<vmem>> -> memref<80x128xf32, #tpu.memory_space<vmem>>
    %dma_wait3A_313 = arith.constant 0 : i32
    %dma_wait3A_314 = tpu.memref_slice %arg8[%dma_wait3A_313] : memref<400xi32, #tpu.memory_space<vmem>> -> memref<80xi32, #tpu.memory_space<vmem>>
    %dma_wait3A_315 = arith.constant 0 : i32
    %dma_wait3A_316 = arith.constant 0 : i32
    %dma_wait3A_317 = tpu.memref_slice %arg2[%dma_wait3A_315, %dma_wait3A_316] : memref<10000x128xf32, #tpu.memory_space<hbm>> -> memref<10000x128xf32, #tpu.memory_space<hbm>>
    tpu.wait_indirect_dma semaphore(%arg14 : memref<!tpu.dma_semaphore, #tpu.memory_space<semaphore_mem>>) src(%dma_wait3A_317 : memref<10000x128xf32, #tpu.memory_space<hbm>>) dst(%dma_wait3A_312 : memref<80x128xf32, #tpu.memory_space<vmem>>)
    %dma_wait3A_318 = arith.constant 320 : i32
    %dma_wait3A_319 = arith.constant 0 : i32
    %dma_wait3A_320 = tpu.memref_slice %arg10[%dma_wait3A_318, %dma_wait3A_319] : memref<400x128xf32, #tpu.memory_space<vmem>> -> memref<80x128xf32, #tpu.memory_space<vmem>>
    %dma_wait3A_321 = arith.constant 0 : i32
    %dma_wait3A_322 = tpu.memref_slice %arg8[%dma_wait3A_321] : memref<400xi32, #tpu.memory_space<vmem>> -> memref<80xi32, #tpu.memory_space<vmem>>
    %dma_wait3A_323 = arith.constant 0 : i32
    %dma_wait3A_324 = arith.constant 0 : i32
    %dma_wait3A_325 = tpu.memref_slice %arg2[%dma_wait3A_323, %dma_wait3A_324] : memref<10000x128xf32, #tpu.memory_space<hbm>> -> memref<10000x128xf32, #tpu.memory_space<hbm>>
    tpu.wait_indirect_dma semaphore(%arg14 : memref<!tpu.dma_semaphore, #tpu.memory_space<semaphore_mem>>) src(%dma_wait3A_325 : memref<10000x128xf32, #tpu.memory_space<hbm>>) dst(%dma_wait3A_320 : memref<80x128xf32, #tpu.memory_space<vmem>>)
    %add3A_326 = arith.constant 9600 : i32
    %add3A_327 = arith.addi %mul3A_2, %add3A_326 : i32
    %multiple_of3A_328 = tpu.assume_multiple %add3A_327, 8 : i32
    %dma_start3A_329 = arith.constant 0 : i32
    %dma_start3A_330 = tpu.memref_slice %arg4[%multiple_of3A_328, %dma_start3A_329] : memref<320000x128xf32, #tpu.memory_space<hbm>> -> memref<400x128xf32, #tpu.memory_space<hbm>>
    %dma_start3A_331 = arith.constant 0 : i32
    %dma_start3A_332 = tpu.memref_slice %arg4[%multiple_of3A_328, %dma_start3A_331] : memref<320000x128xf32, #tpu.memory_space<hbm>> -> memref<400x128xf32, #tpu.memory_space<hbm>>
    tpu.enqueue_dma source(%arg10 : memref<400x128xf32, #tpu.memory_space<vmem>>) target(%dma_start3A_332 : memref<400x128xf32, #tpu.memory_space<hbm>>) target_semaphore(%arg16 : memref<!tpu.dma_semaphore, #tpu.memory_space<semaphore_mem>>)
    %dma_wait3A_333 = arith.constant 0 : i32
    %dma_wait3A_334 = arith.constant 0 : i32
    %dma_wait3A_335 = tpu.memref_slice %arg4[%dma_wait3A_333, %dma_wait3A_334] : memref<320000x128xf32, #tpu.memory_space<hbm>> -> memref<400x128xf32, #tpu.memory_space<hbm>>
    %dma_wait3A_336 = arith.constant 0 : i32
    %dma_wait3A_337 = arith.constant 0 : i32
    %dma_wait3A_338 = tpu.memref_slice %arg4[%dma_wait3A_336, %dma_wait3A_337] : memref<320000x128xf32, #tpu.memory_space<hbm>> -> memref<400x128xf32, #tpu.memory_space<hbm>>
    tpu.wait_dma2 semaphore(%arg17 : memref<!tpu.dma_semaphore, #tpu.memory_space<semaphore_mem>>) src(%arg11 : memref<400x128xf32, #tpu.memory_space<vmem>>) dst(%dma_wait3A_338 : memref<400x128xf32, #tpu.memory_space<hbm>>)
    %dma_wait3A_339 = arith.constant 0 : i32
    %dma_wait3A_340 = arith.constant 0 : i32
    %dma_wait3A_341 = tpu.memref_slice %arg4[%dma_wait3A_339, %dma_wait3A_340] : memref<320000x128xf32, #tpu.memory_space<hbm>> -> memref<400x128xf32, #tpu.memory_space<hbm>>
    %dma_wait3A_342 = arith.constant 0 : i32
    %dma_wait3A_343 = arith.constant 0 : i32
    %dma_wait3A_344 = tpu.memref_slice %arg4[%dma_wait3A_342, %dma_wait3A_343] : memref<320000x128xf32, #tpu.memory_space<hbm>> -> memref<400x128xf32, #tpu.memory_space<hbm>>
    tpu.wait_dma2 semaphore(%arg16 : memref<!tpu.dma_semaphore, #tpu.memory_space<semaphore_mem>>) src(%arg10 : memref<400x128xf32, #tpu.memory_space<vmem>>) dst(%dma_wait3A_344 : memref<400x128xf32, #tpu.memory_space<hbm>>)
    %mul3A_345 = arith.constant 2 : i32
    %mul3A_346 = arith.muli %mul3A_345, %mul3A_2 : i32
    %add3A_347 = arith.constant 0 : i32
    %add3A_348 = arith.addi %mul3A_346, %add3A_347 : i32
    %multiple_of3A_349 = tpu.assume_multiple %add3A_348, 8 : i32
    %dma_start3A_350 = tpu.memref_slice %arg3[%multiple_of3A_349] : memref<640000xi32, #tpu.memory_space<hbm>> -> memref<800xi32, #tpu.memory_space<hbm>>
    %dma_start3A_351 = tpu.memref_slice %arg3[%multiple_of3A_349] : memref<640000xi32, #tpu.memory_space<hbm>> -> memref<800xi32, #tpu.memory_space<hbm>>
    tpu.enqueue_dma source(%dma_start3A_351 : memref<800xi32, #tpu.memory_space<hbm>>) target(%arg6 : memref<800xi32, #tpu.memory_space<vmem>>) target_semaphore(%arg12 : memref<!tpu.dma_semaphore, #tpu.memory_space<semaphore_mem>>)
    %dma_wait3A_352 = arith.constant 0 : i32
    %dma_wait3A_353 = tpu.memref_slice %arg3[%dma_wait3A_352] : memref<640000xi32, #tpu.memory_space<hbm>> -> memref<800xi32, #tpu.memory_space<hbm>>
    %dma_wait3A_354 = arith.constant 0 : i32
    %dma_wait3A_355 = tpu.memref_slice %arg3[%dma_wait3A_354] : memref<640000xi32, #tpu.memory_space<hbm>> -> memref<800xi32, #tpu.memory_space<hbm>>
    tpu.wait_dma2 semaphore(%arg12 : memref<!tpu.dma_semaphore, #tpu.memory_space<semaphore_mem>>) src(%dma_wait3A_355 : memref<800xi32, #tpu.memory_space<hbm>>) dst(%arg6 : memref<800xi32, #tpu.memory_space<vmem>>)
    %mul3A_356 = arith.constant 2 : i32
    %mul3A_357 = vector.broadcast %mul3A_356 : i32 to vector<16xi32>
    %mul3A_358 = arith.muli %iota3A, %mul3A_357 : vector<16xi32>
    %add3A_359 = arith.constant 1 : i32
    %add3A_360 = vector.broadcast %add3A_359 : i32 to vector<16xi32>
    %add3A_361 = arith.addi %mul3A_358, %add3A_360 : vector<16xi32>
    %gather3A_362 = tpu.vector_load_idx %arg6[%add3A_361] : memref<800xi32, #tpu.memory_space<vmem>>[vector<16xi32>], vector<16xi32>,
    %swap3A_363 = arith.constant 0 : index
    %swap3A_364 = tpu.vector_load %arg8[%swap3A_363] {strides = array<i32>} : memref<400xi32, #tpu.memory_space<vmem>>, vector<16xi32>,
    tpu.vector_store %arg8[%swap3A_363], %gather3A_362 {strides = array<i32>} : memref<400xi32, #tpu.memory_space<vmem>>, vector<16xi32>,
    %mul3A_365 = arith.constant 2 : i32
    %mul3A_366 = vector.broadcast %mul3A_365 : i32 to vector<16xi32>
    %mul3A_367 = arith.muli %iota3A, %mul3A_366 : vector<16xi32>
    %add3A_368 = arith.constant 33 : i32
    %add3A_369 = vector.broadcast %add3A_368 : i32 to vector<16xi32>
    %add3A_370 = arith.addi %mul3A_367, %add3A_369 : vector<16xi32>
    %gather3A_371 = tpu.vector_load_idx %arg6[%add3A_370] : memref<800xi32, #tpu.memory_space<vmem>>[vector<16xi32>], vector<16xi32>,
    %swap3A_372 = arith.constant 16 : index
    %swap3A_373 = tpu.vector_load %arg8[%swap3A_372] {strides = array<i32>} : memref<400xi32, #tpu.memory_space<vmem>>, vector<16xi32>,
    tpu.vector_store %arg8[%swap3A_372], %gather3A_371 {strides = array<i32>} : memref<400xi32, #tpu.memory_space<vmem>>, vector<16xi32>,
    %mul3A_374 = arith.constant 2 : i32
    %mul3A_375 = vector.broadcast %mul3A_374 : i32 to vector<16xi32>
    %mul3A_376 = arith.muli %iota3A, %mul3A_375 : vector<16xi32>
    %add3A_377 = arith.constant 65 : i32
    %add3A_378 = vector.broadcast %add3A_377 : i32 to vector<16xi32>
    %add3A_379 = arith.addi %mul3A_376, %add3A_378 : vector<16xi32>
    %gather3A_380 = tpu.vector_load_idx %arg6[%add3A_379] : memref<800xi32, #tpu.memory_space<vmem>>[vector<16xi32>], vector<16xi32>,
    %swap3A_381 = arith.constant 32 : index
    %swap3A_382 = tpu.vector_load %arg8[%swap3A_381] {strides = array<i32>} : memref<400xi32, #tpu.memory_space<vmem>>, vector<16xi32>,
    tpu.vector_store %arg8[%swap3A_381], %gather3A_380 {strides = array<i32>} : memref<400xi32, #tpu.memory_space<vmem>>, vector<16xi32>,
    %mul3A_383 = arith.constant 2 : i32
    %mul3A_384 = vector.broadcast %mul3A_383 : i32 to vector<16xi32>
    %mul3A_385 = arith.muli %iota3A, %mul3A_384 : vector<16xi32>
    %add3A_386 = arith.constant 97 : i32
    %add3A_387 = vector.broadcast %add3A_386 : i32 to vector<16xi32>
    %add3A_388 = arith.addi %mul3A_385, %add3A_387 : vector<16xi32>
    %gather3A_389 = tpu.vector_load_idx %arg6[%add3A_388] : memref<800xi32, #tpu.memory_space<vmem>>[vector<16xi32>], vector<16xi32>,
    %swap3A_390 = arith.constant 48 : index
    %swap3A_391 = tpu.vector_load %arg8[%swap3A_390] {strides = array<i32>} : memref<400xi32, #tpu.memory_space<vmem>>, vector<16xi32>,
    tpu.vector_store %arg8[%swap3A_390], %gather3A_389 {strides = array<i32>} : memref<400xi32, #tpu.memory_space<vmem>>, vector<16xi32>,
    %mul3A_392 = arith.constant 2 : i32
    %mul3A_393 = vector.broadcast %mul3A_392 : i32 to vector<16xi32>
    %mul3A_394 = arith.muli %iota3A, %mul3A_393 : vector<16xi32>
    %add3A_395 = arith.constant 129 : i32
    %add3A_396 = vector.broadcast %add3A_395 : i32 to vector<16xi32>
    %add3A_397 = arith.addi %mul3A_394, %add3A_396 : vector<16xi32>
    %gather3A_398 = tpu.vector_load_idx %arg6[%add3A_397] : memref<800xi32, #tpu.memory_space<vmem>>[vector<16xi32>], vector<16xi32>,
    %swap3A_399 = arith.constant 64 : index
    %swap3A_400 = tpu.vector_load %arg8[%swap3A_399] {strides = array<i32>} : memref<400xi32, #tpu.memory_space<vmem>>, vector<16xi32>,
    tpu.vector_store %arg8[%swap3A_399], %gather3A_398 {strides = array<i32>} : memref<400xi32, #tpu.memory_space<vmem>>, vector<16xi32>,
    %mul3A_401 = arith.constant 2 : i32
    %mul3A_402 = vector.broadcast %mul3A_401 : i32 to vector<16xi32>
    %mul3A_403 = arith.muli %iota3A, %mul3A_402 : vector<16xi32>
    %add3A_404 = arith.constant 161 : i32
    %add3A_405 = vector.broadcast %add3A_404 : i32 to vector<16xi32>
    %add3A_406 = arith.addi %mul3A_403, %add3A_405 : vector<16xi32>
    %gather3A_407 = tpu.vector_load_idx %arg6[%add3A_406] : memref<800xi32, #tpu.memory_space<vmem>>[vector<16xi32>], vector<16xi32>,
    %swap3A_408 = arith.constant 80 : index
    %swap3A_409 = tpu.vector_load %arg8[%swap3A_408] {strides = array<i32>} : memref<400xi32, #tpu.memory_space<vmem>>, vector<16xi32>,
    tpu.vector_store %arg8[%swap3A_408], %gather3A_407 {strides = array<i32>} : memref<400xi32, #tpu.memory_space<vmem>>, vector<16xi32>,
    %mul3A_410 = arith.constant 2 : i32
    %mul3A_411 = vector.broadcast %mul3A_410 : i32 to vector<16xi32>
    %mul3A_412 = arith.muli %iota3A, %mul3A_411 : vector<16xi32>
    %add3A_413 = arith.constant 193 : i32
    %add3A_414 = vector.broadcast %add3A_413 : i32 to vector<16xi32>
    %add3A_415 = arith.addi %mul3A_412, %add3A_414 : vector<16xi32>
    %gather3A_416 = tpu.vector_load_idx %arg6[%add3A_415] : memref<800xi32, #tpu.memory_space<vmem>>[vector<16xi32>], vector<16xi32>,
    %swap3A_417 = arith.constant 96 : index
    %swap3A_418 = tpu.vector_load %arg8[%swap3A_417] {strides = array<i32>} : memref<400xi32, #tpu.memory_space<vmem>>, vector<16xi32>,
    tpu.vector_store %arg8[%swap3A_417], %gather3A_416 {strides = array<i32>} : memref<400xi32, #tpu.memory_space<vmem>>, vector<16xi32>,
    %mul3A_419 = arith.constant 2 : i32
    %mul3A_420 = vector.broadcast %mul3A_419 : i32 to vector<16xi32>
    %mul3A_421 = arith.muli %iota3A, %mul3A_420 : vector<16xi32>
    %add3A_422 = arith.constant 225 : i32
    %add3A_423 = vector.broadcast %add3A_422 : i32 to vector<16xi32>
    %add3A_424 = arith.addi %mul3A_421, %add3A_423 : vector<16xi32>
    %gather3A_425 = tpu.vector_load_idx %arg6[%add3A_424] : memref<800xi32, #tpu.memory_space<vmem>>[vector<16xi32>], vector<16xi32>,
    %swap3A_426 = arith.constant 112 : index
    %swap3A_427 = tpu.vector_load %arg8[%swap3A_426] {strides = array<i32>} : memref<400xi32, #tpu.memory_space<vmem>>, vector<16xi32>,
    tpu.vector_store %arg8[%swap3A_426], %gather3A_425 {strides = array<i32>} : memref<400xi32, #tpu.memory_space<vmem>>, vector<16xi32>,
    %mul3A_428 = arith.constant 2 : i32
    %mul3A_429 = vector.broadcast %mul3A_428 : i32 to vector<16xi32>
    %mul3A_430 = arith.muli %iota3A, %mul3A_429 : vector<16xi32>
    %add3A_431 = arith.constant 257 : i32
    %add3A_432 = vector.broadcast %add3A_431 : i32 to vector<16xi32>
    %add3A_433 = arith.addi %mul3A_430, %add3A_432 : vector<16xi32>
    %gather3A_434 = tpu.vector_load_idx %arg6[%add3A_433] : memref<800xi32, #tpu.memory_space<vmem>>[vector<16xi32>], vector<16xi32>,
    %swap3A_435 = arith.constant 128 : index
    %swap3A_436 = tpu.vector_load %arg8[%swap3A_435] {strides = array<i32>} : memref<400xi32, #tpu.memory_space<vmem>>, vector<16xi32>,
    tpu.vector_store %arg8[%swap3A_435], %gather3A_434 {strides = array<i32>} : memref<400xi32, #tpu.memory_space<vmem>>, vector<16xi32>,
    %mul3A_437 = arith.constant 2 : i32
    %mul3A_438 = vector.broadcast %mul3A_437 : i32 to vector<16xi32>
    %mul3A_439 = arith.muli %iota3A, %mul3A_438 : vector<16xi32>
    %add3A_440 = arith.constant 289 : i32
    %add3A_441 = vector.broadcast %add3A_440 : i32 to vector<16xi32>
    %add3A_442 = arith.addi %mul3A_439, %add3A_441 : vector<16xi32>
    %gather3A_443 = tpu.vector_load_idx %arg6[%add3A_442] : memref<800xi32, #tpu.memory_space<vmem>>[vector<16xi32>], vector<16xi32>,
    %swap3A_444 = arith.constant 144 : index
    %swap3A_445 = tpu.vector_load %arg8[%swap3A_444] {strides = array<i32>} : memref<400xi32, #tpu.memory_space<vmem>>, vector<16xi32>,
    tpu.vector_store %arg8[%swap3A_444], %gather3A_443 {strides = array<i32>} : memref<400xi32, #tpu.memory_space<vmem>>, vector<16xi32>,
    %mul3A_446 = arith.constant 2 : i32
    %mul3A_447 = vector.broadcast %mul3A_446 : i32 to vector<16xi32>
    %mul3A_448 = arith.muli %iota3A, %mul3A_447 : vector<16xi32>
    %add3A_449 = arith.constant 321 : i32
    %add3A_450 = vector.broadcast %add3A_449 : i32 to vector<16xi32>
    %add3A_451 = arith.addi %mul3A_448, %add3A_450 : vector<16xi32>
    %gather3A_452 = tpu.vector_load_idx %arg6[%add3A_451] : memref<800xi32, #tpu.memory_space<vmem>>[vector<16xi32>], vector<16xi32>,
    %swap3A_453 = arith.constant 160 : index
    %swap3A_454 = tpu.vector_load %arg8[%swap3A_453] {strides = array<i32>} : memref<400xi32, #tpu.memory_space<vmem>>, vector<16xi32>,
    tpu.vector_store %arg8[%swap3A_453], %gather3A_452 {strides = array<i32>} : memref<400xi32, #tpu.memory_space<vmem>>, vector<16xi32>,
    %mul3A_455 = arith.constant 2 : i32
    %mul3A_456 = vector.broadcast %mul3A_455 : i32 to vector<16xi32>
    %mul3A_457 = arith.muli %iota3A, %mul3A_456 : vector<16xi32>
    %add3A_458 = arith.constant 353 : i32
    %add3A_459 = vector.broadcast %add3A_458 : i32 to vector<16xi32>
    %add3A_460 = arith.addi %mul3A_457, %add3A_459 : vector<16xi32>
    %gather3A_461 = tpu.vector_load_idx %arg6[%add3A_460] : memref<800xi32, #tpu.memory_space<vmem>>[vector<16xi32>], vector<16xi32>,
    %swap3A_462 = arith.constant 176 : index
    %swap3A_463 = tpu.vector_load %arg8[%swap3A_462] {strides = array<i32>} : memref<400xi32, #tpu.memory_space<vmem>>, vector<16xi32>,
    tpu.vector_store %arg8[%swap3A_462], %gather3A_461 {strides = array<i32>} : memref<400xi32, #tpu.memory_space<vmem>>, vector<16xi32>,
    %mul3A_464 = arith.constant 2 : i32
    %mul3A_465 = vector.broadcast %mul3A_464 : i32 to vector<16xi32>
    %mul3A_466 = arith.muli %iota3A, %mul3A_465 : vector<16xi32>
    %add3A_467 = arith.constant 385 : i32
    %add3A_468 = vector.broadcast %add3A_467 : i32 to vector<16xi32>
    %add3A_469 = arith.addi %mul3A_466, %add3A_468 : vector<16xi32>
    %gather3A_470 = tpu.vector_load_idx %arg6[%add3A_469] : memref<800xi32, #tpu.memory_space<vmem>>[vector<16xi32>], vector<16xi32>,
    %swap3A_471 = arith.constant 192 : index
    %swap3A_472 = tpu.vector_load %arg8[%swap3A_471] {strides = array<i32>} : memref<400xi32, #tpu.memory_space<vmem>>, vector<16xi32>,
    tpu.vector_store %arg8[%swap3A_471], %gather3A_470 {strides = array<i32>} : memref<400xi32, #tpu.memory_space<vmem>>, vector<16xi32>,
    %mul3A_473 = arith.constant 2 : i32
    %mul3A_474 = vector.broadcast %mul3A_473 : i32 to vector<16xi32>
    %mul3A_475 = arith.muli %iota3A, %mul3A_474 : vector<16xi32>
    %add3A_476 = arith.constant 417 : i32
    %add3A_477 = vector.broadcast %add3A_476 : i32 to vector<16xi32>
    %add3A_478 = arith.addi %mul3A_475, %add3A_477 : vector<16xi32>
    %gather3A_479 = tpu.vector_load_idx %arg6[%add3A_478] : memref<800xi32, #tpu.memory_space<vmem>>[vector<16xi32>], vector<16xi32>,
    %swap3A_480 = arith.constant 208 : index
    %swap3A_481 = tpu.vector_load %arg8[%swap3A_480] {strides = array<i32>} : memref<400xi32, #tpu.memory_space<vmem>>, vector<16xi32>,
    tpu.vector_store %arg8[%swap3A_480], %gather3A_479 {strides = array<i32>} : memref<400xi32, #tpu.memory_space<vmem>>, vector<16xi32>,
    %mul3A_482 = arith.constant 2 : i32
    %mul3A_483 = vector.broadcast %mul3A_482 : i32 to vector<16xi32>
    %mul3A_484 = arith.muli %iota3A, %mul3A_483 : vector<16xi32>
    %add3A_485 = arith.constant 449 : i32
    %add3A_486 = vector.broadcast %add3A_485 : i32 to vector<16xi32>
    %add3A_487 = arith.addi %mul3A_484, %add3A_486 : vector<16xi32>
    %gather3A_488 = tpu.vector_load_idx %arg6[%add3A_487] : memref<800xi32, #tpu.memory_space<vmem>>[vector<16xi32>], vector<16xi32>,
    %swap3A_489 = arith.constant 224 : index
    %swap3A_490 = tpu.vector_load %arg8[%swap3A_489] {strides = array<i32>} : memref<400xi32, #tpu.memory_space<vmem>>, vector<16xi32>,
    tpu.vector_store %arg8[%swap3A_489], %gather3A_488 {strides = array<i32>} : memref<400xi32, #tpu.memory_space<vmem>>, vector<16xi32>,
    %mul3A_491 = arith.constant 2 : i32
    %mul3A_492 = vector.broadcast %mul3A_491 : i32 to vector<16xi32>
    %mul3A_493 = arith.muli %iota3A, %mul3A_492 : vector<16xi32>
    %add3A_494 = arith.constant 481 : i32
    %add3A_495 = vector.broadcast %add3A_494 : i32 to vector<16xi32>
    %add3A_496 = arith.addi %mul3A_493, %add3A_495 : vector<16xi32>
    %gather3A_497 = tpu.vector_load_idx %arg6[%add3A_496] : memref<800xi32, #tpu.memory_space<vmem>>[vector<16xi32>], vector<16xi32>,
    %swap3A_498 = arith.constant 240 : index
    %swap3A_499 = tpu.vector_load %arg8[%swap3A_498] {strides = array<i32>} : memref<400xi32, #tpu.memory_space<vmem>>, vector<16xi32>,
    tpu.vector_store %arg8[%swap3A_498], %gather3A_497 {strides = array<i32>} : memref<400xi32, #tpu.memory_space<vmem>>, vector<16xi32>,
    %mul3A_500 = arith.constant 2 : i32
    %mul3A_501 = vector.broadcast %mul3A_500 : i32 to vector<16xi32>
    %mul3A_502 = arith.muli %iota3A, %mul3A_501 : vector<16xi32>
    %add3A_503 = arith.constant 513 : i32
    %add3A_504 = vector.broadcast %add3A_503 : i32 to vector<16xi32>
    %add3A_505 = arith.addi %mul3A_502, %add3A_504 : vector<16xi32>
    %gather3A_506 = tpu.vector_load_idx %arg6[%add3A_505] : memref<800xi32, #tpu.memory_space<vmem>>[vector<16xi32>], vector<16xi32>,
    %swap3A_507 = arith.constant 256 : index
    %swap3A_508 = tpu.vector_load %arg8[%swap3A_507] {strides = array<i32>} : memref<400xi32, #tpu.memory_space<vmem>>, vector<16xi32>,
    tpu.vector_store %arg8[%swap3A_507], %gather3A_506 {strides = array<i32>} : memref<400xi32, #tpu.memory_space<vmem>>, vector<16xi32>,
    %mul3A_509 = arith.constant 2 : i32
    %mul3A_510 = vector.broadcast %mul3A_509 : i32 to vector<16xi32>
    %mul3A_511 = arith.muli %iota3A, %mul3A_510 : vector<16xi32>
    %add3A_512 = arith.constant 545 : i32
    %add3A_513 = vector.broadcast %add3A_512 : i32 to vector<16xi32>
    %add3A_514 = arith.addi %mul3A_511, %add3A_513 : vector<16xi32>
    %gather3A_515 = tpu.vector_load_idx %arg6[%add3A_514] : memref<800xi32, #tpu.memory_space<vmem>>[vector<16xi32>], vector<16xi32>,
    %swap3A_516 = arith.constant 272 : index
    %swap3A_517 = tpu.vector_load %arg8[%swap3A_516] {strides = array<i32>} : memref<400xi32, #tpu.memory_space<vmem>>, vector<16xi32>,
    tpu.vector_store %arg8[%swap3A_516], %gather3A_515 {strides = array<i32>} : memref<400xi32, #tpu.memory_space<vmem>>, vector<16xi32>,
    %mul3A_518 = arith.constant 2 : i32
    %mul3A_519 = vector.broadcast %mul3A_518 : i32 to vector<16xi32>
    %mul3A_520 = arith.muli %iota3A, %mul3A_519 : vector<16xi32>
    %add3A_521 = arith.constant 577 : i32
    %add3A_522 = vector.broadcast %add3A_521 : i32 to vector<16xi32>
    %add3A_523 = arith.addi %mul3A_520, %add3A_522 : vector<16xi32>
    %gather3A_524 = tpu.vector_load_idx %arg6[%add3A_523] : memref<800xi32, #tpu.memory_space<vmem>>[vector<16xi32>], vector<16xi32>,
    %swap3A_525 = arith.constant 288 : index
    %swap3A_526 = tpu.vector_load %arg8[%swap3A_525] {strides = array<i32>} : memref<400xi32, #tpu.memory_space<vmem>>, vector<16xi32>,
    tpu.vector_store %arg8[%swap3A_525], %gather3A_524 {strides = array<i32>} : memref<400xi32, #tpu.memory_space<vmem>>, vector<16xi32>,
    %mul3A_527 = arith.constant 2 : i32
    %mul3A_528 = vector.broadcast %mul3A_527 : i32 to vector<16xi32>
    %mul3A_529 = arith.muli %iota3A, %mul3A_528 : vector<16xi32>
    %add3A_530 = arith.constant 609 : i32
    %add3A_531 = vector.broadcast %add3A_530 : i32 to vector<16xi32>
    %add3A_532 = arith.addi %mul3A_529, %add3A_531 : vector<16xi32>
    %gather3A_533 = tpu.vector_load_idx %arg6[%add3A_532] : memref<800xi32, #tpu.memory_space<vmem>>[vector<16xi32>], vector<16xi32>,
    %swap3A_534 = arith.constant 304 : index
    %swap3A_535 = tpu.vector_load %arg8[%swap3A_534] {strides = array<i32>} : memref<400xi32, #tpu.memory_space<vmem>>, vector<16xi32>,
    tpu.vector_store %arg8[%swap3A_534], %gather3A_533 {strides = array<i32>} : memref<400xi32, #tpu.memory_space<vmem>>, vector<16xi32>,
    %mul3A_536 = arith.constant 2 : i32
    %mul3A_537 = vector.broadcast %mul3A_536 : i32 to vector<16xi32>
    %mul3A_538 = arith.muli %iota3A, %mul3A_537 : vector<16xi32>
    %add3A_539 = arith.constant 641 : i32
    %add3A_540 = vector.broadcast %add3A_539 : i32 to vector<16xi32>
    %add3A_541 = arith.addi %mul3A_538, %add3A_540 : vector<16xi32>
    %gather3A_542 = tpu.vector_load_idx %arg6[%add3A_541] : memref<800xi32, #tpu.memory_space<vmem>>[vector<16xi32>], vector<16xi32>,
    %swap3A_543 = arith.constant 320 : index
    %swap3A_544 = tpu.vector_load %arg8[%swap3A_543] {strides = array<i32>} : memref<400xi32, #tpu.memory_space<vmem>>, vector<16xi32>,
    tpu.vector_store %arg8[%swap3A_543], %gather3A_542 {strides = array<i32>} : memref<400xi32, #tpu.memory_space<vmem>>, vector<16xi32>,
    %mul3A_545 = arith.constant 2 : i32
    %mul3A_546 = vector.broadcast %mul3A_545 : i32 to vector<16xi32>
    %mul3A_547 = arith.muli %iota3A, %mul3A_546 : vector<16xi32>
    %add3A_548 = arith.constant 673 : i32
    %add3A_549 = vector.broadcast %add3A_548 : i32 to vector<16xi32>
    %add3A_550 = arith.addi %mul3A_547, %add3A_549 : vector<16xi32>
    %gather3A_551 = tpu.vector_load_idx %arg6[%add3A_550] : memref<800xi32, #tpu.memory_space<vmem>>[vector<16xi32>], vector<16xi32>,
    %swap3A_552 = arith.constant 336 : index
    %swap3A_553 = tpu.vector_load %arg8[%swap3A_552] {strides = array<i32>} : memref<400xi32, #tpu.memory_space<vmem>>, vector<16xi32>,
    tpu.vector_store %arg8[%swap3A_552], %gather3A_551 {strides = array<i32>} : memref<400xi32, #tpu.memory_space<vmem>>, vector<16xi32>,
    %mul3A_554 = arith.constant 2 : i32
    %mul3A_555 = vector.broadcast %mul3A_554 : i32 to vector<16xi32>
    %mul3A_556 = arith.muli %iota3A, %mul3A_555 : vector<16xi32>
    %add3A_557 = arith.constant 705 : i32
    %add3A_558 = vector.broadcast %add3A_557 : i32 to vector<16xi32>
    %add3A_559 = arith.addi %mul3A_556, %add3A_558 : vector<16xi32>
    %gather3A_560 = tpu.vector_load_idx %arg6[%add3A_559] : memref<800xi32, #tpu.memory_space<vmem>>[vector<16xi32>], vector<16xi32>,
    %swap3A_561 = arith.constant 352 : index
    %swap3A_562 = tpu.vector_load %arg8[%swap3A_561] {strides = array<i32>} : memref<400xi32, #tpu.memory_space<vmem>>, vector<16xi32>,
    tpu.vector_store %arg8[%swap3A_561], %gather3A_560 {strides = array<i32>} : memref<400xi32, #tpu.memory_space<vmem>>, vector<16xi32>,
    %mul3A_563 = arith.constant 2 : i32
    %mul3A_564 = vector.broadcast %mul3A_563 : i32 to vector<16xi32>
    %mul3A_565 = arith.muli %iota3A, %mul3A_564 : vector<16xi32>
    %add3A_566 = arith.constant 737 : i32
    %add3A_567 = vector.broadcast %add3A_566 : i32 to vector<16xi32>
    %add3A_568 = arith.addi %mul3A_565, %add3A_567 : vector<16xi32>
    %gather3A_569 = tpu.vector_load_idx %arg6[%add3A_568] : memref<800xi32, #tpu.memory_space<vmem>>[vector<16xi32>], vector<16xi32>,
    %swap3A_570 = arith.constant 368 : index
    %swap3A_571 = tpu.vector_load %arg8[%swap3A_570] {strides = array<i32>} : memref<400xi32, #tpu.memory_space<vmem>>, vector<16xi32>,
    tpu.vector_store %arg8[%swap3A_570], %gather3A_569 {strides = array<i32>} : memref<400xi32, #tpu.memory_space<vmem>>, vector<16xi32>,
    %mul3A_572 = arith.constant 2 : i32
    %mul3A_573 = vector.broadcast %mul3A_572 : i32 to vector<16xi32>
    %mul3A_574 = arith.muli %iota3A, %mul3A_573 : vector<16xi32>
    %add3A_575 = arith.constant 769 : i32
    %add3A_576 = vector.broadcast %add3A_575 : i32 to vector<16xi32>
    %add3A_577 = arith.addi %mul3A_574, %add3A_576 : vector<16xi32>
    %gather3A_578 = tpu.vector_load_idx %arg6[%add3A_577] : memref<800xi32, #tpu.memory_space<vmem>>[vector<16xi32>], vector<16xi32>,
    %swap3A_579 = arith.constant 384 : index
    %swap3A_580 = tpu.vector_load %arg8[%swap3A_579] {strides = array<i32>} : memref<400xi32, #tpu.memory_space<vmem>>, vector<16xi32>,
    tpu.vector_store %arg8[%swap3A_579], %gather3A_578 {strides = array<i32>} : memref<400xi32, #tpu.memory_space<vmem>>, vector<16xi32>,
    %dma_start3A_581 = arith.constant 0 : i32
    %dma_start3A_582 = arith.constant 0 : i32
    %dma_start3A_583 = tpu.memref_slice %arg10[%dma_start3A_581, %dma_start3A_582] : memref<400x128xf32, #tpu.memory_space<vmem>> -> memref<80x128xf32, #tpu.memory_space<vmem>>
    %dma_start3A_584 = arith.constant 0 : i32
    %dma_start3A_585 = tpu.memref_slice %arg8[%dma_start3A_584] : memref<400xi32, #tpu.memory_space<vmem>> -> memref<80xi32, #tpu.memory_space<vmem>>
    %dma_start3A_586 = arith.constant 0 : i32
    %dma_start3A_587 = arith.constant 0 : i32
    %dma_start3A_588 = tpu.memref_slice %arg2[%dma_start3A_586, %dma_start3A_587] : memref<10000x128xf32, #tpu.memory_space<hbm>> -> memref<10000x128xf32, #tpu.memory_space<hbm>>
    tpu.enqueue_indirect_dma source(%dma_start3A_588 : memref<10000x128xf32, #tpu.memory_space<hbm>>) target(%dma_start3A_583 : memref<80x128xf32, #tpu.memory_space<vmem>>) offsets(%dma_start3A_585 : memref<80xi32, #tpu.memory_space<vmem>>) semaphore(%arg14 : memref<!tpu.dma_semaphore, #tpu.memory_space<semaphore_mem>>)
    %dma_start3A_589 = arith.constant 80 : i32
    %dma_start3A_590 = arith.constant 0 : i32
    %dma_start3A_591 = tpu.memref_slice %arg10[%dma_start3A_589, %dma_start3A_590] : memref<400x128xf32, #tpu.memory_space<vmem>> -> memref<80x128xf32, #tpu.memory_space<vmem>>
    %dma_start3A_592 = arith.constant 80 : i32
    %dma_start3A_593 = tpu.memref_slice %arg8[%dma_start3A_592] : memref<400xi32, #tpu.memory_space<vmem>> -> memref<80xi32, #tpu.memory_space<vmem>>
    %dma_start3A_594 = arith.constant 0 : i32
    %dma_start3A_595 = arith.constant 0 : i32
    %dma_start3A_596 = tpu.memref_slice %arg2[%dma_start3A_594, %dma_start3A_595] : memref<10000x128xf32, #tpu.memory_space<hbm>> -> memref<10000x128xf32, #tpu.memory_space<hbm>>
    tpu.enqueue_indirect_dma source(%dma_start3A_596 : memref<10000x128xf32, #tpu.memory_space<hbm>>) target(%dma_start3A_591 : memref<80x128xf32, #tpu.memory_space<vmem>>) offsets(%dma_start3A_593 : memref<80xi32, #tpu.memory_space<vmem>>) semaphore(%arg14 : memref<!tpu.dma_semaphore, #tpu.memory_space<semaphore_mem>>)
    %dma_start3A_597 = arith.constant 160 : i32
    %dma_start3A_598 = arith.constant 0 : i32
    %dma_start3A_599 = tpu.memref_slice %arg10[%dma_start3A_597, %dma_start3A_598] : memref<400x128xf32, #tpu.memory_space<vmem>> -> memref<80x128xf32, #tpu.memory_space<vmem>>
    %dma_start3A_600 = arith.constant 160 : i32
    %dma_start3A_601 = tpu.memref_slice %arg8[%dma_start3A_600] : memref<400xi32, #tpu.memory_space<vmem>> -> memref<80xi32, #tpu.memory_space<vmem>>
    %dma_start3A_602 = arith.constant 0 : i32
    %dma_start3A_603 = arith.constant 0 : i32
    %dma_start3A_604 = tpu.memref_slice %arg2[%dma_start3A_602, %dma_start3A_603] : memref<10000x128xf32, #tpu.memory_space<hbm>> -> memref<10000x128xf32, #tpu.memory_space<hbm>>
    tpu.enqueue_indirect_dma source(%dma_start3A_604 : memref<10000x128xf32, #tpu.memory_space<hbm>>) target(%dma_start3A_599 : memref<80x128xf32, #tpu.memory_space<vmem>>) offsets(%dma_start3A_601 : memref<80xi32, #tpu.memory_space<vmem>>) semaphore(%arg14 : memref<!tpu.dma_semaphore, #tpu.memory_space<semaphore_mem>>)
    %dma_start3A_605 = arith.constant 240 : i32
    %dma_start3A_606 = arith.constant 0 : i32
    %dma_start3A_607 = tpu.memref_slice %arg10[%dma_start3A_605, %dma_start3A_606] : memref<400x128xf32, #tpu.memory_space<vmem>> -> memref<80x128xf32, #tpu.memory_space<vmem>>
    %dma_start3A_608 = arith.constant 240 : i32
    %dma_start3A_609 = tpu.memref_slice %arg8[%dma_start3A_608] : memref<400xi32, #tpu.memory_space<vmem>> -> memref<80xi32, #tpu.memory_space<vmem>>
    %dma_start3A_610 = arith.constant 0 : i32
    %dma_start3A_611 = arith.constant 0 : i32
    %dma_start3A_612 = tpu.memref_slice %arg2[%dma_start3A_610, %dma_start3A_611] : memref<10000x128xf32, #tpu.memory_space<hbm>> -> memref<10000x128xf32, #tpu.memory_space<hbm>>
    tpu.enqueue_indirect_dma source(%dma_start3A_612 : memref<10000x128xf32, #tpu.memory_space<hbm>>) target(%dma_start3A_607 : memref<80x128xf32, #tpu.memory_space<vmem>>) offsets(%dma_start3A_609 : memref<80xi32, #tpu.memory_space<vmem>>) semaphore(%arg14 : memref<!tpu.dma_semaphore, #tpu.memory_space<semaphore_mem>>)
    %dma_start3A_613 = arith.constant 320 : i32
    %dma_start3A_614 = arith.constant 0 : i32
    %dma_start3A_615 = tpu.memref_slice %arg10[%dma_start3A_613, %dma_start3A_614] : memref<400x128xf32, #tpu.memory_space<vmem>> -> memref<80x128xf32, #tpu.memory_space<vmem>>
    %dma_start3A_616 = arith.constant 320 : i32
    %dma_start3A_617 = tpu.memref_slice %arg8[%dma_start3A_616] : memref<400xi32, #tpu.memory_space<vmem>> -> memref<80xi32, #tpu.memory_space<vmem>>
    %dma_start3A_618 = arith.constant 0 : i32
    %dma_start3A_619 = arith.constant 0 : i32
    %dma_start3A_620 = tpu.memref_slice %arg2[%dma_start3A_618, %dma_start3A_619] : memref<10000x128xf32, #tpu.memory_space<hbm>> -> memref<10000x128xf32, #tpu.memory_space<hbm>>
    tpu.enqueue_indirect_dma source(%dma_start3A_620 : memref<10000x128xf32, #tpu.memory_space<hbm>>) target(%dma_start3A_615 : memref<80x128xf32, #tpu.memory_space<vmem>>) offsets(%dma_start3A_617 : memref<80xi32, #tpu.memory_space<vmem>>) semaphore(%arg14 : memref<!tpu.dma_semaphore, #tpu.memory_space<semaphore_mem>>)
    %mul3A_621 = arith.constant 2 : i32
    %mul3A_622 = arith.muli %mul3A_621, %mul3A_2 : i32
    %add3A_623 = arith.constant 800 : i32
    %add3A_624 = arith.addi %mul3A_622, %add3A_623 : i32
    %multiple_of3A_625 = tpu.assume_multiple %add3A_624, 8 : i32
    %dma_start3A_626 = tpu.memref_slice %arg3[%multiple_of3A_625] : memref<640000xi32, #tpu.memory_space<hbm>> -> memref<800xi32, #tpu.memory_space<hbm>>
    %dma_start3A_627 = tpu.memref_slice %arg3[%multiple_of3A_625] : memref<640000xi32, #tpu.memory_space<hbm>> -> memref<800xi32, #tpu.memory_space<hbm>>
    tpu.enqueue_dma source(%dma_start3A_627 : memref<800xi32, #tpu.memory_space<hbm>>) target(%arg7 : memref<800xi32, #tpu.memory_space<vmem>>) target_semaphore(%arg13 : memref<!tpu.dma_semaphore, #tpu.memory_space<semaphore_mem>>)
    %scan3A_628 = arith.constant 0 : i32
    %scan3A_629 = arith.constant 0 : i32
    %scan3A_630 = arith.constant 12 : i32
    %scan3A_631 = arith.addi %scan3A_629, %scan3A_630 : i32
    %scan3A_632 = arith.constant 1 : i32
    scf.for %scan3A_693 = %scan3A_629 to %scan3A_631 step %scan3A_632  : i32 {
      %mul3A_694 = arith.constant 2 : i32
      %mul3A_695 = arith.muli %mul3A_694, %scan3A_693 : i32
      %add3A_696 = arith.constant 1 : i32
      %add3A_697 = arith.addi %add3A_696, %mul3A_695 : i32
      %add3A_698 = arith.constant 0 : i32
      %add3A_699 = arith.addi %add3A_697, %add3A_698 : i32
      %ge3A = arith.constant 2 : i32
      %ge3A_700 = arith.cmpi sge, %add3A_699, %ge3A : i32
      %convert_element_type3A = arith.extui %ge3A_700 : i1 to i32
      %cond3A = arith.constant 0 : i32
      %cond3A_701 = arith.cmpi ne, %convert_element_type3A, %cond3A : i32
      scf.if %cond3A_701 {
        %dma_wait3A_1363 = arith.constant 0 : i32
        %dma_wait3A_1364 = arith.constant 0 : i32
        %dma_wait3A_1365 = tpu.memref_slice %arg5[%dma_wait3A_1363, %dma_wait3A_1364] : memref<320000x128xf32, #tpu.memory_space<hbm>> -> memref<400x128xf32, #tpu.memory_space<hbm>>
        %dma_wait3A_1366 = arith.constant 0 : i32
        %dma_wait3A_1367 = arith.constant 0 : i32
        %dma_wait3A_1368 = tpu.memref_slice %arg5[%dma_wait3A_1366, %dma_wait3A_1367] : memref<320000x128xf32, #tpu.memory_space<hbm>> -> memref<400x128xf32, #tpu.memory_space<hbm>>
        tpu.wait_dma2 semaphore(%arg17 : memref<!tpu.dma_semaphore, #tpu.memory_space<semaphore_mem>>) src(%arg11 : memref<400x128xf32, #tpu.memory_space<vmem>>) dst(%dma_wait3A_1368 : memref<400x128xf32, #tpu.memory_space<hbm>>)
      } else {
      }
      %dma_wait3A_702 = arith.constant 0 : i32
      %dma_wait3A_703 = tpu.memref_slice %arg3[%dma_wait3A_702] : memref<640000xi32, #tpu.memory_space<hbm>> -> memref<800xi32, #tpu.memory_space<hbm>>
      %dma_wait3A_704 = arith.constant 0 : i32
      %dma_wait3A_705 = tpu.memref_slice %arg3[%dma_wait3A_704] : memref<640000xi32, #tpu.memory_space<hbm>> -> memref<800xi32, #tpu.memory_space<hbm>>
      tpu.wait_dma2 semaphore(%arg13 : memref<!tpu.dma_semaphore, #tpu.memory_space<semaphore_mem>>) src(%dma_wait3A_705 : memref<800xi32, #tpu.memory_space<hbm>>) dst(%arg7 : memref<800xi32, #tpu.memory_space<vmem>>)
      %mul3A_706 = arith.constant 2 : i32
      %mul3A_707 = vector.broadcast %mul3A_706 : i32 to vector<16xi32>
      %mul3A_708 = arith.muli %iota3A, %mul3A_707 : vector<16xi32>
      %add3A_709 = arith.constant 1 : i32
      %add3A_710 = vector.broadcast %add3A_709 : i32 to vector<16xi32>
      %add3A_711 = arith.addi %mul3A_708, %add3A_710 : vector<16xi32>
      %gather3A_712 = tpu.vector_load_idx %arg7[%add3A_711] : memref<800xi32, #tpu.memory_space<vmem>>[vector<16xi32>], vector<16xi32>,
      %swap3A_713 = arith.constant 0 : index
      %swap3A_714 = tpu.vector_load %arg9[%swap3A_713] {strides = array<i32>} : memref<400xi32, #tpu.memory_space<vmem>>, vector<16xi32>,
      tpu.vector_store %arg9[%swap3A_713], %gather3A_712 {strides = array<i32>} : memref<400xi32, #tpu.memory_space<vmem>>, vector<16xi32>,
      %mul3A_715 = arith.constant 2 : i32
      %mul3A_716 = vector.broadcast %mul3A_715 : i32 to vector<16xi32>
      %mul3A_717 = arith.muli %iota3A, %mul3A_716 : vector<16xi32>
      %add3A_718 = arith.constant 33 : i32
      %add3A_719 = vector.broadcast %add3A_718 : i32 to vector<16xi32>
      %add3A_720 = arith.addi %mul3A_717, %add3A_719 : vector<16xi32>
      %gather3A_721 = tpu.vector_load_idx %arg7[%add3A_720] : memref<800xi32, #tpu.memory_space<vmem>>[vector<16xi32>], vector<16xi32>,
      %swap3A_722 = arith.constant 16 : index
      %swap3A_723 = tpu.vector_load %arg9[%swap3A_722] {strides = array<i32>} : memref<400xi32, #tpu.memory_space<vmem>>, vector<16xi32>,
      tpu.vector_store %arg9[%swap3A_722], %gather3A_721 {strides = array<i32>} : memref<400xi32, #tpu.memory_space<vmem>>, vector<16xi32>,
      %mul3A_724 = arith.constant 2 : i32
      %mul3A_725 = vector.broadcast %mul3A_724 : i32 to vector<16xi32>
      %mul3A_726 = arith.muli %iota3A, %mul3A_725 : vector<16xi32>
      %add3A_727 = arith.constant 65 : i32
      %add3A_728 = vector.broadcast %add3A_727 : i32 to vector<16xi32>
      %add3A_729 = arith.addi %mul3A_726, %add3A_728 : vector<16xi32>
      %gather3A_730 = tpu.vector_load_idx %arg7[%add3A_729] : memref<800xi32, #tpu.memory_space<vmem>>[vector<16xi32>], vector<16xi32>,
      %swap3A_731 = arith.constant 32 : index
      %swap3A_732 = tpu.vector_load %arg9[%swap3A_731] {strides = array<i32>} : memref<400xi32, #tpu.memory_space<vmem>>, vector<16xi32>,
      tpu.vector_store %arg9[%swap3A_731], %gather3A_730 {strides = array<i32>} : memref<400xi32, #tpu.memory_space<vmem>>, vector<16xi32>,
      %mul3A_733 = arith.constant 2 : i32
      %mul3A_734 = vector.broadcast %mul3A_733 : i32 to vector<16xi32>
      %mul3A_735 = arith.muli %iota3A, %mul3A_734 : vector<16xi32>
      %add3A_736 = arith.constant 97 : i32
      %add3A_737 = vector.broadcast %add3A_736 : i32 to vector<16xi32>
      %add3A_738 = arith.addi %mul3A_735, %add3A_737 : vector<16xi32>
      %gather3A_739 = tpu.vector_load_idx %arg7[%add3A_738] : memref<800xi32, #tpu.memory_space<vmem>>[vector<16xi32>], vector<16xi32>,
      %swap3A_740 = arith.constant 48 : index
      %swap3A_741 = tpu.vector_load %arg9[%swap3A_740] {strides = array<i32>} : memref<400xi32, #tpu.memory_space<vmem>>, vector<16xi32>,
      tpu.vector_store %arg9[%swap3A_740], %gather3A_739 {strides = array<i32>} : memref<400xi32, #tpu.memory_space<vmem>>, vector<16xi32>,
      %mul3A_742 = arith.constant 2 : i32
      %mul3A_743 = vector.broadcast %mul3A_742 : i32 to vector<16xi32>
      %mul3A_744 = arith.muli %iota3A, %mul3A_743 : vector<16xi32>
      %add3A_745 = arith.constant 129 : i32
      %add3A_746 = vector.broadcast %add3A_745 : i32 to vector<16xi32>
      %add3A_747 = arith.addi %mul3A_744, %add3A_746 : vector<16xi32>
      %gather3A_748 = tpu.vector_load_idx %arg7[%add3A_747] : memref<800xi32, #tpu.memory_space<vmem>>[vector<16xi32>], vector<16xi32>,
      %swap3A_749 = arith.constant 64 : index
      %swap3A_750 = tpu.vector_load %arg9[%swap3A_749] {strides = array<i32>} : memref<400xi32, #tpu.memory_space<vmem>>, vector<16xi32>,
      tpu.vector_store %arg9[%swap3A_749], %gather3A_748 {strides = array<i32>} : memref<400xi32, #tpu.memory_space<vmem>>, vector<16xi32>,
      %mul3A_751 = arith.constant 2 : i32
      %mul3A_752 = vector.broadcast %mul3A_751 : i32 to vector<16xi32>
      %mul3A_753 = arith.muli %iota3A, %mul3A_752 : vector<16xi32>
      %add3A_754 = arith.constant 161 : i32
      %add3A_755 = vector.broadcast %add3A_754 : i32 to vector<16xi32>
      %add3A_756 = arith.addi %mul3A_753, %add3A_755 : vector<16xi32>
      %gather3A_757 = tpu.vector_load_idx %arg7[%add3A_756] : memref<800xi32, #tpu.memory_space<vmem>>[vector<16xi32>], vector<16xi32>,
      %swap3A_758 = arith.constant 80 : index
      %swap3A_759 = tpu.vector_load %arg9[%swap3A_758] {strides = array<i32>} : memref<400xi32, #tpu.memory_space<vmem>>, vector<16xi32>,
      tpu.vector_store %arg9[%swap3A_758], %gather3A_757 {strides = array<i32>} : memref<400xi32, #tpu.memory_space<vmem>>, vector<16xi32>,
      %mul3A_760 = arith.constant 2 : i32
      %mul3A_761 = vector.broadcast %mul3A_760 : i32 to vector<16xi32>
      %mul3A_762 = arith.muli %iota3A, %mul3A_761 : vector<16xi32>
      %add3A_763 = arith.constant 193 : i32
      %add3A_764 = vector.broadcast %add3A_763 : i32 to vector<16xi32>
      %add3A_765 = arith.addi %mul3A_762, %add3A_764 : vector<16xi32>
      %gather3A_766 = tpu.vector_load_idx %arg7[%add3A_765] : memref<800xi32, #tpu.memory_space<vmem>>[vector<16xi32>], vector<16xi32>,
      %swap3A_767 = arith.constant 96 : index
      %swap3A_768 = tpu.vector_load %arg9[%swap3A_767] {strides = array<i32>} : memref<400xi32, #tpu.memory_space<vmem>>, vector<16xi32>,
      tpu.vector_store %arg9[%swap3A_767], %gather3A_766 {strides = array<i32>} : memref<400xi32, #tpu.memory_space<vmem>>, vector<16xi32>,
      %mul3A_769 = arith.constant 2 : i32
      %mul3A_770 = vector.broadcast %mul3A_769 : i32 to vector<16xi32>
      %mul3A_771 = arith.muli %iota3A, %mul3A_770 : vector<16xi32>
      %add3A_772 = arith.constant 225 : i32
      %add3A_773 = vector.broadcast %add3A_772 : i32 to vector<16xi32>
      %add3A_774 = arith.addi %mul3A_771, %add3A_773 : vector<16xi32>
      %gather3A_775 = tpu.vector_load_idx %arg7[%add3A_774] : memref<800xi32, #tpu.memory_space<vmem>>[vector<16xi32>], vector<16xi32>,
      %swap3A_776 = arith.constant 112 : index
      %swap3A_777 = tpu.vector_load %arg9[%swap3A_776] {strides = array<i32>} : memref<400xi32, #tpu.memory_space<vmem>>, vector<16xi32>,
      tpu.vector_store %arg9[%swap3A_776], %gather3A_775 {strides = array<i32>} : memref<400xi32, #tpu.memory_space<vmem>>, vector<16xi32>,
      %mul3A_778 = arith.constant 2 : i32
      %mul3A_779 = vector.broadcast %mul3A_778 : i32 to vector<16xi32>
      %mul3A_780 = arith.muli %iota3A, %mul3A_779 : vector<16xi32>
      %add3A_781 = arith.constant 257 : i32
      %add3A_782 = vector.broadcast %add3A_781 : i32 to vector<16xi32>
      %add3A_783 = arith.addi %mul3A_780, %add3A_782 : vector<16xi32>
      %gather3A_784 = tpu.vector_load_idx %arg7[%add3A_783] : memref<800xi32, #tpu.memory_space<vmem>>[vector<16xi32>], vector<16xi32>,
      %swap3A_785 = arith.constant 128 : index
      %swap3A_786 = tpu.vector_load %arg9[%swap3A_785] {strides = array<i32>} : memref<400xi32, #tpu.memory_space<vmem>>, vector<16xi32>,
      tpu.vector_store %arg9[%swap3A_785], %gather3A_784 {strides = array<i32>} : memref<400xi32, #tpu.memory_space<vmem>>, vector<16xi32>,
      %mul3A_787 = arith.constant 2 : i32
      %mul3A_788 = vector.broadcast %mul3A_787 : i32 to vector<16xi32>
      %mul3A_789 = arith.muli %iota3A, %mul3A_788 : vector<16xi32>
      %add3A_790 = arith.constant 289 : i32
      %add3A_791 = vector.broadcast %add3A_790 : i32 to vector<16xi32>
      %add3A_792 = arith.addi %mul3A_789, %add3A_791 : vector<16xi32>
      %gather3A_793 = tpu.vector_load_idx %arg7[%add3A_792] : memref<800xi32, #tpu.memory_space<vmem>>[vector<16xi32>], vector<16xi32>,
      %swap3A_794 = arith.constant 144 : index
      %swap3A_795 = tpu.vector_load %arg9[%swap3A_794] {strides = array<i32>} : memref<400xi32, #tpu.memory_space<vmem>>, vector<16xi32>,
      tpu.vector_store %arg9[%swap3A_794], %gather3A_793 {strides = array<i32>} : memref<400xi32, #tpu.memory_space<vmem>>, vector<16xi32>,
      %mul3A_796 = arith.constant 2 : i32
      %mul3A_797 = vector.broadcast %mul3A_796 : i32 to vector<16xi32>
      %mul3A_798 = arith.muli %iota3A, %mul3A_797 : vector<16xi32>
      %add3A_799 = arith.constant 321 : i32
      %add3A_800 = vector.broadcast %add3A_799 : i32 to vector<16xi32>
      %add3A_801 = arith.addi %mul3A_798, %add3A_800 : vector<16xi32>
      %gather3A_802 = tpu.vector_load_idx %arg7[%add3A_801] : memref<800xi32, #tpu.memory_space<vmem>>[vector<16xi32>], vector<16xi32>,
      %swap3A_803 = arith.constant 160 : index
      %swap3A_804 = tpu.vector_load %arg9[%swap3A_803] {strides = array<i32>} : memref<400xi32, #tpu.memory_space<vmem>>, vector<16xi32>,
      tpu.vector_store %arg9[%swap3A_803], %gather3A_802 {strides = array<i32>} : memref<400xi32, #tpu.memory_space<vmem>>, vector<16xi32>,
      %mul3A_805 = arith.constant 2 : i32
      %mul3A_806 = vector.broadcast %mul3A_805 : i32 to vector<16xi32>
      %mul3A_807 = arith.muli %iota3A, %mul3A_806 : vector<16xi32>
      %add3A_808 = arith.constant 353 : i32
      %add3A_809 = vector.broadcast %add3A_808 : i32 to vector<16xi32>
      %add3A_810 = arith.addi %mul3A_807, %add3A_809 : vector<16xi32>
      %gather3A_811 = tpu.vector_load_idx %arg7[%add3A_810] : memref<800xi32, #tpu.memory_space<vmem>>[vector<16xi32>], vector<16xi32>,
      %swap3A_812 = arith.constant 176 : index
      %swap3A_813 = tpu.vector_load %arg9[%swap3A_812] {strides = array<i32>} : memref<400xi32, #tpu.memory_space<vmem>>, vector<16xi32>,
      tpu.vector_store %arg9[%swap3A_812], %gather3A_811 {strides = array<i32>} : memref<400xi32, #tpu.memory_space<vmem>>, vector<16xi32>,
      %mul3A_814 = arith.constant 2 : i32
      %mul3A_815 = vector.broadcast %mul3A_814 : i32 to vector<16xi32>
      %mul3A_816 = arith.muli %iota3A, %mul3A_815 : vector<16xi32>
      %add3A_817 = arith.constant 385 : i32
      %add3A_818 = vector.broadcast %add3A_817 : i32 to vector<16xi32>
      %add3A_819 = arith.addi %mul3A_816, %add3A_818 : vector<16xi32>
      %gather3A_820 = tpu.vector_load_idx %arg7[%add3A_819] : memref<800xi32, #tpu.memory_space<vmem>>[vector<16xi32>], vector<16xi32>,
      %swap3A_821 = arith.constant 192 : index
      %swap3A_822 = tpu.vector_load %arg9[%swap3A_821] {strides = array<i32>} : memref<400xi32, #tpu.memory_space<vmem>>, vector<16xi32>,
      tpu.vector_store %arg9[%swap3A_821], %gather3A_820 {strides = array<i32>} : memref<400xi32, #tpu.memory_space<vmem>>, vector<16xi32>,
      %mul3A_823 = arith.constant 2 : i32
      %mul3A_824 = vector.broadcast %mul3A_823 : i32 to vector<16xi32>
      %mul3A_825 = arith.muli %iota3A, %mul3A_824 : vector<16xi32>
      %add3A_826 = arith.constant 417 : i32
      %add3A_827 = vector.broadcast %add3A_826 : i32 to vector<16xi32>
      %add3A_828 = arith.addi %mul3A_825, %add3A_827 : vector<16xi32>
      %gather3A_829 = tpu.vector_load_idx %arg7[%add3A_828] : memref<800xi32, #tpu.memory_space<vmem>>[vector<16xi32>], vector<16xi32>,
      %swap3A_830 = arith.constant 208 : index
      %swap3A_831 = tpu.vector_load %arg9[%swap3A_830] {strides = array<i32>} : memref<400xi32, #tpu.memory_space<vmem>>, vector<16xi32>,
      tpu.vector_store %arg9[%swap3A_830], %gather3A_829 {strides = array<i32>} : memref<400xi32, #tpu.memory_space<vmem>>, vector<16xi32>,
      %mul3A_832 = arith.constant 2 : i32
      %mul3A_833 = vector.broadcast %mul3A_832 : i32 to vector<16xi32>
      %mul3A_834 = arith.muli %iota3A, %mul3A_833 : vector<16xi32>
      %add3A_835 = arith.constant 449 : i32
      %add3A_836 = vector.broadcast %add3A_835 : i32 to vector<16xi32>
      %add3A_837 = arith.addi %mul3A_834, %add3A_836 : vector<16xi32>
      %gather3A_838 = tpu.vector_load_idx %arg7[%add3A_837] : memref<800xi32, #tpu.memory_space<vmem>>[vector<16xi32>], vector<16xi32>,
      %swap3A_839 = arith.constant 224 : index
      %swap3A_840 = tpu.vector_load %arg9[%swap3A_839] {strides = array<i32>} : memref<400xi32, #tpu.memory_space<vmem>>, vector<16xi32>,
      tpu.vector_store %arg9[%swap3A_839], %gather3A_838 {strides = array<i32>} : memref<400xi32, #tpu.memory_space<vmem>>, vector<16xi32>,
      %mul3A_841 = arith.constant 2 : i32
      %mul3A_842 = vector.broadcast %mul3A_841 : i32 to vector<16xi32>
      %mul3A_843 = arith.muli %iota3A, %mul3A_842 : vector<16xi32>
      %add3A_844 = arith.constant 481 : i32
      %add3A_845 = vector.broadcast %add3A_844 : i32 to vector<16xi32>
      %add3A_846 = arith.addi %mul3A_843, %add3A_845 : vector<16xi32>
      %gather3A_847 = tpu.vector_load_idx %arg7[%add3A_846] : memref<800xi32, #tpu.memory_space<vmem>>[vector<16xi32>], vector<16xi32>,
      %swap3A_848 = arith.constant 240 : index
      %swap3A_849 = tpu.vector_load %arg9[%swap3A_848] {strides = array<i32>} : memref<400xi32, #tpu.memory_space<vmem>>, vector<16xi32>,
      tpu.vector_store %arg9[%swap3A_848], %gather3A_847 {strides = array<i32>} : memref<400xi32, #tpu.memory_space<vmem>>, vector<16xi32>,
      %mul3A_850 = arith.constant 2 : i32
      %mul3A_851 = vector.broadcast %mul3A_850 : i32 to vector<16xi32>
      %mul3A_852 = arith.muli %iota3A, %mul3A_851 : vector<16xi32>
      %add3A_853 = arith.constant 513 : i32
      %add3A_854 = vector.broadcast %add3A_853 : i32 to vector<16xi32>
      %add3A_855 = arith.addi %mul3A_852, %add3A_854 : vector<16xi32>
      %gather3A_856 = tpu.vector_load_idx %arg7[%add3A_855] : memref<800xi32, #tpu.memory_space<vmem>>[vector<16xi32>], vector<16xi32>,
      %swap3A_857 = arith.constant 256 : index
      %swap3A_858 = tpu.vector_load %arg9[%swap3A_857] {strides = array<i32>} : memref<400xi32, #tpu.memory_space<vmem>>, vector<16xi32>,
      tpu.vector_store %arg9[%swap3A_857], %gather3A_856 {strides = array<i32>} : memref<400xi32, #tpu.memory_space<vmem>>, vector<16xi32>,
      %mul3A_859 = arith.constant 2 : i32
      %mul3A_860 = vector.broadcast %mul3A_859 : i32 to vector<16xi32>
      %mul3A_861 = arith.muli %iota3A, %mul3A_860 : vector<16xi32>
      %add3A_862 = arith.constant 545 : i32
      %add3A_863 = vector.broadcast %add3A_862 : i32 to vector<16xi32>
      %add3A_864 = arith.addi %mul3A_861, %add3A_863 : vector<16xi32>
      %gather3A_865 = tpu.vector_load_idx %arg7[%add3A_864] : memref<800xi32, #tpu.memory_space<vmem>>[vector<16xi32>], vector<16xi32>,
      %swap3A_866 = arith.constant 272 : index
      %swap3A_867 = tpu.vector_load %arg9[%swap3A_866] {strides = array<i32>} : memref<400xi32, #tpu.memory_space<vmem>>, vector<16xi32>,
      tpu.vector_store %arg9[%swap3A_866], %gather3A_865 {strides = array<i32>} : memref<400xi32, #tpu.memory_space<vmem>>, vector<16xi32>,
      %mul3A_868 = arith.constant 2 : i32
      %mul3A_869 = vector.broadcast %mul3A_868 : i32 to vector<16xi32>
      %mul3A_870 = arith.muli %iota3A, %mul3A_869 : vector<16xi32>
      %add3A_871 = arith.constant 577 : i32
      %add3A_872 = vector.broadcast %add3A_871 : i32 to vector<16xi32>
      %add3A_873 = arith.addi %mul3A_870, %add3A_872 : vector<16xi32>
      %gather3A_874 = tpu.vector_load_idx %arg7[%add3A_873] : memref<800xi32, #tpu.memory_space<vmem>>[vector<16xi32>], vector<16xi32>,
      %swap3A_875 = arith.constant 288 : index
      %swap3A_876 = tpu.vector_load %arg9[%swap3A_875] {strides = array<i32>} : memref<400xi32, #tpu.memory_space<vmem>>, vector<16xi32>,
      tpu.vector_store %arg9[%swap3A_875], %gather3A_874 {strides = array<i32>} : memref<400xi32, #tpu.memory_space<vmem>>, vector<16xi32>,
      %mul3A_877 = arith.constant 2 : i32
      %mul3A_878 = vector.broadcast %mul3A_877 : i32 to vector<16xi32>
      %mul3A_879 = arith.muli %iota3A, %mul3A_878 : vector<16xi32>
      %add3A_880 = arith.constant 609 : i32
      %add3A_881 = vector.broadcast %add3A_880 : i32 to vector<16xi32>
      %add3A_882 = arith.addi %mul3A_879, %add3A_881 : vector<16xi32>
      %gather3A_883 = tpu.vector_load_idx %arg7[%add3A_882] : memref<800xi32, #tpu.memory_space<vmem>>[vector<16xi32>], vector<16xi32>,
      %swap3A_884 = arith.constant 304 : index
      %swap3A_885 = tpu.vector_load %arg9[%swap3A_884] {strides = array<i32>} : memref<400xi32, #tpu.memory_space<vmem>>, vector<16xi32>,
      tpu.vector_store %arg9[%swap3A_884], %gather3A_883 {strides = array<i32>} : memref<400xi32, #tpu.memory_space<vmem>>, vector<16xi32>,
      %mul3A_886 = arith.constant 2 : i32
      %mul3A_887 = vector.broadcast %mul3A_886 : i32 to vector<16xi32>
      %mul3A_888 = arith.muli %iota3A, %mul3A_887 : vector<16xi32>
      %add3A_889 = arith.constant 641 : i32
      %add3A_890 = vector.broadcast %add3A_889 : i32 to vector<16xi32>
      %add3A_891 = arith.addi %mul3A_888, %add3A_890 : vector<16xi32>
      %gather3A_892 = tpu.vector_load_idx %arg7[%add3A_891] : memref<800xi32, #tpu.memory_space<vmem>>[vector<16xi32>], vector<16xi32>,
      %swap3A_893 = arith.constant 320 : index
      %swap3A_894 = tpu.vector_load %arg9[%swap3A_893] {strides = array<i32>} : memref<400xi32, #tpu.memory_space<vmem>>, vector<16xi32>,
      tpu.vector_store %arg9[%swap3A_893], %gather3A_892 {strides = array<i32>} : memref<400xi32, #tpu.memory_space<vmem>>, vector<16xi32>,
      %mul3A_895 = arith.constant 2 : i32
      %mul3A_896 = vector.broadcast %mul3A_895 : i32 to vector<16xi32>
      %mul3A_897 = arith.muli %iota3A, %mul3A_896 : vector<16xi32>
      %add3A_898 = arith.constant 673 : i32
      %add3A_899 = vector.broadcast %add3A_898 : i32 to vector<16xi32>
      %add3A_900 = arith.addi %mul3A_897, %add3A_899 : vector<16xi32>
      %gather3A_901 = tpu.vector_load_idx %arg7[%add3A_900] : memref<800xi32, #tpu.memory_space<vmem>>[vector<16xi32>], vector<16xi32>,
      %swap3A_902 = arith.constant 336 : index
      %swap3A_903 = tpu.vector_load %arg9[%swap3A_902] {strides = array<i32>} : memref<400xi32, #tpu.memory_space<vmem>>, vector<16xi32>,
      tpu.vector_store %arg9[%swap3A_902], %gather3A_901 {strides = array<i32>} : memref<400xi32, #tpu.memory_space<vmem>>, vector<16xi32>,
      %mul3A_904 = arith.constant 2 : i32
      %mul3A_905 = vector.broadcast %mul3A_904 : i32 to vector<16xi32>
      %mul3A_906 = arith.muli %iota3A, %mul3A_905 : vector<16xi32>
      %add3A_907 = arith.constant 705 : i32
      %add3A_908 = vector.broadcast %add3A_907 : i32 to vector<16xi32>
      %add3A_909 = arith.addi %mul3A_906, %add3A_908 : vector<16xi32>
      %gather3A_910 = tpu.vector_load_idx %arg7[%add3A_909] : memref<800xi32, #tpu.memory_space<vmem>>[vector<16xi32>], vector<16xi32>,
      %swap3A_911 = arith.constant 352 : index
      %swap3A_912 = tpu.vector_load %arg9[%swap3A_911] {strides = array<i32>} : memref<400xi32, #tpu.memory_space<vmem>>, vector<16xi32>,
      tpu.vector_store %arg9[%swap3A_911], %gather3A_910 {strides = array<i32>} : memref<400xi32, #tpu.memory_space<vmem>>, vector<16xi32>,
      %mul3A_913 = arith.constant 2 : i32
      %mul3A_914 = vector.broadcast %mul3A_913 : i32 to vector<16xi32>
      %mul3A_915 = arith.muli %iota3A, %mul3A_914 : vector<16xi32>
      %add3A_916 = arith.constant 737 : i32
      %add3A_917 = vector.broadcast %add3A_916 : i32 to vector<16xi32>
      %add3A_918 = arith.addi %mul3A_915, %add3A_917 : vector<16xi32>
      %gather3A_919 = tpu.vector_load_idx %arg7[%add3A_918] : memref<800xi32, #tpu.memory_space<vmem>>[vector<16xi32>], vector<16xi32>,
      %swap3A_920 = arith.constant 368 : index
      %swap3A_921 = tpu.vector_load %arg9[%swap3A_920] {strides = array<i32>} : memref<400xi32, #tpu.memory_space<vmem>>, vector<16xi32>,
      tpu.vector_store %arg9[%swap3A_920], %gather3A_919 {strides = array<i32>} : memref<400xi32, #tpu.memory_space<vmem>>, vector<16xi32>,
      %mul3A_922 = arith.constant 2 : i32
      %mul3A_923 = vector.broadcast %mul3A_922 : i32 to vector<16xi32>
      %mul3A_924 = arith.muli %iota3A, %mul3A_923 : vector<16xi32>
      %add3A_925 = arith.constant 769 : i32
      %add3A_926 = vector.broadcast %add3A_925 : i32 to vector<16xi32>
      %add3A_927 = arith.addi %mul3A_924, %add3A_926 : vector<16xi32>
      %gather3A_928 = tpu.vector_load_idx %arg7[%add3A_927] : memref<800xi32, #tpu.memory_space<vmem>>[vector<16xi32>], vector<16xi32>,
      %swap3A_929 = arith.constant 384 : index
      %swap3A_930 = tpu.vector_load %arg9[%swap3A_929] {strides = array<i32>} : memref<400xi32, #tpu.memory_space<vmem>>, vector<16xi32>,
      tpu.vector_store %arg9[%swap3A_929], %gather3A_928 {strides = array<i32>} : memref<400xi32, #tpu.memory_space<vmem>>, vector<16xi32>,
      %dma_start3A_931 = arith.constant 0 : i32
      %dma_start3A_932 = arith.constant 0 : i32
      %dma_start3A_933 = tpu.memref_slice %arg11[%dma_start3A_931, %dma_start3A_932] : memref<400x128xf32, #tpu.memory_space<vmem>> -> memref<80x128xf32, #tpu.memory_space<vmem>>
      %dma_start3A_934 = arith.constant 0 : i32
      %dma_start3A_935 = tpu.memref_slice %arg9[%dma_start3A_934] : memref<400xi32, #tpu.memory_space<vmem>> -> memref<80xi32, #tpu.memory_space<vmem>>
      %dma_start3A_936 = arith.constant 0 : i32
      %dma_start3A_937 = arith.constant 0 : i32
      %dma_start3A_938 = tpu.memref_slice %arg2[%dma_start3A_936, %dma_start3A_937] : memref<10000x128xf32, #tpu.memory_space<hbm>> -> memref<10000x128xf32, #tpu.memory_space<hbm>>
      tpu.enqueue_indirect_dma source(%dma_start3A_938 : memref<10000x128xf32, #tpu.memory_space<hbm>>) target(%dma_start3A_933 : memref<80x128xf32, #tpu.memory_space<vmem>>) offsets(%dma_start3A_935 : memref<80xi32, #tpu.memory_space<vmem>>) semaphore(%arg15 : memref<!tpu.dma_semaphore, #tpu.memory_space<semaphore_mem>>)
      %dma_start3A_939 = arith.constant 80 : i32
      %dma_start3A_940 = arith.constant 0 : i32
      %dma_start3A_941 = tpu.memref_slice %arg11[%dma_start3A_939, %dma_start3A_940] : memref<400x128xf32, #tpu.memory_space<vmem>> -> memref<80x128xf32, #tpu.memory_space<vmem>>
      %dma_start3A_942 = arith.constant 80 : i32
      %dma_start3A_943 = tpu.memref_slice %arg9[%dma_start3A_942] : memref<400xi32, #tpu.memory_space<vmem>> -> memref<80xi32, #tpu.memory_space<vmem>>
      %dma_start3A_944 = arith.constant 0 : i32
      %dma_start3A_945 = arith.constant 0 : i32
      %dma_start3A_946 = tpu.memref_slice %arg2[%dma_start3A_944, %dma_start3A_945] : memref<10000x128xf32, #tpu.memory_space<hbm>> -> memref<10000x128xf32, #tpu.memory_space<hbm>>
      tpu.enqueue_indirect_dma source(%dma_start3A_946 : memref<10000x128xf32, #tpu.memory_space<hbm>>) target(%dma_start3A_941 : memref<80x128xf32, #tpu.memory_space<vmem>>) offsets(%dma_start3A_943 : memref<80xi32, #tpu.memory_space<vmem>>) semaphore(%arg15 : memref<!tpu.dma_semaphore, #tpu.memory_space<semaphore_mem>>)
      %dma_start3A_947 = arith.constant 160 : i32
      %dma_start3A_948 = arith.constant 0 : i32
      %dma_start3A_949 = tpu.memref_slice %arg11[%dma_start3A_947, %dma_start3A_948] : memref<400x128xf32, #tpu.memory_space<vmem>> -> memref<80x128xf32, #tpu.memory_space<vmem>>
      %dma_start3A_950 = arith.constant 160 : i32
      %dma_start3A_951 = tpu.memref_slice %arg9[%dma_start3A_950] : memref<400xi32, #tpu.memory_space<vmem>> -> memref<80xi32, #tpu.memory_space<vmem>>
      %dma_start3A_952 = arith.constant 0 : i32
      %dma_start3A_953 = arith.constant 0 : i32
      %dma_start3A_954 = tpu.memref_slice %arg2[%dma_start3A_952, %dma_start3A_953] : memref<10000x128xf32, #tpu.memory_space<hbm>> -> memref<10000x128xf32, #tpu.memory_space<hbm>>
      tpu.enqueue_indirect_dma source(%dma_start3A_954 : memref<10000x128xf32, #tpu.memory_space<hbm>>) target(%dma_start3A_949 : memref<80x128xf32, #tpu.memory_space<vmem>>) offsets(%dma_start3A_951 : memref<80xi32, #tpu.memory_space<vmem>>) semaphore(%arg15 : memref<!tpu.dma_semaphore, #tpu.memory_space<semaphore_mem>>)
      %dma_start3A_955 = arith.constant 240 : i32
      %dma_start3A_956 = arith.constant 0 : i32
      %dma_start3A_957 = tpu.memref_slice %arg11[%dma_start3A_955, %dma_start3A_956] : memref<400x128xf32, #tpu.memory_space<vmem>> -> memref<80x128xf32, #tpu.memory_space<vmem>>
      %dma_start3A_958 = arith.constant 240 : i32
      %dma_start3A_959 = tpu.memref_slice %arg9[%dma_start3A_958] : memref<400xi32, #tpu.memory_space<vmem>> -> memref<80xi32, #tpu.memory_space<vmem>>
      %dma_start3A_960 = arith.constant 0 : i32
      %dma_start3A_961 = arith.constant 0 : i32
      %dma_start3A_962 = tpu.memref_slice %arg2[%dma_start3A_960, %dma_start3A_961] : memref<10000x128xf32, #tpu.memory_space<hbm>> -> memref<10000x128xf32, #tpu.memory_space<hbm>>
      tpu.enqueue_indirect_dma source(%dma_start3A_962 : memref<10000x128xf32, #tpu.memory_space<hbm>>) target(%dma_start3A_957 : memref<80x128xf32, #tpu.memory_space<vmem>>) offsets(%dma_start3A_959 : memref<80xi32, #tpu.memory_space<vmem>>) semaphore(%arg15 : memref<!tpu.dma_semaphore, #tpu.memory_space<semaphore_mem>>)
      %dma_start3A_963 = arith.constant 320 : i32
      %dma_start3A_964 = arith.constant 0 : i32
      %dma_start3A_965 = tpu.memref_slice %arg11[%dma_start3A_963, %dma_start3A_964] : memref<400x128xf32, #tpu.memory_space<vmem>> -> memref<80x128xf32, #tpu.memory_space<vmem>>
      %dma_start3A_966 = arith.constant 320 : i32
      %dma_start3A_967 = tpu.memref_slice %arg9[%dma_start3A_966] : memref<400xi32, #tpu.memory_space<vmem>> -> memref<80xi32, #tpu.memory_space<vmem>>
      %dma_start3A_968 = arith.constant 0 : i32
      %dma_start3A_969 = arith.constant 0 : i32
      %dma_start3A_970 = tpu.memref_slice %arg2[%dma_start3A_968, %dma_start3A_969] : memref<10000x128xf32, #tpu.memory_space<hbm>> -> memref<10000x128xf32, #tpu.memory_space<hbm>>
      tpu.enqueue_indirect_dma source(%dma_start3A_970 : memref<10000x128xf32, #tpu.memory_space<hbm>>) target(%dma_start3A_965 : memref<80x128xf32, #tpu.memory_space<vmem>>) offsets(%dma_start3A_967 : memref<80xi32, #tpu.memory_space<vmem>>) semaphore(%arg15 : memref<!tpu.dma_semaphore, #tpu.memory_space<semaphore_mem>>)
      %add3A_971 = arith.constant 1 : i32
      %add3A_972 = arith.addi %add3A_699, %add3A_971 : i32
      %le3A = arith.constant 24 : i32
      %le3A_973 = arith.cmpi sle, %add3A_972, %le3A : i32
      %convert_element_type3A_974 = arith.extui %le3A_973 : i1 to i32
      %cond3A_975 = arith.constant 0 : i32
      %cond3A_976 = arith.cmpi ne, %convert_element_type3A_974, %cond3A_975 : i32
      scf.if %cond3A_976 {
        %add3A_1363 = arith.constant 1 : i32
        %add3A_1364 = arith.addi %add3A_699, %add3A_1363 : i32
        %mul3A_1365 = arith.constant 2 : i32
        %mul3A_1366 = arith.muli %mul3A_1365, %mul3A_2 : i32
        %mul3A_1367 = arith.constant 800 : i32
        %mul3A_1368 = arith.muli %add3A_1364, %mul3A_1367 : i32
        %add3A_1369 = arith.addi %mul3A_1366, %mul3A_1368 : i32
        %multiple_of3A_1370 = tpu.assume_multiple %add3A_1369, 8 : i32
        %dma_start3A_1371 = tpu.memref_slice %arg3[%multiple_of3A_1370] : memref<640000xi32, #tpu.memory_space<hbm>> -> memref<800xi32, #tpu.memory_space<hbm>>
        %dma_start3A_1372 = tpu.memref_slice %arg3[%multiple_of3A_1370] : memref<640000xi32, #tpu.memory_space<hbm>> -> memref<800xi32, #tpu.memory_space<hbm>>
        tpu.enqueue_dma source(%dma_start3A_1372 : memref<800xi32, #tpu.memory_space<hbm>>) target(%arg6 : memref<800xi32, #tpu.memory_space<vmem>>) target_semaphore(%arg12 : memref<!tpu.dma_semaphore, #tpu.memory_space<semaphore_mem>>)
      } else {
      }
      %dma_wait3A_977 = arith.constant 0 : i32
      %dma_wait3A_978 = arith.constant 0 : i32
      %dma_wait3A_979 = tpu.memref_slice %arg10[%dma_wait3A_977, %dma_wait3A_978] : memref<400x128xf32, #tpu.memory_space<vmem>> -> memref<80x128xf32, #tpu.memory_space<vmem>>
      %dma_wait3A_980 = arith.constant 0 : i32
      %dma_wait3A_981 = tpu.memref_slice %arg8[%dma_wait3A_980] : memref<400xi32, #tpu.memory_space<vmem>> -> memref<80xi32, #tpu.memory_space<vmem>>
      %dma_wait3A_982 = arith.constant 0 : i32
      %dma_wait3A_983 = arith.constant 0 : i32
      %dma_wait3A_984 = tpu.memref_slice %arg2[%dma_wait3A_982, %dma_wait3A_983] : memref<10000x128xf32, #tpu.memory_space<hbm>> -> memref<10000x128xf32, #tpu.memory_space<hbm>>
      tpu.wait_indirect_dma semaphore(%arg14 : memref<!tpu.dma_semaphore, #tpu.memory_space<semaphore_mem>>) src(%dma_wait3A_984 : memref<10000x128xf32, #tpu.memory_space<hbm>>) dst(%dma_wait3A_979 : memref<80x128xf32, #tpu.memory_space<vmem>>)
      %dma_wait3A_985 = arith.constant 80 : i32
      %dma_wait3A_986 = arith.constant 0 : i32
      %dma_wait3A_987 = tpu.memref_slice %arg10[%dma_wait3A_985, %dma_wait3A_986] : memref<400x128xf32, #tpu.memory_space<vmem>> -> memref<80x128xf32, #tpu.memory_space<vmem>>
      %dma_wait3A_988 = arith.constant 0 : i32
      %dma_wait3A_989 = tpu.memref_slice %arg8[%dma_wait3A_988] : memref<400xi32, #tpu.memory_space<vmem>> -> memref<80xi32, #tpu.memory_space<vmem>>
      %dma_wait3A_990 = arith.constant 0 : i32
      %dma_wait3A_991 = arith.constant 0 : i32
      %dma_wait3A_992 = tpu.memref_slice %arg2[%dma_wait3A_990, %dma_wait3A_991] : memref<10000x128xf32, #tpu.memory_space<hbm>> -> memref<10000x128xf32, #tpu.memory_space<hbm>>
      tpu.wait_indirect_dma semaphore(%arg14 : memref<!tpu.dma_semaphore, #tpu.memory_space<semaphore_mem>>) src(%dma_wait3A_992 : memref<10000x128xf32, #tpu.memory_space<hbm>>) dst(%dma_wait3A_987 : memref<80x128xf32, #tpu.memory_space<vmem>>)
      %dma_wait3A_993 = arith.constant 160 : i32
      %dma_wait3A_994 = arith.constant 0 : i32
      %dma_wait3A_995 = tpu.memref_slice %arg10[%dma_wait3A_993, %dma_wait3A_994] : memref<400x128xf32, #tpu.memory_space<vmem>> -> memref<80x128xf32, #tpu.memory_space<vmem>>
      %dma_wait3A_996 = arith.constant 0 : i32
      %dma_wait3A_997 = tpu.memref_slice %arg8[%dma_wait3A_996] : memref<400xi32, #tpu.memory_space<vmem>> -> memref<80xi32, #tpu.memory_space<vmem>>
      %dma_wait3A_998 = arith.constant 0 : i32
      %dma_wait3A_999 = arith.constant 0 : i32
      %dma_wait3A_1000 = tpu.memref_slice %arg2[%dma_wait3A_998, %dma_wait3A_999] : memref<10000x128xf32, #tpu.memory_space<hbm>> -> memref<10000x128xf32, #tpu.memory_space<hbm>>
      tpu.wait_indirect_dma semaphore(%arg14 : memref<!tpu.dma_semaphore, #tpu.memory_space<semaphore_mem>>) src(%dma_wait3A_1000 : memref<10000x128xf32, #tpu.memory_space<hbm>>) dst(%dma_wait3A_995 : memref<80x128xf32, #tpu.memory_space<vmem>>)
      %dma_wait3A_1001 = arith.constant 240 : i32
      %dma_wait3A_1002 = arith.constant 0 : i32
      %dma_wait3A_1003 = tpu.memref_slice %arg10[%dma_wait3A_1001, %dma_wait3A_1002] : memref<400x128xf32, #tpu.memory_space<vmem>> -> memref<80x128xf32, #tpu.memory_space<vmem>>
      %dma_wait3A_1004 = arith.constant 0 : i32
      %dma_wait3A_1005 = tpu.memref_slice %arg8[%dma_wait3A_1004] : memref<400xi32, #tpu.memory_space<vmem>> -> memref<80xi32, #tpu.memory_space<vmem>>
      %dma_wait3A_1006 = arith.constant 0 : i32
      %dma_wait3A_1007 = arith.constant 0 : i32
      %dma_wait3A_1008 = tpu.memref_slice %arg2[%dma_wait3A_1006, %dma_wait3A_1007] : memref<10000x128xf32, #tpu.memory_space<hbm>> -> memref<10000x128xf32, #tpu.memory_space<hbm>>
      tpu.wait_indirect_dma semaphore(%arg14 : memref<!tpu.dma_semaphore, #tpu.memory_space<semaphore_mem>>) src(%dma_wait3A_1008 : memref<10000x128xf32, #tpu.memory_space<hbm>>) dst(%dma_wait3A_1003 : memref<80x128xf32, #tpu.memory_space<vmem>>)
      %dma_wait3A_1009 = arith.constant 320 : i32
      %dma_wait3A_1010 = arith.constant 0 : i32
      %dma_wait3A_1011 = tpu.memref_slice %arg10[%dma_wait3A_1009, %dma_wait3A_1010] : memref<400x128xf32, #tpu.memory_space<vmem>> -> memref<80x128xf32, #tpu.memory_space<vmem>>
      %dma_wait3A_1012 = arith.constant 0 : i32
      %dma_wait3A_1013 = tpu.memref_slice %arg8[%dma_wait3A_1012] : memref<400xi32, #tpu.memory_space<vmem>> -> memref<80xi32, #tpu.memory_space<vmem>>
      %dma_wait3A_1014 = arith.constant 0 : i32
      %dma_wait3A_1015 = arith.constant 0 : i32
      %dma_wait3A_1016 = tpu.memref_slice %arg2[%dma_wait3A_1014, %dma_wait3A_1015] : memref<10000x128xf32, #tpu.memory_space<hbm>> -> memref<10000x128xf32, #tpu.memory_space<hbm>>
      tpu.wait_indirect_dma semaphore(%arg14 : memref<!tpu.dma_semaphore, #tpu.memory_space<semaphore_mem>>) src(%dma_wait3A_1016 : memref<10000x128xf32, #tpu.memory_space<hbm>>) dst(%dma_wait3A_1011 : memref<80x128xf32, #tpu.memory_space<vmem>>)
      %sub3A = arith.constant 1 : i32
      %sub3A_1017 = arith.subi %add3A_699, %sub3A : i32
      %mul3A_1018 = arith.constant 400 : i32
      %mul3A_1019 = arith.muli %sub3A_1017, %mul3A_1018 : i32
      %add3A_1020 = arith.addi %mul3A_2, %mul3A_1019 : i32
      %multiple_of3A_1021 = tpu.assume_multiple %add3A_1020, 8 : i32
      %dma_start3A_1022 = arith.constant 0 : i32
      %dma_start3A_1023 = tpu.memref_slice %arg5[%multiple_of3A_1021, %dma_start3A_1022] : memref<320000x128xf32, #tpu.memory_space<hbm>> -> memref<400x128xf32, #tpu.memory_space<hbm>>
      %dma_start3A_1024 = arith.constant 0 : i32
      %dma_start3A_1025 = tpu.memref_slice %arg5[%multiple_of3A_1021, %dma_start3A_1024] : memref<320000x128xf32, #tpu.memory_space<hbm>> -> memref<400x128xf32, #tpu.memory_space<hbm>>
      tpu.enqueue_dma source(%arg10 : memref<400x128xf32, #tpu.memory_space<vmem>>) target(%dma_start3A_1025 : memref<400x128xf32, #tpu.memory_space<hbm>>) target_semaphore(%arg16 : memref<!tpu.dma_semaphore, #tpu.memory_space<semaphore_mem>>)
      %mul3A_1026 = arith.constant 2 : i32
      %mul3A_1027 = arith.muli %mul3A_1026, %scan3A_693 : i32
      %add3A_1028 = arith.constant 1 : i32
      %add3A_1029 = arith.addi %add3A_1028, %mul3A_1027 : i32
      %add3A_1030 = arith.constant 1 : i32
      %add3A_1031 = arith.addi %add3A_1029, %add3A_1030 : i32
      %ge3A_1032 = arith.constant 2 : i32
      %ge3A_1033 = arith.cmpi sge, %add3A_1031, %ge3A_1032 : i32
      %convert_element_type3A_1034 = arith.extui %ge3A_1033 : i1 to i32
      %cond3A_1035 = arith.constant 0 : i32
      %cond3A_1036 = arith.cmpi ne, %convert_element_type3A_1034, %cond3A_1035 : i32
      scf.if %cond3A_1036 {
        %dma_wait3A_1363 = arith.constant 0 : i32
        %dma_wait3A_1364 = arith.constant 0 : i32
        %dma_wait3A_1365 = tpu.memref_slice %arg5[%dma_wait3A_1363, %dma_wait3A_1364] : memref<320000x128xf32, #tpu.memory_space<hbm>> -> memref<400x128xf32, #tpu.memory_space<hbm>>
        %dma_wait3A_1366 = arith.constant 0 : i32
        %dma_wait3A_1367 = arith.constant 0 : i32
        %dma_wait3A_1368 = tpu.memref_slice %arg5[%dma_wait3A_1366, %dma_wait3A_1367] : memref<320000x128xf32, #tpu.memory_space<hbm>> -> memref<400x128xf32, #tpu.memory_space<hbm>>
        tpu.wait_dma2 semaphore(%arg16 : memref<!tpu.dma_semaphore, #tpu.memory_space<semaphore_mem>>) src(%arg10 : memref<400x128xf32, #tpu.memory_space<vmem>>) dst(%dma_wait3A_1368 : memref<400x128xf32, #tpu.memory_space<hbm>>)
      } else {
      }
      %dma_wait3A_1037 = arith.constant 0 : i32
      %dma_wait3A_1038 = tpu.memref_slice %arg3[%dma_wait3A_1037] : memref<640000xi32, #tpu.memory_space<hbm>> -> memref<800xi32, #tpu.memory_space<hbm>>
      %dma_wait3A_1039 = arith.constant 0 : i32
      %dma_wait3A_1040 = tpu.memref_slice %arg3[%dma_wait3A_1039] : memref<640000xi32, #tpu.memory_space<hbm>> -> memref<800xi32, #tpu.memory_space<hbm>>
      tpu.wait_dma2 semaphore(%arg12 : memref<!tpu.dma_semaphore, #tpu.memory_space<semaphore_mem>>) src(%dma_wait3A_1040 : memref<800xi32, #tpu.memory_space<hbm>>) dst(%arg6 : memref<800xi32, #tpu.memory_space<vmem>>)
      %mul3A_1041 = arith.constant 2 : i32
      %mul3A_1042 = vector.broadcast %mul3A_1041 : i32 to vector<16xi32>
      %mul3A_1043 = arith.muli %iota3A, %mul3A_1042 : vector<16xi32>
      %add3A_1044 = arith.constant 1 : i32
      %add3A_1045 = vector.broadcast %add3A_1044 : i32 to vector<16xi32>
      %add3A_1046 = arith.addi %mul3A_1043, %add3A_1045 : vector<16xi32>
      %gather3A_1047 = tpu.vector_load_idx %arg6[%add3A_1046] : memref<800xi32, #tpu.memory_space<vmem>>[vector<16xi32>], vector<16xi32>,
      %swap3A_1048 = arith.constant 0 : index
      %swap3A_1049 = tpu.vector_load %arg8[%swap3A_1048] {strides = array<i32>} : memref<400xi32, #tpu.memory_space<vmem>>, vector<16xi32>,
      tpu.vector_store %arg8[%swap3A_1048], %gather3A_1047 {strides = array<i32>} : memref<400xi32, #tpu.memory_space<vmem>>, vector<16xi32>,
      %mul3A_1050 = arith.constant 2 : i32
      %mul3A_1051 = vector.broadcast %mul3A_1050 : i32 to vector<16xi32>
      %mul3A_1052 = arith.muli %iota3A, %mul3A_1051 : vector<16xi32>
      %add3A_1053 = arith.constant 33 : i32
      %add3A_1054 = vector.broadcast %add3A_1053 : i32 to vector<16xi32>
      %add3A_1055 = arith.addi %mul3A_1052, %add3A_1054 : vector<16xi32>
      %gather3A_1056 = tpu.vector_load_idx %arg6[%add3A_1055] : memref<800xi32, #tpu.memory_space<vmem>>[vector<16xi32>], vector<16xi32>,
      %swap3A_1057 = arith.constant 16 : index
      %swap3A_1058 = tpu.vector_load %arg8[%swap3A_1057] {strides = array<i32>} : memref<400xi32, #tpu.memory_space<vmem>>, vector<16xi32>,
      tpu.vector_store %arg8[%swap3A_1057], %gather3A_1056 {strides = array<i32>} : memref<400xi32, #tpu.memory_space<vmem>>, vector<16xi32>,
      %mul3A_1059 = arith.constant 2 : i32
      %mul3A_1060 = vector.broadcast %mul3A_1059 : i32 to vector<16xi32>
      %mul3A_1061 = arith.muli %iota3A, %mul3A_1060 : vector<16xi32>
      %add3A_1062 = arith.constant 65 : i32
      %add3A_1063 = vector.broadcast %add3A_1062 : i32 to vector<16xi32>
      %add3A_1064 = arith.addi %mul3A_1061, %add3A_1063 : vector<16xi32>
      %gather3A_1065 = tpu.vector_load_idx %arg6[%add3A_1064] : memref<800xi32, #tpu.memory_space<vmem>>[vector<16xi32>], vector<16xi32>,
      %swap3A_1066 = arith.constant 32 : index
      %swap3A_1067 = tpu.vector_load %arg8[%swap3A_1066] {strides = array<i32>} : memref<400xi32, #tpu.memory_space<vmem>>, vector<16xi32>,
      tpu.vector_store %arg8[%swap3A_1066], %gather3A_1065 {strides = array<i32>} : memref<400xi32, #tpu.memory_space<vmem>>, vector<16xi32>,
      %mul3A_1068 = arith.constant 2 : i32
      %mul3A_1069 = vector.broadcast %mul3A_1068 : i32 to vector<16xi32>
      %mul3A_1070 = arith.muli %iota3A, %mul3A_1069 : vector<16xi32>
      %add3A_1071 = arith.constant 97 : i32
      %add3A_1072 = vector.broadcast %add3A_1071 : i32 to vector<16xi32>
      %add3A_1073 = arith.addi %mul3A_1070, %add3A_1072 : vector<16xi32>
      %gather3A_1074 = tpu.vector_load_idx %arg6[%add3A_1073] : memref<800xi32, #tpu.memory_space<vmem>>[vector<16xi32>], vector<16xi32>,
      %swap3A_1075 = arith.constant 48 : index
      %swap3A_1076 = tpu.vector_load %arg8[%swap3A_1075] {strides = array<i32>} : memref<400xi32, #tpu.memory_space<vmem>>, vector<16xi32>,
      tpu.vector_store %arg8[%swap3A_1075], %gather3A_1074 {strides = array<i32>} : memref<400xi32, #tpu.memory_space<vmem>>, vector<16xi32>,
      %mul3A_1077 = arith.constant 2 : i32
      %mul3A_1078 = vector.broadcast %mul3A_1077 : i32 to vector<16xi32>
      %mul3A_1079 = arith.muli %iota3A, %mul3A_1078 : vector<16xi32>
      %add3A_1080 = arith.constant 129 : i32
      %add3A_1081 = vector.broadcast %add3A_1080 : i32 to vector<16xi32>
      %add3A_1082 = arith.addi %mul3A_1079, %add3A_1081 : vector<16xi32>
      %gather3A_1083 = tpu.vector_load_idx %arg6[%add3A_1082] : memref<800xi32, #tpu.memory_space<vmem>>[vector<16xi32>], vector<16xi32>,
      %swap3A_1084 = arith.constant 64 : index
      %swap3A_1085 = tpu.vector_load %arg8[%swap3A_1084] {strides = array<i32>} : memref<400xi32, #tpu.memory_space<vmem>>, vector<16xi32>,
      tpu.vector_store %arg8[%swap3A_1084], %gather3A_1083 {strides = array<i32>} : memref<400xi32, #tpu.memory_space<vmem>>, vector<16xi32>,
      %mul3A_1086 = arith.constant 2 : i32
      %mul3A_1087 = vector.broadcast %mul3A_1086 : i32 to vector<16xi32>
      %mul3A_1088 = arith.muli %iota3A, %mul3A_1087 : vector<16xi32>
      %add3A_1089 = arith.constant 161 : i32
      %add3A_1090 = vector.broadcast %add3A_1089 : i32 to vector<16xi32>
      %add3A_1091 = arith.addi %mul3A_1088, %add3A_1090 : vector<16xi32>
      %gather3A_1092 = tpu.vector_load_idx %arg6[%add3A_1091] : memref<800xi32, #tpu.memory_space<vmem>>[vector<16xi32>], vector<16xi32>,
      %swap3A_1093 = arith.constant 80 : index
      %swap3A_1094 = tpu.vector_load %arg8[%swap3A_1093] {strides = array<i32>} : memref<400xi32, #tpu.memory_space<vmem>>, vector<16xi32>,
      tpu.vector_store %arg8[%swap3A_1093], %gather3A_1092 {strides = array<i32>} : memref<400xi32, #tpu.memory_space<vmem>>, vector<16xi32>,
      %mul3A_1095 = arith.constant 2 : i32
      %mul3A_1096 = vector.broadcast %mul3A_1095 : i32 to vector<16xi32>
      %mul3A_1097 = arith.muli %iota3A, %mul3A_1096 : vector<16xi32>
      %add3A_1098 = arith.constant 193 : i32
      %add3A_1099 = vector.broadcast %add3A_1098 : i32 to vector<16xi32>
      %add3A_1100 = arith.addi %mul3A_1097, %add3A_1099 : vector<16xi32>
      %gather3A_1101 = tpu.vector_load_idx %arg6[%add3A_1100] : memref<800xi32, #tpu.memory_space<vmem>>[vector<16xi32>], vector<16xi32>,
      %swap3A_1102 = arith.constant 96 : index
      %swap3A_1103 = tpu.vector_load %arg8[%swap3A_1102] {strides = array<i32>} : memref<400xi32, #tpu.memory_space<vmem>>, vector<16xi32>,
      tpu.vector_store %arg8[%swap3A_1102], %gather3A_1101 {strides = array<i32>} : memref<400xi32, #tpu.memory_space<vmem>>, vector<16xi32>,
      %mul3A_1104 = arith.constant 2 : i32
      %mul3A_1105 = vector.broadcast %mul3A_1104 : i32 to vector<16xi32>
      %mul3A_1106 = arith.muli %iota3A, %mul3A_1105 : vector<16xi32>
      %add3A_1107 = arith.constant 225 : i32
      %add3A_1108 = vector.broadcast %add3A_1107 : i32 to vector<16xi32>
      %add3A_1109 = arith.addi %mul3A_1106, %add3A_1108 : vector<16xi32>
      %gather3A_1110 = tpu.vector_load_idx %arg6[%add3A_1109] : memref<800xi32, #tpu.memory_space<vmem>>[vector<16xi32>], vector<16xi32>,
      %swap3A_1111 = arith.constant 112 : index
      %swap3A_1112 = tpu.vector_load %arg8[%swap3A_1111] {strides = array<i32>} : memref<400xi32, #tpu.memory_space<vmem>>, vector<16xi32>,
      tpu.vector_store %arg8[%swap3A_1111], %gather3A_1110 {strides = array<i32>} : memref<400xi32, #tpu.memory_space<vmem>>, vector<16xi32>,
      %mul3A_1113 = arith.constant 2 : i32
      %mul3A_1114 = vector.broadcast %mul3A_1113 : i32 to vector<16xi32>
      %mul3A_1115 = arith.muli %iota3A, %mul3A_1114 : vector<16xi32>
      %add3A_1116 = arith.constant 257 : i32
      %add3A_1117 = vector.broadcast %add3A_1116 : i32 to vector<16xi32>
      %add3A_1118 = arith.addi %mul3A_1115, %add3A_1117 : vector<16xi32>
      %gather3A_1119 = tpu.vector_load_idx %arg6[%add3A_1118] : memref<800xi32, #tpu.memory_space<vmem>>[vector<16xi32>], vector<16xi32>,
      %swap3A_1120 = arith.constant 128 : index
      %swap3A_1121 = tpu.vector_load %arg8[%swap3A_1120] {strides = array<i32>} : memref<400xi32, #tpu.memory_space<vmem>>, vector<16xi32>,
      tpu.vector_store %arg8[%swap3A_1120], %gather3A_1119 {strides = array<i32>} : memref<400xi32, #tpu.memory_space<vmem>>, vector<16xi32>,
      %mul3A_1122 = arith.constant 2 : i32
      %mul3A_1123 = vector.broadcast %mul3A_1122 : i32 to vector<16xi32>
      %mul3A_1124 = arith.muli %iota3A, %mul3A_1123 : vector<16xi32>
      %add3A_1125 = arith.constant 289 : i32
      %add3A_1126 = vector.broadcast %add3A_1125 : i32 to vector<16xi32>
      %add3A_1127 = arith.addi %mul3A_1124, %add3A_1126 : vector<16xi32>
      %gather3A_1128 = tpu.vector_load_idx %arg6[%add3A_1127] : memref<800xi32, #tpu.memory_space<vmem>>[vector<16xi32>], vector<16xi32>,
      %swap3A_1129 = arith.constant 144 : index
      %swap3A_1130 = tpu.vector_load %arg8[%swap3A_1129] {strides = array<i32>} : memref<400xi32, #tpu.memory_space<vmem>>, vector<16xi32>,
      tpu.vector_store %arg8[%swap3A_1129], %gather3A_1128 {strides = array<i32>} : memref<400xi32, #tpu.memory_space<vmem>>, vector<16xi32>,
      %mul3A_1131 = arith.constant 2 : i32
      %mul3A_1132 = vector.broadcast %mul3A_1131 : i32 to vector<16xi32>
      %mul3A_1133 = arith.muli %iota3A, %mul3A_1132 : vector<16xi32>
      %add3A_1134 = arith.constant 321 : i32
      %add3A_1135 = vector.broadcast %add3A_1134 : i32 to vector<16xi32>
      %add3A_1136 = arith.addi %mul3A_1133, %add3A_1135 : vector<16xi32>
      %gather3A_1137 = tpu.vector_load_idx %arg6[%add3A_1136] : memref<800xi32, #tpu.memory_space<vmem>>[vector<16xi32>], vector<16xi32>,
      %swap3A_1138 = arith.constant 160 : index
      %swap3A_1139 = tpu.vector_load %arg8[%swap3A_1138] {strides = array<i32>} : memref<400xi32, #tpu.memory_space<vmem>>, vector<16xi32>,
      tpu.vector_store %arg8[%swap3A_1138], %gather3A_1137 {strides = array<i32>} : memref<400xi32, #tpu.memory_space<vmem>>, vector<16xi32>,
      %mul3A_1140 = arith.constant 2 : i32
      %mul3A_1141 = vector.broadcast %mul3A_1140 : i32 to vector<16xi32>
      %mul3A_1142 = arith.muli %iota3A, %mul3A_1141 : vector<16xi32>
      %add3A_1143 = arith.constant 353 : i32
      %add3A_1144 = vector.broadcast %add3A_1143 : i32 to vector<16xi32>
      %add3A_1145 = arith.addi %mul3A_1142, %add3A_1144 : vector<16xi32>
      %gather3A_1146 = tpu.vector_load_idx %arg6[%add3A_1145] : memref<800xi32, #tpu.memory_space<vmem>>[vector<16xi32>], vector<16xi32>,
      %swap3A_1147 = arith.constant 176 : index
      %swap3A_1148 = tpu.vector_load %arg8[%swap3A_1147] {strides = array<i32>} : memref<400xi32, #tpu.memory_space<vmem>>, vector<16xi32>,
      tpu.vector_store %arg8[%swap3A_1147], %gather3A_1146 {strides = array<i32>} : memref<400xi32, #tpu.memory_space<vmem>>, vector<16xi32>,
      %mul3A_1149 = arith.constant 2 : i32
      %mul3A_1150 = vector.broadcast %mul3A_1149 : i32 to vector<16xi32>
      %mul3A_1151 = arith.muli %iota3A, %mul3A_1150 : vector<16xi32>
      %add3A_1152 = arith.constant 385 : i32
      %add3A_1153 = vector.broadcast %add3A_1152 : i32 to vector<16xi32>
      %add3A_1154 = arith.addi %mul3A_1151, %add3A_1153 : vector<16xi32>
      %gather3A_1155 = tpu.vector_load_idx %arg6[%add3A_1154] : memref<800xi32, #tpu.memory_space<vmem>>[vector<16xi32>], vector<16xi32>,
      %swap3A_1156 = arith.constant 192 : index
      %swap3A_1157 = tpu.vector_load %arg8[%swap3A_1156] {strides = array<i32>} : memref<400xi32, #tpu.memory_space<vmem>>, vector<16xi32>,
      tpu.vector_store %arg8[%swap3A_1156], %gather3A_1155 {strides = array<i32>} : memref<400xi32, #tpu.memory_space<vmem>>, vector<16xi32>,
      %mul3A_1158 = arith.constant 2 : i32
      %mul3A_1159 = vector.broadcast %mul3A_1158 : i32 to vector<16xi32>
      %mul3A_1160 = arith.muli %iota3A, %mul3A_1159 : vector<16xi32>
      %add3A_1161 = arith.constant 417 : i32
      %add3A_1162 = vector.broadcast %add3A_1161 : i32 to vector<16xi32>
      %add3A_1163 = arith.addi %mul3A_1160, %add3A_1162 : vector<16xi32>
      %gather3A_1164 = tpu.vector_load_idx %arg6[%add3A_1163] : memref<800xi32, #tpu.memory_space<vmem>>[vector<16xi32>], vector<16xi32>,
      %swap3A_1165 = arith.constant 208 : index
      %swap3A_1166 = tpu.vector_load %arg8[%swap3A_1165] {strides = array<i32>} : memref<400xi32, #tpu.memory_space<vmem>>, vector<16xi32>,
      tpu.vector_store %arg8[%swap3A_1165], %gather3A_1164 {strides = array<i32>} : memref<400xi32, #tpu.memory_space<vmem>>, vector<16xi32>,
      %mul3A_1167 = arith.constant 2 : i32
      %mul3A_1168 = vector.broadcast %mul3A_1167 : i32 to vector<16xi32>
      %mul3A_1169 = arith.muli %iota3A, %mul3A_1168 : vector<16xi32>
      %add3A_1170 = arith.constant 449 : i32
      %add3A_1171 = vector.broadcast %add3A_1170 : i32 to vector<16xi32>
      %add3A_1172 = arith.addi %mul3A_1169, %add3A_1171 : vector<16xi32>
      %gather3A_1173 = tpu.vector_load_idx %arg6[%add3A_1172] : memref<800xi32, #tpu.memory_space<vmem>>[vector<16xi32>], vector<16xi32>,
      %swap3A_1174 = arith.constant 224 : index
      %swap3A_1175 = tpu.vector_load %arg8[%swap3A_1174] {strides = array<i32>} : memref<400xi32, #tpu.memory_space<vmem>>, vector<16xi32>,
      tpu.vector_store %arg8[%swap3A_1174], %gather3A_1173 {strides = array<i32>} : memref<400xi32, #tpu.memory_space<vmem>>, vector<16xi32>,
      %mul3A_1176 = arith.constant 2 : i32
      %mul3A_1177 = vector.broadcast %mul3A_1176 : i32 to vector<16xi32>
      %mul3A_1178 = arith.muli %iota3A, %mul3A_1177 : vector<16xi32>
      %add3A_1179 = arith.constant 481 : i32
      %add3A_1180 = vector.broadcast %add3A_1179 : i32 to vector<16xi32>
      %add3A_1181 = arith.addi %mul3A_1178, %add3A_1180 : vector<16xi32>
      %gather3A_1182 = tpu.vector_load_idx %arg6[%add3A_1181] : memref<800xi32, #tpu.memory_space<vmem>>[vector<16xi32>], vector<16xi32>,
      %swap3A_1183 = arith.constant 240 : index
      %swap3A_1184 = tpu.vector_load %arg8[%swap3A_1183] {strides = array<i32>} : memref<400xi32, #tpu.memory_space<vmem>>, vector<16xi32>,
      tpu.vector_store %arg8[%swap3A_1183], %gather3A_1182 {strides = array<i32>} : memref<400xi32, #tpu.memory_space<vmem>>, vector<16xi32>,
      %mul3A_1185 = arith.constant 2 : i32
      %mul3A_1186 = vector.broadcast %mul3A_1185 : i32 to vector<16xi32>
      %mul3A_1187 = arith.muli %iota3A, %mul3A_1186 : vector<16xi32>
      %add3A_1188 = arith.constant 513 : i32
      %add3A_1189 = vector.broadcast %add3A_1188 : i32 to vector<16xi32>
      %add3A_1190 = arith.addi %mul3A_1187, %add3A_1189 : vector<16xi32>
      %gather3A_1191 = tpu.vector_load_idx %arg6[%add3A_1190] : memref<800xi32, #tpu.memory_space<vmem>>[vector<16xi32>], vector<16xi32>,
      %swap3A_1192 = arith.constant 256 : index
      %swap3A_1193 = tpu.vector_load %arg8[%swap3A_1192] {strides = array<i32>} : memref<400xi32, #tpu.memory_space<vmem>>, vector<16xi32>,
      tpu.vector_store %arg8[%swap3A_1192], %gather3A_1191 {strides = array<i32>} : memref<400xi32, #tpu.memory_space<vmem>>, vector<16xi32>,
      %mul3A_1194 = arith.constant 2 : i32
      %mul3A_1195 = vector.broadcast %mul3A_1194 : i32 to vector<16xi32>
      %mul3A_1196 = arith.muli %iota3A, %mul3A_1195 : vector<16xi32>
      %add3A_1197 = arith.constant 545 : i32
      %add3A_1198 = vector.broadcast %add3A_1197 : i32 to vector<16xi32>
      %add3A_1199 = arith.addi %mul3A_1196, %add3A_1198 : vector<16xi32>
      %gather3A_1200 = tpu.vector_load_idx %arg6[%add3A_1199] : memref<800xi32, #tpu.memory_space<vmem>>[vector<16xi32>], vector<16xi32>,
      %swap3A_1201 = arith.constant 272 : index
      %swap3A_1202 = tpu.vector_load %arg8[%swap3A_1201] {strides = array<i32>} : memref<400xi32, #tpu.memory_space<vmem>>, vector<16xi32>,
      tpu.vector_store %arg8[%swap3A_1201], %gather3A_1200 {strides = array<i32>} : memref<400xi32, #tpu.memory_space<vmem>>, vector<16xi32>,
      %mul3A_1203 = arith.constant 2 : i32
      %mul3A_1204 = vector.broadcast %mul3A_1203 : i32 to vector<16xi32>
      %mul3A_1205 = arith.muli %iota3A, %mul3A_1204 : vector<16xi32>
      %add3A_1206 = arith.constant 577 : i32
      %add3A_1207 = vector.broadcast %add3A_1206 : i32 to vector<16xi32>
      %add3A_1208 = arith.addi %mul3A_1205, %add3A_1207 : vector<16xi32>
      %gather3A_1209 = tpu.vector_load_idx %arg6[%add3A_1208] : memref<800xi32, #tpu.memory_space<vmem>>[vector<16xi32>], vector<16xi32>,
      %swap3A_1210 = arith.constant 288 : index
      %swap3A_1211 = tpu.vector_load %arg8[%swap3A_1210] {strides = array<i32>} : memref<400xi32, #tpu.memory_space<vmem>>, vector<16xi32>,
      tpu.vector_store %arg8[%swap3A_1210], %gather3A_1209 {strides = array<i32>} : memref<400xi32, #tpu.memory_space<vmem>>, vector<16xi32>,
      %mul3A_1212 = arith.constant 2 : i32
      %mul3A_1213 = vector.broadcast %mul3A_1212 : i32 to vector<16xi32>
      %mul3A_1214 = arith.muli %iota3A, %mul3A_1213 : vector<16xi32>
      %add3A_1215 = arith.constant 609 : i32
      %add3A_1216 = vector.broadcast %add3A_1215 : i32 to vector<16xi32>
      %add3A_1217 = arith.addi %mul3A_1214, %add3A_1216 : vector<16xi32>
      %gather3A_1218 = tpu.vector_load_idx %arg6[%add3A_1217] : memref<800xi32, #tpu.memory_space<vmem>>[vector<16xi32>], vector<16xi32>,
      %swap3A_1219 = arith.constant 304 : index
      %swap3A_1220 = tpu.vector_load %arg8[%swap3A_1219] {strides = array<i32>} : memref<400xi32, #tpu.memory_space<vmem>>, vector<16xi32>,
      tpu.vector_store %arg8[%swap3A_1219], %gather3A_1218 {strides = array<i32>} : memref<400xi32, #tpu.memory_space<vmem>>, vector<16xi32>,
      %mul3A_1221 = arith.constant 2 : i32
      %mul3A_1222 = vector.broadcast %mul3A_1221 : i32 to vector<16xi32>
      %mul3A_1223 = arith.muli %iota3A, %mul3A_1222 : vector<16xi32>
      %add3A_1224 = arith.constant 641 : i32
      %add3A_1225 = vector.broadcast %add3A_1224 : i32 to vector<16xi32>
      %add3A_1226 = arith.addi %mul3A_1223, %add3A_1225 : vector<16xi32>
      %gather3A_1227 = tpu.vector_load_idx %arg6[%add3A_1226] : memref<800xi32, #tpu.memory_space<vmem>>[vector<16xi32>], vector<16xi32>,
      %swap3A_1228 = arith.constant 320 : index
      %swap3A_1229 = tpu.vector_load %arg8[%swap3A_1228] {strides = array<i32>} : memref<400xi32, #tpu.memory_space<vmem>>, vector<16xi32>,
      tpu.vector_store %arg8[%swap3A_1228], %gather3A_1227 {strides = array<i32>} : memref<400xi32, #tpu.memory_space<vmem>>, vector<16xi32>,
      %mul3A_1230 = arith.constant 2 : i32
      %mul3A_1231 = vector.broadcast %mul3A_1230 : i32 to vector<16xi32>
      %mul3A_1232 = arith.muli %iota3A, %mul3A_1231 : vector<16xi32>
      %add3A_1233 = arith.constant 673 : i32
      %add3A_1234 = vector.broadcast %add3A_1233 : i32 to vector<16xi32>
      %add3A_1235 = arith.addi %mul3A_1232, %add3A_1234 : vector<16xi32>
      %gather3A_1236 = tpu.vector_load_idx %arg6[%add3A_1235] : memref<800xi32, #tpu.memory_space<vmem>>[vector<16xi32>], vector<16xi32>,
      %swap3A_1237 = arith.constant 336 : index
      %swap3A_1238 = tpu.vector_load %arg8[%swap3A_1237] {strides = array<i32>} : memref<400xi32, #tpu.memory_space<vmem>>, vector<16xi32>,
      tpu.vector_store %arg8[%swap3A_1237], %gather3A_1236 {strides = array<i32>} : memref<400xi32, #tpu.memory_space<vmem>>, vector<16xi32>,
      %mul3A_1239 = arith.constant 2 : i32
      %mul3A_1240 = vector.broadcast %mul3A_1239 : i32 to vector<16xi32>
      %mul3A_1241 = arith.muli %iota3A, %mul3A_1240 : vector<16xi32>
      %add3A_1242 = arith.constant 705 : i32
      %add3A_1243 = vector.broadcast %add3A_1242 : i32 to vector<16xi32>
      %add3A_1244 = arith.addi %mul3A_1241, %add3A_1243 : vector<16xi32>
      %gather3A_1245 = tpu.vector_load_idx %arg6[%add3A_1244] : memref<800xi32, #tpu.memory_space<vmem>>[vector<16xi32>], vector<16xi32>,
      %swap3A_1246 = arith.constant 352 : index
      %swap3A_1247 = tpu.vector_load %arg8[%swap3A_1246] {strides = array<i32>} : memref<400xi32, #tpu.memory_space<vmem>>, vector<16xi32>,
      tpu.vector_store %arg8[%swap3A_1246], %gather3A_1245 {strides = array<i32>} : memref<400xi32, #tpu.memory_space<vmem>>, vector<16xi32>,
      %mul3A_1248 = arith.constant 2 : i32
      %mul3A_1249 = vector.broadcast %mul3A_1248 : i32 to vector<16xi32>
      %mul3A_1250 = arith.muli %iota3A, %mul3A_1249 : vector<16xi32>
      %add3A_1251 = arith.constant 737 : i32
      %add3A_1252 = vector.broadcast %add3A_1251 : i32 to vector<16xi32>
      %add3A_1253 = arith.addi %mul3A_1250, %add3A_1252 : vector<16xi32>
      %gather3A_1254 = tpu.vector_load_idx %arg6[%add3A_1253] : memref<800xi32, #tpu.memory_space<vmem>>[vector<16xi32>], vector<16xi32>,
      %swap3A_1255 = arith.constant 368 : index
      %swap3A_1256 = tpu.vector_load %arg8[%swap3A_1255] {strides = array<i32>} : memref<400xi32, #tpu.memory_space<vmem>>, vector<16xi32>,
      tpu.vector_store %arg8[%swap3A_1255], %gather3A_1254 {strides = array<i32>} : memref<400xi32, #tpu.memory_space<vmem>>, vector<16xi32>,
      %mul3A_1257 = arith.constant 2 : i32
      %mul3A_1258 = vector.broadcast %mul3A_1257 : i32 to vector<16xi32>
      %mul3A_1259 = arith.muli %iota3A, %mul3A_1258 : vector<16xi32>
      %add3A_1260 = arith.constant 769 : i32
      %add3A_1261 = vector.broadcast %add3A_1260 : i32 to vector<16xi32>
      %add3A_1262 = arith.addi %mul3A_1259, %add3A_1261 : vector<16xi32>
      %gather3A_1263 = tpu.vector_load_idx %arg6[%add3A_1262] : memref<800xi32, #tpu.memory_space<vmem>>[vector<16xi32>], vector<16xi32>,
      %swap3A_1264 = arith.constant 384 : index
      %swap3A_1265 = tpu.vector_load %arg8[%swap3A_1264] {strides = array<i32>} : memref<400xi32, #tpu.memory_space<vmem>>, vector<16xi32>,
      tpu.vector_store %arg8[%swap3A_1264], %gather3A_1263 {strides = array<i32>} : memref<400xi32, #tpu.memory_space<vmem>>, vector<16xi32>,
      %dma_start3A_1266 = arith.constant 0 : i32
      %dma_start3A_1267 = arith.constant 0 : i32
      %dma_start3A_1268 = tpu.memref_slice %arg10[%dma_start3A_1266, %dma_start3A_1267] : memref<400x128xf32, #tpu.memory_space<vmem>> -> memref<80x128xf32, #tpu.memory_space<vmem>>
      %dma_start3A_1269 = arith.constant 0 : i32
      %dma_start3A_1270 = tpu.memref_slice %arg8[%dma_start3A_1269] : memref<400xi32, #tpu.memory_space<vmem>> -> memref<80xi32, #tpu.memory_space<vmem>>
      %dma_start3A_1271 = arith.constant 0 : i32
      %dma_start3A_1272 = arith.constant 0 : i32
      %dma_start3A_1273 = tpu.memref_slice %arg2[%dma_start3A_1271, %dma_start3A_1272] : memref<10000x128xf32, #tpu.memory_space<hbm>> -> memref<10000x128xf32, #tpu.memory_space<hbm>>
      tpu.enqueue_indirect_dma source(%dma_start3A_1273 : memref<10000x128xf32, #tpu.memory_space<hbm>>) target(%dma_start3A_1268 : memref<80x128xf32, #tpu.memory_space<vmem>>) offsets(%dma_start3A_1270 : memref<80xi32, #tpu.memory_space<vmem>>) semaphore(%arg14 : memref<!tpu.dma_semaphore, #tpu.memory_space<semaphore_mem>>)
      %dma_start3A_1274 = arith.constant 80 : i32
      %dma_start3A_1275 = arith.constant 0 : i32
      %dma_start3A_1276 = tpu.memref_slice %arg10[%dma_start3A_1274, %dma_start3A_1275] : memref<400x128xf32, #tpu.memory_space<vmem>> -> memref<80x128xf32, #tpu.memory_space<vmem>>
      %dma_start3A_1277 = arith.constant 80 : i32
      %dma_start3A_1278 = tpu.memref_slice %arg8[%dma_start3A_1277] : memref<400xi32, #tpu.memory_space<vmem>> -> memref<80xi32, #tpu.memory_space<vmem>>
      %dma_start3A_1279 = arith.constant 0 : i32
      %dma_start3A_1280 = arith.constant 0 : i32
      %dma_start3A_1281 = tpu.memref_slice %arg2[%dma_start3A_1279, %dma_start3A_1280] : memref<10000x128xf32, #tpu.memory_space<hbm>> -> memref<10000x128xf32, #tpu.memory_space<hbm>>
      tpu.enqueue_indirect_dma source(%dma_start3A_1281 : memref<10000x128xf32, #tpu.memory_space<hbm>>) target(%dma_start3A_1276 : memref<80x128xf32, #tpu.memory_space<vmem>>) offsets(%dma_start3A_1278 : memref<80xi32, #tpu.memory_space<vmem>>) semaphore(%arg14 : memref<!tpu.dma_semaphore, #tpu.memory_space<semaphore_mem>>)
      %dma_start3A_1282 = arith.constant 160 : i32
      %dma_start3A_1283 = arith.constant 0 : i32
      %dma_start3A_1284 = tpu.memref_slice %arg10[%dma_start3A_1282, %dma_start3A_1283] : memref<400x128xf32, #tpu.memory_space<vmem>> -> memref<80x128xf32, #tpu.memory_space<vmem>>
      %dma_start3A_1285 = arith.constant 160 : i32
      %dma_start3A_1286 = tpu.memref_slice %arg8[%dma_start3A_1285] : memref<400xi32, #tpu.memory_space<vmem>> -> memref<80xi32, #tpu.memory_space<vmem>>
      %dma_start3A_1287 = arith.constant 0 : i32
      %dma_start3A_1288 = arith.constant 0 : i32
      %dma_start3A_1289 = tpu.memref_slice %arg2[%dma_start3A_1287, %dma_start3A_1288] : memref<10000x128xf32, #tpu.memory_space<hbm>> -> memref<10000x128xf32, #tpu.memory_space<hbm>>
      tpu.enqueue_indirect_dma source(%dma_start3A_1289 : memref<10000x128xf32, #tpu.memory_space<hbm>>) target(%dma_start3A_1284 : memref<80x128xf32, #tpu.memory_space<vmem>>) offsets(%dma_start3A_1286 : memref<80xi32, #tpu.memory_space<vmem>>) semaphore(%arg14 : memref<!tpu.dma_semaphore, #tpu.memory_space<semaphore_mem>>)
      %dma_start3A_1290 = arith.constant 240 : i32
      %dma_start3A_1291 = arith.constant 0 : i32
      %dma_start3A_1292 = tpu.memref_slice %arg10[%dma_start3A_1290, %dma_start3A_1291] : memref<400x128xf32, #tpu.memory_space<vmem>> -> memref<80x128xf32, #tpu.memory_space<vmem>>
      %dma_start3A_1293 = arith.constant 240 : i32
      %dma_start3A_1294 = tpu.memref_slice %arg8[%dma_start3A_1293] : memref<400xi32, #tpu.memory_space<vmem>> -> memref<80xi32, #tpu.memory_space<vmem>>
      %dma_start3A_1295 = arith.constant 0 : i32
      %dma_start3A_1296 = arith.constant 0 : i32
      %dma_start3A_1297 = tpu.memref_slice %arg2[%dma_start3A_1295, %dma_start3A_1296] : memref<10000x128xf32, #tpu.memory_space<hbm>> -> memref<10000x128xf32, #tpu.memory_space<hbm>>
      tpu.enqueue_indirect_dma source(%dma_start3A_1297 : memref<10000x128xf32, #tpu.memory_space<hbm>>) target(%dma_start3A_1292 : memref<80x128xf32, #tpu.memory_space<vmem>>) offsets(%dma_start3A_1294 : memref<80xi32, #tpu.memory_space<vmem>>) semaphore(%arg14 : memref<!tpu.dma_semaphore, #tpu.memory_space<semaphore_mem>>)
      %dma_start3A_1298 = arith.constant 320 : i32
      %dma_start3A_1299 = arith.constant 0 : i32
      %dma_start3A_1300 = tpu.memref_slice %arg10[%dma_start3A_1298, %dma_start3A_1299] : memref<400x128xf32, #tpu.memory_space<vmem>> -> memref<80x128xf32, #tpu.memory_space<vmem>>
      %dma_start3A_1301 = arith.constant 320 : i32
      %dma_start3A_1302 = tpu.memref_slice %arg8[%dma_start3A_1301] : memref<400xi32, #tpu.memory_space<vmem>> -> memref<80xi32, #tpu.memory_space<vmem>>
      %dma_start3A_1303 = arith.constant 0 : i32
      %dma_start3A_1304 = arith.constant 0 : i32
      %dma_start3A_1305 = tpu.memref_slice %arg2[%dma_start3A_1303, %dma_start3A_1304] : memref<10000x128xf32, #tpu.memory_space<hbm>> -> memref<10000x128xf32, #tpu.memory_space<hbm>>
      tpu.enqueue_indirect_dma source(%dma_start3A_1305 : memref<10000x128xf32, #tpu.memory_space<hbm>>) target(%dma_start3A_1300 : memref<80x128xf32, #tpu.memory_space<vmem>>) offsets(%dma_start3A_1302 : memref<80xi32, #tpu.memory_space<vmem>>) semaphore(%arg14 : memref<!tpu.dma_semaphore, #tpu.memory_space<semaphore_mem>>)
      %add3A_1306 = arith.constant 1 : i32
      %add3A_1307 = arith.addi %add3A_1031, %add3A_1306 : i32
      %le3A_1308 = arith.constant 24 : i32
      %le3A_1309 = arith.cmpi sle, %add3A_1307, %le3A_1308 : i32
      %convert_element_type3A_1310 = arith.extui %le3A_1309 : i1 to i32
      %cond3A_1311 = arith.constant 0 : i32
      %cond3A_1312 = arith.cmpi ne, %convert_element_type3A_1310, %cond3A_1311 : i32
      scf.if %cond3A_1312 {
        %add3A_1363 = arith.constant 1 : i32
        %add3A_1364 = arith.addi %add3A_1031, %add3A_1363 : i32
        %mul3A_1365 = arith.constant 2 : i32
        %mul3A_1366 = arith.muli %mul3A_1365, %mul3A_2 : i32
        %mul3A_1367 = arith.constant 800 : i32
        %mul3A_1368 = arith.muli %add3A_1364, %mul3A_1367 : i32
        %add3A_1369 = arith.addi %mul3A_1366, %mul3A_1368 : i32
        %multiple_of3A_1370 = tpu.assume_multiple %add3A_1369, 8 : i32
        %dma_start3A_1371 = tpu.memref_slice %arg3[%multiple_of3A_1370] : memref<640000xi32, #tpu.memory_space<hbm>> -> memref<800xi32, #tpu.memory_space<hbm>>
        %dma_start3A_1372 = tpu.memref_slice %arg3[%multiple_of3A_1370] : memref<640000xi32, #tpu.memory_space<hbm>> -> memref<800xi32, #tpu.memory_space<hbm>>
        tpu.enqueue_dma source(%dma_start3A_1372 : memref<800xi32, #tpu.memory_space<hbm>>) target(%arg7 : memref<800xi32, #tpu.memory_space<vmem>>) target_semaphore(%arg13 : memref<!tpu.dma_semaphore, #tpu.memory_space<semaphore_mem>>)
      } else {
      }
      %dma_wait3A_1313 = arith.constant 0 : i32
      %dma_wait3A_1314 = arith.constant 0 : i32
      %dma_wait3A_1315 = tpu.memref_slice %arg11[%dma_wait3A_1313, %dma_wait3A_1314] : memref<400x128xf32, #tpu.memory_space<vmem>> -> memref<80x128xf32, #tpu.memory_space<vmem>>
      %dma_wait3A_1316 = arith.constant 0 : i32
      %dma_wait3A_1317 = tpu.memref_slice %arg9[%dma_wait3A_1316] : memref<400xi32, #tpu.memory_space<vmem>> -> memref<80xi32, #tpu.memory_space<vmem>>
      %dma_wait3A_1318 = arith.constant 0 : i32
      %dma_wait3A_1319 = arith.constant 0 : i32
      %dma_wait3A_1320 = tpu.memref_slice %arg2[%dma_wait3A_1318, %dma_wait3A_1319] : memref<10000x128xf32, #tpu.memory_space<hbm>> -> memref<10000x128xf32, #tpu.memory_space<hbm>>
      tpu.wait_indirect_dma semaphore(%arg15 : memref<!tpu.dma_semaphore, #tpu.memory_space<semaphore_mem>>) src(%dma_wait3A_1320 : memref<10000x128xf32, #tpu.memory_space<hbm>>) dst(%dma_wait3A_1315 : memref<80x128xf32, #tpu.memory_space<vmem>>)
      %dma_wait3A_1321 = arith.constant 80 : i32
      %dma_wait3A_1322 = arith.constant 0 : i32
      %dma_wait3A_1323 = tpu.memref_slice %arg11[%dma_wait3A_1321, %dma_wait3A_1322] : memref<400x128xf32, #tpu.memory_space<vmem>> -> memref<80x128xf32, #tpu.memory_space<vmem>>
      %dma_wait3A_1324 = arith.constant 0 : i32
      %dma_wait3A_1325 = tpu.memref_slice %arg9[%dma_wait3A_1324] : memref<400xi32, #tpu.memory_space<vmem>> -> memref<80xi32, #tpu.memory_space<vmem>>
      %dma_wait3A_1326 = arith.constant 0 : i32
      %dma_wait3A_1327 = arith.constant 0 : i32
      %dma_wait3A_1328 = tpu.memref_slice %arg2[%dma_wait3A_1326, %dma_wait3A_1327] : memref<10000x128xf32, #tpu.memory_space<hbm>> -> memref<10000x128xf32, #tpu.memory_space<hbm>>
      tpu.wait_indirect_dma semaphore(%arg15 : memref<!tpu.dma_semaphore, #tpu.memory_space<semaphore_mem>>) src(%dma_wait3A_1328 : memref<10000x128xf32, #tpu.memory_space<hbm>>) dst(%dma_wait3A_1323 : memref<80x128xf32, #tpu.memory_space<vmem>>)
      %dma_wait3A_1329 = arith.constant 160 : i32
      %dma_wait3A_1330 = arith.constant 0 : i32
      %dma_wait3A_1331 = tpu.memref_slice %arg11[%dma_wait3A_1329, %dma_wait3A_1330] : memref<400x128xf32, #tpu.memory_space<vmem>> -> memref<80x128xf32, #tpu.memory_space<vmem>>
      %dma_wait3A_1332 = arith.constant 0 : i32
      %dma_wait3A_1333 = tpu.memref_slice %arg9[%dma_wait3A_1332] : memref<400xi32, #tpu.memory_space<vmem>> -> memref<80xi32, #tpu.memory_space<vmem>>
      %dma_wait3A_1334 = arith.constant 0 : i32
      %dma_wait3A_1335 = arith.constant 0 : i32
      %dma_wait3A_1336 = tpu.memref_slice %arg2[%dma_wait3A_1334, %dma_wait3A_1335] : memref<10000x128xf32, #tpu.memory_space<hbm>> -> memref<10000x128xf32, #tpu.memory_space<hbm>>
      tpu.wait_indirect_dma semaphore(%arg15 : memref<!tpu.dma_semaphore, #tpu.memory_space<semaphore_mem>>) src(%dma_wait3A_1336 : memref<10000x128xf32, #tpu.memory_space<hbm>>) dst(%dma_wait3A_1331 : memref<80x128xf32, #tpu.memory_space<vmem>>)
      %dma_wait3A_1337 = arith.constant 240 : i32
      %dma_wait3A_1338 = arith.constant 0 : i32
      %dma_wait3A_1339 = tpu.memref_slice %arg11[%dma_wait3A_1337, %dma_wait3A_1338] : memref<400x128xf32, #tpu.memory_space<vmem>> -> memref<80x128xf32, #tpu.memory_space<vmem>>
      %dma_wait3A_1340 = arith.constant 0 : i32
      %dma_wait3A_1341 = tpu.memref_slice %arg9[%dma_wait3A_1340] : memref<400xi32, #tpu.memory_space<vmem>> -> memref<80xi32, #tpu.memory_space<vmem>>
      %dma_wait3A_1342 = arith.constant 0 : i32
      %dma_wait3A_1343 = arith.constant 0 : i32
      %dma_wait3A_1344 = tpu.memref_slice %arg2[%dma_wait3A_1342, %dma_wait3A_1343] : memref<10000x128xf32, #tpu.memory_space<hbm>> -> memref<10000x128xf32, #tpu.memory_space<hbm>>
      tpu.wait_indirect_dma semaphore(%arg15 : memref<!tpu.dma_semaphore, #tpu.memory_space<semaphore_mem>>) src(%dma_wait3A_1344 : memref<10000x128xf32, #tpu.memory_space<hbm>>) dst(%dma_wait3A_1339 : memref<80x128xf32, #tpu.memory_space<vmem>>)
      %dma_wait3A_1345 = arith.constant 320 : i32
      %dma_wait3A_1346 = arith.constant 0 : i32
      %dma_wait3A_1347 = tpu.memref_slice %arg11[%dma_wait3A_1345, %dma_wait3A_1346] : memref<400x128xf32, #tpu.memory_space<vmem>> -> memref<80x128xf32, #tpu.memory_space<vmem>>
      %dma_wait3A_1348 = arith.constant 0 : i32
      %dma_wait3A_1349 = tpu.memref_slice %arg9[%dma_wait3A_1348] : memref<400xi32, #tpu.memory_space<vmem>> -> memref<80xi32, #tpu.memory_space<vmem>>
      %dma_wait3A_1350 = arith.constant 0 : i32
      %dma_wait3A_1351 = arith.constant 0 : i32
      %dma_wait3A_1352 = tpu.memref_slice %arg2[%dma_wait3A_1350, %dma_wait3A_1351] : memref<10000x128xf32, #tpu.memory_space<hbm>> -> memref<10000x128xf32, #tpu.memory_space<hbm>>
      tpu.wait_indirect_dma semaphore(%arg15 : memref<!tpu.dma_semaphore, #tpu.memory_space<semaphore_mem>>) src(%dma_wait3A_1352 : memref<10000x128xf32, #tpu.memory_space<hbm>>) dst(%dma_wait3A_1347 : memref<80x128xf32, #tpu.memory_space<vmem>>)
      %sub3A_1353 = arith.constant 1 : i32
      %sub3A_1354 = arith.subi %add3A_1031, %sub3A_1353 : i32
      %mul3A_1355 = arith.constant 400 : i32
      %mul3A_1356 = arith.muli %sub3A_1354, %mul3A_1355 : i32
      %add3A_1357 = arith.addi %mul3A_2, %mul3A_1356 : i32
      %multiple_of3A_1358 = tpu.assume_multiple %add3A_1357, 8 : i32
      %dma_start3A_1359 = arith.constant 0 : i32
      %dma_start3A_1360 = tpu.memref_slice %arg5[%multiple_of3A_1358, %dma_start3A_1359] : memref<320000x128xf32, #tpu.memory_space<hbm>> -> memref<400x128xf32, #tpu.memory_space<hbm>>
      %dma_start3A_1361 = arith.constant 0 : i32
      %dma_start3A_1362 = tpu.memref_slice %arg5[%multiple_of3A_1358, %dma_start3A_1361] : memref<320000x128xf32, #tpu.memory_space<hbm>> -> memref<400x128xf32, #tpu.memory_space<hbm>>
      tpu.enqueue_dma source(%arg11 : memref<400x128xf32, #tpu.memory_space<vmem>>) target(%dma_start3A_1362 : memref<400x128xf32, #tpu.memory_space<hbm>>) target_semaphore(%arg17 : memref<!tpu.dma_semaphore, #tpu.memory_space<semaphore_mem>>)
    }
    %scan3A_633 = arith.constant 12 : i32
    %dma_wait3A_634 = arith.constant 0 : i32
    %dma_wait3A_635 = arith.constant 0 : i32
    %dma_wait3A_636 = tpu.memref_slice %arg10[%dma_wait3A_634, %dma_wait3A_635] : memref<400x128xf32, #tpu.memory_space<vmem>> -> memref<80x128xf32, #tpu.memory_space<vmem>>
    %dma_wait3A_637 = arith.constant 0 : i32
    %dma_wait3A_638 = tpu.memref_slice %arg8[%dma_wait3A_637] : memref<400xi32, #tpu.memory_space<vmem>> -> memref<80xi32, #tpu.memory_space<vmem>>
    %dma_wait3A_639 = arith.constant 0 : i32
    %dma_wait3A_640 = arith.constant 0 : i32
    %dma_wait3A_641 = tpu.memref_slice %arg2[%dma_wait3A_639, %dma_wait3A_640] : memref<10000x128xf32, #tpu.memory_space<hbm>> -> memref<10000x128xf32, #tpu.memory_space<hbm>>
    tpu.wait_indirect_dma semaphore(%arg14 : memref<!tpu.dma_semaphore, #tpu.memory_space<semaphore_mem>>) src(%dma_wait3A_641 : memref<10000x128xf32, #tpu.memory_space<hbm>>) dst(%dma_wait3A_636 : memref<80x128xf32, #tpu.memory_space<vmem>>)
    %dma_wait3A_642 = arith.constant 80 : i32
    %dma_wait3A_643 = arith.constant 0 : i32
    %dma_wait3A_644 = tpu.memref_slice %arg10[%dma_wait3A_642, %dma_wait3A_643] : memref<400x128xf32, #tpu.memory_space<vmem>> -> memref<80x128xf32, #tpu.memory_space<vmem>>
    %dma_wait3A_645 = arith.constant 0 : i32
    %dma_wait3A_646 = tpu.memref_slice %arg8[%dma_wait3A_645] : memref<400xi32, #tpu.memory_space<vmem>> -> memref<80xi32, #tpu.memory_space<vmem>>
    %dma_wait3A_647 = arith.constant 0 : i32
    %dma_wait3A_648 = arith.constant 0 : i32
    %dma_wait3A_649 = tpu.memref_slice %arg2[%dma_wait3A_647, %dma_wait3A_648] : memref<10000x128xf32, #tpu.memory_space<hbm>> -> memref<10000x128xf32, #tpu.memory_space<hbm>>
    tpu.wait_indirect_dma semaphore(%arg14 : memref<!tpu.dma_semaphore, #tpu.memory_space<semaphore_mem>>) src(%dma_wait3A_649 : memref<10000x128xf32, #tpu.memory_space<hbm>>) dst(%dma_wait3A_644 : memref<80x128xf32, #tpu.memory_space<vmem>>)
    %dma_wait3A_650 = arith.constant 160 : i32
    %dma_wait3A_651 = arith.constant 0 : i32
    %dma_wait3A_652 = tpu.memref_slice %arg10[%dma_wait3A_650, %dma_wait3A_651] : memref<400x128xf32, #tpu.memory_space<vmem>> -> memref<80x128xf32, #tpu.memory_space<vmem>>
    %dma_wait3A_653 = arith.constant 0 : i32
    %dma_wait3A_654 = tpu.memref_slice %arg8[%dma_wait3A_653] : memref<400xi32, #tpu.memory_space<vmem>> -> memref<80xi32, #tpu.memory_space<vmem>>
    %dma_wait3A_655 = arith.constant 0 : i32
    %dma_wait3A_656 = arith.constant 0 : i32
    %dma_wait3A_657 = tpu.memref_slice %arg2[%dma_wait3A_655, %dma_wait3A_656] : memref<10000x128xf32, #tpu.memory_space<hbm>> -> memref<10000x128xf32, #tpu.memory_space<hbm>>
    tpu.wait_indirect_dma semaphore(%arg14 : memref<!tpu.dma_semaphore, #tpu.memory_space<semaphore_mem>>) src(%dma_wait3A_657 : memref<10000x128xf32, #tpu.memory_space<hbm>>) dst(%dma_wait3A_652 : memref<80x128xf32, #tpu.memory_space<vmem>>)
    %dma_wait3A_658 = arith.constant 240 : i32
    %dma_wait3A_659 = arith.constant 0 : i32
    %dma_wait3A_660 = tpu.memref_slice %arg10[%dma_wait3A_658, %dma_wait3A_659] : memref<400x128xf32, #tpu.memory_space<vmem>> -> memref<80x128xf32, #tpu.memory_space<vmem>>
    %dma_wait3A_661 = arith.constant 0 : i32
    %dma_wait3A_662 = tpu.memref_slice %arg8[%dma_wait3A_661] : memref<400xi32, #tpu.memory_space<vmem>> -> memref<80xi32, #tpu.memory_space<vmem>>
    %dma_wait3A_663 = arith.constant 0 : i32
    %dma_wait3A_664 = arith.constant 0 : i32
    %dma_wait3A_665 = tpu.memref_slice %arg2[%dma_wait3A_663, %dma_wait3A_664] : memref<10000x128xf32, #tpu.memory_space<hbm>> -> memref<10000x128xf32, #tpu.memory_space<hbm>>
    tpu.wait_indirect_dma semaphore(%arg14 : memref<!tpu.dma_semaphore, #tpu.memory_space<semaphore_mem>>) src(%dma_wait3A_665 : memref<10000x128xf32, #tpu.memory_space<hbm>>) dst(%dma_wait3A_660 : memref<80x128xf32, #tpu.memory_space<vmem>>)
    %dma_wait3A_666 = arith.constant 320 : i32
    %dma_wait3A_667 = arith.constant 0 : i32
    %dma_wait3A_668 = tpu.memref_slice %arg10[%dma_wait3A_666, %dma_wait3A_667] : memref<400x128xf32, #tpu.memory_space<vmem>> -> memref<80x128xf32, #tpu.memory_space<vmem>>
    %dma_wait3A_669 = arith.constant 0 : i32
    %dma_wait3A_670 = tpu.memref_slice %arg8[%dma_wait3A_669] : memref<400xi32, #tpu.memory_space<vmem>> -> memref<80xi32, #tpu.memory_space<vmem>>
    %dma_wait3A_671 = arith.constant 0 : i32
    %dma_wait3A_672 = arith.constant 0 : i32
    %dma_wait3A_673 = tpu.memref_slice %arg2[%dma_wait3A_671, %dma_wait3A_672] : memref<10000x128xf32, #tpu.memory_space<hbm>> -> memref<10000x128xf32, #tpu.memory_space<hbm>>
    tpu.wait_indirect_dma semaphore(%arg14 : memref<!tpu.dma_semaphore, #tpu.memory_space<semaphore_mem>>) src(%dma_wait3A_673 : memref<10000x128xf32, #tpu.memory_space<hbm>>) dst(%dma_wait3A_668 : memref<80x128xf32, #tpu.memory_space<vmem>>)
    %add3A_674 = arith.constant 9600 : i32
    %add3A_675 = arith.addi %mul3A_2, %add3A_674 : i32
    %multiple_of3A_676 = tpu.assume_multiple %add3A_675, 8 : i32
    %dma_start3A_677 = arith.constant 0 : i32
    %dma_start3A_678 = tpu.memref_slice %arg5[%multiple_of3A_676, %dma_start3A_677] : memref<320000x128xf32, #tpu.memory_space<hbm>> -> memref<400x128xf32, #tpu.memory_space<hbm>>
    %dma_start3A_679 = arith.constant 0 : i32
    %dma_start3A_680 = tpu.memref_slice %arg5[%multiple_of3A_676, %dma_start3A_679] : memref<320000x128xf32, #tpu.memory_space<hbm>> -> memref<400x128xf32, #tpu.memory_space<hbm>>
    tpu.enqueue_dma source(%arg10 : memref<400x128xf32, #tpu.memory_space<vmem>>) target(%dma_start3A_680 : memref<400x128xf32, #tpu.memory_space<hbm>>) target_semaphore(%arg16 : memref<!tpu.dma_semaphore, #tpu.memory_space<semaphore_mem>>)
    %dma_wait3A_681 = arith.constant 0 : i32
    %dma_wait3A_682 = arith.constant 0 : i32
    %dma_wait3A_683 = tpu.memref_slice %arg5[%dma_wait3A_681, %dma_wait3A_682] : memref<320000x128xf32, #tpu.memory_space<hbm>> -> memref<400x128xf32, #tpu.memory_space<hbm>>
    %dma_wait3A_684 = arith.constant 0 : i32
    %dma_wait3A_685 = arith.constant 0 : i32
    %dma_wait3A_686 = tpu.memref_slice %arg5[%dma_wait3A_684, %dma_wait3A_685] : memref<320000x128xf32, #tpu.memory_space<hbm>> -> memref<400x128xf32, #tpu.memory_space<hbm>>
    tpu.wait_dma2 semaphore(%arg17 : memref<!tpu.dma_semaphore, #tpu.memory_space<semaphore_mem>>) src(%arg11 : memref<400x128xf32, #tpu.memory_space<vmem>>) dst(%dma_wait3A_686 : memref<400x128xf32, #tpu.memory_space<hbm>>)
    %dma_wait3A_687 = arith.constant 0 : i32
    %dma_wait3A_688 = arith.constant 0 : i32
    %dma_wait3A_689 = tpu.memref_slice %arg5[%dma_wait3A_687, %dma_wait3A_688] : memref<320000x128xf32, #tpu.memory_space<hbm>> -> memref<400x128xf32, #tpu.memory_space<hbm>>
    %dma_wait3A_690 = arith.constant 0 : i32
    %dma_wait3A_691 = arith.constant 0 : i32
    %dma_wait3A_692 = tpu.memref_slice %arg5[%dma_wait3A_690, %dma_wait3A_691] : memref<320000x128xf32, #tpu.memory_space<hbm>> -> memref<400x128xf32, #tpu.memory_space<hbm>>
    tpu.wait_dma2 semaphore(%arg16 : memref<!tpu.dma_semaphore, #tpu.memory_space<semaphore_mem>>) src(%arg10 : memref<400x128xf32, #tpu.memory_space<vmem>>) dst(%dma_wait3A_692 : memref<400x128xf32, #tpu.memory_space<hbm>>)
    return
  }
}

#map = affine_map<(d0, d1) -> (0, 0)>
#map1 = affine_map<(d0, d1) -> (0)>
#map2 = affine_map<(d0, d1) -> (0, 0, 0)>
module attributes {stable_mosaic.version = 14 : i64} {
  func.func @_sc_scatter(%arg0: i32, %arg1: i32, %arg2: memref<320000x128xf32, #tpu.memory_space<hbm>>, %arg3: memref<320000x128xf32, #tpu.memory_space<hbm>>, %arg4: memref<640000xi32, #tpu.memory_space<hbm>>, %arg5: memref<2x10240x128xf32, #tpu.memory_space<hbm>>, %arg6: memref<160x128xf32, #tpu.memory_space<vmem>>, %arg7: memref<160x128xf32, #tpu.memory_space<vmem>>, %arg8: memref<320xi32, #tpu.memory_space<vmem>>, %arg9: memref<320xi32, #tpu.memory_space<vmem>>, %arg10: memref<80xi32, #tpu.memory_space<vmem>>, %arg11: memref<80xi32, #tpu.memory_space<vmem>>, %arg12: memref<80xi32, #tpu.memory_space<vmem>>, %arg13: memref<80xi32, #tpu.memory_space<vmem>>, %arg14: memref<!tpu.dma_semaphore, #tpu.memory_space<semaphore_mem>>, %arg15: memref<!tpu.dma_semaphore, #tpu.memory_space<semaphore_mem>>, %arg16: memref<!tpu.dma_semaphore, #tpu.memory_space<semaphore_mem>>, %arg17: memref<!tpu.dma_semaphore, #tpu.memory_space<semaphore_mem>>, %arg18: memref<10240x128xf32, #tpu.memory_space<vmem_shared>>) attributes {dimension_semantics = [#tpu.dimension_semantics<core_parallel>, #tpu.dimension_semantics<subcore_parallel>], iteration_bounds = array<i64: 2, 16>, scalar_prefetch = 0 : i64, scratch_operands = 13 : i64, tpu.core_type = #tpu.core_type<sc_vector_subcore>, window_params = [{transform_indices = #map}, {transform_indices = #map}, {transform_indices = #map1}, {transform_indices = #map2}]} {
    %iota3A = tpu.iota {dimensions = array<i32: 0>} : vector<16xi32>
    %broadcast_in_dim3A = arith.constant 0.000000e+00 : f32
    %broadcast_in_dim3A_0 = vector.broadcast %broadcast_in_dim3A : f32 to vector<16xf32>
    %scan3A = arith.constant 0 : i32
    %scan3A_1 = arith.constant 0 : i32
    %scan3A_2 = arith.constant 160 : i32
    %scan3A_3 = arith.addi %scan3A_1, %scan3A_2 : i32
    %scan3A_4 = arith.constant 1 : i32
    scf.for %scan3A_185 = %scan3A_1 to %scan3A_3 step %scan3A_4  : i32 {
      %swap3A_186 = arith.index_cast %scan3A_185 : i32 to index
      %swap3A_187 = arith.constant 0 : index
      %swap3A_188 = tpu.vector_load %arg6[%swap3A_186, %swap3A_187] {strides = array<i32>} : memref<160x128xf32, #tpu.memory_space<vmem>>, vector<16xf32>,
      tpu.vector_store %arg6[%swap3A_186, %swap3A_187], %broadcast_in_dim3A_0 {strides = array<i32>} : memref<160x128xf32, #tpu.memory_space<vmem>>, vector<16xf32>,
      %swap3A_189 = arith.index_cast %scan3A_185 : i32 to index
      %swap3A_190 = arith.constant 16 : index
      %swap3A_191 = tpu.vector_load %arg6[%swap3A_189, %swap3A_190] {strides = array<i32>} : memref<160x128xf32, #tpu.memory_space<vmem>>, vector<16xf32>,
      tpu.vector_store %arg6[%swap3A_189, %swap3A_190], %broadcast_in_dim3A_0 {strides = array<i32>} : memref<160x128xf32, #tpu.memory_space<vmem>>, vector<16xf32>,
      %swap3A_192 = arith.index_cast %scan3A_185 : i32 to index
      %swap3A_193 = arith.constant 32 : index
      %swap3A_194 = tpu.vector_load %arg6[%swap3A_192, %swap3A_193] {strides = array<i32>} : memref<160x128xf32, #tpu.memory_space<vmem>>, vector<16xf32>,
      tpu.vector_store %arg6[%swap3A_192, %swap3A_193], %broadcast_in_dim3A_0 {strides = array<i32>} : memref<160x128xf32, #tpu.memory_space<vmem>>, vector<16xf32>,
      %swap3A_195 = arith.index_cast %scan3A_185 : i32 to index
      %swap3A_196 = arith.constant 48 : index
      %swap3A_197 = tpu.vector_load %arg6[%swap3A_195, %swap3A_196] {strides = array<i32>} : memref<160x128xf32, #tpu.memory_space<vmem>>, vector<16xf32>,
      tpu.vector_store %arg6[%swap3A_195, %swap3A_196], %broadcast_in_dim3A_0 {strides = array<i32>} : memref<160x128xf32, #tpu.memory_space<vmem>>, vector<16xf32>,
      %swap3A_198 = arith.index_cast %scan3A_185 : i32 to index
      %swap3A_199 = arith.constant 64 : index
      %swap3A_200 = tpu.vector_load %arg6[%swap3A_198, %swap3A_199] {strides = array<i32>} : memref<160x128xf32, #tpu.memory_space<vmem>>, vector<16xf32>,
      tpu.vector_store %arg6[%swap3A_198, %swap3A_199], %broadcast_in_dim3A_0 {strides = array<i32>} : memref<160x128xf32, #tpu.memory_space<vmem>>, vector<16xf32>,
      %swap3A_201 = arith.index_cast %scan3A_185 : i32 to index
      %swap3A_202 = arith.constant 80 : index
      %swap3A_203 = tpu.vector_load %arg6[%swap3A_201, %swap3A_202] {strides = array<i32>} : memref<160x128xf32, #tpu.memory_space<vmem>>, vector<16xf32>,
      tpu.vector_store %arg6[%swap3A_201, %swap3A_202], %broadcast_in_dim3A_0 {strides = array<i32>} : memref<160x128xf32, #tpu.memory_space<vmem>>, vector<16xf32>,
      %swap3A_204 = arith.index_cast %scan3A_185 : i32 to index
      %swap3A_205 = arith.constant 96 : index
      %swap3A_206 = tpu.vector_load %arg6[%swap3A_204, %swap3A_205] {strides = array<i32>} : memref<160x128xf32, #tpu.memory_space<vmem>>, vector<16xf32>,
      tpu.vector_store %arg6[%swap3A_204, %swap3A_205], %broadcast_in_dim3A_0 {strides = array<i32>} : memref<160x128xf32, #tpu.memory_space<vmem>>, vector<16xf32>,
      %swap3A_207 = arith.index_cast %scan3A_185 : i32 to index
      %swap3A_208 = arith.constant 112 : index
      %swap3A_209 = tpu.vector_load %arg6[%swap3A_207, %swap3A_208] {strides = array<i32>} : memref<160x128xf32, #tpu.memory_space<vmem>>, vector<16xf32>,
      tpu.vector_store %arg6[%swap3A_207, %swap3A_208], %broadcast_in_dim3A_0 {strides = array<i32>} : memref<160x128xf32, #tpu.memory_space<vmem>>, vector<16xf32>,
    }
    %scan3A_5 = arith.constant 160 : i32
    %mul3A = arith.constant 640 : i32
    %mul3A_6 = arith.muli %arg1, %mul3A : i32
    %add3A = arith.constant 0 : i32
    %add3A_7 = arith.addi %mul3A_6, %add3A : i32
    "tpu.region"() ({
      %run_scoped3A = tpu.sem_alloc : memref<!tpu.dma_semaphore, #tpu.memory_space<semaphore_mem>>
      %dma_start3A_185 = arith.constant 0 : i32
      %dma_start3A_186 = tpu.memref_slice %arg18[%add3A_7, %dma_start3A_185] : memref<10240x128xf32, #tpu.memory_space<vmem_shared>> -> memref<160x128xf32, #tpu.memory_space<vmem_shared>>
      %dma_start3A_187 = arith.constant 0 : i32
      %dma_start3A_188 = tpu.memref_slice %arg18[%add3A_7, %dma_start3A_187] : memref<10240x128xf32, #tpu.memory_space<vmem_shared>> -> memref<160x128xf32, #tpu.memory_space<vmem_shared>>
      tpu.enqueue_dma source(%arg6 : memref<160x128xf32, #tpu.memory_space<vmem>>) target(%dma_start3A_188 : memref<160x128xf32, #tpu.memory_space<vmem_shared>>) target_semaphore(%run_scoped3A : memref<!tpu.dma_semaphore, #tpu.memory_space<semaphore_mem>>)
      %dma_wait3A_189 = arith.constant 0 : i32
      %dma_wait3A_190 = tpu.memref_slice %arg18[%add3A_7, %dma_wait3A_189] : memref<10240x128xf32, #tpu.memory_space<vmem_shared>> -> memref<160x128xf32, #tpu.memory_space<vmem_shared>>
      %dma_wait3A_191 = arith.constant 0 : i32
      %dma_wait3A_192 = tpu.memref_slice %arg18[%add3A_7, %dma_wait3A_191] : memref<10240x128xf32, #tpu.memory_space<vmem_shared>> -> memref<160x128xf32, #tpu.memory_space<vmem_shared>>
      tpu.wait_dma2 semaphore(%run_scoped3A : memref<!tpu.dma_semaphore, #tpu.memory_space<semaphore_mem>>) src(%arg6 : memref<160x128xf32, #tpu.memory_space<vmem>>) dst(%dma_wait3A_192 : memref<160x128xf32, #tpu.memory_space<vmem_shared>>)
      tpu.yield
    }) : () -> ()
    %add3A_8 = arith.constant 160 : i32
    %add3A_9 = arith.addi %mul3A_6, %add3A_8 : i32
    "tpu.region"() ({
      %run_scoped3A = tpu.sem_alloc : memref<!tpu.dma_semaphore, #tpu.memory_space<semaphore_mem>>
      %dma_start3A_185 = arith.constant 0 : i32
      %dma_start3A_186 = tpu.memref_slice %arg18[%add3A_9, %dma_start3A_185] : memref<10240x128xf32, #tpu.memory_space<vmem_shared>> -> memref<160x128xf32, #tpu.memory_space<vmem_shared>>
      %dma_start3A_187 = arith.constant 0 : i32
      %dma_start3A_188 = tpu.memref_slice %arg18[%add3A_9, %dma_start3A_187] : memref<10240x128xf32, #tpu.memory_space<vmem_shared>> -> memref<160x128xf32, #tpu.memory_space<vmem_shared>>
      tpu.enqueue_dma source(%arg6 : memref<160x128xf32, #tpu.memory_space<vmem>>) target(%dma_start3A_188 : memref<160x128xf32, #tpu.memory_space<vmem_shared>>) target_semaphore(%run_scoped3A : memref<!tpu.dma_semaphore, #tpu.memory_space<semaphore_mem>>)
      %dma_wait3A_189 = arith.constant 0 : i32
      %dma_wait3A_190 = tpu.memref_slice %arg18[%add3A_9, %dma_wait3A_189] : memref<10240x128xf32, #tpu.memory_space<vmem_shared>> -> memref<160x128xf32, #tpu.memory_space<vmem_shared>>
      %dma_wait3A_191 = arith.constant 0 : i32
      %dma_wait3A_192 = tpu.memref_slice %arg18[%add3A_9, %dma_wait3A_191] : memref<10240x128xf32, #tpu.memory_space<vmem_shared>> -> memref<160x128xf32, #tpu.memory_space<vmem_shared>>
      tpu.wait_dma2 semaphore(%run_scoped3A : memref<!tpu.dma_semaphore, #tpu.memory_space<semaphore_mem>>) src(%arg6 : memref<160x128xf32, #tpu.memory_space<vmem>>) dst(%dma_wait3A_192 : memref<160x128xf32, #tpu.memory_space<vmem_shared>>)
      tpu.yield
    }) : () -> ()
    %add3A_10 = arith.constant 320 : i32
    %add3A_11 = arith.addi %mul3A_6, %add3A_10 : i32
    "tpu.region"() ({
      %run_scoped3A = tpu.sem_alloc : memref<!tpu.dma_semaphore, #tpu.memory_space<semaphore_mem>>
      %dma_start3A_185 = arith.constant 0 : i32
      %dma_start3A_186 = tpu.memref_slice %arg18[%add3A_11, %dma_start3A_185] : memref<10240x128xf32, #tpu.memory_space<vmem_shared>> -> memref<160x128xf32, #tpu.memory_space<vmem_shared>>
      %dma_start3A_187 = arith.constant 0 : i32
      %dma_start3A_188 = tpu.memref_slice %arg18[%add3A_11, %dma_start3A_187] : memref<10240x128xf32, #tpu.memory_space<vmem_shared>> -> memref<160x128xf32, #tpu.memory_space<vmem_shared>>
      tpu.enqueue_dma source(%arg6 : memref<160x128xf32, #tpu.memory_space<vmem>>) target(%dma_start3A_188 : memref<160x128xf32, #tpu.memory_space<vmem_shared>>) target_semaphore(%run_scoped3A : memref<!tpu.dma_semaphore, #tpu.memory_space<semaphore_mem>>)
      %dma_wait3A_189 = arith.constant 0 : i32
      %dma_wait3A_190 = tpu.memref_slice %arg18[%add3A_11, %dma_wait3A_189] : memref<10240x128xf32, #tpu.memory_space<vmem_shared>> -> memref<160x128xf32, #tpu.memory_space<vmem_shared>>
      %dma_wait3A_191 = arith.constant 0 : i32
      %dma_wait3A_192 = tpu.memref_slice %arg18[%add3A_11, %dma_wait3A_191] : memref<10240x128xf32, #tpu.memory_space<vmem_shared>> -> memref<160x128xf32, #tpu.memory_space<vmem_shared>>
      tpu.wait_dma2 semaphore(%run_scoped3A : memref<!tpu.dma_semaphore, #tpu.memory_space<semaphore_mem>>) src(%arg6 : memref<160x128xf32, #tpu.memory_space<vmem>>) dst(%dma_wait3A_192 : memref<160x128xf32, #tpu.memory_space<vmem_shared>>)
      tpu.yield
    }) : () -> ()
    %add3A_12 = arith.constant 480 : i32
    %add3A_13 = arith.addi %mul3A_6, %add3A_12 : i32
    "tpu.region"() ({
      %run_scoped3A = tpu.sem_alloc : memref<!tpu.dma_semaphore, #tpu.memory_space<semaphore_mem>>
      %dma_start3A_185 = arith.constant 0 : i32
      %dma_start3A_186 = tpu.memref_slice %arg18[%add3A_13, %dma_start3A_185] : memref<10240x128xf32, #tpu.memory_space<vmem_shared>> -> memref<160x128xf32, #tpu.memory_space<vmem_shared>>
      %dma_start3A_187 = arith.constant 0 : i32
      %dma_start3A_188 = tpu.memref_slice %arg18[%add3A_13, %dma_start3A_187] : memref<10240x128xf32, #tpu.memory_space<vmem_shared>> -> memref<160x128xf32, #tpu.memory_space<vmem_shared>>
      tpu.enqueue_dma source(%arg6 : memref<160x128xf32, #tpu.memory_space<vmem>>) target(%dma_start3A_188 : memref<160x128xf32, #tpu.memory_space<vmem_shared>>) target_semaphore(%run_scoped3A : memref<!tpu.dma_semaphore, #tpu.memory_space<semaphore_mem>>)
      %dma_wait3A_189 = arith.constant 0 : i32
      %dma_wait3A_190 = tpu.memref_slice %arg18[%add3A_13, %dma_wait3A_189] : memref<10240x128xf32, #tpu.memory_space<vmem_shared>> -> memref<160x128xf32, #tpu.memory_space<vmem_shared>>
      %dma_wait3A_191 = arith.constant 0 : i32
      %dma_wait3A_192 = tpu.memref_slice %arg18[%add3A_13, %dma_wait3A_191] : memref<10240x128xf32, #tpu.memory_space<vmem_shared>> -> memref<160x128xf32, #tpu.memory_space<vmem_shared>>
      tpu.wait_dma2 semaphore(%run_scoped3A : memref<!tpu.dma_semaphore, #tpu.memory_space<semaphore_mem>>) src(%arg6 : memref<160x128xf32, #tpu.memory_space<vmem>>) dst(%dma_wait3A_192 : memref<160x128xf32, #tpu.memory_space<vmem_shared>>)
      tpu.yield
    }) : () -> ()
    %barrier3A = arith.constant 0 : index
    tpu.barrier barrier_id(%barrier3A)
    %mul3A_14 = arith.constant 20000 : i32
    %mul3A_15 = arith.muli %arg1, %mul3A_14 : i32
    %add3A_16 = arith.constant 0 : i32
    %add3A_17 = arith.addi %mul3A_15, %add3A_16 : i32
    %multiple_of3A = tpu.assume_multiple %add3A_17, 8 : i32
    %eq3A = arith.constant 0 : i32
    %eq3A_18 = arith.cmpi eq, %arg0, %eq3A : i32
    %convert_element_type3A = arith.extui %eq3A_18 : i1 to i32
    %cond3A = arith.constant 0 : i32
    %cond3A_19 = arith.cmpi ne, %convert_element_type3A, %cond3A : i32
    scf.if %cond3A_19 {
      %dma_start3A_185 = arith.constant 0 : i32
      %dma_start3A_186 = tpu.memref_slice %arg2[%multiple_of3A, %dma_start3A_185] : memref<320000x128xf32, #tpu.memory_space<hbm>> -> memref<160x128xf32, #tpu.memory_space<hbm>>
      %dma_start3A_187 = arith.constant 0 : i32
      %dma_start3A_188 = tpu.memref_slice %arg2[%multiple_of3A, %dma_start3A_187] : memref<320000x128xf32, #tpu.memory_space<hbm>> -> memref<160x128xf32, #tpu.memory_space<hbm>>
      tpu.enqueue_dma source(%dma_start3A_188 : memref<160x128xf32, #tpu.memory_space<hbm>>) target(%arg6 : memref<160x128xf32, #tpu.memory_space<vmem>>) target_semaphore(%arg14 : memref<!tpu.dma_semaphore, #tpu.memory_space<semaphore_mem>>)
    } else {
    }
    %eq3A_20 = arith.constant 1 : i32
    %eq3A_21 = arith.cmpi eq, %arg0, %eq3A_20 : i32
    %convert_element_type3A_22 = arith.extui %eq3A_21 : i1 to i32
    %cond3A_23 = arith.constant 0 : i32
    %cond3A_24 = arith.cmpi ne, %convert_element_type3A_22, %cond3A_23 : i32
    scf.if %cond3A_24 {
      %dma_start3A_185 = arith.constant 0 : i32
      %dma_start3A_186 = tpu.memref_slice %arg3[%multiple_of3A, %dma_start3A_185] : memref<320000x128xf32, #tpu.memory_space<hbm>> -> memref<160x128xf32, #tpu.memory_space<hbm>>
      %dma_start3A_187 = arith.constant 0 : i32
      %dma_start3A_188 = tpu.memref_slice %arg3[%multiple_of3A, %dma_start3A_187] : memref<320000x128xf32, #tpu.memory_space<hbm>> -> memref<160x128xf32, #tpu.memory_space<hbm>>
      tpu.enqueue_dma source(%dma_start3A_188 : memref<160x128xf32, #tpu.memory_space<hbm>>) target(%arg6 : memref<160x128xf32, #tpu.memory_space<vmem>>) target_semaphore(%arg14 : memref<!tpu.dma_semaphore, #tpu.memory_space<semaphore_mem>>)
    } else {
    }
    %mul3A_25 = arith.constant 2 : i32
    %mul3A_26 = arith.muli %mul3A_25, %multiple_of3A : i32
    %multiple_of3A_27 = tpu.assume_multiple %mul3A_26, 8 : i32
    %dma_start3A = tpu.memref_slice %arg4[%multiple_of3A_27] : memref<640000xi32, #tpu.memory_space<hbm>> -> memref<320xi32, #tpu.memory_space<hbm>>
    %dma_start3A_28 = tpu.memref_slice %arg4[%multiple_of3A_27] : memref<640000xi32, #tpu.memory_space<hbm>> -> memref<320xi32, #tpu.memory_space<hbm>>
    tpu.enqueue_dma source(%dma_start3A_28 : memref<320xi32, #tpu.memory_space<hbm>>) target(%arg8 : memref<320xi32, #tpu.memory_space<vmem>>) target_semaphore(%arg14 : memref<!tpu.dma_semaphore, #tpu.memory_space<semaphore_mem>>)
    %scan3A_29 = arith.constant 0 : i32
    %scan3A_30 = arith.constant 0 : i32
    %scan3A_31 = arith.constant 62 : i32
    %scan3A_32 = arith.addi %scan3A_30, %scan3A_31 : i32
    %scan3A_33 = arith.constant 1 : i32
    scf.for %scan3A_185 = %scan3A_30 to %scan3A_32 step %scan3A_33  : i32 {
      %mul3A_186 = arith.constant 2 : i32
      %mul3A_187 = arith.muli %mul3A_186, %scan3A_185 : i32
      %add3A_188 = arith.constant 1 : i32
      %add3A_189 = arith.addi %add3A_188, %mul3A_187 : i32
      %add3A_190 = arith.constant 0 : i32
      %add3A_191 = arith.addi %add3A_189, %add3A_190 : i32
      %ge3A = arith.constant 2 : i32
      %ge3A_192 = arith.cmpi sge, %add3A_191, %ge3A : i32
      %convert_element_type3A_193 = arith.extui %ge3A_192 : i1 to i32
      %cond3A_194 = arith.constant 0 : i32
      %cond3A_195 = arith.cmpi ne, %convert_element_type3A_193, %cond3A_194 : i32
      scf.if %cond3A_195 {
        %dma_wait3A_469 = arith.constant 0 : i32
        %dma_wait3A_470 = arith.constant 0 : i32
        %dma_wait3A_471 = tpu.memref_slice %arg7[%dma_wait3A_469, %dma_wait3A_470] : memref<160x128xf32, #tpu.memory_space<vmem>> -> memref<80x128xf32, #tpu.memory_space<vmem>>
        %dma_wait3A_472 = arith.constant 0 : i32
        %dma_wait3A_473 = arith.constant 0 : i32
        %dma_wait3A_474 = tpu.memref_slice %arg18[%dma_wait3A_472, %dma_wait3A_473] : memref<10240x128xf32, #tpu.memory_space<vmem_shared>> -> memref<10240x128xf32, #tpu.memory_space<vmem_shared>>
        tpu.wait_indirect_dma semaphore(%arg17 : memref<!tpu.dma_semaphore, #tpu.memory_space<semaphore_mem>>) src(%dma_wait3A_471 : memref<80x128xf32, #tpu.memory_space<vmem>>) dst(%dma_wait3A_474 : memref<10240x128xf32, #tpu.memory_space<vmem_shared>>)
        %dma_wait3A_475 = arith.constant 80 : i32
        %dma_wait3A_476 = arith.constant 0 : i32
        %dma_wait3A_477 = tpu.memref_slice %arg7[%dma_wait3A_475, %dma_wait3A_476] : memref<160x128xf32, #tpu.memory_space<vmem>> -> memref<80x128xf32, #tpu.memory_space<vmem>>
        %dma_wait3A_478 = arith.constant 0 : i32
        %dma_wait3A_479 = arith.constant 0 : i32
        %dma_wait3A_480 = tpu.memref_slice %arg18[%dma_wait3A_478, %dma_wait3A_479] : memref<10240x128xf32, #tpu.memory_space<vmem_shared>> -> memref<10240x128xf32, #tpu.memory_space<vmem_shared>>
        tpu.wait_indirect_dma semaphore(%arg17 : memref<!tpu.dma_semaphore, #tpu.memory_space<semaphore_mem>>) src(%dma_wait3A_477 : memref<80x128xf32, #tpu.memory_space<vmem>>) dst(%dma_wait3A_480 : memref<10240x128xf32, #tpu.memory_space<vmem_shared>>)
      } else {
      }
      %mul3A_196 = arith.constant 160 : i32
      %mul3A_197 = arith.muli %add3A_191, %mul3A_196 : i32
      %add3A_198 = arith.addi %mul3A_15, %mul3A_197 : i32
      %multiple_of3A_199 = tpu.assume_multiple %add3A_198, 8 : i32
      %eq3A_200 = arith.constant 0 : i32
      %eq3A_201 = arith.cmpi eq, %arg0, %eq3A_200 : i32
      %convert_element_type3A_202 = arith.extui %eq3A_201 : i1 to i32
      %cond3A_203 = arith.constant 0 : i32
      %cond3A_204 = arith.cmpi ne, %convert_element_type3A_202, %cond3A_203 : i32
      scf.if %cond3A_204 {
        %dma_start3A_469 = arith.constant 0 : i32
        %dma_start3A_470 = tpu.memref_slice %arg2[%multiple_of3A_199, %dma_start3A_469] : memref<320000x128xf32, #tpu.memory_space<hbm>> -> memref<160x128xf32, #tpu.memory_space<hbm>>
        %dma_start3A_471 = arith.constant 0 : i32
        %dma_start3A_472 = tpu.memref_slice %arg2[%multiple_of3A_199, %dma_start3A_471] : memref<320000x128xf32, #tpu.memory_space<hbm>> -> memref<160x128xf32, #tpu.memory_space<hbm>>
        tpu.enqueue_dma source(%dma_start3A_472 : memref<160x128xf32, #tpu.memory_space<hbm>>) target(%arg7 : memref<160x128xf32, #tpu.memory_space<vmem>>) target_semaphore(%arg15 : memref<!tpu.dma_semaphore, #tpu.memory_space<semaphore_mem>>)
      } else {
      }
      %eq3A_205 = arith.constant 1 : i32
      %eq3A_206 = arith.cmpi eq, %arg0, %eq3A_205 : i32
      %convert_element_type3A_207 = arith.extui %eq3A_206 : i1 to i32
      %cond3A_208 = arith.constant 0 : i32
      %cond3A_209 = arith.cmpi ne, %convert_element_type3A_207, %cond3A_208 : i32
      scf.if %cond3A_209 {
        %dma_start3A_469 = arith.constant 0 : i32
        %dma_start3A_470 = tpu.memref_slice %arg3[%multiple_of3A_199, %dma_start3A_469] : memref<320000x128xf32, #tpu.memory_space<hbm>> -> memref<160x128xf32, #tpu.memory_space<hbm>>
        %dma_start3A_471 = arith.constant 0 : i32
        %dma_start3A_472 = tpu.memref_slice %arg3[%multiple_of3A_199, %dma_start3A_471] : memref<320000x128xf32, #tpu.memory_space<hbm>> -> memref<160x128xf32, #tpu.memory_space<hbm>>
        tpu.enqueue_dma source(%dma_start3A_472 : memref<160x128xf32, #tpu.memory_space<hbm>>) target(%arg7 : memref<160x128xf32, #tpu.memory_space<vmem>>) target_semaphore(%arg15 : memref<!tpu.dma_semaphore, #tpu.memory_space<semaphore_mem>>)
      } else {
      }
      %mul3A_210 = arith.constant 2 : i32
      %mul3A_211 = arith.muli %mul3A_210, %multiple_of3A_199 : i32
      %multiple_of3A_212 = tpu.assume_multiple %mul3A_211, 8 : i32
      %dma_start3A_213 = tpu.memref_slice %arg4[%multiple_of3A_212] : memref<640000xi32, #tpu.memory_space<hbm>> -> memref<320xi32, #tpu.memory_space<hbm>>
      %dma_start3A_214 = tpu.memref_slice %arg4[%multiple_of3A_212] : memref<640000xi32, #tpu.memory_space<hbm>> -> memref<320xi32, #tpu.memory_space<hbm>>
      tpu.enqueue_dma source(%dma_start3A_214 : memref<320xi32, #tpu.memory_space<hbm>>) target(%arg9 : memref<320xi32, #tpu.memory_space<vmem>>) target_semaphore(%arg15 : memref<!tpu.dma_semaphore, #tpu.memory_space<semaphore_mem>>)
      %dma_wait3A_215 = arith.constant 0 : i32
      %dma_wait3A_216 = arith.constant 0 : i32
      %dma_wait3A_217 = tpu.memref_slice %arg2[%dma_wait3A_215, %dma_wait3A_216] : memref<320000x128xf32, #tpu.memory_space<hbm>> -> memref<160x128xf32, #tpu.memory_space<hbm>>
      %dma_wait3A_218 = arith.constant 0 : i32
      %dma_wait3A_219 = arith.constant 0 : i32
      %dma_wait3A_220 = tpu.memref_slice %arg2[%dma_wait3A_218, %dma_wait3A_219] : memref<320000x128xf32, #tpu.memory_space<hbm>> -> memref<160x128xf32, #tpu.memory_space<hbm>>
      tpu.wait_dma2 semaphore(%arg14 : memref<!tpu.dma_semaphore, #tpu.memory_space<semaphore_mem>>) src(%dma_wait3A_220 : memref<160x128xf32, #tpu.memory_space<hbm>>) dst(%arg6 : memref<160x128xf32, #tpu.memory_space<vmem>>)
      %dma_wait3A_221 = arith.constant 0 : i32
      %dma_wait3A_222 = tpu.memref_slice %arg4[%dma_wait3A_221] : memref<640000xi32, #tpu.memory_space<hbm>> -> memref<320xi32, #tpu.memory_space<hbm>>
      %dma_wait3A_223 = arith.constant 0 : i32
      %dma_wait3A_224 = tpu.memref_slice %arg4[%dma_wait3A_223] : memref<640000xi32, #tpu.memory_space<hbm>> -> memref<320xi32, #tpu.memory_space<hbm>>
      tpu.wait_dma2 semaphore(%arg14 : memref<!tpu.dma_semaphore, #tpu.memory_space<semaphore_mem>>) src(%dma_wait3A_224 : memref<320xi32, #tpu.memory_space<hbm>>) dst(%arg8 : memref<320xi32, #tpu.memory_space<vmem>>)
      %mul3A_225 = arith.constant 2 : i32
      %mul3A_226 = vector.broadcast %mul3A_225 : i32 to vector<16xi32>
      %mul3A_227 = arith.muli %iota3A, %mul3A_226 : vector<16xi32>
      %add3A_228 = arith.constant 0 : i32
      %add3A_229 = vector.broadcast %add3A_228 : i32 to vector<16xi32>
      %add3A_230 = arith.addi %mul3A_227, %add3A_229 : vector<16xi32>
      %gather3A_231 = tpu.vector_load_idx %arg8[%add3A_230] : memref<320xi32, #tpu.memory_space<vmem>>[vector<16xi32>], vector<16xi32>,
      %swap3A_232 = arith.constant 0 : index
      %swap3A_233 = tpu.vector_load %arg10[%swap3A_232] {strides = array<i32>} : memref<80xi32, #tpu.memory_space<vmem>>, vector<16xi32>,
      tpu.vector_store %arg10[%swap3A_232], %gather3A_231 {strides = array<i32>} : memref<80xi32, #tpu.memory_space<vmem>>, vector<16xi32>,
      %mul3A_234 = arith.constant 2 : i32
      %mul3A_235 = vector.broadcast %mul3A_234 : i32 to vector<16xi32>
      %mul3A_236 = arith.muli %iota3A, %mul3A_235 : vector<16xi32>
      %add3A_237 = arith.constant 32 : i32
      %add3A_238 = vector.broadcast %add3A_237 : i32 to vector<16xi32>
      %add3A_239 = arith.addi %mul3A_236, %add3A_238 : vector<16xi32>
      %gather3A_240 = tpu.vector_load_idx %arg8[%add3A_239] : memref<320xi32, #tpu.memory_space<vmem>>[vector<16xi32>], vector<16xi32>,
      %swap3A_241 = arith.constant 16 : index
      %swap3A_242 = tpu.vector_load %arg10[%swap3A_241] {strides = array<i32>} : memref<80xi32, #tpu.memory_space<vmem>>, vector<16xi32>,
      tpu.vector_store %arg10[%swap3A_241], %gather3A_240 {strides = array<i32>} : memref<80xi32, #tpu.memory_space<vmem>>, vector<16xi32>,
      %mul3A_243 = arith.constant 2 : i32
      %mul3A_244 = vector.broadcast %mul3A_243 : i32 to vector<16xi32>
      %mul3A_245 = arith.muli %iota3A, %mul3A_244 : vector<16xi32>
      %add3A_246 = arith.constant 64 : i32
      %add3A_247 = vector.broadcast %add3A_246 : i32 to vector<16xi32>
      %add3A_248 = arith.addi %mul3A_245, %add3A_247 : vector<16xi32>
      %gather3A_249 = tpu.vector_load_idx %arg8[%add3A_248] : memref<320xi32, #tpu.memory_space<vmem>>[vector<16xi32>], vector<16xi32>,
      %swap3A_250 = arith.constant 32 : index
      %swap3A_251 = tpu.vector_load %arg10[%swap3A_250] {strides = array<i32>} : memref<80xi32, #tpu.memory_space<vmem>>, vector<16xi32>,
      tpu.vector_store %arg10[%swap3A_250], %gather3A_249 {strides = array<i32>} : memref<80xi32, #tpu.memory_space<vmem>>, vector<16xi32>,
      %mul3A_252 = arith.constant 2 : i32
      %mul3A_253 = vector.broadcast %mul3A_252 : i32 to vector<16xi32>
      %mul3A_254 = arith.muli %iota3A, %mul3A_253 : vector<16xi32>
      %add3A_255 = arith.constant 96 : i32
      %add3A_256 = vector.broadcast %add3A_255 : i32 to vector<16xi32>
      %add3A_257 = arith.addi %mul3A_254, %add3A_256 : vector<16xi32>
      %gather3A_258 = tpu.vector_load_idx %arg8[%add3A_257] : memref<320xi32, #tpu.memory_space<vmem>>[vector<16xi32>], vector<16xi32>,
      %swap3A_259 = arith.constant 48 : index
      %swap3A_260 = tpu.vector_load %arg10[%swap3A_259] {strides = array<i32>} : memref<80xi32, #tpu.memory_space<vmem>>, vector<16xi32>,
      tpu.vector_store %arg10[%swap3A_259], %gather3A_258 {strides = array<i32>} : memref<80xi32, #tpu.memory_space<vmem>>, vector<16xi32>,
      %mul3A_261 = arith.constant 2 : i32
      %mul3A_262 = vector.broadcast %mul3A_261 : i32 to vector<16xi32>
      %mul3A_263 = arith.muli %iota3A, %mul3A_262 : vector<16xi32>
      %add3A_264 = arith.constant 128 : i32
      %add3A_265 = vector.broadcast %add3A_264 : i32 to vector<16xi32>
      %add3A_266 = arith.addi %mul3A_263, %add3A_265 : vector<16xi32>
      %gather3A_267 = tpu.vector_load_idx %arg8[%add3A_266] : memref<320xi32, #tpu.memory_space<vmem>>[vector<16xi32>], vector<16xi32>,
      %swap3A_268 = arith.constant 64 : index
      %swap3A_269 = tpu.vector_load %arg10[%swap3A_268] {strides = array<i32>} : memref<80xi32, #tpu.memory_space<vmem>>, vector<16xi32>,
      tpu.vector_store %arg10[%swap3A_268], %gather3A_267 {strides = array<i32>} : memref<80xi32, #tpu.memory_space<vmem>>, vector<16xi32>,
      %mul3A_270 = arith.constant 2 : i32
      %mul3A_271 = vector.broadcast %mul3A_270 : i32 to vector<16xi32>
      %mul3A_272 = arith.muli %iota3A, %mul3A_271 : vector<16xi32>
      %add3A_273 = arith.constant 160 : i32
      %add3A_274 = vector.broadcast %add3A_273 : i32 to vector<16xi32>
      %add3A_275 = arith.addi %mul3A_272, %add3A_274 : vector<16xi32>
      %gather3A_276 = tpu.vector_load_idx %arg8[%add3A_275] : memref<320xi32, #tpu.memory_space<vmem>>[vector<16xi32>], vector<16xi32>,
      %swap3A_277 = arith.constant 0 : index
      %swap3A_278 = tpu.vector_load %arg11[%swap3A_277] {strides = array<i32>} : memref<80xi32, #tpu.memory_space<vmem>>, vector<16xi32>,
      tpu.vector_store %arg11[%swap3A_277], %gather3A_276 {strides = array<i32>} : memref<80xi32, #tpu.memory_space<vmem>>, vector<16xi32>,
      %mul3A_279 = arith.constant 2 : i32
      %mul3A_280 = vector.broadcast %mul3A_279 : i32 to vector<16xi32>
      %mul3A_281 = arith.muli %iota3A, %mul3A_280 : vector<16xi32>
      %add3A_282 = arith.constant 192 : i32
      %add3A_283 = vector.broadcast %add3A_282 : i32 to vector<16xi32>
      %add3A_284 = arith.addi %mul3A_281, %add3A_283 : vector<16xi32>
      %gather3A_285 = tpu.vector_load_idx %arg8[%add3A_284] : memref<320xi32, #tpu.memory_space<vmem>>[vector<16xi32>], vector<16xi32>,
      %swap3A_286 = arith.constant 16 : index
      %swap3A_287 = tpu.vector_load %arg11[%swap3A_286] {strides = array<i32>} : memref<80xi32, #tpu.memory_space<vmem>>, vector<16xi32>,
      tpu.vector_store %arg11[%swap3A_286], %gather3A_285 {strides = array<i32>} : memref<80xi32, #tpu.memory_space<vmem>>, vector<16xi32>,
      %mul3A_288 = arith.constant 2 : i32
      %mul3A_289 = vector.broadcast %mul3A_288 : i32 to vector<16xi32>
      %mul3A_290 = arith.muli %iota3A, %mul3A_289 : vector<16xi32>
      %add3A_291 = arith.constant 224 : i32
      %add3A_292 = vector.broadcast %add3A_291 : i32 to vector<16xi32>
      %add3A_293 = arith.addi %mul3A_290, %add3A_292 : vector<16xi32>
      %gather3A_294 = tpu.vector_load_idx %arg8[%add3A_293] : memref<320xi32, #tpu.memory_space<vmem>>[vector<16xi32>], vector<16xi32>,
      %swap3A_295 = arith.constant 32 : index
      %swap3A_296 = tpu.vector_load %arg11[%swap3A_295] {strides = array<i32>} : memref<80xi32, #tpu.memory_space<vmem>>, vector<16xi32>,
      tpu.vector_store %arg11[%swap3A_295], %gather3A_294 {strides = array<i32>} : memref<80xi32, #tpu.memory_space<vmem>>, vector<16xi32>,
      %mul3A_297 = arith.constant 2 : i32
      %mul3A_298 = vector.broadcast %mul3A_297 : i32 to vector<16xi32>
      %mul3A_299 = arith.muli %iota3A, %mul3A_298 : vector<16xi32>
      %add3A_300 = arith.constant 256 : i32
      %add3A_301 = vector.broadcast %add3A_300 : i32 to vector<16xi32>
      %add3A_302 = arith.addi %mul3A_299, %add3A_301 : vector<16xi32>
      %gather3A_303 = tpu.vector_load_idx %arg8[%add3A_302] : memref<320xi32, #tpu.memory_space<vmem>>[vector<16xi32>], vector<16xi32>,
      %swap3A_304 = arith.constant 48 : index
      %swap3A_305 = tpu.vector_load %arg11[%swap3A_304] {strides = array<i32>} : memref<80xi32, #tpu.memory_space<vmem>>, vector<16xi32>,
      tpu.vector_store %arg11[%swap3A_304], %gather3A_303 {strides = array<i32>} : memref<80xi32, #tpu.memory_space<vmem>>, vector<16xi32>,
      %mul3A_306 = arith.constant 2 : i32
      %mul3A_307 = vector.broadcast %mul3A_306 : i32 to vector<16xi32>
      %mul3A_308 = arith.muli %iota3A, %mul3A_307 : vector<16xi32>
      %add3A_309 = arith.constant 288 : i32
      %add3A_310 = vector.broadcast %add3A_309 : i32 to vector<16xi32>
      %add3A_311 = arith.addi %mul3A_308, %add3A_310 : vector<16xi32>
      %gather3A_312 = tpu.vector_load_idx %arg8[%add3A_311] : memref<320xi32, #tpu.memory_space<vmem>>[vector<16xi32>], vector<16xi32>,
      %swap3A_313 = arith.constant 64 : index
      %swap3A_314 = tpu.vector_load %arg11[%swap3A_313] {strides = array<i32>} : memref<80xi32, #tpu.memory_space<vmem>>, vector<16xi32>,
      tpu.vector_store %arg11[%swap3A_313], %gather3A_312 {strides = array<i32>} : memref<80xi32, #tpu.memory_space<vmem>>, vector<16xi32>,
      %dma_start3A_315 = arith.constant 0 : i32
      %dma_start3A_316 = arith.constant 0 : i32
      %dma_start3A_317 = tpu.memref_slice %arg6[%dma_start3A_315, %dma_start3A_316] : memref<160x128xf32, #tpu.memory_space<vmem>> -> memref<80x128xf32, #tpu.memory_space<vmem>>
      %dma_start3A_318 = arith.constant 0 : i32
      %dma_start3A_319 = arith.constant 0 : i32
      %dma_start3A_320 = tpu.memref_slice %arg18[%dma_start3A_318, %dma_start3A_319] : memref<10240x128xf32, #tpu.memory_space<vmem_shared>> -> memref<10240x128xf32, #tpu.memory_space<vmem_shared>>
      tpu.enqueue_indirect_dma source(%dma_start3A_317 : memref<80x128xf32, #tpu.memory_space<vmem>>) target(%dma_start3A_320 : memref<10240x128xf32, #tpu.memory_space<vmem_shared>>) offsets(%arg10 : memref<80xi32, #tpu.memory_space<vmem>>) semaphore(%arg16 : memref<!tpu.dma_semaphore, #tpu.memory_space<semaphore_mem>>) {add = true}
      %dma_start3A_321 = arith.constant 80 : i32
      %dma_start3A_322 = arith.constant 0 : i32
      %dma_start3A_323 = tpu.memref_slice %arg6[%dma_start3A_321, %dma_start3A_322] : memref<160x128xf32, #tpu.memory_space<vmem>> -> memref<80x128xf32, #tpu.memory_space<vmem>>
      %dma_start3A_324 = arith.constant 0 : i32
      %dma_start3A_325 = arith.constant 0 : i32
      %dma_start3A_326 = tpu.memref_slice %arg18[%dma_start3A_324, %dma_start3A_325] : memref<10240x128xf32, #tpu.memory_space<vmem_shared>> -> memref<10240x128xf32, #tpu.memory_space<vmem_shared>>
      tpu.enqueue_indirect_dma source(%dma_start3A_323 : memref<80x128xf32, #tpu.memory_space<vmem>>) target(%dma_start3A_326 : memref<10240x128xf32, #tpu.memory_space<vmem_shared>>) offsets(%arg11 : memref<80xi32, #tpu.memory_space<vmem>>) semaphore(%arg16 : memref<!tpu.dma_semaphore, #tpu.memory_space<semaphore_mem>>) {add = true}
      %mul3A_327 = arith.constant 2 : i32
      %mul3A_328 = arith.muli %mul3A_327, %scan3A_185 : i32
      %add3A_329 = arith.constant 1 : i32
      %add3A_330 = arith.addi %add3A_329, %mul3A_328 : i32
      %add3A_331 = arith.constant 1 : i32
      %add3A_332 = arith.addi %add3A_330, %add3A_331 : i32
      %ge3A_333 = arith.constant 2 : i32
      %ge3A_334 = arith.cmpi sge, %add3A_332, %ge3A_333 : i32
      %convert_element_type3A_335 = arith.extui %ge3A_334 : i1 to i32
      %cond3A_336 = arith.constant 0 : i32
      %cond3A_337 = arith.cmpi ne, %convert_element_type3A_335, %cond3A_336 : i32
      scf.if %cond3A_337 {
        %dma_wait3A_469 = arith.constant 0 : i32
        %dma_wait3A_470 = arith.constant 0 : i32
        %dma_wait3A_471 = tpu.memref_slice %arg6[%dma_wait3A_469, %dma_wait3A_470] : memref<160x128xf32, #tpu.memory_space<vmem>> -> memref<80x128xf32, #tpu.memory_space<vmem>>
        %dma_wait3A_472 = arith.constant 0 : i32
        %dma_wait3A_473 = arith.constant 0 : i32
        %dma_wait3A_474 = tpu.memref_slice %arg18[%dma_wait3A_472, %dma_wait3A_473] : memref<10240x128xf32, #tpu.memory_space<vmem_shared>> -> memref<10240x128xf32, #tpu.memory_space<vmem_shared>>
        tpu.wait_indirect_dma semaphore(%arg16 : memref<!tpu.dma_semaphore, #tpu.memory_space<semaphore_mem>>) src(%dma_wait3A_471 : memref<80x128xf32, #tpu.memory_space<vmem>>) dst(%dma_wait3A_474 : memref<10240x128xf32, #tpu.memory_space<vmem_shared>>)
        %dma_wait3A_475 = arith.constant 80 : i32
        %dma_wait3A_476 = arith.constant 0 : i32
        %dma_wait3A_477 = tpu.memref_slice %arg6[%dma_wait3A_475, %dma_wait3A_476] : memref<160x128xf32, #tpu.memory_space<vmem>> -> memref<80x128xf32, #tpu.memory_space<vmem>>
        %dma_wait3A_478 = arith.constant 0 : i32
        %dma_wait3A_479 = arith.constant 0 : i32
        %dma_wait3A_480 = tpu.memref_slice %arg18[%dma_wait3A_478, %dma_wait3A_479] : memref<10240x128xf32, #tpu.memory_space<vmem_shared>> -> memref<10240x128xf32, #tpu.memory_space<vmem_shared>>
        tpu.wait_indirect_dma semaphore(%arg16 : memref<!tpu.dma_semaphore, #tpu.memory_space<semaphore_mem>>) src(%dma_wait3A_477 : memref<80x128xf32, #tpu.memory_space<vmem>>) dst(%dma_wait3A_480 : memref<10240x128xf32, #tpu.memory_space<vmem_shared>>)
      } else {
      }
      %mul3A_338 = arith.constant 160 : i32
      %mul3A_339 = arith.muli %add3A_332, %mul3A_338 : i32
      %add3A_340 = arith.addi %mul3A_15, %mul3A_339 : i32
      %multiple_of3A_341 = tpu.assume_multiple %add3A_340, 8 : i32
      %eq3A_342 = arith.constant 0 : i32
      %eq3A_343 = arith.cmpi eq, %arg0, %eq3A_342 : i32
      %convert_element_type3A_344 = arith.extui %eq3A_343 : i1 to i32
      %cond3A_345 = arith.constant 0 : i32
      %cond3A_346 = arith.cmpi ne, %convert_element_type3A_344, %cond3A_345 : i32
      scf.if %cond3A_346 {
        %dma_start3A_469 = arith.constant 0 : i32
        %dma_start3A_470 = tpu.memref_slice %arg2[%multiple_of3A_341, %dma_start3A_469] : memref<320000x128xf32, #tpu.memory_space<hbm>> -> memref<160x128xf32, #tpu.memory_space<hbm>>
        %dma_start3A_471 = arith.constant 0 : i32
        %dma_start3A_472 = tpu.memref_slice %arg2[%multiple_of3A_341, %dma_start3A_471] : memref<320000x128xf32, #tpu.memory_space<hbm>> -> memref<160x128xf32, #tpu.memory_space<hbm>>
        tpu.enqueue_dma source(%dma_start3A_472 : memref<160x128xf32, #tpu.memory_space<hbm>>) target(%arg6 : memref<160x128xf32, #tpu.memory_space<vmem>>) target_semaphore(%arg14 : memref<!tpu.dma_semaphore, #tpu.memory_space<semaphore_mem>>)
      } else {
      }
      %eq3A_347 = arith.constant 1 : i32
      %eq3A_348 = arith.cmpi eq, %arg0, %eq3A_347 : i32
      %convert_element_type3A_349 = arith.extui %eq3A_348 : i1 to i32
      %cond3A_350 = arith.constant 0 : i32
      %cond3A_351 = arith.cmpi ne, %convert_element_type3A_349, %cond3A_350 : i32
      scf.if %cond3A_351 {
        %dma_start3A_469 = arith.constant 0 : i32
        %dma_start3A_470 = tpu.memref_slice %arg3[%multiple_of3A_341, %dma_start3A_469] : memref<320000x128xf32, #tpu.memory_space<hbm>> -> memref<160x128xf32, #tpu.memory_space<hbm>>
        %dma_start3A_471 = arith.constant 0 : i32
        %dma_start3A_472 = tpu.memref_slice %arg3[%multiple_of3A_341, %dma_start3A_471] : memref<320000x128xf32, #tpu.memory_space<hbm>> -> memref<160x128xf32, #tpu.memory_space<hbm>>
        tpu.enqueue_dma source(%dma_start3A_472 : memref<160x128xf32, #tpu.memory_space<hbm>>) target(%arg6 : memref<160x128xf32, #tpu.memory_space<vmem>>) target_semaphore(%arg14 : memref<!tpu.dma_semaphore, #tpu.memory_space<semaphore_mem>>)
      } else {
      }
      %mul3A_352 = arith.constant 2 : i32
      %mul3A_353 = arith.muli %mul3A_352, %multiple_of3A_341 : i32
      %multiple_of3A_354 = tpu.assume_multiple %mul3A_353, 8 : i32
      %dma_start3A_355 = tpu.memref_slice %arg4[%multiple_of3A_354] : memref<640000xi32, #tpu.memory_space<hbm>> -> memref<320xi32, #tpu.memory_space<hbm>>
      %dma_start3A_356 = tpu.memref_slice %arg4[%multiple_of3A_354] : memref<640000xi32, #tpu.memory_space<hbm>> -> memref<320xi32, #tpu.memory_space<hbm>>
      tpu.enqueue_dma source(%dma_start3A_356 : memref<320xi32, #tpu.memory_space<hbm>>) target(%arg8 : memref<320xi32, #tpu.memory_space<vmem>>) target_semaphore(%arg14 : memref<!tpu.dma_semaphore, #tpu.memory_space<semaphore_mem>>)
      %dma_wait3A_357 = arith.constant 0 : i32
      %dma_wait3A_358 = arith.constant 0 : i32
      %dma_wait3A_359 = tpu.memref_slice %arg2[%dma_wait3A_357, %dma_wait3A_358] : memref<320000x128xf32, #tpu.memory_space<hbm>> -> memref<160x128xf32, #tpu.memory_space<hbm>>
      %dma_wait3A_360 = arith.constant 0 : i32
      %dma_wait3A_361 = arith.constant 0 : i32
      %dma_wait3A_362 = tpu.memref_slice %arg2[%dma_wait3A_360, %dma_wait3A_361] : memref<320000x128xf32, #tpu.memory_space<hbm>> -> memref<160x128xf32, #tpu.memory_space<hbm>>
      tpu.wait_dma2 semaphore(%arg15 : memref<!tpu.dma_semaphore, #tpu.memory_space<semaphore_mem>>) src(%dma_wait3A_362 : memref<160x128xf32, #tpu.memory_space<hbm>>) dst(%arg7 : memref<160x128xf32, #tpu.memory_space<vmem>>)
      %dma_wait3A_363 = arith.constant 0 : i32
      %dma_wait3A_364 = tpu.memref_slice %arg4[%dma_wait3A_363] : memref<640000xi32, #tpu.memory_space<hbm>> -> memref<320xi32, #tpu.memory_space<hbm>>
      %dma_wait3A_365 = arith.constant 0 : i32
      %dma_wait3A_366 = tpu.memref_slice %arg4[%dma_wait3A_365] : memref<640000xi32, #tpu.memory_space<hbm>> -> memref<320xi32, #tpu.memory_space<hbm>>
      tpu.wait_dma2 semaphore(%arg15 : memref<!tpu.dma_semaphore, #tpu.memory_space<semaphore_mem>>) src(%dma_wait3A_366 : memref<320xi32, #tpu.memory_space<hbm>>) dst(%arg9 : memref<320xi32, #tpu.memory_space<vmem>>)
      %mul3A_367 = arith.constant 2 : i32
      %mul3A_368 = vector.broadcast %mul3A_367 : i32 to vector<16xi32>
      %mul3A_369 = arith.muli %iota3A, %mul3A_368 : vector<16xi32>
      %add3A_370 = arith.constant 0 : i32
      %add3A_371 = vector.broadcast %add3A_370 : i32 to vector<16xi32>
      %add3A_372 = arith.addi %mul3A_369, %add3A_371 : vector<16xi32>
      %gather3A_373 = tpu.vector_load_idx %arg9[%add3A_372] : memref<320xi32, #tpu.memory_space<vmem>>[vector<16xi32>], vector<16xi32>,
      %swap3A_374 = arith.constant 0 : index
      %swap3A_375 = tpu.vector_load %arg12[%swap3A_374] {strides = array<i32>} : memref<80xi32, #tpu.memory_space<vmem>>, vector<16xi32>,
      tpu.vector_store %arg12[%swap3A_374], %gather3A_373 {strides = array<i32>} : memref<80xi32, #tpu.memory_space<vmem>>, vector<16xi32>,
      %mul3A_376 = arith.constant 2 : i32
      %mul3A_377 = vector.broadcast %mul3A_376 : i32 to vector<16xi32>
      %mul3A_378 = arith.muli %iota3A, %mul3A_377 : vector<16xi32>
      %add3A_379 = arith.constant 32 : i32
      %add3A_380 = vector.broadcast %add3A_379 : i32 to vector<16xi32>
      %add3A_381 = arith.addi %mul3A_378, %add3A_380 : vector<16xi32>
      %gather3A_382 = tpu.vector_load_idx %arg9[%add3A_381] : memref<320xi32, #tpu.memory_space<vmem>>[vector<16xi32>], vector<16xi32>,
      %swap3A_383 = arith.constant 16 : index
      %swap3A_384 = tpu.vector_load %arg12[%swap3A_383] {strides = array<i32>} : memref<80xi32, #tpu.memory_space<vmem>>, vector<16xi32>,
      tpu.vector_store %arg12[%swap3A_383], %gather3A_382 {strides = array<i32>} : memref<80xi32, #tpu.memory_space<vmem>>, vector<16xi32>,
      %mul3A_385 = arith.constant 2 : i32
      %mul3A_386 = vector.broadcast %mul3A_385 : i32 to vector<16xi32>
      %mul3A_387 = arith.muli %iota3A, %mul3A_386 : vector<16xi32>
      %add3A_388 = arith.constant 64 : i32
      %add3A_389 = vector.broadcast %add3A_388 : i32 to vector<16xi32>
      %add3A_390 = arith.addi %mul3A_387, %add3A_389 : vector<16xi32>
      %gather3A_391 = tpu.vector_load_idx %arg9[%add3A_390] : memref<320xi32, #tpu.memory_space<vmem>>[vector<16xi32>], vector<16xi32>,
      %swap3A_392 = arith.constant 32 : index
      %swap3A_393 = tpu.vector_load %arg12[%swap3A_392] {strides = array<i32>} : memref<80xi32, #tpu.memory_space<vmem>>, vector<16xi32>,
      tpu.vector_store %arg12[%swap3A_392], %gather3A_391 {strides = array<i32>} : memref<80xi32, #tpu.memory_space<vmem>>, vector<16xi32>,
      %mul3A_394 = arith.constant 2 : i32
      %mul3A_395 = vector.broadcast %mul3A_394 : i32 to vector<16xi32>
      %mul3A_396 = arith.muli %iota3A, %mul3A_395 : vector<16xi32>
      %add3A_397 = arith.constant 96 : i32
      %add3A_398 = vector.broadcast %add3A_397 : i32 to vector<16xi32>
      %add3A_399 = arith.addi %mul3A_396, %add3A_398 : vector<16xi32>
      %gather3A_400 = tpu.vector_load_idx %arg9[%add3A_399] : memref<320xi32, #tpu.memory_space<vmem>>[vector<16xi32>], vector<16xi32>,
      %swap3A_401 = arith.constant 48 : index
      %swap3A_402 = tpu.vector_load %arg12[%swap3A_401] {strides = array<i32>} : memref<80xi32, #tpu.memory_space<vmem>>, vector<16xi32>,
      tpu.vector_store %arg12[%swap3A_401], %gather3A_400 {strides = array<i32>} : memref<80xi32, #tpu.memory_space<vmem>>, vector<16xi32>,
      %mul3A_403 = arith.constant 2 : i32
      %mul3A_404 = vector.broadcast %mul3A_403 : i32 to vector<16xi32>
      %mul3A_405 = arith.muli %iota3A, %mul3A_404 : vector<16xi32>
      %add3A_406 = arith.constant 128 : i32
      %add3A_407 = vector.broadcast %add3A_406 : i32 to vector<16xi32>
      %add3A_408 = arith.addi %mul3A_405, %add3A_407 : vector<16xi32>
      %gather3A_409 = tpu.vector_load_idx %arg9[%add3A_408] : memref<320xi32, #tpu.memory_space<vmem>>[vector<16xi32>], vector<16xi32>,
      %swap3A_410 = arith.constant 64 : index
      %swap3A_411 = tpu.vector_load %arg12[%swap3A_410] {strides = array<i32>} : memref<80xi32, #tpu.memory_space<vmem>>, vector<16xi32>,
      tpu.vector_store %arg12[%swap3A_410], %gather3A_409 {strides = array<i32>} : memref<80xi32, #tpu.memory_space<vmem>>, vector<16xi32>,
      %mul3A_412 = arith.constant 2 : i32
      %mul3A_413 = vector.broadcast %mul3A_412 : i32 to vector<16xi32>
      %mul3A_414 = arith.muli %iota3A, %mul3A_413 : vector<16xi32>
      %add3A_415 = arith.constant 160 : i32
      %add3A_416 = vector.broadcast %add3A_415 : i32 to vector<16xi32>
      %add3A_417 = arith.addi %mul3A_414, %add3A_416 : vector<16xi32>
      %gather3A_418 = tpu.vector_load_idx %arg9[%add3A_417] : memref<320xi32, #tpu.memory_space<vmem>>[vector<16xi32>], vector<16xi32>,
      %swap3A_419 = arith.constant 0 : index
      %swap3A_420 = tpu.vector_load %arg13[%swap3A_419] {strides = array<i32>} : memref<80xi32, #tpu.memory_space<vmem>>, vector<16xi32>,
      tpu.vector_store %arg13[%swap3A_419], %gather3A_418 {strides = array<i32>} : memref<80xi32, #tpu.memory_space<vmem>>, vector<16xi32>,
      %mul3A_421 = arith.constant 2 : i32
      %mul3A_422 = vector.broadcast %mul3A_421 : i32 to vector<16xi32>
      %mul3A_423 = arith.muli %iota3A, %mul3A_422 : vector<16xi32>
      %add3A_424 = arith.constant 192 : i32
      %add3A_425 = vector.broadcast %add3A_424 : i32 to vector<16xi32>
      %add3A_426 = arith.addi %mul3A_423, %add3A_425 : vector<16xi32>
      %gather3A_427 = tpu.vector_load_idx %arg9[%add3A_426] : memref<320xi32, #tpu.memory_space<vmem>>[vector<16xi32>], vector<16xi32>,
      %swap3A_428 = arith.constant 16 : index
      %swap3A_429 = tpu.vector_load %arg13[%swap3A_428] {strides = array<i32>} : memref<80xi32, #tpu.memory_space<vmem>>, vector<16xi32>,
      tpu.vector_store %arg13[%swap3A_428], %gather3A_427 {strides = array<i32>} : memref<80xi32, #tpu.memory_space<vmem>>, vector<16xi32>,
      %mul3A_430 = arith.constant 2 : i32
      %mul3A_431 = vector.broadcast %mul3A_430 : i32 to vector<16xi32>
      %mul3A_432 = arith.muli %iota3A, %mul3A_431 : vector<16xi32>
      %add3A_433 = arith.constant 224 : i32
      %add3A_434 = vector.broadcast %add3A_433 : i32 to vector<16xi32>
      %add3A_435 = arith.addi %mul3A_432, %add3A_434 : vector<16xi32>
      %gather3A_436 = tpu.vector_load_idx %arg9[%add3A_435] : memref<320xi32, #tpu.memory_space<vmem>>[vector<16xi32>], vector<16xi32>,
      %swap3A_437 = arith.constant 32 : index
      %swap3A_438 = tpu.vector_load %arg13[%swap3A_437] {strides = array<i32>} : memref<80xi32, #tpu.memory_space<vmem>>, vector<16xi32>,
      tpu.vector_store %arg13[%swap3A_437], %gather3A_436 {strides = array<i32>} : memref<80xi32, #tpu.memory_space<vmem>>, vector<16xi32>,
      %mul3A_439 = arith.constant 2 : i32
      %mul3A_440 = vector.broadcast %mul3A_439 : i32 to vector<16xi32>
      %mul3A_441 = arith.muli %iota3A, %mul3A_440 : vector<16xi32>
      %add3A_442 = arith.constant 256 : i32
      %add3A_443 = vector.broadcast %add3A_442 : i32 to vector<16xi32>
      %add3A_444 = arith.addi %mul3A_441, %add3A_443 : vector<16xi32>
      %gather3A_445 = tpu.vector_load_idx %arg9[%add3A_444] : memref<320xi32, #tpu.memory_space<vmem>>[vector<16xi32>], vector<16xi32>,
      %swap3A_446 = arith.constant 48 : index
      %swap3A_447 = tpu.vector_load %arg13[%swap3A_446] {strides = array<i32>} : memref<80xi32, #tpu.memory_space<vmem>>, vector<16xi32>,
      tpu.vector_store %arg13[%swap3A_446], %gather3A_445 {strides = array<i32>} : memref<80xi32, #tpu.memory_space<vmem>>, vector<16xi32>,
      %mul3A_448 = arith.constant 2 : i32
      %mul3A_449 = vector.broadcast %mul3A_448 : i32 to vector<16xi32>
      %mul3A_450 = arith.muli %iota3A, %mul3A_449 : vector<16xi32>
      %add3A_451 = arith.constant 288 : i32
      %add3A_452 = vector.broadcast %add3A_451 : i32 to vector<16xi32>
      %add3A_453 = arith.addi %mul3A_450, %add3A_452 : vector<16xi32>
      %gather3A_454 = tpu.vector_load_idx %arg9[%add3A_453] : memref<320xi32, #tpu.memory_space<vmem>>[vector<16xi32>], vector<16xi32>,
      %swap3A_455 = arith.constant 64 : index
      %swap3A_456 = tpu.vector_load %arg13[%swap3A_455] {strides = array<i32>} : memref<80xi32, #tpu.memory_space<vmem>>, vector<16xi32>,
      tpu.vector_store %arg13[%swap3A_455], %gather3A_454 {strides = array<i32>} : memref<80xi32, #tpu.memory_space<vmem>>, vector<16xi32>,
      %dma_start3A_457 = arith.constant 0 : i32
      %dma_start3A_458 = arith.constant 0 : i32
      %dma_start3A_459 = tpu.memref_slice %arg7[%dma_start3A_457, %dma_start3A_458] : memref<160x128xf32, #tpu.memory_space<vmem>> -> memref<80x128xf32, #tpu.memory_space<vmem>>
      %dma_start3A_460 = arith.constant 0 : i32
      %dma_start3A_461 = arith.constant 0 : i32
      %dma_start3A_462 = tpu.memref_slice %arg18[%dma_start3A_460, %dma_start3A_461] : memref<10240x128xf32, #tpu.memory_space<vmem_shared>> -> memref<10240x128xf32, #tpu.memory_space<vmem_shared>>
      tpu.enqueue_indirect_dma source(%dma_start3A_459 : memref<80x128xf32, #tpu.memory_space<vmem>>) target(%dma_start3A_462 : memref<10240x128xf32, #tpu.memory_space<vmem_shared>>) offsets(%arg12 : memref<80xi32, #tpu.memory_space<vmem>>) semaphore(%arg17 : memref<!tpu.dma_semaphore, #tpu.memory_space<semaphore_mem>>) {add = true}
      %dma_start3A_463 = arith.constant 80 : i32
      %dma_start3A_464 = arith.constant 0 : i32
      %dma_start3A_465 = tpu.memref_slice %arg7[%dma_start3A_463, %dma_start3A_464] : memref<160x128xf32, #tpu.memory_space<vmem>> -> memref<80x128xf32, #tpu.memory_space<vmem>>
      %dma_start3A_466 = arith.constant 0 : i32
      %dma_start3A_467 = arith.constant 0 : i32
      %dma_start3A_468 = tpu.memref_slice %arg18[%dma_start3A_466, %dma_start3A_467] : memref<10240x128xf32, #tpu.memory_space<vmem_shared>> -> memref<10240x128xf32, #tpu.memory_space<vmem_shared>>
      tpu.enqueue_indirect_dma source(%dma_start3A_465 : memref<80x128xf32, #tpu.memory_space<vmem>>) target(%dma_start3A_468 : memref<10240x128xf32, #tpu.memory_space<vmem_shared>>) offsets(%arg13 : memref<80xi32, #tpu.memory_space<vmem>>) semaphore(%arg17 : memref<!tpu.dma_semaphore, #tpu.memory_space<semaphore_mem>>) {add = true}
    }
    %scan3A_34 = arith.constant 62 : i32
    %dma_wait3A = arith.constant 0 : i32
    %dma_wait3A_35 = arith.constant 0 : i32
    %dma_wait3A_36 = tpu.memref_slice %arg2[%dma_wait3A, %dma_wait3A_35] : memref<320000x128xf32, #tpu.memory_space<hbm>> -> memref<160x128xf32, #tpu.memory_space<hbm>>
    %dma_wait3A_37 = arith.constant 0 : i32
    %dma_wait3A_38 = arith.constant 0 : i32
    %dma_wait3A_39 = tpu.memref_slice %arg2[%dma_wait3A_37, %dma_wait3A_38] : memref<320000x128xf32, #tpu.memory_space<hbm>> -> memref<160x128xf32, #tpu.memory_space<hbm>>
    tpu.wait_dma2 semaphore(%arg14 : memref<!tpu.dma_semaphore, #tpu.memory_space<semaphore_mem>>) src(%dma_wait3A_39 : memref<160x128xf32, #tpu.memory_space<hbm>>) dst(%arg6 : memref<160x128xf32, #tpu.memory_space<vmem>>)
    %dma_wait3A_40 = arith.constant 0 : i32
    %dma_wait3A_41 = tpu.memref_slice %arg4[%dma_wait3A_40] : memref<640000xi32, #tpu.memory_space<hbm>> -> memref<320xi32, #tpu.memory_space<hbm>>
    %dma_wait3A_42 = arith.constant 0 : i32
    %dma_wait3A_43 = tpu.memref_slice %arg4[%dma_wait3A_42] : memref<640000xi32, #tpu.memory_space<hbm>> -> memref<320xi32, #tpu.memory_space<hbm>>
    tpu.wait_dma2 semaphore(%arg14 : memref<!tpu.dma_semaphore, #tpu.memory_space<semaphore_mem>>) src(%dma_wait3A_43 : memref<320xi32, #tpu.memory_space<hbm>>) dst(%arg8 : memref<320xi32, #tpu.memory_space<vmem>>)
    %mul3A_44 = arith.constant 2 : i32
    %mul3A_45 = vector.broadcast %mul3A_44 : i32 to vector<16xi32>
    %mul3A_46 = arith.muli %iota3A, %mul3A_45 : vector<16xi32>
    %add3A_47 = arith.constant 0 : i32
    %add3A_48 = vector.broadcast %add3A_47 : i32 to vector<16xi32>
    %add3A_49 = arith.addi %mul3A_46, %add3A_48 : vector<16xi32>
    %gather3A = tpu.vector_load_idx %arg8[%add3A_49] : memref<320xi32, #tpu.memory_space<vmem>>[vector<16xi32>], vector<16xi32>,
    %swap3A = arith.constant 0 : index
    %swap3A_50 = tpu.vector_load %arg10[%swap3A] {strides = array<i32>} : memref<80xi32, #tpu.memory_space<vmem>>, vector<16xi32>,
    tpu.vector_store %arg10[%swap3A], %gather3A {strides = array<i32>} : memref<80xi32, #tpu.memory_space<vmem>>, vector<16xi32>,
    %mul3A_51 = arith.constant 2 : i32
    %mul3A_52 = vector.broadcast %mul3A_51 : i32 to vector<16xi32>
    %mul3A_53 = arith.muli %iota3A, %mul3A_52 : vector<16xi32>
    %add3A_54 = arith.constant 32 : i32
    %add3A_55 = vector.broadcast %add3A_54 : i32 to vector<16xi32>
    %add3A_56 = arith.addi %mul3A_53, %add3A_55 : vector<16xi32>
    %gather3A_57 = tpu.vector_load_idx %arg8[%add3A_56] : memref<320xi32, #tpu.memory_space<vmem>>[vector<16xi32>], vector<16xi32>,
    %swap3A_58 = arith.constant 16 : index
    %swap3A_59 = tpu.vector_load %arg10[%swap3A_58] {strides = array<i32>} : memref<80xi32, #tpu.memory_space<vmem>>, vector<16xi32>,
    tpu.vector_store %arg10[%swap3A_58], %gather3A_57 {strides = array<i32>} : memref<80xi32, #tpu.memory_space<vmem>>, vector<16xi32>,
    %mul3A_60 = arith.constant 2 : i32
    %mul3A_61 = vector.broadcast %mul3A_60 : i32 to vector<16xi32>
    %mul3A_62 = arith.muli %iota3A, %mul3A_61 : vector<16xi32>
    %add3A_63 = arith.constant 64 : i32
    %add3A_64 = vector.broadcast %add3A_63 : i32 to vector<16xi32>
    %add3A_65 = arith.addi %mul3A_62, %add3A_64 : vector<16xi32>
    %gather3A_66 = tpu.vector_load_idx %arg8[%add3A_65] : memref<320xi32, #tpu.memory_space<vmem>>[vector<16xi32>], vector<16xi32>,
    %swap3A_67 = arith.constant 32 : index
    %swap3A_68 = tpu.vector_load %arg10[%swap3A_67] {strides = array<i32>} : memref<80xi32, #tpu.memory_space<vmem>>, vector<16xi32>,
    tpu.vector_store %arg10[%swap3A_67], %gather3A_66 {strides = array<i32>} : memref<80xi32, #tpu.memory_space<vmem>>, vector<16xi32>,
    %mul3A_69 = arith.constant 2 : i32
    %mul3A_70 = vector.broadcast %mul3A_69 : i32 to vector<16xi32>
    %mul3A_71 = arith.muli %iota3A, %mul3A_70 : vector<16xi32>
    %add3A_72 = arith.constant 96 : i32
    %add3A_73 = vector.broadcast %add3A_72 : i32 to vector<16xi32>
    %add3A_74 = arith.addi %mul3A_71, %add3A_73 : vector<16xi32>
    %gather3A_75 = tpu.vector_load_idx %arg8[%add3A_74] : memref<320xi32, #tpu.memory_space<vmem>>[vector<16xi32>], vector<16xi32>,
    %swap3A_76 = arith.constant 48 : index
    %swap3A_77 = tpu.vector_load %arg10[%swap3A_76] {strides = array<i32>} : memref<80xi32, #tpu.memory_space<vmem>>, vector<16xi32>,
    tpu.vector_store %arg10[%swap3A_76], %gather3A_75 {strides = array<i32>} : memref<80xi32, #tpu.memory_space<vmem>>, vector<16xi32>,
    %mul3A_78 = arith.constant 2 : i32
    %mul3A_79 = vector.broadcast %mul3A_78 : i32 to vector<16xi32>
    %mul3A_80 = arith.muli %iota3A, %mul3A_79 : vector<16xi32>
    %add3A_81 = arith.constant 128 : i32
    %add3A_82 = vector.broadcast %add3A_81 : i32 to vector<16xi32>
    %add3A_83 = arith.addi %mul3A_80, %add3A_82 : vector<16xi32>
    %gather3A_84 = tpu.vector_load_idx %arg8[%add3A_83] : memref<320xi32, #tpu.memory_space<vmem>>[vector<16xi32>], vector<16xi32>,
    %swap3A_85 = arith.constant 64 : index
    %swap3A_86 = tpu.vector_load %arg10[%swap3A_85] {strides = array<i32>} : memref<80xi32, #tpu.memory_space<vmem>>, vector<16xi32>,
    tpu.vector_store %arg10[%swap3A_85], %gather3A_84 {strides = array<i32>} : memref<80xi32, #tpu.memory_space<vmem>>, vector<16xi32>,
    %mul3A_87 = arith.constant 2 : i32
    %mul3A_88 = vector.broadcast %mul3A_87 : i32 to vector<16xi32>
    %mul3A_89 = arith.muli %iota3A, %mul3A_88 : vector<16xi32>
    %add3A_90 = arith.constant 160 : i32
    %add3A_91 = vector.broadcast %add3A_90 : i32 to vector<16xi32>
    %add3A_92 = arith.addi %mul3A_89, %add3A_91 : vector<16xi32>
    %gather3A_93 = tpu.vector_load_idx %arg8[%add3A_92] : memref<320xi32, #tpu.memory_space<vmem>>[vector<16xi32>], vector<16xi32>,
    %swap3A_94 = arith.constant 0 : index
    %swap3A_95 = tpu.vector_load %arg11[%swap3A_94] {strides = array<i32>} : memref<80xi32, #tpu.memory_space<vmem>>, vector<16xi32>,
    tpu.vector_store %arg11[%swap3A_94], %gather3A_93 {strides = array<i32>} : memref<80xi32, #tpu.memory_space<vmem>>, vector<16xi32>,
    %mul3A_96 = arith.constant 2 : i32
    %mul3A_97 = vector.broadcast %mul3A_96 : i32 to vector<16xi32>
    %mul3A_98 = arith.muli %iota3A, %mul3A_97 : vector<16xi32>
    %add3A_99 = arith.constant 192 : i32
    %add3A_100 = vector.broadcast %add3A_99 : i32 to vector<16xi32>
    %add3A_101 = arith.addi %mul3A_98, %add3A_100 : vector<16xi32>
    %gather3A_102 = tpu.vector_load_idx %arg8[%add3A_101] : memref<320xi32, #tpu.memory_space<vmem>>[vector<16xi32>], vector<16xi32>,
    %swap3A_103 = arith.constant 16 : index
    %swap3A_104 = tpu.vector_load %arg11[%swap3A_103] {strides = array<i32>} : memref<80xi32, #tpu.memory_space<vmem>>, vector<16xi32>,
    tpu.vector_store %arg11[%swap3A_103], %gather3A_102 {strides = array<i32>} : memref<80xi32, #tpu.memory_space<vmem>>, vector<16xi32>,
    %mul3A_105 = arith.constant 2 : i32
    %mul3A_106 = vector.broadcast %mul3A_105 : i32 to vector<16xi32>
    %mul3A_107 = arith.muli %iota3A, %mul3A_106 : vector<16xi32>
    %add3A_108 = arith.constant 224 : i32
    %add3A_109 = vector.broadcast %add3A_108 : i32 to vector<16xi32>
    %add3A_110 = arith.addi %mul3A_107, %add3A_109 : vector<16xi32>
    %gather3A_111 = tpu.vector_load_idx %arg8[%add3A_110] : memref<320xi32, #tpu.memory_space<vmem>>[vector<16xi32>], vector<16xi32>,
    %swap3A_112 = arith.constant 32 : index
    %swap3A_113 = tpu.vector_load %arg11[%swap3A_112] {strides = array<i32>} : memref<80xi32, #tpu.memory_space<vmem>>, vector<16xi32>,
    tpu.vector_store %arg11[%swap3A_112], %gather3A_111 {strides = array<i32>} : memref<80xi32, #tpu.memory_space<vmem>>, vector<16xi32>,
    %mul3A_114 = arith.constant 2 : i32
    %mul3A_115 = vector.broadcast %mul3A_114 : i32 to vector<16xi32>
    %mul3A_116 = arith.muli %iota3A, %mul3A_115 : vector<16xi32>
    %add3A_117 = arith.constant 256 : i32
    %add3A_118 = vector.broadcast %add3A_117 : i32 to vector<16xi32>
    %add3A_119 = arith.addi %mul3A_116, %add3A_118 : vector<16xi32>
    %gather3A_120 = tpu.vector_load_idx %arg8[%add3A_119] : memref<320xi32, #tpu.memory_space<vmem>>[vector<16xi32>], vector<16xi32>,
    %swap3A_121 = arith.constant 48 : index
    %swap3A_122 = tpu.vector_load %arg11[%swap3A_121] {strides = array<i32>} : memref<80xi32, #tpu.memory_space<vmem>>, vector<16xi32>,
    tpu.vector_store %arg11[%swap3A_121], %gather3A_120 {strides = array<i32>} : memref<80xi32, #tpu.memory_space<vmem>>, vector<16xi32>,
    %mul3A_123 = arith.constant 2 : i32
    %mul3A_124 = vector.broadcast %mul3A_123 : i32 to vector<16xi32>
    %mul3A_125 = arith.muli %iota3A, %mul3A_124 : vector<16xi32>
    %add3A_126 = arith.constant 288 : i32
    %add3A_127 = vector.broadcast %add3A_126 : i32 to vector<16xi32>
    %add3A_128 = arith.addi %mul3A_125, %add3A_127 : vector<16xi32>
    %gather3A_129 = tpu.vector_load_idx %arg8[%add3A_128] : memref<320xi32, #tpu.memory_space<vmem>>[vector<16xi32>], vector<16xi32>,
    %swap3A_130 = arith.constant 64 : index
    %swap3A_131 = tpu.vector_load %arg11[%swap3A_130] {strides = array<i32>} : memref<80xi32, #tpu.memory_space<vmem>>, vector<16xi32>,
    tpu.vector_store %arg11[%swap3A_130], %gather3A_129 {strides = array<i32>} : memref<80xi32, #tpu.memory_space<vmem>>, vector<16xi32>,
    %dma_start3A_132 = arith.constant 0 : i32
    %dma_start3A_133 = arith.constant 0 : i32
    %dma_start3A_134 = tpu.memref_slice %arg6[%dma_start3A_132, %dma_start3A_133] : memref<160x128xf32, #tpu.memory_space<vmem>> -> memref<80x128xf32, #tpu.memory_space<vmem>>
    %dma_start3A_135 = arith.constant 0 : i32
    %dma_start3A_136 = arith.constant 0 : i32
    %dma_start3A_137 = tpu.memref_slice %arg18[%dma_start3A_135, %dma_start3A_136] : memref<10240x128xf32, #tpu.memory_space<vmem_shared>> -> memref<10240x128xf32, #tpu.memory_space<vmem_shared>>
    tpu.enqueue_indirect_dma source(%dma_start3A_134 : memref<80x128xf32, #tpu.memory_space<vmem>>) target(%dma_start3A_137 : memref<10240x128xf32, #tpu.memory_space<vmem_shared>>) offsets(%arg10 : memref<80xi32, #tpu.memory_space<vmem>>) semaphore(%arg16 : memref<!tpu.dma_semaphore, #tpu.memory_space<semaphore_mem>>) {add = true}
    %dma_start3A_138 = arith.constant 80 : i32
    %dma_start3A_139 = arith.constant 0 : i32
    %dma_start3A_140 = tpu.memref_slice %arg6[%dma_start3A_138, %dma_start3A_139] : memref<160x128xf32, #tpu.memory_space<vmem>> -> memref<80x128xf32, #tpu.memory_space<vmem>>
    %dma_start3A_141 = arith.constant 0 : i32
    %dma_start3A_142 = arith.constant 0 : i32
    %dma_start3A_143 = tpu.memref_slice %arg18[%dma_start3A_141, %dma_start3A_142] : memref<10240x128xf32, #tpu.memory_space<vmem_shared>> -> memref<10240x128xf32, #tpu.memory_space<vmem_shared>>
    tpu.enqueue_indirect_dma source(%dma_start3A_140 : memref<80x128xf32, #tpu.memory_space<vmem>>) target(%dma_start3A_143 : memref<10240x128xf32, #tpu.memory_space<vmem_shared>>) offsets(%arg11 : memref<80xi32, #tpu.memory_space<vmem>>) semaphore(%arg16 : memref<!tpu.dma_semaphore, #tpu.memory_space<semaphore_mem>>) {add = true}
    %dma_wait3A_144 = arith.constant 0 : i32
    %dma_wait3A_145 = arith.constant 0 : i32
    %dma_wait3A_146 = tpu.memref_slice %arg7[%dma_wait3A_144, %dma_wait3A_145] : memref<160x128xf32, #tpu.memory_space<vmem>> -> memref<80x128xf32, #tpu.memory_space<vmem>>
    %dma_wait3A_147 = arith.constant 0 : i32
    %dma_wait3A_148 = arith.constant 0 : i32
    %dma_wait3A_149 = tpu.memref_slice %arg18[%dma_wait3A_147, %dma_wait3A_148] : memref<10240x128xf32, #tpu.memory_space<vmem_shared>> -> memref<10240x128xf32, #tpu.memory_space<vmem_shared>>
    tpu.wait_indirect_dma semaphore(%arg17 : memref<!tpu.dma_semaphore, #tpu.memory_space<semaphore_mem>>) src(%dma_wait3A_146 : memref<80x128xf32, #tpu.memory_space<vmem>>) dst(%dma_wait3A_149 : memref<10240x128xf32, #tpu.memory_space<vmem_shared>>)
    %dma_wait3A_150 = arith.constant 80 : i32
    %dma_wait3A_151 = arith.constant 0 : i32
    %dma_wait3A_152 = tpu.memref_slice %arg7[%dma_wait3A_150, %dma_wait3A_151] : memref<160x128xf32, #tpu.memory_space<vmem>> -> memref<80x128xf32, #tpu.memory_space<vmem>>
    %dma_wait3A_153 = arith.constant 0 : i32
    %dma_wait3A_154 = arith.constant 0 : i32
    %dma_wait3A_155 = tpu.memref_slice %arg18[%dma_wait3A_153, %dma_wait3A_154] : memref<10240x128xf32, #tpu.memory_space<vmem_shared>> -> memref<10240x128xf32, #tpu.memory_space<vmem_shared>>
    tpu.wait_indirect_dma semaphore(%arg17 : memref<!tpu.dma_semaphore, #tpu.memory_space<semaphore_mem>>) src(%dma_wait3A_152 : memref<80x128xf32, #tpu.memory_space<vmem>>) dst(%dma_wait3A_155 : memref<10240x128xf32, #tpu.memory_space<vmem_shared>>)
    %dma_wait3A_156 = arith.constant 0 : i32
    %dma_wait3A_157 = arith.constant 0 : i32
    %dma_wait3A_158 = tpu.memref_slice %arg6[%dma_wait3A_156, %dma_wait3A_157] : memref<160x128xf32, #tpu.memory_space<vmem>> -> memref<80x128xf32, #tpu.memory_space<vmem>>
    %dma_wait3A_159 = arith.constant 0 : i32
    %dma_wait3A_160 = arith.constant 0 : i32
    %dma_wait3A_161 = tpu.memref_slice %arg18[%dma_wait3A_159, %dma_wait3A_160] : memref<10240x128xf32, #tpu.memory_space<vmem_shared>> -> memref<10240x128xf32, #tpu.memory_space<vmem_shared>>
    tpu.wait_indirect_dma semaphore(%arg16 : memref<!tpu.dma_semaphore, #tpu.memory_space<semaphore_mem>>) src(%dma_wait3A_158 : memref<80x128xf32, #tpu.memory_space<vmem>>) dst(%dma_wait3A_161 : memref<10240x128xf32, #tpu.memory_space<vmem_shared>>)
    %dma_wait3A_162 = arith.constant 80 : i32
    %dma_wait3A_163 = arith.constant 0 : i32
    %dma_wait3A_164 = tpu.memref_slice %arg6[%dma_wait3A_162, %dma_wait3A_163] : memref<160x128xf32, #tpu.memory_space<vmem>> -> memref<80x128xf32, #tpu.memory_space<vmem>>
    %dma_wait3A_165 = arith.constant 0 : i32
    %dma_wait3A_166 = arith.constant 0 : i32
    %dma_wait3A_167 = tpu.memref_slice %arg18[%dma_wait3A_165, %dma_wait3A_166] : memref<10240x128xf32, #tpu.memory_space<vmem_shared>> -> memref<10240x128xf32, #tpu.memory_space<vmem_shared>>
    tpu.wait_indirect_dma semaphore(%arg16 : memref<!tpu.dma_semaphore, #tpu.memory_space<semaphore_mem>>) src(%dma_wait3A_164 : memref<80x128xf32, #tpu.memory_space<vmem>>) dst(%dma_wait3A_167 : memref<10240x128xf32, #tpu.memory_space<vmem_shared>>)
    %barrier3A_168 = arith.constant 0 : index
    tpu.barrier barrier_id(%barrier3A_168)
    %add3A_169 = arith.constant 0 : i32
    %add3A_170 = arith.addi %mul3A_6, %add3A_169 : i32
    "tpu.region"() ({
      %run_scoped3A = tpu.sem_alloc : memref<!tpu.dma_semaphore, #tpu.memory_space<semaphore_mem>>
      %dma_start3A_185 = arith.constant 0 : i32
      %dma_start3A_186 = tpu.memref_slice %arg18[%add3A_170, %dma_start3A_185] : memref<10240x128xf32, #tpu.memory_space<vmem_shared>> -> memref<160x128xf32, #tpu.memory_space<vmem_shared>>
      %dma_start3A_187 = arith.constant 0 : i32
      %dma_start3A_188 = tpu.memref_slice %arg18[%add3A_170, %dma_start3A_187] : memref<10240x128xf32, #tpu.memory_space<vmem_shared>> -> memref<160x128xf32, #tpu.memory_space<vmem_shared>>
      tpu.enqueue_dma source(%dma_start3A_188 : memref<160x128xf32, #tpu.memory_space<vmem_shared>>) target(%arg6 : memref<160x128xf32, #tpu.memory_space<vmem>>) target_semaphore(%run_scoped3A : memref<!tpu.dma_semaphore, #tpu.memory_space<semaphore_mem>>)
      %dma_wait3A_189 = arith.constant 0 : i32
      %dma_wait3A_190 = tpu.memref_slice %arg18[%add3A_170, %dma_wait3A_189] : memref<10240x128xf32, #tpu.memory_space<vmem_shared>> -> memref<160x128xf32, #tpu.memory_space<vmem_shared>>
      %dma_wait3A_191 = arith.constant 0 : i32
      %dma_wait3A_192 = tpu.memref_slice %arg18[%add3A_170, %dma_wait3A_191] : memref<10240x128xf32, #tpu.memory_space<vmem_shared>> -> memref<160x128xf32, #tpu.memory_space<vmem_shared>>
      tpu.wait_dma2 semaphore(%run_scoped3A : memref<!tpu.dma_semaphore, #tpu.memory_space<semaphore_mem>>) src(%dma_wait3A_192 : memref<160x128xf32, #tpu.memory_space<vmem_shared>>) dst(%arg6 : memref<160x128xf32, #tpu.memory_space<vmem>>)
      tpu.yield
    }) : () -> ()
    %add3A_171 = arith.constant 0 : i32
    %add3A_172 = arith.addi %mul3A_6, %add3A_171 : i32
    "tpu.region"() ({
      %run_scoped3A = tpu.sem_alloc : memref<!tpu.dma_semaphore, #tpu.memory_space<semaphore_mem>>
      %dma_start3A_185 = arith.constant 0 : i32
      %dma_start3A_186 = tpu.memref_slice %arg5[%arg0, %add3A_172, %dma_start3A_185] : memref<2x10240x128xf32, #tpu.memory_space<hbm>> -> memref<1x160x128xf32, #tpu.memory_space<hbm>>
      %dma_start3A_187 = tpu.memref_squeeze %dma_start3A_186 : memref<1x160x128xf32, #tpu.memory_space<hbm>> -> memref<160x128xf32, #tpu.memory_space<hbm>>
      %dma_start3A_188 = arith.constant 0 : i32
      %dma_start3A_189 = tpu.memref_slice %arg5[%arg0, %add3A_172, %dma_start3A_188] : memref<2x10240x128xf32, #tpu.memory_space<hbm>> -> memref<1x160x128xf32, #tpu.memory_space<hbm>>
      %dma_start3A_190 = tpu.memref_squeeze %dma_start3A_189 : memref<1x160x128xf32, #tpu.memory_space<hbm>> -> memref<160x128xf32, #tpu.memory_space<hbm>>
      tpu.enqueue_dma source(%arg6 : memref<160x128xf32, #tpu.memory_space<vmem>>) target(%dma_start3A_190 : memref<160x128xf32, #tpu.memory_space<hbm>>) target_semaphore(%run_scoped3A : memref<!tpu.dma_semaphore, #tpu.memory_space<semaphore_mem>>)
      %dma_wait3A_191 = arith.constant 0 : i32
      %dma_wait3A_192 = tpu.memref_slice %arg5[%arg0, %add3A_172, %dma_wait3A_191] : memref<2x10240x128xf32, #tpu.memory_space<hbm>> -> memref<1x160x128xf32, #tpu.memory_space<hbm>>
      %dma_wait3A_193 = tpu.memref_squeeze %dma_wait3A_192 : memref<1x160x128xf32, #tpu.memory_space<hbm>> -> memref<160x128xf32, #tpu.memory_space<hbm>>
      %dma_wait3A_194 = arith.constant 0 : i32
      %dma_wait3A_195 = tpu.memref_slice %arg5[%arg0, %add3A_172, %dma_wait3A_194] : memref<2x10240x128xf32, #tpu.memory_space<hbm>> -> memref<1x160x128xf32, #tpu.memory_space<hbm>>
      %dma_wait3A_196 = tpu.memref_squeeze %dma_wait3A_195 : memref<1x160x128xf32, #tpu.memory_space<hbm>> -> memref<160x128xf32, #tpu.memory_space<hbm>>
      tpu.wait_dma2 semaphore(%run_scoped3A : memref<!tpu.dma_semaphore, #tpu.memory_space<semaphore_mem>>) src(%arg6 : memref<160x128xf32, #tpu.memory_space<vmem>>) dst(%dma_wait3A_196 : memref<160x128xf32, #tpu.memory_space<hbm>>)
      tpu.yield
    }) : () -> ()
    %add3A_173 = arith.constant 160 : i32
    %add3A_174 = arith.addi %mul3A_6, %add3A_173 : i32
    "tpu.region"() ({
      %run_scoped3A = tpu.sem_alloc : memref<!tpu.dma_semaphore, #tpu.memory_space<semaphore_mem>>
      %dma_start3A_185 = arith.constant 0 : i32
      %dma_start3A_186 = tpu.memref_slice %arg18[%add3A_174, %dma_start3A_185] : memref<10240x128xf32, #tpu.memory_space<vmem_shared>> -> memref<160x128xf32, #tpu.memory_space<vmem_shared>>
      %dma_start3A_187 = arith.constant 0 : i32
      %dma_start3A_188 = tpu.memref_slice %arg18[%add3A_174, %dma_start3A_187] : memref<10240x128xf32, #tpu.memory_space<vmem_shared>> -> memref<160x128xf32, #tpu.memory_space<vmem_shared>>
      tpu.enqueue_dma source(%dma_start3A_188 : memref<160x128xf32, #tpu.memory_space<vmem_shared>>) target(%arg6 : memref<160x128xf32, #tpu.memory_space<vmem>>) target_semaphore(%run_scoped3A : memref<!tpu.dma_semaphore, #tpu.memory_space<semaphore_mem>>)
      %dma_wait3A_189 = arith.constant 0 : i32
      %dma_wait3A_190 = tpu.memref_slice %arg18[%add3A_174, %dma_wait3A_189] : memref<10240x128xf32, #tpu.memory_space<vmem_shared>> -> memref<160x128xf32, #tpu.memory_space<vmem_shared>>
      %dma_wait3A_191 = arith.constant 0 : i32
      %dma_wait3A_192 = tpu.memref_slice %arg18[%add3A_174, %dma_wait3A_191] : memref<10240x128xf32, #tpu.memory_space<vmem_shared>> -> memref<160x128xf32, #tpu.memory_space<vmem_shared>>
      tpu.wait_dma2 semaphore(%run_scoped3A : memref<!tpu.dma_semaphore, #tpu.memory_space<semaphore_mem>>) src(%dma_wait3A_192 : memref<160x128xf32, #tpu.memory_space<vmem_shared>>) dst(%arg6 : memref<160x128xf32, #tpu.memory_space<vmem>>)
      tpu.yield
    }) : () -> ()
    %add3A_175 = arith.constant 160 : i32
    %add3A_176 = arith.addi %mul3A_6, %add3A_175 : i32
    "tpu.region"() ({
      %run_scoped3A = tpu.sem_alloc : memref<!tpu.dma_semaphore, #tpu.memory_space<semaphore_mem>>
      %dma_start3A_185 = arith.constant 0 : i32
      %dma_start3A_186 = tpu.memref_slice %arg5[%arg0, %add3A_176, %dma_start3A_185] : memref<2x10240x128xf32, #tpu.memory_space<hbm>> -> memref<1x160x128xf32, #tpu.memory_space<hbm>>
      %dma_start3A_187 = tpu.memref_squeeze %dma_start3A_186 : memref<1x160x128xf32, #tpu.memory_space<hbm>> -> memref<160x128xf32, #tpu.memory_space<hbm>>
      %dma_start3A_188 = arith.constant 0 : i32
      %dma_start3A_189 = tpu.memref_slice %arg5[%arg0, %add3A_176, %dma_start3A_188] : memref<2x10240x128xf32, #tpu.memory_space<hbm>> -> memref<1x160x128xf32, #tpu.memory_space<hbm>>
      %dma_start3A_190 = tpu.memref_squeeze %dma_start3A_189 : memref<1x160x128xf32, #tpu.memory_space<hbm>> -> memref<160x128xf32, #tpu.memory_space<hbm>>
      tpu.enqueue_dma source(%arg6 : memref<160x128xf32, #tpu.memory_space<vmem>>) target(%dma_start3A_190 : memref<160x128xf32, #tpu.memory_space<hbm>>) target_semaphore(%run_scoped3A : memref<!tpu.dma_semaphore, #tpu.memory_space<semaphore_mem>>)
      %dma_wait3A_191 = arith.constant 0 : i32
      %dma_wait3A_192 = tpu.memref_slice %arg5[%arg0, %add3A_176, %dma_wait3A_191] : memref<2x10240x128xf32, #tpu.memory_space<hbm>> -> memref<1x160x128xf32, #tpu.memory_space<hbm>>
      %dma_wait3A_193 = tpu.memref_squeeze %dma_wait3A_192 : memref<1x160x128xf32, #tpu.memory_space<hbm>> -> memref<160x128xf32, #tpu.memory_space<hbm>>
      %dma_wait3A_194 = arith.constant 0 : i32
      %dma_wait3A_195 = tpu.memref_slice %arg5[%arg0, %add3A_176, %dma_wait3A_194] : memref<2x10240x128xf32, #tpu.memory_space<hbm>> -> memref<1x160x128xf32, #tpu.memory_space<hbm>>
      %dma_wait3A_196 = tpu.memref_squeeze %dma_wait3A_195 : memref<1x160x128xf32, #tpu.memory_space<hbm>> -> memref<160x128xf32, #tpu.memory_space<hbm>>
      tpu.wait_dma2 semaphore(%run_scoped3A : memref<!tpu.dma_semaphore, #tpu.memory_space<semaphore_mem>>) src(%arg6 : memref<160x128xf32, #tpu.memory_space<vmem>>) dst(%dma_wait3A_196 : memref<160x128xf32, #tpu.memory_space<hbm>>)
      tpu.yield
    }) : () -> ()
    %add3A_177 = arith.constant 320 : i32
    %add3A_178 = arith.addi %mul3A_6, %add3A_177 : i32
    "tpu.region"() ({
      %run_scoped3A = tpu.sem_alloc : memref<!tpu.dma_semaphore, #tpu.memory_space<semaphore_mem>>
      %dma_start3A_185 = arith.constant 0 : i32
      %dma_start3A_186 = tpu.memref_slice %arg18[%add3A_178, %dma_start3A_185] : memref<10240x128xf32, #tpu.memory_space<vmem_shared>> -> memref<160x128xf32, #tpu.memory_space<vmem_shared>>
      %dma_start3A_187 = arith.constant 0 : i32
      %dma_start3A_188 = tpu.memref_slice %arg18[%add3A_178, %dma_start3A_187] : memref<10240x128xf32, #tpu.memory_space<vmem_shared>> -> memref<160x128xf32, #tpu.memory_space<vmem_shared>>
      tpu.enqueue_dma source(%dma_start3A_188 : memref<160x128xf32, #tpu.memory_space<vmem_shared>>) target(%arg6 : memref<160x128xf32, #tpu.memory_space<vmem>>) target_semaphore(%run_scoped3A : memref<!tpu.dma_semaphore, #tpu.memory_space<semaphore_mem>>)
      %dma_wait3A_189 = arith.constant 0 : i32
      %dma_wait3A_190 = tpu.memref_slice %arg18[%add3A_178, %dma_wait3A_189] : memref<10240x128xf32, #tpu.memory_space<vmem_shared>> -> memref<160x128xf32, #tpu.memory_space<vmem_shared>>
      %dma_wait3A_191 = arith.constant 0 : i32
      %dma_wait3A_192 = tpu.memref_slice %arg18[%add3A_178, %dma_wait3A_191] : memref<10240x128xf32, #tpu.memory_space<vmem_shared>> -> memref<160x128xf32, #tpu.memory_space<vmem_shared>>
      tpu.wait_dma2 semaphore(%run_scoped3A : memref<!tpu.dma_semaphore, #tpu.memory_space<semaphore_mem>>) src(%dma_wait3A_192 : memref<160x128xf32, #tpu.memory_space<vmem_shared>>) dst(%arg6 : memref<160x128xf32, #tpu.memory_space<vmem>>)
      tpu.yield
    }) : () -> ()
    %add3A_179 = arith.constant 320 : i32
    %add3A_180 = arith.addi %mul3A_6, %add3A_179 : i32
    "tpu.region"() ({
      %run_scoped3A = tpu.sem_alloc : memref<!tpu.dma_semaphore, #tpu.memory_space<semaphore_mem>>
      %dma_start3A_185 = arith.constant 0 : i32
      %dma_start3A_186 = tpu.memref_slice %arg5[%arg0, %add3A_180, %dma_start3A_185] : memref<2x10240x128xf32, #tpu.memory_space<hbm>> -> memref<1x160x128xf32, #tpu.memory_space<hbm>>
      %dma_start3A_187 = tpu.memref_squeeze %dma_start3A_186 : memref<1x160x128xf32, #tpu.memory_space<hbm>> -> memref<160x128xf32, #tpu.memory_space<hbm>>
      %dma_start3A_188 = arith.constant 0 : i32
      %dma_start3A_189 = tpu.memref_slice %arg5[%arg0, %add3A_180, %dma_start3A_188] : memref<2x10240x128xf32, #tpu.memory_space<hbm>> -> memref<1x160x128xf32, #tpu.memory_space<hbm>>
      %dma_start3A_190 = tpu.memref_squeeze %dma_start3A_189 : memref<1x160x128xf32, #tpu.memory_space<hbm>> -> memref<160x128xf32, #tpu.memory_space<hbm>>
      tpu.enqueue_dma source(%arg6 : memref<160x128xf32, #tpu.memory_space<vmem>>) target(%dma_start3A_190 : memref<160x128xf32, #tpu.memory_space<hbm>>) target_semaphore(%run_scoped3A : memref<!tpu.dma_semaphore, #tpu.memory_space<semaphore_mem>>)
      %dma_wait3A_191 = arith.constant 0 : i32
      %dma_wait3A_192 = tpu.memref_slice %arg5[%arg0, %add3A_180, %dma_wait3A_191] : memref<2x10240x128xf32, #tpu.memory_space<hbm>> -> memref<1x160x128xf32, #tpu.memory_space<hbm>>
      %dma_wait3A_193 = tpu.memref_squeeze %dma_wait3A_192 : memref<1x160x128xf32, #tpu.memory_space<hbm>> -> memref<160x128xf32, #tpu.memory_space<hbm>>
      %dma_wait3A_194 = arith.constant 0 : i32
      %dma_wait3A_195 = tpu.memref_slice %arg5[%arg0, %add3A_180, %dma_wait3A_194] : memref<2x10240x128xf32, #tpu.memory_space<hbm>> -> memref<1x160x128xf32, #tpu.memory_space<hbm>>
      %dma_wait3A_196 = tpu.memref_squeeze %dma_wait3A_195 : memref<1x160x128xf32, #tpu.memory_space<hbm>> -> memref<160x128xf32, #tpu.memory_space<hbm>>
      tpu.wait_dma2 semaphore(%run_scoped3A : memref<!tpu.dma_semaphore, #tpu.memory_space<semaphore_mem>>) src(%arg6 : memref<160x128xf32, #tpu.memory_space<vmem>>) dst(%dma_wait3A_196 : memref<160x128xf32, #tpu.memory_space<hbm>>)
      tpu.yield
    }) : () -> ()
    %add3A_181 = arith.constant 480 : i32
    %add3A_182 = arith.addi %mul3A_6, %add3A_181 : i32
    "tpu.region"() ({
      %run_scoped3A = tpu.sem_alloc : memref<!tpu.dma_semaphore, #tpu.memory_space<semaphore_mem>>
      %dma_start3A_185 = arith.constant 0 : i32
      %dma_start3A_186 = tpu.memref_slice %arg18[%add3A_182, %dma_start3A_185] : memref<10240x128xf32, #tpu.memory_space<vmem_shared>> -> memref<160x128xf32, #tpu.memory_space<vmem_shared>>
      %dma_start3A_187 = arith.constant 0 : i32
      %dma_start3A_188 = tpu.memref_slice %arg18[%add3A_182, %dma_start3A_187] : memref<10240x128xf32, #tpu.memory_space<vmem_shared>> -> memref<160x128xf32, #tpu.memory_space<vmem_shared>>
      tpu.enqueue_dma source(%dma_start3A_188 : memref<160x128xf32, #tpu.memory_space<vmem_shared>>) target(%arg6 : memref<160x128xf32, #tpu.memory_space<vmem>>) target_semaphore(%run_scoped3A : memref<!tpu.dma_semaphore, #tpu.memory_space<semaphore_mem>>)
      %dma_wait3A_189 = arith.constant 0 : i32
      %dma_wait3A_190 = tpu.memref_slice %arg18[%add3A_182, %dma_wait3A_189] : memref<10240x128xf32, #tpu.memory_space<vmem_shared>> -> memref<160x128xf32, #tpu.memory_space<vmem_shared>>
      %dma_wait3A_191 = arith.constant 0 : i32
      %dma_wait3A_192 = tpu.memref_slice %arg18[%add3A_182, %dma_wait3A_191] : memref<10240x128xf32, #tpu.memory_space<vmem_shared>> -> memref<160x128xf32, #tpu.memory_space<vmem_shared>>
      tpu.wait_dma2 semaphore(%run_scoped3A : memref<!tpu.dma_semaphore, #tpu.memory_space<semaphore_mem>>) src(%dma_wait3A_192 : memref<160x128xf32, #tpu.memory_space<vmem_shared>>) dst(%arg6 : memref<160x128xf32, #tpu.memory_space<vmem>>)
      tpu.yield
    }) : () -> ()
    %add3A_183 = arith.constant 480 : i32
    %add3A_184 = arith.addi %mul3A_6, %add3A_183 : i32
    "tpu.region"() ({
      %run_scoped3A = tpu.sem_alloc : memref<!tpu.dma_semaphore, #tpu.memory_space<semaphore_mem>>
      %dma_start3A_185 = arith.constant 0 : i32
      %dma_start3A_186 = tpu.memref_slice %arg5[%arg0, %add3A_184, %dma_start3A_185] : memref<2x10240x128xf32, #tpu.memory_space<hbm>> -> memref<1x160x128xf32, #tpu.memory_space<hbm>>
      %dma_start3A_187 = tpu.memref_squeeze %dma_start3A_186 : memref<1x160x128xf32, #tpu.memory_space<hbm>> -> memref<160x128xf32, #tpu.memory_space<hbm>>
      %dma_start3A_188 = arith.constant 0 : i32
      %dma_start3A_189 = tpu.memref_slice %arg5[%arg0, %add3A_184, %dma_start3A_188] : memref<2x10240x128xf32, #tpu.memory_space<hbm>> -> memref<1x160x128xf32, #tpu.memory_space<hbm>>
      %dma_start3A_190 = tpu.memref_squeeze %dma_start3A_189 : memref<1x160x128xf32, #tpu.memory_space<hbm>> -> memref<160x128xf32, #tpu.memory_space<hbm>>
      tpu.enqueue_dma source(%arg6 : memref<160x128xf32, #tpu.memory_space<vmem>>) target(%dma_start3A_190 : memref<160x128xf32, #tpu.memory_space<hbm>>) target_semaphore(%run_scoped3A : memref<!tpu.dma_semaphore, #tpu.memory_space<semaphore_mem>>)
      %dma_wait3A_191 = arith.constant 0 : i32
      %dma_wait3A_192 = tpu.memref_slice %arg5[%arg0, %add3A_184, %dma_wait3A_191] : memref<2x10240x128xf32, #tpu.memory_space<hbm>> -> memref<1x160x128xf32, #tpu.memory_space<hbm>>
      %dma_wait3A_193 = tpu.memref_squeeze %dma_wait3A_192 : memref<1x160x128xf32, #tpu.memory_space<hbm>> -> memref<160x128xf32, #tpu.memory_space<hbm>>
      %dma_wait3A_194 = arith.constant 0 : i32
      %dma_wait3A_195 = tpu.memref_slice %arg5[%arg0, %add3A_184, %dma_wait3A_194] : memref<2x10240x128xf32, #tpu.memory_space<hbm>> -> memref<1x160x128xf32, #tpu.memory_space<hbm>>
      %dma_wait3A_196 = tpu.memref_squeeze %dma_wait3A_195 : memref<1x160x128xf32, #tpu.memory_space<hbm>> -> memref<160x128xf32, #tpu.memory_space<hbm>>
      tpu.wait_dma2 semaphore(%run_scoped3A : memref<!tpu.dma_semaphore, #tpu.memory_space<semaphore_mem>>) src(%arg6 : memref<160x128xf32, #tpu.memory_space<vmem>>) dst(%dma_wait3A_196 : memref<160x128xf32, #tpu.memory_space<hbm>>)
      tpu.yield
    }) : () -> ()
    return
  }
}

module attributes {stable_mosaic.version = 14 : i64} {
  func.func @_node_ff_body(%arg0: i32, %arg1: memref<2000x128xf32, #tpu.memory_space<vmem>>, %arg2: memref<2000x3x64xf32, #tpu.memory_space<vmem>>, %arg3: memref<128x64xf32, #tpu.memory_space<vmem>>, %arg4: memref<1x64xf32, #tpu.memory_space<vmem>>, %arg5: memref<2000x128xf32, #tpu.memory_space<vmem>>) attributes {dimension_semantics = [#tpu.dimension_semantics<arbitrary>], iteration_bounds = array<i64: 5>, scalar_prefetch = 0 : i64, scratch_operands = 0 : i64, tpu.core_type = #tpu.core_type<tc>, window_params = [{transform_indices = @transform_0, window_bounds = array<i64: 2000, 128>}, {transform_indices = @transform_1, window_bounds = array<i64: 2000, 3, 64>}, {pipeline_mode = #tpu.pipeline_mode<synchronous>, transform_indices = @transform_2, window_bounds = array<i64: 128, 64>}, {pipeline_mode = #tpu.pipeline_mode<synchronous>, transform_indices = @transform_3, window_bounds = array<i64: 1, 64>}, {transform_indices = @transform_4, window_bounds = array<i64: 2000, 128>}]} {
    %get3A = arith.constant 0 : index
    %get3A_0 = arith.constant 0 : index
    %get3A_1 = vector.load %arg1[%get3A, %get3A_0] : memref<2000x128xf32, #tpu.memory_space<vmem>>, vector<2000x128xf32>
    %get3A_2 = arith.constant 0 : index
    %get3A_3 = arith.constant 0 : index
    %get3A_4 = vector.load %arg3[%get3A_2, %get3A_3] : memref<128x64xf32, #tpu.memory_space<vmem>>, vector<128x64xf32>
    %dot_general3A = arith.constant dense<0.000000e+00> : vector<2000x64xf32>
    %dot_general3A_5 = tpu.matmul %get3A_1, %get3A_4, %dot_general3A {dimension_numbers = #tpu.dot_dimension_numbers<[1], [0], [0], [1], [0, 0, 1, 1], [], []>, transpose_lhs_hint = false} : vector<2000x128xf32>, vector<128x64xf32>, vector<2000x64xf32> -> vector<2000x64xf32>
    %get3A_6 = arith.constant 0 : index
    %get3A_7 = arith.constant 0 : index
    %get3A_8 = vector.load %arg4[%get3A_6, %get3A_7] : memref<1x64xf32, #tpu.memory_space<vmem>>, vector<1x64xf32>
    %add3A = vector.broadcast %get3A_8 : vector<1x64xf32> to vector<2000x64xf32>
    %add3A_9 = arith.addf %dot_general3A_5, %add3A : vector<2000x64xf32>
    %max3A = arith.constant 0.000000e+00 : f32
    %max3A_10 = vector.broadcast %max3A : f32 to vector<2000x64xf32>
    %max3A_11 = arith.maximumf %add3A_9, %max3A_10 : vector<2000x64xf32>
    %get3A_12 = arith.constant 0 : index
    %get3A_13 = arith.constant 1 : index
    %get3A_14 = arith.constant 0 : index
    %get3A_15 = vector.load %arg2[%get3A_12, %get3A_13, %get3A_14] : memref<2000x3x64xf32, #tpu.memory_space<vmem>>, vector<2000x1x64xf32>
    %get3A_16 = vector.shape_cast %get3A_15 : vector<2000x1x64xf32> to vector<2000x64xf32>
    %convert_element_type3A = arith.truncf %max3A_11 : vector<2000x64xf32> to vector<2000x64xbf16>
    %bitcast_convert_type3A = tpu.bitcast %convert_element_type3A : vector<2000x64xbf16> -> vector<2000x64xi16>
    %convert_element_type3A_17 = arith.truncf %get3A_16 : vector<2000x64xf32> to vector<2000x64xbf16>
    %bitcast_convert_type3A_18 = tpu.bitcast %convert_element_type3A_17 : vector<2000x64xbf16> -> vector<2000x64xi16>
    %convert_element_type3A_19 = arith.extui %bitcast_convert_type3A_18 : vector<2000x64xi16> to vector<2000x64xi32>
    %shift_left3A = arith.constant 16 : i32
    %shift_left3A_20 = vector.broadcast %shift_left3A : i32 to vector<2000x64xi32>
    %shift_left3A_21 = arith.shli %convert_element_type3A_19, %shift_left3A_20 : vector<2000x64xi32>
    %convert_element_type3A_22 = arith.extui %bitcast_convert_type3A : vector<2000x64xi16> to vector<2000x64xi32>
    %or3A = arith.ori %shift_left3A_21, %convert_element_type3A_22 : vector<2000x64xi32>
    %bitcast_convert_type3A_23 = tpu.bitcast %or3A : vector<2000x64xi32> -> vector<2000x64xf32>
    %swap3A = arith.constant 0 : index
    %swap3A_24 = arith.constant 0 : index
    %swap3A_25 = vector.load %arg5[%swap3A, %swap3A_24] : memref<2000x128xf32, #tpu.memory_space<vmem>>, vector<2000x64xf32>
    tpu.vector_store %arg5[%swap3A, %swap3A_24], %bitcast_convert_type3A_23 {strides = array<i32>} : memref<2000x128xf32, #tpu.memory_space<vmem>>, vector<2000x64xf32>,
    %get3A_26 = arith.constant 0 : index
    %get3A_27 = arith.constant 0 : index
    %get3A_28 = arith.constant 0 : index
    %get3A_29 = vector.load %arg2[%get3A_26, %get3A_27, %get3A_28] : memref<2000x3x64xf32, #tpu.memory_space<vmem>>, vector<2000x1x64xf32>
    %get3A_30 = vector.shape_cast %get3A_29 : vector<2000x1x64xf32> to vector<2000x64xf32>
    %get3A_31 = arith.constant 0 : index
    %get3A_32 = arith.constant 2 : index
    %get3A_33 = arith.constant 0 : index
    %get3A_34 = vector.load %arg2[%get3A_31, %get3A_32, %get3A_33] : memref<2000x3x64xf32, #tpu.memory_space<vmem>>, vector<2000x1x64xf32>
    %get3A_35 = vector.shape_cast %get3A_34 : vector<2000x1x64xf32> to vector<2000x64xf32>
    %convert_element_type3A_36 = arith.truncf %get3A_30 : vector<2000x64xf32> to vector<2000x64xbf16>
    %bitcast_convert_type3A_37 = tpu.bitcast %convert_element_type3A_36 : vector<2000x64xbf16> -> vector<2000x64xi16>
    %convert_element_type3A_38 = arith.truncf %get3A_35 : vector<2000x64xf32> to vector<2000x64xbf16>
    %bitcast_convert_type3A_39 = tpu.bitcast %convert_element_type3A_38 : vector<2000x64xbf16> -> vector<2000x64xi16>
    %convert_element_type3A_40 = arith.extui %bitcast_convert_type3A_39 : vector<2000x64xi16> to vector<2000x64xi32>
    %shift_left3A_41 = arith.constant 16 : i32
    %shift_left3A_42 = vector.broadcast %shift_left3A_41 : i32 to vector<2000x64xi32>
    %shift_left3A_43 = arith.shli %convert_element_type3A_40, %shift_left3A_42 : vector<2000x64xi32>
    %convert_element_type3A_44 = arith.extui %bitcast_convert_type3A_37 : vector<2000x64xi16> to vector<2000x64xi32>
    %or3A_45 = arith.ori %shift_left3A_43, %convert_element_type3A_44 : vector<2000x64xi32>
    %bitcast_convert_type3A_46 = tpu.bitcast %or3A_45 : vector<2000x64xi32> -> vector<2000x64xf32>
    %swap3A_47 = arith.constant 0 : index
    %swap3A_48 = arith.constant 64 : index
    %swap3A_49 = vector.load %arg5[%swap3A_47, %swap3A_48] : memref<2000x128xf32, #tpu.memory_space<vmem>>, vector<2000x64xf32>
    tpu.vector_store %arg5[%swap3A_47, %swap3A_48], %bitcast_convert_type3A_46 {strides = array<i32>} : memref<2000x128xf32, #tpu.memory_space<vmem>>, vector<2000x64xf32>,
    return
  }
  func.func @transform_0(%arg0: i32) -> (i32, i32) {
    %c0_i32 = arith.constant 0 : i32
    %c0_i32_0 = arith.constant 0 : i32
    return %arg0, %c0_i32 : i32, i32
  }
  func.func @transform_1(%arg0: i32) -> (i32, i32, i32) {
    %c0_i32 = arith.constant 0 : i32
    %c0_i32_0 = arith.constant 0 : i32
    %c0_i32_1 = arith.constant 0 : i32
    return %arg0, %c0_i32, %c0_i32_0 : i32, i32, i32
  }
  func.func @transform_2(%arg0: i32) -> (i32, i32) {
    %c0_i32 = arith.constant 0 : i32
    %c0_i32_0 = arith.constant 0 : i32
    %c0_i32_1 = arith.constant 0 : i32
    return %c0_i32, %c0_i32_0 : i32, i32
  }
  func.func @transform_3(%arg0: i32) -> (i32, i32) {
    %c0_i32 = arith.constant 0 : i32
    %c0_i32_0 = arith.constant 0 : i32
    %c0_i32_1 = arith.constant 0 : i32
    return %c0_i32, %c0_i32_0 : i32, i32
  }
  func.func @transform_4(%arg0: i32) -> (i32, i32) {
    %c0_i32 = arith.constant 0 : i32
    %c0_i32_0 = arith.constant 0 : i32
    return %arg0, %c0_i32 : i32, i32
  }
}

module attributes {stable_mosaic.version = 14 : i64} {
  func.func @_edge_ff_body(%arg0: i32, %arg1: memref<800x128xf32, #tpu.memory_space<vmem>>, %arg2: memref<800x128xf32, #tpu.memory_space<vmem>>, %arg3: memref<800x4xf32, #tpu.memory_space<vmem>>, %arg4: memref<800x3xf32, #tpu.memory_space<vmem>>, %arg5: memref<128x256xbf16, #tpu.memory_space<vmem>>, %arg6: memref<128x256xbf16, #tpu.memory_space<vmem>>, %arg7: memref<1x256xf32, #tpu.memory_space<vmem>>, %arg8: memref<256x384xbf16, #tpu.memory_space<vmem>>, %arg9: memref<4x256xf32, #tpu.memory_space<vmem>>, %arg10: memref<3x256xf32, #tpu.memory_space<vmem>>, %arg11: memref<800x128xf32, #tpu.memory_space<vmem>>, %arg12: memref<800x128xf32, #tpu.memory_space<vmem>>) attributes {dimension_semantics = [#tpu.dimension_semantics<arbitrary>], iteration_bounds = array<i64: 400>, scalar_prefetch = 0 : i64, scratch_operands = 0 : i64, tpu.core_type = #tpu.core_type<tc>, window_params = [{transform_indices = @transform_0, window_bounds = array<i64: 800, 128>}, {transform_indices = @transform_1, window_bounds = array<i64: 800, 128>}, {transform_indices = @transform_2, window_bounds = array<i64: 800, 4>}, {transform_indices = @transform_3, window_bounds = array<i64: 800, 3>}, {pipeline_mode = #tpu.pipeline_mode<synchronous>, transform_indices = @transform_4, window_bounds = array<i64: 128, 256>}, {pipeline_mode = #tpu.pipeline_mode<synchronous>, transform_indices = @transform_5, window_bounds = array<i64: 128, 256>}, {pipeline_mode = #tpu.pipeline_mode<synchronous>, transform_indices = @transform_6, window_bounds = array<i64: 1, 256>}, {pipeline_mode = #tpu.pipeline_mode<synchronous>, transform_indices = @transform_7, window_bounds = array<i64: 256, 384>}, {pipeline_mode = #tpu.pipeline_mode<synchronous>, transform_indices = @transform_8, window_bounds = array<i64: 4, 256>}, {pipeline_mode = #tpu.pipeline_mode<synchronous>, transform_indices = @transform_9, window_bounds = array<i64: 3, 256>}, {transform_indices = @transform_10, window_bounds = array<i64: 800, 128>}, {transform_indices = @transform_11, window_bounds = array<i64: 800, 128>}]} {
    %get3A = arith.constant 0 : index
    %get3A_0 = arith.constant 0 : index
    %get3A_1 = vector.load %arg1[%get3A, %get3A_0] : memref<800x128xf32, #tpu.memory_space<vmem>>, vector<800x128xf32>
    %bitcast_convert_type3A = tpu.bitcast %get3A_1 : vector<800x128xf32> -> vector<800x128xi32>
    %and3A = arith.constant 65535 : i32
    %and3A_2 = vector.broadcast %and3A : i32 to vector<800x128xi32>
    %and3A_3 = arith.andi %bitcast_convert_type3A, %and3A_2 : vector<800x128xi32>
    %convert_element_type3A = arith.trunci %and3A_3 : vector<800x128xi32> to vector<800x128xi16>
    %bitcast_convert_type3A_4 = tpu.bitcast %convert_element_type3A : vector<800x128xi16> -> vector<800x128xbf16>
    %get3A_5 = arith.constant 0 : index
    %get3A_6 = arith.constant 0 : index
    %get3A_7 = vector.load %arg2[%get3A_5, %get3A_6] : memref<800x128xf32, #tpu.memory_space<vmem>>, vector<800x128xf32>
    %bitcast_convert_type3A_8 = tpu.bitcast %get3A_7 : vector<800x128xf32> -> vector<800x128xi32>
    %and3A_9 = arith.constant 65535 : i32
    %and3A_10 = vector.broadcast %and3A_9 : i32 to vector<800x128xi32>
    %and3A_11 = arith.andi %bitcast_convert_type3A_8, %and3A_10 : vector<800x128xi32>
    %convert_element_type3A_12 = arith.trunci %and3A_11 : vector<800x128xi32> to vector<800x128xi16>
    %bitcast_convert_type3A_13 = tpu.bitcast %convert_element_type3A_12 : vector<800x128xi16> -> vector<800x128xbf16>
    %shift_right_logical3A = arith.constant 16 : i32
    %shift_right_logical3A_14 = vector.broadcast %shift_right_logical3A : i32 to vector<800x128xi32>
    %shift_right_logical3A_15 = arith.shrui %bitcast_convert_type3A_8, %shift_right_logical3A_14 : vector<800x128xi32>
    %convert_element_type3A_16 = arith.trunci %shift_right_logical3A_15 : vector<800x128xi32> to vector<800x128xi16>
    %bitcast_convert_type3A_17 = tpu.bitcast %convert_element_type3A_16 : vector<800x128xi16> -> vector<800x128xbf16>
    %get3A_18 = arith.constant 0 : index
    %get3A_19 = arith.constant 0 : index
    %get3A_20 = vector.load %arg5[%get3A_18, %get3A_19] : memref<128x256xbf16, #tpu.memory_space<vmem>>, vector<128x256xbf16>
    %dot_general3A = arith.constant dense<0.000000e+00> : vector<800x256xf32>
    %dot_general3A_21 = tpu.matmul %bitcast_convert_type3A_4, %get3A_20, %dot_general3A {dimension_numbers = #tpu.dot_dimension_numbers<[1], [0], [0], [1], [0, 0, 1, 1], [], []>, transpose_lhs_hint = false} : vector<800x128xbf16>, vector<128x256xbf16>, vector<800x256xf32> -> vector<800x256xf32>
    %get3A_22 = arith.constant 0 : index
    %get3A_23 = arith.constant 0 : index
    %get3A_24 = vector.load %arg6[%get3A_22, %get3A_23] : memref<128x256xbf16, #tpu.memory_space<vmem>>, vector<128x256xbf16>
    %dot_general3A_25 = arith.constant dense<0.000000e+00> : vector<800x256xf32>
    %dot_general3A_26 = tpu.matmul %bitcast_convert_type3A_13, %get3A_24, %dot_general3A_25 {dimension_numbers = #tpu.dot_dimension_numbers<[1], [0], [0], [1], [0, 0, 1, 1], [], []>, transpose_lhs_hint = false} : vector<800x128xbf16>, vector<128x256xbf16>, vector<800x256xf32> -> vector<800x256xf32>
    %add3A = arith.addf %dot_general3A_21, %dot_general3A_26 : vector<800x256xf32>
    %get3A_27 = arith.constant 0 : index
    %get3A_28 = arith.constant 0 : index
    %get3A_29 = vector.load %arg7[%get3A_27, %get3A_28] : memref<1x256xf32, #tpu.memory_space<vmem>>, vector<1x256xf32>
    %add3A_30 = vector.broadcast %get3A_29 : vector<1x256xf32> to vector<800x256xf32>
    %add3A_31 = arith.addf %add3A, %add3A_30 : vector<800x256xf32>
    %get3A_32 = arith.constant 0 : index
    %get3A_33 = arith.constant 0 : index
    %get3A_34 = vector.load %arg3[%get3A_32, %get3A_33] : memref<800x4xf32, #tpu.memory_space<vmem>>, vector<800x4xf32>
    %get3A_35 = arith.constant 0 : index
    %get3A_36 = arith.constant 0 : index
    %get3A_37 = vector.load %arg9[%get3A_35, %get3A_36] : memref<4x256xf32, #tpu.memory_space<vmem>>, vector<4x256xf32>
    %dot_general3A_38 = arith.constant dense<0.000000e+00> : vector<800x256xf32>
    %dot_general3A_39 = tpu.matmul %get3A_34, %get3A_37, %dot_general3A_38 {dimension_numbers = #tpu.dot_dimension_numbers<[1], [0], [0], [1], [0, 0, 1, 1], [], []>, transpose_lhs_hint = false} : vector<800x4xf32>, vector<4x256xf32>, vector<800x256xf32> -> vector<800x256xf32>
    %mul3A = arith.mulf %add3A_31, %dot_general3A_39 : vector<800x256xf32>
    %convert_element_type3A_40 = arith.truncf %mul3A : vector<800x256xf32> to vector<800x256xbf16>
    %get3A_41 = arith.constant 0 : index
    %get3A_42 = arith.constant 0 : index
    %get3A_43 = vector.load %arg8[%get3A_41, %get3A_42] : memref<256x384xbf16, #tpu.memory_space<vmem>>, vector<256x384xbf16>
    %dot_general3A_44 = arith.constant dense<0.000000e+00> : vector<800x384xf32>
    %dot_general3A_45 = tpu.matmul %convert_element_type3A_40, %get3A_43, %dot_general3A_44 {dimension_numbers = #tpu.dot_dimension_numbers<[1], [0], [0], [1], [0, 0, 1, 1], [], []>, transpose_lhs_hint = false} : vector<800x256xbf16>, vector<256x384xbf16>, vector<800x384xf32> -> vector<800x384xf32>
    %max3A = arith.constant 0.000000e+00 : f32
    %max3A_46 = vector.broadcast %max3A : f32 to vector<800x384xf32>
    %max3A_47 = arith.maximumf %dot_general3A_45, %max3A_46 : vector<800x384xf32>
    %get3A_48 = arith.constant 0 : index
    %get3A_49 = arith.constant 0 : index
    %get3A_50 = vector.load %arg4[%get3A_48, %get3A_49] : memref<800x3xf32, #tpu.memory_space<vmem>>, vector<800x3xf32>
    %get3A_51 = arith.constant 0 : index
    %get3A_52 = arith.constant 0 : index
    %get3A_53 = vector.load %arg10[%get3A_51, %get3A_52] : memref<3x256xf32, #tpu.memory_space<vmem>>, vector<3x256xf32>
    %dot_general3A_54 = arith.constant dense<0.000000e+00> : vector<800x256xf32>
    %dot_general3A_55 = tpu.matmul %get3A_50, %get3A_53, %dot_general3A_54 {dimension_numbers = #tpu.dot_dimension_numbers<[1], [0], [0], [1], [0, 0, 1, 1], [], []>, transpose_lhs_hint = false} : vector<800x3xf32>, vector<3x256xf32>, vector<800x256xf32> -> vector<800x256xf32>
    %slice3A = vector.extract_strided_slice %max3A_47 {offsets = [0, 0], sizes = [800, 128], strides = [1, 1]} : vector<800x384xf32> to vector<800x128xf32>
    %slice3A_56 = vector.extract_strided_slice %max3A_47 {offsets = [0, 128], sizes = [800, 128], strides = [1, 1]} : vector<800x384xf32> to vector<800x128xf32>
    %slice3A_57 = vector.extract_strided_slice %max3A_47 {offsets = [0, 256], sizes = [800, 128], strides = [1, 1]} : vector<800x384xf32> to vector<800x128xf32>
    %iota3A = tpu.iota {dimensions = array<i32: 1>} : vector<800x128xi32>
    %lt3A = arith.constant 64 : i32
    %lt3A_58 = vector.broadcast %lt3A : i32 to vector<800x128xi32>
    %lt3A_59 = arith.cmpi slt, %iota3A, %lt3A_58 : vector<800x128xi32>
    %convert_element_type3A_60 = arith.extf %bitcast_convert_type3A_13 : vector<800x128xbf16> to vector<800x128xf32>
    %jit3A = arith.constant 1.000000e+00 : f32
    %broadcast_in_dim3A = vector.broadcast %jit3A : f32 to vector<800x128xf32>
    %select_n3A = arith.select %lt3A_59, %broadcast_in_dim3A, %convert_element_type3A_60 : vector<800x128xi1>, vector<800x128xf32>
    %mul3A_61 = arith.mulf %slice3A, %select_n3A : vector<800x128xf32>
    %slice3A_62 = vector.extract_strided_slice %dot_general3A_55 {offsets = [0, 0], sizes = [800, 128], strides = [1, 1]} : vector<800x256xf32> to vector<800x128xf32>
    %mul3A_63 = arith.mulf %slice3A_62, %slice3A_57 : vector<800x128xf32>
    %add3A_64 = arith.addf %mul3A_61, %mul3A_63 : vector<800x128xf32>
    %swap3A = arith.constant 0 : index
    %swap3A_65 = arith.constant 0 : index
    %swap3A_66 = vector.load %arg11[%swap3A, %swap3A_65] : memref<800x128xf32, #tpu.memory_space<vmem>>, vector<800x128xf32>
    tpu.vector_store %arg11[%swap3A, %swap3A_65], %add3A_64 {strides = array<i32>} : memref<800x128xf32, #tpu.memory_space<vmem>>, vector<800x128xf32>,
    %convert_element_type3A_67 = arith.extf %bitcast_convert_type3A_17 : vector<800x128xbf16> to vector<800x128xf32>
    %mul3A_68 = arith.mulf %slice3A_56, %convert_element_type3A_67 : vector<800x128xf32>
    %slice3A_69 = vector.extract_strided_slice %dot_general3A_55 {offsets = [0, 128], sizes = [800, 128], strides = [1, 1]} : vector<800x256xf32> to vector<800x128xf32>
    %mul3A_70 = arith.mulf %slice3A_69, %slice3A_57 : vector<800x128xf32>
    %add3A_71 = arith.addf %mul3A_68, %mul3A_70 : vector<800x128xf32>
    %swap3A_72 = arith.constant 0 : index
    %swap3A_73 = arith.constant 0 : index
    %swap3A_74 = vector.load %arg12[%swap3A_72, %swap3A_73] : memref<800x128xf32, #tpu.memory_space<vmem>>, vector<800x128xf32>
    tpu.vector_store %arg12[%swap3A_72, %swap3A_73], %add3A_71 {strides = array<i32>} : memref<800x128xf32, #tpu.memory_space<vmem>>, vector<800x128xf32>,
    return
  }
  func.func @transform_0(%arg0: i32) -> (i32, i32) {
    %c0_i32 = arith.constant 0 : i32
    %c0_i32_0 = arith.constant 0 : i32
    return %arg0, %c0_i32 : i32, i32
  }
  func.func @transform_1(%arg0: i32) -> (i32, i32) {
    %c0_i32 = arith.constant 0 : i32
    %c0_i32_0 = arith.constant 0 : i32
    return %arg0, %c0_i32 : i32, i32
  }
  func.func @transform_2(%arg0: i32) -> (i32, i32) {
    %c0_i32 = arith.constant 0 : i32
    %c0_i32_0 = arith.constant 0 : i32
    return %arg0, %c0_i32 : i32, i32
  }
  func.func @transform_3(%arg0: i32) -> (i32, i32) {
    %c0_i32 = arith.constant 0 : i32
    %c0_i32_0 = arith.constant 0 : i32
    return %arg0, %c0_i32 : i32, i32
  }
  func.func @transform_4(%arg0: i32) -> (i32, i32) {
    %c0_i32 = arith.constant 0 : i32
    %c0_i32_0 = arith.constant 0 : i32
    %c0_i32_1 = arith.constant 0 : i32
    return %c0_i32, %c0_i32_0 : i32, i32
  }
  func.func @transform_5(%arg0: i32) -> (i32, i32) {
    %c0_i32 = arith.constant 0 : i32
    %c0_i32_0 = arith.constant 0 : i32
    %c0_i32_1 = arith.constant 0 : i32
    return %c0_i32, %c0_i32_0 : i32, i32
  }
  func.func @transform_6(%arg0: i32) -> (i32, i32) {
    %c0_i32 = arith.constant 0 : i32
    %c0_i32_0 = arith.constant 0 : i32
    %c0_i32_1 = arith.constant 0 : i32
    return %c0_i32, %c0_i32_0 : i32, i32
  }
  func.func @transform_7(%arg0: i32) -> (i32, i32) {
    %c0_i32 = arith.constant 0 : i32
    %c0_i32_0 = arith.constant 0 : i32
    %c0_i32_1 = arith.constant 0 : i32
    return %c0_i32, %c0_i32_0 : i32, i32
  }
  func.func @transform_8(%arg0: i32) -> (i32, i32) {
    %c0_i32 = arith.constant 0 : i32
    %c0_i32_0 = arith.constant 0 : i32
    %c0_i32_1 = arith.constant 0 : i32
    return %c0_i32, %c0_i32_0 : i32, i32
  }
  func.func @transform_9(%arg0: i32) -> (i32, i32) {
    %c0_i32 = arith.constant 0 : i32
    %c0_i32_0 = arith.constant 0 : i32
    %c0_i32_1 = arith.constant 0 : i32
    return %c0_i32, %c0_i32_0 : i32, i32
  }
  func.func @transform_10(%arg0: i32) -> (i32, i32) {
    %c0_i32 = arith.constant 0 : i32
    %c0_i32_0 = arith.constant 0 : i32
    return %arg0, %c0_i32 : i32, i32
  }
  func.func @transform_11(%arg0: i32) -> (i32, i32) {
    %c0_i32 = arith.constant 0 : i32
    %c0_i32_0 = arith.constant 0 : i32
    return %arg0, %c0_i32 : i32, i32
  }
}

module attributes {stable_mosaic.version = 14 : i64} {
  func.func @_finalize_body(%arg0: i32, %arg1: memref<2000x128xf32, #tpu.memory_space<vmem>>, %arg2: memref<2000x128xf32, #tpu.memory_space<vmem>>, %arg3: memref<2000x64xf32, #tpu.memory_space<vmem>>, %arg4: memref<2000x3x64xf32, #tpu.memory_space<vmem>>) attributes {dimension_semantics = [#tpu.dimension_semantics<arbitrary>], iteration_bounds = array<i64: 5>, scalar_prefetch = 0 : i64, scratch_operands = 0 : i64, tpu.core_type = #tpu.core_type<tc>, window_params = [{transform_indices = @transform_0, window_bounds = array<i64: 2000, 128>}, {transform_indices = @transform_1, window_bounds = array<i64: 2000, 128>}, {transform_indices = @transform_2, window_bounds = array<i64: 2000, 64>}, {transform_indices = @transform_3, window_bounds = array<i64: 2000, 3, 64>}]} {
    %get3A = arith.constant 0 : index
    %get3A_0 = arith.constant 0 : index
    %get3A_1 = vector.load %arg1[%get3A, %get3A_0] : memref<2000x128xf32, #tpu.memory_space<vmem>>, vector<2000x128xf32>
    %get3A_2 = arith.constant 0 : index
    %get3A_3 = arith.constant 0 : index
    %get3A_4 = vector.load %arg2[%get3A_2, %get3A_3] : memref<2000x128xf32, #tpu.memory_space<vmem>>, vector<2000x128xf32>
    %slice3A = vector.extract_strided_slice %get3A_1 {offsets = [0, 0], sizes = [2000, 64], strides = [1, 1]} : vector<2000x128xf32> to vector<2000x64xf32>
    %slice3A_5 = vector.extract_strided_slice %get3A_1 {offsets = [0, 64], sizes = [2000, 64], strides = [1, 1]} : vector<2000x128xf32> to vector<2000x64xf32>
    %slice3A_6 = vector.extract_strided_slice %get3A_4 {offsets = [0, 0], sizes = [2000, 64], strides = [1, 1]} : vector<2000x128xf32> to vector<2000x64xf32>
    %slice3A_7 = vector.extract_strided_slice %get3A_4 {offsets = [0, 64], sizes = [2000, 64], strides = [1, 1]} : vector<2000x128xf32> to vector<2000x64xf32>
    %mul3A = arith.mulf %slice3A_5, %slice3A_5 : vector<2000x64xf32>
    %mul3A_8 = arith.mulf %slice3A_6, %slice3A_6 : vector<2000x64xf32>
    %add3A = arith.addf %mul3A, %mul3A_8 : vector<2000x64xf32>
    %mul3A_9 = arith.mulf %slice3A_7, %slice3A_7 : vector<2000x64xf32>
    %add3A_10 = arith.addf %add3A, %mul3A_9 : vector<2000x64xf32>
    %add3A_11 = arith.addf %add3A_10, %slice3A : vector<2000x64xf32>
    %swap3A = arith.constant 0 : index
    %swap3A_12 = arith.constant 0 : index
    %swap3A_13 = vector.load %arg3[%swap3A, %swap3A_12] : memref<2000x64xf32, #tpu.memory_space<vmem>>, vector<2000x64xf32>
    tpu.vector_store %arg3[%swap3A, %swap3A_12], %add3A_11 {strides = array<i32>} : memref<2000x64xf32, #tpu.memory_space<vmem>>, vector<2000x64xf32>,
    %mul3A_14 = arith.mulf %slice3A_5, %add3A_11 : vector<2000x64xf32>
    %swap3A_15 = arith.constant 0 : index
    %swap3A_16 = arith.constant 0 : index
    %swap3A_17 = arith.constant 0 : index
    %swap3A_18 = vector.load %arg4[%swap3A_15, %swap3A_16, %swap3A_17] : memref<2000x3x64xf32, #tpu.memory_space<vmem>>, vector<2000x1x64xf32>
    %swap3A_19 = vector.shape_cast %swap3A_18 : vector<2000x1x64xf32> to vector<2000x64xf32>
    %swap3A_20 = vector.shape_cast %mul3A_14 : vector<2000x64xf32> to vector<2000x1x64xf32>
    tpu.vector_store %arg4[%swap3A_15, %swap3A_16, %swap3A_17], %swap3A_20 {strides = array<i32>} : memref<2000x3x64xf32, #tpu.memory_space<vmem>>, vector<2000x1x64xf32>,
    %mul3A_21 = arith.mulf %slice3A_6, %add3A_11 : vector<2000x64xf32>
    %swap3A_22 = arith.constant 0 : index
    %swap3A_23 = arith.constant 1 : index
    %swap3A_24 = arith.constant 0 : index
    %swap3A_25 = vector.load %arg4[%swap3A_22, %swap3A_23, %swap3A_24] : memref<2000x3x64xf32, #tpu.memory_space<vmem>>, vector<2000x1x64xf32>
    %swap3A_26 = vector.shape_cast %swap3A_25 : vector<2000x1x64xf32> to vector<2000x64xf32>
    %swap3A_27 = vector.shape_cast %mul3A_21 : vector<2000x64xf32> to vector<2000x1x64xf32>
    tpu.vector_store %arg4[%swap3A_22, %swap3A_23, %swap3A_24], %swap3A_27 {strides = array<i32>} : memref<2000x3x64xf32, #tpu.memory_space<vmem>>, vector<2000x1x64xf32>,
    %mul3A_28 = arith.mulf %slice3A_7, %add3A_11 : vector<2000x64xf32>
    %swap3A_29 = arith.constant 0 : index
    %swap3A_30 = arith.constant 2 : index
    %swap3A_31 = arith.constant 0 : index
    %swap3A_32 = vector.load %arg4[%swap3A_29, %swap3A_30, %swap3A_31] : memref<2000x3x64xf32, #tpu.memory_space<vmem>>, vector<2000x1x64xf32>
    %swap3A_33 = vector.shape_cast %swap3A_32 : vector<2000x1x64xf32> to vector<2000x64xf32>
    %swap3A_34 = vector.shape_cast %mul3A_28 : vector<2000x64xf32> to vector<2000x1x64xf32>
    tpu.vector_store %arg4[%swap3A_29, %swap3A_30, %swap3A_31], %swap3A_34 {strides = array<i32>} : memref<2000x3x64xf32, #tpu.memory_space<vmem>>, vector<2000x1x64xf32>,
    return
  }
  func.func @transform_0(%arg0: i32) -> (i32, i32) {
    %c0_i32 = arith.constant 0 : i32
    %c0_i32_0 = arith.constant 0 : i32
    return %arg0, %c0_i32 : i32, i32
  }
  func.func @transform_1(%arg0: i32) -> (i32, i32) {
    %c0_i32 = arith.constant 0 : i32
    %c0_i32_0 = arith.constant 0 : i32
    return %arg0, %c0_i32 : i32, i32
  }
  func.func @transform_2(%arg0: i32) -> (i32, i32) {
    %c0_i32 = arith.constant 0 : i32
    %c0_i32_0 = arith.constant 0 : i32
    return %arg0, %c0_i32 : i32, i32
  }
  func.func @transform_3(%arg0: i32) -> (i32, i32, i32) {
    %c0_i32 = arith.constant 0 : i32
    %c0_i32_0 = arith.constant 0 : i32
    %c0_i32_1 = arith.constant 0 : i32
    return %arg0, %c0_i32, %c0_i32_0 : i32, i32, i32
  }
}

</mosaic_0001>

<sc_bundles>
// kernel: kernel.10.cloned.1.call-start
scs
__scs_entry_jumppad:
0x0: {  	(pc) =	sbr.rel $0x88, $3  }
0x1: {  	(tag) =	ssettag $0x0;
	lr =	simm.s32 $0x1  }
0x2: {  	[smem:$0x3F97] =	sst lr;
	_ =	strace $0xD0000000  }
0x3: {  	_ = 	snop  }
0x4: {  	_ = 	snop  }
0x5: {  	_ = 	snop  }
0x6: {  	_ = 	snop  }
0x7: {  	_ = 	snop  }
__scs_overlays_trampoline_lowered:
0x8: {  	[smem:$0x3FA6] =	sst s0  }
0x9: {  	[smem:$0x3FA7] =	sst s1  }
0xa: {  	[smem:$0x3FA8] =	sst s2  }
0xb: {  	[smem:$0x3FA9] =	sst s3  }
0xc: {  	[smem:$0x3FAA] =	sst s4  }
0xd: {  	[smem:$0x3FAB] =	sst s5  }
0xe: {  	[smem:$0x3FAC] =	sst s6  }
0xf: {  	[smem:$0x3FAD] =	sst s7  }
0x10: {  	[smem:$0x3FAE] =	sst s8  }
0x11: {  	[smem:$0x3FAF] =	sst s9;
	s0 =	simm.s32 @!p0 $0x0  }
0x12: {  	s1 =	sld [smem:$0x3F95];
	s0 =	simm.s32 @p0 $0x1  }
0x13: {  	[smem:$0x3FB0] =	sst s0;
	s0 =	simm.s32 @!p1 $0x0  }
0x14: {  	s2 =	sld [smem:$0x3F94];
	s0 =	simm.s32 @p1 $0x1  }
0x15: {  	[smem:$0x3FB1] =	sst s0;
	s0 =	simm.s32 @!p2 $0x0  }
0x16: {  	s3 =	sld [smem:$0x3FDB];
	s0 =	simm.s32 @p2 $0x1  }
0x17: {  	s4 =	simm.s32 $0x1BF5;
	[smem:$0x3FB3] =	sst s0  }
0x18: {  	s0 =	sld [smem:$0x3F96];
	_ =	swait.ge [sflag:s4], $0x0  }
0x19: {  	s7 =	sld [smem:$0x3F97]  }
0x1a: {  	s8 =	sadd.s32 $0xFFFFE003, lr  }
0x1b: {  	s9 =	sadd.s32 $0xFFFFFEF7, lr;
	s5 =	simm.s32 $0xFFFFFFFF;
	p2 =	slt.u32 s8, $0xFFFFF086  }
0x1c: {  	p1 =	slt.u32 s9, $0xF7A;
	s5 =	simm.s32 @!p2 $0x0  }
0x1d: {  	s5 =	simm.s32 @p1 $0x1;
	p0 =	seq.s32 s7, s2  }
0x1e: {  	s7 =	smul.u32 @!p0 $0xF7A, s2;
	p2 =	seq.s32 @!p0 s5, $0x0  }
0x1f: {  	s9 =	smul.u32 $0xF7A, s1;
	s8 =	simm.s32 @!p0 $0x1BF5;
	p2 =	por !p2, p0  }
0x20: {  	[sflag:s8] =	ssyncset.s32 @!p0 $0xFFFFF086;
	s6 =	sadd.s32 @!p0 s3, s7;
	s7 =	simm.s32 @!p0 $0x108  }
0x21: {  	s3 =	sadd.s32 s3, s9;
	s6 =	sadd.s32 @!p0 $0x88, s6;
	s7 =	simm.s32 @p2 $0x1082  }
0x22: {  	[simem:s7], [sflag:s8] =	dma.local @!p0 [hbm:s6], $0xF7A  }
0x23: {  	s9 =	sor.u32 $0xD0000000, s2;
	s6 =	simm.s32 $0x108;
	_ =	swait.ge @!p0 [sflag:s8], $0x0  }
0x24: {  	s3 =	sadd.s32 $0x88, s3;
	s6 =	simm.s32 @!p1 $0x1082;
	[sflag:s4] =	ssyncset.s32 $0xFFFFF086  }
0x25: {  	[simem:s6], [sflag:s4] =	dma.local [hbm:s3], $0xF7A  }
0x26: {  	[smem:$0x3F97] =	sst s1;
	(tag) =	ssettag s2;
	_ =	strace s9  }
0x27: {  	s1 =	sld [smem:$0x3FA7]  }
0x28: {  	s2 =	sld [smem:$0x3FA8]  }
0x29: {  	s4 =	sld [smem:$0x3FAA]  }
0x2a: {  	p0 =	seq.s32 s5, $0x0;
	s5 =	sld [smem:$0x3FAB]  }
0x2b: {  	s6 =	sld [smem:$0x3FAC]  }
0x2c: {  	s7 =	sld [smem:$0x3FAD]  }
0x2d: {  	s3 =	simm.s32 $0x108;
	s8 =	sld [smem:$0x3FAE]  }
0x2e: {  	s3 =	simm.s32 @!p0 $0x1082;
	s9 =	sld [smem:$0x3FAF]  }
0x2f: {  	lr =	sadd.s32 s0, s3;
	s0 =	sld [smem:$0x3FA6]  }
0x30: {  	s3 =	sld [smem:$0x3FA9]  }
0x31: {  	[smem:$0x3FB2] =	sst s10  }
0x32: {  	s10 =	sld [smem:$0x3FB0];
	_ =	sdelay $0x3  }
0x33: {  	p0 =	seq.s32 s10, $0x1;
	s10 =	sld [smem:$0x3FB2];
	_ =	sdelay $0x3  }
0x34: {  	[smem:$0x3FB2] =	sst s10  }
0x35: {  	s10 =	sld [smem:$0x3FB1];
	_ =	sdelay $0x3  }
0x36: {  	p1 =	seq.s32 s10, $0x1;
	s10 =	sld [smem:$0x3FB2];
	_ =	sdelay $0x3  }
0x37: {  	[smem:$0x3FB2] =	sst s10  }
0x38: {  	s10 =	sld [smem:$0x3FB3]  }
0x39: {  	_ = 	snop;
	(pc) =	sbr.ind lr, $3  }
0x3a: {  	_ = 	snop  }
0x3b: {  	_ = 	snop  }
0x3c: {  	p2 =	seq.s32 s10, $0x1;
	s10 =	sld [smem:$0x3FB2]  }
0x3d: {  	_ =	shalt  }
0x3e: {  	_ =	shalt  }
0x3f: {  	_ =	shalt  }
0x40: {  	_ =	shalt  }
0x41: {  	_ =	shalt  }
0x42: {  	_ =	shalt  }
0x43: {  	_ =	shalt  }
0x44: {  	_ =	shalt  }
0x45: {  	_ =	shalt  }
0x46: {  	_ =	shalt  }
0x47: {  	_ =	shalt  }
0x48: {  	_ =	shalt  }
0x49: {  	_ =	shalt  }
0x4a: {  	_ =	shalt  }
0x4b: {  	_ =	shalt  }
0x4c: {  	_ =	shalt  }
0x4d: {  	_ =	shalt  }
0x4e: {  	_ =	shalt  }
0x4f: {  	_ =	shalt  }
0x50: {  	_ =	shalt  }
0x51: {  	_ =	shalt  }
0x52: {  	_ =	shalt  }
0x53: {  	_ =	shalt  }
0x54: {  	_ =	shalt  }
0x55: {  	_ =	shalt  }
0x56: {  	_ =	shalt  }
0x57: {  	_ =	shalt  }
0x58: {  	_ =	shalt  }
0x59: {  	_ =	shalt  }
0x5a: {  	_ =	shalt  }
0x5b: {  	_ =	shalt  }
0x5c: {  	_ =	shalt  }
0x5d: {  	_ =	shalt  }
0x5e: {  	_ =	shalt  }
0x5f: {  	_ =	shalt  }
0x60: {  	_ =	shalt  }
0x61: {  	_ =	shalt  }
0x62: {  	_ =	shalt  }
0x63: {  	_ =	shalt  }
0x64: {  	_ =	shalt  }
0x65: {  	_ =	shalt  }
0x66: {  	_ =	shalt  }
0x67: {  	_ =	shalt  }
0x68: {  	_ =	shalt  }
0x69: {  	_ =	shalt  }
0x6a: {  	_ =	shalt  }
0x6b: {  	_ =	shalt  }
0x6c: {  	_ =	shalt  }
0x6d: {  	_ =	shalt  }
0x6e: {  	_ =	shalt  }
0x6f: {  	_ =	shalt  }
0x70: {  	_ =	shalt  }
0x71: {  	_ =	shalt  }
0x72: {  	_ =	shalt  }
0x73: {  	_ =	shalt  }
0x74: {  	_ =	shalt  }
0x75: {  	_ =	shalt  }
0x76: {  	_ =	shalt  }
0x77: {  	_ =	shalt  }
0x78: {  	_ =	shalt  }
0x79: {  	_ =	shalt  }
0x7a: {  	_ =	shalt  }
0x7b: {  	_ =	shalt  }
0x7c: {  	_ =	shalt  }
0x7d: {  	_ =	shalt  }
0x7e: {  	_ =	shalt  }
0x7f: {  	_ =	shalt  }
0x80: {  	_ =	shalt  }
0x81: {  	_ =	shalt  }
0x82: {  	_ =	shalt  }
0x83: {  	_ =	shalt  }
0x84: {  	_ =	shalt  }
0x85: {  	_ =	shalt  }
0x86: {  	_ =	shalt  }
0x87: {  	_ =	shalt  }
.Lfunc_end0:
.L_simem_size_0:
called_computation.1_lowered:
.L_overlay_start_0:
0x88: {  	s2 =	sld [smem:$0x3FD9]  }
0x89: {  	s3 =	sld [smem:$0x3FFE];
	_ =	sdelay $0x1  }
0x8a: {  	s1 =	srdreg.scid  }
0x8b: {  	s0 =	sand.u32 $0x1, s1  }
0x8c: {  	s14 =	sshll.u32 s0, $0xA;
	s2 =	sadd.s32 s3, s2  }
0x8d: {  	s2 =	sadd.s32 s2, s14  }
0x8e: {  	[smem:$0x3FBE] =	sst s2  }
0x8f: {  	_ = 	snop  }
0x90: {  	s2 =	sld [smem:$0x3FD0];
	_ =	sdelay $0x2  }
0x91: {  	s15 =	simm.s32 $0xA;
	s4 =	simm.s32 $0x10  }
0x92: {  	[smem:s4], [sflag:s15] =	dma.local [hbm:s2], $0x1  }
0x93: {  	_ =	swait.eq [sflag:s15], $0x1  }
0x94: {  	[sflag:s15] =	ssyncset.done $0x0  }
0x95: {  	[sflag:s15] =	ssyncadd.s32 $0xFFFFFFFF  }
0x96: {  	s16 =	sld [smem:$0x10];
	(tm) =	ssettm $0x1  }
0x97: {  	s17 =	sld [smem:$0x3FFB];
	_ =	sdelay $0x3  }
0x98: {  	_ =	strace s17  }
0x99: {  	s3 =	sld [smem:$0x3FFC];
	_ =	sdelay $0x3  }
0x9a: {  	_ =	strace s3  }
0x9b: {  	s3 =	sld [smem:$0x3FFD];
	_ =	sdelay $0x3  }
0x9c: {  	_ =	strace s3  }
0x9d: {  	_ =	strace $0x8FFFFFFF  }
0x9e: {  	s18 =	sld [smem:$0x3FDB];
	_ =	sdelay $0x1  }
0x9f: {  	s19 =	simm.s32 $_scs_section_size  }
0xa0: {  	s5 =	simm.s32 $_size__tile_overlayer_lowered;
	s6 =	simm.s32 $_tile_overlayer_lowered  }
0xa1: {  	s22 =	simm.s32 $0x1BFF;
	s21 =	sshll.u32 s6, $0x1;
	s3 =	sadd.s32 s19, s18  }
0xa2: {  	s7 =	simm.s32 $0x0;
	s20 =	sshll.u32 s5, $0x1;
	s5 =	sadd.s32 s21, s3  }
0xa3: {  	[timem:s7], [sflag:s22] =	dma.local [hbm:s5], s20  }
0xa4: {  	_ =	swait.ge [sflag:s22], s20  }
0xa5: {  	s4 =	ssub.s32 $0x0, s20;
	[sflag:s22] =	ssyncset.done $0x0  }
0xa6: {  	[sflag:s22] =	ssyncadd.s32 s4;
	_ =	sdelay $0x1  }
0xa7: {  	s23 =	simm.s32 $0x1B8B  }
0xa8: {  	_ =	swait.ge [sflag:s23], $0x1  }
0xa9: {  	[sflag:s23] =	ssyncset.done $0x0  }
0xaa: {  	s25 =	simm.s32 $0x1B8E;
	s24 =	sld [smem:$0x3FFE];
	[sflag:s23] =	ssyncadd.s32 $0xFFFFFFFF  }
0xab: {  	s26 =	simm.s32 $execute0_lowered;
	[smem:$0x3FD2] =	sst s25  }
0xac: {  	s5 =	sshll.u32 s26, $0x1;
	_ =	strace $0x80000049;
	[dreg:$0x1] =	wrdreg $0xFFFFFFFF  }
0xad: {  	s28 =	simm.s32 $_size_execute0_lowered;
	s3 =	sadd.s32 s3, s5;
	[dreg:$0x0] =	wrdreg $0x0  }
0xae: {  	s5 =	sshll.u32 s28, $0x1;
	[dreg:$0x2] =	wrdreg s3  }
0xaf: {  	[dreg:$0x3] =	wrdreg s5  }
0xb0: {  	[dreg:$0x4] =	wrdreg $0xC0  }
0xb1: {  	_ =	task [dreg:s7], $0x5FFFF  }
0xb2: {  	[dreg:$0x1] =	wrdreg $0xFFFFFFFF  }
0xb3: {  	[dreg:$0x0] =	wrdreg $0x60  }
0xb4: {  	[dreg:$0x2] =	wrdreg s24  }
0xb5: {  	[dreg:$0x3] =	wrdreg s16  }
0xb6: {  	[dreg:$0x4] =	wrdreg $0xA5000  }
0xb7: {  	[dreg:$0x5] =	wrdreg $0x9  }
0xb8: {  	_ =	task.clear_ibuf [dreg:s7], $0x6FFFF;
	_ =	strace $0x90000049  }
0xb9: {  	s29 =	simm.s32 $0x9;
	_ =	strace $0x8000004B  }
0xba: {  	_ =	swait.ge [sflag:s29], $0x1  }
0xbb: {  	[sflag:s29] =	ssyncadd.s32 $0xFFFFFFFF  }
0xbc: {  	_ =	strace $0x9000004B  }
0xbd: {  	_ =	sfence  }
0xbe: {  	s30 =	sld [smem:$0x0];
	_ =	sdelay $0x2  }
0xbf: {  	s31 =	sshll.u32 s1, $0xD;
	s1 =	sshrl.u32 s1, $0x2  }
0xc0: {  	s3 =	sand.u32 $0x4000, s31;
	s1 =	sadd.s32 s1, s30  }
0xc1: {  	s0 =	sor.u32 s3, s0;
	s1 =	sshll.u32 s1, $0x11  }
0xc2: {  	s0 =	sor.u32 s1, s0  }
0xc3: {  	s0 =	sadd.s32 $0x8F2B, s0  }
0xc4: {  	[sflag:s0] =	ssyncadd.remote.s32 $0x1  }
0xc5: {  	_ =	sfence.sel $0xFFFF  }
0xc6: {  	[dreg:$0x0] =	wrdreg $0xFFFFFFFF;
	(pc) =	sbr.abs _section_cstart, $3  }
0xc7: {  	[dreg:$0x1] =	wrdreg $0xFFFFFFFF  }
0xc8: {  	_ =	task.clear_ibuf [dreg:s7], $0x2FFFF;
	_ =	strace $0x9FFFFFFF  }
0xc9: {  	(tm) =	ssettm $0x7FFFFFFF  }
tec
execute0_lowered:
.L_overlay_start_1:
0x0: {  	(tag) =	ssettag $0x1  }
0x1: {  	s0 =	rddreg [dreg:$0x0]  }
0x2: {  	s1 =	rddreg [dreg:$0x1]  }
0x3: {  	s2 =	rddreg [dreg:$0x2];
	s4 =	srdreg.scid  }
0x4: {  	s16 =	stileid.u32;
	s3 =	simm.s32 $0x0;
	s17 =	simm.s32 $0xA000  }
0x5: {  	s28 =	simm.s32 $0xA400;
	s29 =	simm.s32 $0xA480;
	s18 =	smul.u32 $0x50000, s16  }
0x6: {  	s30 =	simm.s32 $0x7800;
	s31 =	simm.s32 $0x4;
	s9 =	smul.u32 $0x14000, s16  }
0x7: {  	s8 =	sand.u32 $0x1, s4;
	[smem:$0x7FF] =	sst s3;
	s19 =	smul.u32 $0x1388, s16  }
0x8: {  	s10 =	sadd.s32 $0x3800, s0;
	s16 =	smul.u32 $0x4E200, s16;
	s5 =	ssub.s32 $0x2, s8  }
0x9: {  	_ =	strace $0x8000004A;
	s15 =	smul.u32 $0x140000, s8;
	p0 =	seq.s32 s8, $0x0  }
0xa: {  	s6 =	sshrl.u32 s5, $0x1;
	s4 =	sshrl.u32 s18, $0x2;
	s12 =	sadd.s32 $0x5000, s9  }
0xb: {  	s13 =	sadd.s32 $0xA000, s9;
	s14 =	sadd.s32 $0xF000, s9;
	s8 =	sadd.s32 s1, s19  }
0xc: {  	s18 =	simm.s32 $0x5000;
	s19 =	simm.s32 $0xA180;
	s11 =	ssub.s32 s5, s6  }
0xd: {  	s4 =	sadd.s32 s4, s2;
	s5 =	sadd.s32 s12, s2;
	s6 =	sadd.s32 s13, s2  }
0xe: {  	s7 =	sadd.s32 s14, s2;
	s9 =	sadd.s32 s9, s15;
	s12 =	sadd.s32 s15, s12  }
0xf: {  	s23 =	sadd.s32 s15, s13;
	s24 =	sadd.s32 s15, s14;
	s14 =	simm.s32 $0x138B800  }
0x10: {  	s20 =	sshrl.u32 s9, $0x3;
	s21 =	sshrl.u32 s12, $0x3;
	s25 =	sshrl.u32 s24, $0x3  }
0x11: {  	s14 =	simm.s32 @!p0 $0x186D800;
	s26 =	smax.u32 s11, $0x1;
	s9 =	sadd.s32 $0x50, s8  }
0x12: {  	s24 =	simm.s32 $0x2800;
	s1 =	sadd.s32 s10, s20;
	s22 =	sadd.s32 s10, s21  }
0x13: {  	v0 =	vlaneseq.u32;
	[dreg:$0x8] =	wrdreg s26;
	s0 =	sadd.s32 s14, s0;
	s20 =	simm.s32 $0x1  }
0x14: {  	v0 =	vmul.u32 $0x2, v0;
	s21 =	simm.s32 $0x50;
	s26 =	simm.s32 $0x2;
	[dreg:$0x4] =	wrdreg s1  }
0x15: {  	v1 =	vimm.f32 $0.0e+00;
	[dreg:$0x5] =	wrdreg s22;
	s1 =	sshrl.u32 s23, $0x3;
	s14 =	sadd.s32 s0, s16  }
0x16: {  	v2 =	vor.u32 $0x20, v0;
	v3 =	vor.u32 $0x40, v0;
	v4 =	vor.u32 $0x60, v0;
	s16 =	simm.s32 $0x5;
	s22 =	simm.s32 $0xA300;
	s1 =	sadd.s32 s10, s1  }
0x17: {  	v5 =	vor.u32 $0x80, v0;
	v6 =	vor.u32 $0xA0, v0;
	v7 =	vor.u32 $0xC0, v0;
	s23 =	simm.s32 $0xA380;
	[dreg:$0x6] =	wrdreg s1;
	s1 =	sadd.s32 s10, s25  }
0x18: {  	v8 =	vor.u32 $0xE0, v0;
	v9 =	vor.u32 $0x100, v0;
	v10 =	vor.u32 $0x120, v0;
	s0 =	simm.s32 $0x0;
	s25 =	simm.s32 $0x3;
	[dreg:$0x7] =	wrdreg s1  }
.LBB2_1:
0x19: {  	s1 =	simm.s32 $0x0;
	s10 =	simm.s32 $0x200  }
.LBB2_2:
0x1a: {  	p0 =	sne.s32 s10, $0x13E00;
	[tilespmem:s1+$0x70] =	vst v1  }
0x1b: {  	[tilespmem:s1+$0x0] =	vst v1  }
0x1c: {  	[tilespmem:s1+$0x10] =	vst v1  }
.Ltmp0:
0x1d: {  	[tilespmem:s1+$0x20] =	vst v1;
	(pc) =	sbr.rel @p0 .LBB2_2-.Ltmp0, $4  }
0x1e: {  	[tilespmem:s1+$0x30] =	vst v1  }
0x1f: {  	[tilespmem:s1+$0x40] =	vst v1  }
0x20: {  	[tilespmem:s1+$0x50] =	vst v1  }
0x21: {  	[tilespmem:s1+$0x60] =	vst v1;
	s1 =	sshra.s32 s10, $0x2;
	s10 =	sadd.s32 $0x200, s10  }
0x22: {  	[tilespmem:s1+$0x70] =	vst v1  }
0x23: {  	[tilespmem:s1+$0x0] =	vst v1  }
0x24: {  	[tilespmem:s1+$0x10] =	vst v1  }
0x25: {  	[tilespmem:s1+$0x20] =	vst v1  }
0x26: {  	[tilespmem:s1+$0x30] =	vst v1  }
0x27: {  	[tilespmem:s1+$0x40] =	vst v1  }
0x28: {  	[tilespmem:s1+$0x50] =	vst v1  }
0x29: {  	[tilespmem:s1+$0x60] =	vst v1;
	s11 =	simm.s32 $0x0  }
0x2a: {  	[spmem:s4] =	stream.linear.scatter [tilespmem:s11], [sflag:$0x5], $0x5000, $0x38;
	[tilespmem:$0x1E500] =	vst v63  }
0x2b: {  	_ =	swait.ge [sflag:s16], $0x5000  }
0x2c: {  	[sflag:s16] =	ssyncset.done $0x0  }
0x2d: {  	[sflag:s16] =	ssyncadd.s32 $0xFFFFB000  }
0x2e: {  	[spmem:s5] =	stream.linear.scatter [tilespmem:s11], [sflag:$0x5], $0x5000, $0x38;
	[tilespmem:$0x1E500] =	vst v63  }
0x2f: {  	_ =	swait.ge [sflag:s16], $0x5000  }
0x30: {  	[sflag:s16] =	ssyncset.done $0x0  }
0x31: {  	[sflag:s16] =	ssyncadd.s32 $0xFFFFB000  }
0x32: {  	[spmem:s6] =	stream.linear.scatter [tilespmem:s11], [sflag:$0x5], $0x5000, $0x38;
	[tilespmem:$0x1E500] =	vst v63  }
0x33: {  	_ =	swait.ge [sflag:s16], $0x5000  }
0x34: {  	[sflag:s16] =	ssyncset.done $0x0  }
0x35: {  	[sflag:s16] =	ssyncadd.s32 $0xFFFFB000  }
0x36: {  	[spmem:s7] =	stream.linear.scatter [tilespmem:s11], [sflag:$0x5], $0x5000, $0x38;
	[tilespmem:$0x1E500] =	vst v63  }
0x37: {  	_ =	swait.ge [sflag:s16], $0x5000  }
0x38: {  	[sflag:s16] =	ssyncset.done $0x0  }
0x39: {  	[sflag:s16] =	ssyncadd.s32 $0xFFFFB000  }
0x3a: {  	p0 =	por $0x1, $0x1;
	[bflag:$0x0] =	sbarrier.arrive $0xFFFF  }
0x3b: {  	[tilespmem:s11], [sflag:$0x1] =	stream.linear.gather [hbm4b:s14+s11], $0x5000, $0x38;
	[tilespmem:$0x1E500] =	vst v63  }
0x3c: {  	s1 =	simm.s32 @!p0 $0x4  }
0x3d: {  	[tilespmem:s17], [sflag:$0x1] =	stream.linear.gather [hbm4b:s8+s11], $0x140, $0x38;
	[tilespmem:$0x1E500] =	vst v63  }
0x3e: {  	_ =	swait.ge @!p0 [sflag:s1], $0x2800  }
0x3f: {  	[sflag:s1] =	ssyncset.done @!p0 $0x0  }
0x40: {  	[sflag:s1] =	ssyncadd.s32 @!p0 $0xFFFFD800  }
0x41: {  	_ =	swait.ge @!p0 [sflag:s1], $0x2800  }
0x42: {  	s10 =	sadd.s32 $0x0, s14;
	[sflag:s1] =	ssyncset.done @!p0 $0x0  }
0x43: {  	s12 =	sadd.s32 $0xA00, s10;
	[sflag:s1] =	ssyncadd.s32 @!p0 $0xFFFFD800  }
0x44: {  	[tilespmem:s18], [sflag:$0x2] =	stream.linear.gather [hbm4b:s12+s3], $0x5000, $0x38;
	[tilespmem:$0x1E500] =	vst v63  }
0x45: {  	s13 =	sadd.s32 $0xFFFFFFD8, s9  }
0x46: {  	[tilespmem:s19], [sflag:$0x2] =	stream.linear.gather [hbm4b:s13+s3], $0x140, $0x38;
	[tilespmem:$0x1E500] =	vst v63  }
0x47: {  	_ =	swait.ge [sflag:s20], $0x5000  }
0x48: {  	[sflag:s20] =	ssyncset.done $0x0  }
0x49: {  	[sflag:s20] =	ssyncadd.s32 $0xFFFFB000  }
0x4a: {  	_ =	swait.ge [sflag:s20], $0x140  }
0x4b: {  	[sflag:s20] =	ssyncset.done $0x0  }
0x4c: {  	[sflag:s20] =	ssyncadd.s32 $0xFFFFFEC0  }
0x4d: {  	v11 =	vld.idx.msk [tilespmem:v0+s17+$0x0], $0xffff;
	_ =	sdelay $0x4  }
0x4e: {  	[tilespmem:$0xA300] =	vst v11  }
0x4f: {  	v11 =	vld.idx.msk [tilespmem:v2+s17+$0x0], $0xffff;
	_ =	sdelay $0x4  }
0x50: {  	[tilespmem:$0xA310] =	vst v11  }
0x51: {  	v11 =	vld.idx.msk [tilespmem:v3+s17+$0x0], $0xffff;
	_ =	sdelay $0x4  }
0x52: {  	[tilespmem:$0xA320] =	vst v11  }
0x53: {  	v11 =	vld.idx.msk [tilespmem:v4+s17+$0x0], $0xffff;
	_ =	sdelay $0x4  }
0x54: {  	[tilespmem:$0xA330] =	vst v11  }
0x55: {  	v11 =	vld.idx.msk [tilespmem:v5+s17+$0x0], $0xffff;
	_ =	sdelay $0x4  }
0x56: {  	[tilespmem:$0xA340] =	vst v11  }
0x57: {  	v11 =	vld.idx.msk [tilespmem:v6+s17+$0x0], $0xffff;
	_ =	sdelay $0x4  }
0x58: {  	[tilespmem:$0xA380] =	vst v11  }
0x59: {  	v11 =	vld.idx.msk [tilespmem:v7+s17+$0x0], $0xffff;
	_ =	sdelay $0x4  }
0x5a: {  	[tilespmem:$0xA390] =	vst v11  }
0x5b: {  	v11 =	vld.idx.msk [tilespmem:v8+s17+$0x0], $0xffff;
	_ =	sdelay $0x4  }
0x5c: {  	[tilespmem:$0xA3A0] =	vst v11  }
0x5d: {  	v11 =	vld.idx.msk [tilespmem:v9+s17+$0x0], $0xffff;
	_ =	sdelay $0x4  }
0x5e: {  	[tilespmem:$0xA3B0] =	vst v11  }
0x5f: {  	v11 =	vld.idx.msk [tilespmem:v10+s17+$0x0], $0xffff;
	_ =	sdelay $0x4  }
0x60: {  	[tilespmem:$0xA3C0] =	vst v11  }
0x61: {  	[spmem:s2] =	stream.indirect.scatter.add.f32 [tilespmem:s3], [sflag:$0x3], $0x80, s22, s21, $0xb8;
	[tilespmem:$0x1E500] =	vst v63  }
0x62: {  	_ = 	snop  }
0x63: {  	[spmem:s2] =	stream.indirect.scatter.add.f32 [tilespmem:s24], [sflag:$0x3], $0x80, s23, s21, $0xb8;
	[tilespmem:$0x1E500] =	vst v63  }
0x64: {  	_ =	swait.ge [sflag:s25], $0x2800  }
0x65: {  	[sflag:s25] =	ssyncset.done $0x0  }
0x66: {  	[sflag:s25] =	ssyncadd.s32 $0xFFFFD800  }
0x67: {  	_ =	swait.ge [sflag:s25], $0x2800  }
0x68: {  	[sflag:s25] =	ssyncset.done $0x0  }
0x69: {  	s15 =	sadd.s32 $0x1400, s10;
	[sflag:s25] =	ssyncadd.s32 $0xFFFFD800  }
0x6a: {  	[tilespmem:s3], [sflag:$0x1] =	stream.linear.gather [hbm4b:s15+s3], $0x5000, $0x38;
	[tilespmem:$0x1E500] =	vst v63  }
0x6b: {  	_ = 	snop  }
0x6c: {  	[tilespmem:s17], [sflag:$0x1] =	stream.linear.gather [hbm4b:s9+s3], $0x140, $0x38;
	[tilespmem:$0x1E500] =	vst v63  }
0x6d: {  	_ =	swait.ge [sflag:s26], $0x5000  }
0x6e: {  	[sflag:s26] =	ssyncset.done $0x0  }
0x6f: {  	[sflag:s26] =	ssyncadd.s32 $0xFFFFB000  }
0x70: {  	_ =	swait.ge [sflag:s26], $0x140  }
0x71: {  	[sflag:s26] =	ssyncset.done $0x0  }
0x72: {  	[sflag:s26] =	ssyncadd.s32 $0xFFFFFEC0  }
0x73: {  	v11 =	vld.idx.msk [tilespmem:v0+s19+$0x0], $0xffff;
	_ =	sdelay $0x4  }
0x74: {  	[tilespmem:$0xA400] =	vst v11  }
0x75: {  	v11 =	vld.idx.msk [tilespmem:v2+s19+$0x0], $0xffff;
	_ =	sdelay $0x4  }
0x76: {  	[tilespmem:$0xA410] =	vst v11  }
0x77: {  	v11 =	vld.idx.msk [tilespmem:v3+s19+$0x0], $0xffff;
	_ =	sdelay $0x4  }
0x78: {  	[tilespmem:$0xA420] =	vst v11  }
0x79: {  	v11 =	vld.idx.msk [tilespmem:v4+s19+$0x0], $0xffff;
	_ =	sdelay $0x4  }
0x7a: {  	[tilespmem:$0xA430] =	vst v11  }
0x7b: {  	v11 =	vld.idx.msk [tilespmem:v5+s19+$0x0], $0xffff;
	_ =	sdelay $0x4  }
0x7c: {  	[tilespmem:$0xA440] =	vst v11  }
0x7d: {  	v11 =	vld.idx.msk [tilespmem:v6+s19+$0x0], $0xffff;
	_ =	sdelay $0x4  }
0x7e: {  	[tilespmem:$0xA480] =	vst v11  }
0x7f: {  	v11 =	vld.idx.msk [tilespmem:v7+s19+$0x0], $0xffff;
	_ =	sdelay $0x4  }
0x80: {  	[tilespmem:$0xA490] =	vst v11  }
0x81: {  	v11 =	vld.idx.msk [tilespmem:v8+s19+$0x0], $0xffff;
	_ =	sdelay $0x4  }
0x82: {  	[tilespmem:$0xA4A0] =	vst v11  }
0x83: {  	v11 =	vld.idx.msk [tilespmem:v9+s19+$0x0], $0xffff;
	_ =	sdelay $0x4  }
0x84: {  	[tilespmem:$0xA4B0] =	vst v11  }
0x85: {  	v11 =	vld.idx.msk [tilespmem:v10+s19+$0x0], $0xffff;
	_ =	sdelay $0x3  }
0x86: {  	p1 =	por $0x0, $0x0  }
0x87: {  	s10 =	simm.s32 $0x2800;
	s1 =	simm.s32 $0x1400;
	s15 =	smov.u32 s9;
	[tilespmem:$0xA4C0] =	vst v11  }
0x88: {  	[spmem:s2] =	stream.indirect.scatter.add.f32 [tilespmem:s18], [sflag:$0x4], $0x80, s28, s21, $0xb8;
	[tilespmem:$0x1E500] =	vst v63  }
.LBB2_4:
0x89: {  	s12 =	simm.s32 @!p1 $0x4  }
0x8a: {  	s15 =	sadd.s32 $0x50, s15;
	s13 =	smov.u32 s10;
	s10 =	sadd.s32 $0x1400, s10  }
0x8b: {  	[spmem:s2] =	stream.indirect.scatter.add.f32 [tilespmem:s30], [sflag:$0x4], $0x80, s29, s21, $0xb8;
	[tilespmem:$0x1E500] =	vst v63  }
0x8c: {  	p0 =	sne.s32 s10, $0x4D800;
	_ =	swait.ge @!p1 [sflag:s12], $0x2800  }
0x8d: {  	[sflag:s12] =	ssyncset.done @!p1 $0x0  }
0x8e: {  	[sflag:s12] =	ssyncadd.s32 @!p1 $0xFFFFD800  }
0x8f: {  	_ =	swait.ge @!p1 [sflag:s12], $0x2800  }
0x90: {  	s11 =	sadd.s32 s1, s14;
	s1 =	smov.u32 s13;
	[sflag:s12] =	ssyncset.done @!p1 $0x0  }
0x91: {  	[sflag:s12] =	ssyncadd.s32 @!p1 $0xFFFFD800;
	s12 =	sadd.s32 $0xA00, s11  }
0x92: {  	[tilespmem:s18], [sflag:$0x2] =	stream.linear.gather [hbm4b:s12+s3], $0x5000, $0x38;
	[tilespmem:$0x1E500] =	vst v63  }
0x93: {  	s12 =	sadd.s32 $0xFFFFFFD8, s15  }
0x94: {  	[tilespmem:s19], [sflag:$0x2] =	stream.linear.gather [hbm4b:s12+s3], $0x140, $0x38;
	[tilespmem:$0x1E500] =	vst v63  }
0x95: {  	_ =	swait.ge [sflag:s20], $0x5000  }
0x96: {  	[sflag:s20] =	ssyncset.done $0x0  }
0x97: {  	[sflag:s20] =	ssyncadd.s32 $0xFFFFB000  }
0x98: {  	_ =	swait.ge [sflag:s20], $0x140  }
0x99: {  	[sflag:s20] =	ssyncset.done $0x0  }
0x9a: {  	[sflag:s20] =	ssyncadd.s32 $0xFFFFFEC0  }
0x9b: {  	v11 =	vld.idx.msk [tilespmem:v0+s17+$0x0], $0xffff;
	_ =	sdelay $0x5  }
0x9c: {  	[tilespmem:$0xA300] =	vst v11  }
0x9d: {  	v11 =	vld.idx.msk [tilespmem:v2+s17+$0x0], $0xffff;
	_ =	sdelay $0x5  }
0x9e: {  	[tilespmem:$0xA310] =	vst v11  }
0x9f: {  	v11 =	vld.idx.msk [tilespmem:v3+s17+$0x0], $0xffff;
	_ =	sdelay $0x5  }
0xa0: {  	[tilespmem:$0xA320] =	vst v11  }
0xa1: {  	v11 =	vld.idx.msk [tilespmem:v4+s17+$0x0], $0xffff;
	_ =	sdelay $0x5  }
0xa2: {  	[tilespmem:$0xA330] =	vst v11  }
0xa3: {  	v11 =	vld.idx.msk [tilespmem:v5+s17+$0x0], $0xffff;
	_ =	sdelay $0x5  }
0xa4: {  	[tilespmem:$0xA340] =	vst v11  }
0xa5: {  	v11 =	vld.idx.msk [tilespmem:v6+s17+$0x0], $0xffff;
	_ =	sdelay $0x5  }
0xa6: {  	[tilespmem:$0xA380] =	vst v11  }
0xa7: {  	v11 =	vld.idx.msk [tilespmem:v7+s17+$0x0], $0xffff;
	_ =	sdelay $0x5  }
0xa8: {  	[tilespmem:$0xA390] =	vst v11  }
0xa9: {  	v11 =	vld.idx.msk [tilespmem:v8+s17+$0x0], $0xffff;
	_ =	sdelay $0x5  }
0xaa: {  	[tilespmem:$0xA3A0] =	vst v11  }
0xab: {  	v11 =	vld.idx.msk [tilespmem:v9+s17+$0x0], $0xffff;
	_ =	sdelay $0x5  }
0xac: {  	[tilespmem:$0xA3B0] =	vst v11  }
0xad: {  	v11 =	vld.idx.msk [tilespmem:v10+s17+$0x0], $0xffff;
	_ =	sdelay $0x5  }
0xae: {  	[tilespmem:$0xA3C0] =	vst v11  }
0xaf: {  	[spmem:s2] =	stream.indirect.scatter.add.f32 [tilespmem:s3], [sflag:$0x3], $0x80, s22, s21, $0xb8;
	[tilespmem:$0x1E500] =	vst v63  }
0xb0: {  	_ = 	snop  }
0xb1: {  	[spmem:s2] =	stream.indirect.scatter.add.f32 [tilespmem:s24], [sflag:$0x3], $0x80, s23, s21, $0xb8;
	[tilespmem:$0x1E500] =	vst v63  }
0xb2: {  	_ =	swait.ge [sflag:s25], $0x2800  }
0xb3: {  	[sflag:s25] =	ssyncset.done $0x0  }
0xb4: {  	[sflag:s25] =	ssyncadd.s32 $0xFFFFD800  }
0xb5: {  	_ =	swait.ge [sflag:s25], $0x2800  }
0xb6: {  	[sflag:s25] =	ssyncset.done $0x0  }
0xb7: {  	s11 =	sadd.s32 $0x1400, s11;
	[sflag:s25] =	ssyncadd.s32 $0xFFFFD800  }
0xb8: {  	[tilespmem:s3], [sflag:$0x1] =	stream.linear.gather [hbm4b:s11+s3], $0x5000, $0x38;
	[tilespmem:$0x1E500] =	vst v63  }
0xb9: {  	_ = 	snop  }
0xba: {  	[tilespmem:s17], [sflag:$0x1] =	stream.linear.gather [hbm4b:s15+s3], $0x140, $0x38;
	[tilespmem:$0x1E500] =	vst v63  }
0xbb: {  	_ =	swait.ge [sflag:s26], $0x5000  }
0xbc: {  	[sflag:s26] =	ssyncset.done $0x0  }
0xbd: {  	[sflag:s26] =	ssyncadd.s32 $0xFFFFB000  }
0xbe: {  	_ =	swait.ge [sflag:s26], $0x140  }
0xbf: {  	[sflag:s26] =	ssyncset.done $0x0  }
0xc0: {  	[sflag:s26] =	ssyncadd.s32 $0xFFFFFEC0  }
0xc1: {  	v11 =	vld.idx.msk [tilespmem:v0+s19+$0x0], $0xffff;
	_ =	sdelay $0x5  }
0xc2: {  	[tilespmem:$0xA400] =	vst v11  }
0xc3: {  	v11 =	vld.idx.msk [tilespmem:v2+s19+$0x0], $0xffff;
	_ =	sdelay $0x5  }
0xc4: {  	[tilespmem:$0xA410] =	vst v11  }
0xc5: {  	v11 =	vld.idx.msk [tilespmem:v3+s19+$0x0], $0xffff;
	_ =	sdelay $0x5  }
0xc6: {  	[tilespmem:$0xA420] =	vst v11  }
0xc7: {  	v11 =	vld.idx.msk [tilespmem:v4+s19+$0x0], $0xffff;
	_ =	sdelay $0x5  }
0xc8: {  	[tilespmem:$0xA430] =	vst v11  }
0xc9: {  	v11 =	vld.idx.msk [tilespmem:v5+s19+$0x0], $0xffff;
	_ =	sdelay $0x5  }
0xca: {  	[tilespmem:$0xA440] =	vst v11  }
0xcb: {  	v11 =	vld.idx.msk [tilespmem:v6+s19+$0x0], $0xffff;
	_ =	sdelay $0x5  }
0xcc: {  	[tilespmem:$0xA480] =	vst v11  }
0xcd: {  	v11 =	vld.idx.msk [tilespmem:v7+s19+$0x0], $0xffff;
	_ =	sdelay $0x5  }
0xce: {  	[tilespmem:$0xA490] =	vst v11  }
0xcf: {  	v11 =	vld.idx.msk [tilespmem:v8+s19+$0x0], $0xffff;
	_ =	sdelay $0x5  }
0xd0: {  	[tilespmem:$0xA4A0] =	vst v11  }
0xd1: {  	v11 =	vld.idx.msk [tilespmem:v9+s19+$0x0], $0xffff;
	_ =	sdelay $0x5  }
0xd2: {  	[tilespmem:$0xA4B0] =	vst v11  }
0xd3: {  	v11 =	vld.idx.msk [tilespmem:v10+s19+$0x0], $0xffff;
	_ =	sdelay $0x2  }
.Ltmp1:
0xd4: {  	(pc) =	sbr.rel @p0 .LBB2_4-.Ltmp1, $3  }
0xd5: {  	_ =	sdelay $0x1  }
0xd6: {  	p1 =	seq.s32 s1, $0x0;
	[tilespmem:$0xA4C0] =	vst v11  }
0xd7: {  	[spmem:s2] =	stream.indirect.scatter.add.f32 [tilespmem:s18], [sflag:$0x4], $0x80, s28, s21, $0xb8;
	[tilespmem:$0x1E500] =	vst v63  }
0xd8: {  	s10 =	simm.s32 @!p1 $0x4  }
0xd9: {  	[spmem:s2] =	stream.indirect.scatter.add.f32 [tilespmem:s30], [sflag:$0x4], $0x80, s29, s21, $0xb8;
	[tilespmem:$0x1E500] =	vst v63  }
0xda: {  	_ =	swait.ge @!p1 [sflag:s10], $0x2800  }
0xdb: {  	[sflag:s10] =	ssyncset.done @!p1 $0x0  }
0xdc: {  	[sflag:s10] =	ssyncadd.s32 @!p1 $0xFFFFD800  }
0xdd: {  	_ =	swait.ge @!p1 [sflag:s10], $0x2800  }
0xde: {  	s1 =	sadd.s32 s1, s14;
	[sflag:s10] =	ssyncset.done @!p1 $0x0  }
0xdf: {  	s11 =	sadd.s32 $0x50, s15;
	s13 =	sadd.s32 $0xA00, s1;
	[sflag:s10] =	ssyncadd.s32 @!p1 $0xFFFFD800  }
0xe0: {  	[tilespmem:s18], [sflag:$0x2] =	stream.linear.gather [hbm4b:s13+s3], $0x5000, $0x38;
	[tilespmem:$0x1E500] =	vst v63  }
0xe1: {  	s15 =	sadd.s32 $0xFFFFFFD8, s11  }
0xe2: {  	[tilespmem:s19], [sflag:$0x2] =	stream.linear.gather [hbm4b:s15+s3], $0x140, $0x38;
	[tilespmem:$0x1E500] =	vst v63  }
0xe3: {  	_ =	swait.ge [sflag:s20], $0x5000  }
0xe4: {  	[sflag:s20] =	ssyncset.done $0x0  }
0xe5: {  	[sflag:s20] =	ssyncadd.s32 $0xFFFFB000  }
0xe6: {  	_ =	swait.ge [sflag:s20], $0x140  }
0xe7: {  	[sflag:s20] =	ssyncset.done $0x0  }
0xe8: {  	[sflag:s20] =	ssyncadd.s32 $0xFFFFFEC0  }
0xe9: {  	v11 =	vld.idx.msk [tilespmem:v0+s17+$0x0], $0xffff;
	_ =	sdelay $0x4  }
0xea: {  	[tilespmem:$0xA300] =	vst v11  }
0xeb: {  	v11 =	vld.idx.msk [tilespmem:v2+s17+$0x0], $0xffff;
	_ =	sdelay $0x4  }
0xec: {  	[tilespmem:$0xA310] =	vst v11  }
0xed: {  	v11 =	vld.idx.msk [tilespmem:v3+s17+$0x0], $0xffff;
	_ =	sdelay $0x4  }
0xee: {  	[tilespmem:$0xA320] =	vst v11  }
0xef: {  	v11 =	vld.idx.msk [tilespmem:v4+s17+$0x0], $0xffff;
	_ =	sdelay $0x4  }
0xf0: {  	[tilespmem:$0xA330] =	vst v11  }
0xf1: {  	v11 =	vld.idx.msk [tilespmem:v5+s17+$0x0], $0xffff;
	_ =	sdelay $0x4  }
0xf2: {  	[tilespmem:$0xA340] =	vst v11  }
0xf3: {  	v11 =	vld.idx.msk [tilespmem:v6+s17+$0x0], $0xffff;
	_ =	sdelay $0x4  }
0xf4: {  	[tilespmem:$0xA380] =	vst v11  }
0xf5: {  	v11 =	vld.idx.msk [tilespmem:v7+s17+$0x0], $0xffff;
	_ =	sdelay $0x4  }
0xf6: {  	[tilespmem:$0xA390] =	vst v11  }
0xf7: {  	v11 =	vld.idx.msk [tilespmem:v8+s17+$0x0], $0xffff;
	_ =	sdelay $0x4  }
0xf8: {  	[tilespmem:$0xA3A0] =	vst v11  }
0xf9: {  	v11 =	vld.idx.msk [tilespmem:v9+s17+$0x0], $0xffff;
	_ =	sdelay $0x4  }
0xfa: {  	[tilespmem:$0xA3B0] =	vst v11  }
0xfb: {  	v11 =	vld.idx.msk [tilespmem:v10+s17+$0x0], $0xffff;
	_ =	sdelay $0x4  }
0xfc: {  	[tilespmem:$0xA3C0] =	vst v11  }
0xfd: {  	[spmem:s2] =	stream.indirect.scatter.add.f32 [tilespmem:s3], [sflag:$0x3], $0x80, s22, s21, $0xb8;
	[tilespmem:$0x1E500] =	vst v63  }
0xfe: {  	_ = 	snop  }
0xff: {  	[spmem:s2] =	stream.indirect.scatter.add.f32 [tilespmem:s24], [sflag:$0x3], $0x80, s23, s21, $0xb8;
	[tilespmem:$0x1E500] =	vst v63  }
0x100: {  	_ =	swait.ge [sflag:s25], $0x2800  }
0x101: {  	[sflag:s25] =	ssyncset.done $0x0  }
0x102: {  	[sflag:s25] =	ssyncadd.s32 $0xFFFFD800  }
0x103: {  	_ =	swait.ge [sflag:s25], $0x2800  }
0x104: {  	[sflag:s25] =	ssyncset.done $0x0  }
0x105: {  	s1 =	sadd.s32 $0x1400, s1;
	[sflag:s25] =	ssyncadd.s32 $0xFFFFD800  }
0x106: {  	[tilespmem:s3], [sflag:$0x1] =	stream.linear.gather [hbm4b:s1+s3], $0x5000, $0x38;
	[tilespmem:$0x1E500] =	vst v63  }
0x107: {  	_ = 	snop  }
0x108: {  	[tilespmem:s17], [sflag:$0x1] =	stream.linear.gather [hbm4b:s11+s3], $0x140, $0x38;
	[tilespmem:$0x1E500] =	vst v63  }
0x109: {  	_ =	swait.ge [sflag:s26], $0x5000  }
0x10a: {  	[sflag:s26] =	ssyncset.done $0x0  }
0x10b: {  	[sflag:s26] =	ssyncadd.s32 $0xFFFFB000  }
0x10c: {  	_ =	swait.ge [sflag:s26], $0x140  }
0x10d: {  	[sflag:s26] =	ssyncset.done $0x0  }
0x10e: {  	[sflag:s26] =	ssyncadd.s32 $0xFFFFFEC0  }
0x10f: {  	v11 =	vld.idx.msk [tilespmem:v0+s19+$0x0], $0xffff;
	_ =	sdelay $0x4  }
0x110: {  	[tilespmem:$0xA400] =	vst v11  }
0x111: {  	v11 =	vld.idx.msk [tilespmem:v2+s19+$0x0], $0xffff;
	_ =	sdelay $0x4  }
0x112: {  	[tilespmem:$0xA410] =	vst v11  }
0x113: {  	v11 =	vld.idx.msk [tilespmem:v3+s19+$0x0], $0xffff;
	_ =	sdelay $0x4  }
0x114: {  	[tilespmem:$0xA420] =	vst v11  }
0x115: {  	v11 =	vld.idx.msk [tilespmem:v4+s19+$0x0], $0xffff;
	_ =	sdelay $0x4  }
0x116: {  	[tilespmem:$0xA430] =	vst v11  }
0x117: {  	v11 =	vld.idx.msk [tilespmem:v5+s19+$0x0], $0xffff;
	_ =	sdelay $0x4  }
0x118: {  	[tilespmem:$0xA440] =	vst v11  }
0x119: {  	v11 =	vld.idx.msk [tilespmem:v6+s19+$0x0], $0xffff;
	_ =	sdelay $0x4  }
0x11a: {  	[tilespmem:$0xA480] =	vst v11  }
0x11b: {  	v11 =	vld.idx.msk [tilespmem:v7+s19+$0x0], $0xffff;
	_ =	sdelay $0x4  }
0x11c: {  	[tilespmem:$0xA490] =	vst v11  }
0x11d: {  	v11 =	vld.idx.msk [tilespmem:v8+s19+$0x0], $0xffff;
	_ =	sdelay $0x4  }
0x11e: {  	[tilespmem:$0xA4A0] =	vst v11  }
0x11f: {  	v11 =	vld.idx.msk [tilespmem:v9+s19+$0x0], $0xffff;
	_ =	sdelay $0x4  }
0x120: {  	[tilespmem:$0xA4B0] =	vst v11  }
0x121: {  	v11 =	vld.idx.msk [tilespmem:v10+s19+$0x0], $0xffff;
	_ =	sdelay $0x4  }
0x122: {  	[tilespmem:$0xA4C0] =	vst v11  }
0x123: {  	[spmem:s2] =	stream.indirect.scatter.add.f32 [tilespmem:s18], [sflag:$0x4], $0x80, s28, s21, $0xb8;
	[tilespmem:$0x1E500] =	vst v63  }
0x124: {  	_ = 	snop  }
0x125: {  	[spmem:s2] =	stream.indirect.scatter.add.f32 [tilespmem:s30], [sflag:$0x4], $0x80, s29, s21, $0xb8;
	[tilespmem:$0x1E500] =	vst v63  }
0x126: {  	_ =	swait.ge [sflag:s20], $0x5000  }
0x127: {  	[sflag:s20] =	ssyncset.done $0x0  }
0x128: {  	[sflag:s20] =	ssyncadd.s32 $0xFFFFB000  }
0x129: {  	_ =	swait.ge [sflag:s20], $0x140  }
0x12a: {  	[sflag:s20] =	ssyncset.done $0x0  }
0x12b: {  	[sflag:s20] =	ssyncadd.s32 $0xFFFFFEC0  }
0x12c: {  	v11 =	vld.idx.msk [tilespmem:v0+s17+$0x0], $0xffff;
	_ =	sdelay $0x4  }
0x12d: {  	[tilespmem:$0xA300] =	vst v11  }
0x12e: {  	v11 =	vld.idx.msk [tilespmem:v2+s17+$0x0], $0xffff;
	_ =	sdelay $0x4  }
0x12f: {  	[tilespmem:$0xA310] =	vst v11  }
0x130: {  	v11 =	vld.idx.msk [tilespmem:v3+s17+$0x0], $0xffff;
	_ =	sdelay $0x4  }
0x131: {  	[tilespmem:$0xA320] =	vst v11  }
0x132: {  	v11 =	vld.idx.msk [tilespmem:v4+s17+$0x0], $0xffff;
	_ =	sdelay $0x4  }
0x133: {  	[tilespmem:$0xA330] =	vst v11  }
0x134: {  	v11 =	vld.idx.msk [tilespmem:v5+s17+$0x0], $0xffff;
	_ =	sdelay $0x4  }
0x135: {  	[tilespmem:$0xA340] =	vst v11  }
0x136: {  	v11 =	vld.idx.msk [tilespmem:v6+s17+$0x0], $0xffff;
	_ =	sdelay $0x4  }
0x137: {  	[tilespmem:$0xA380] =	vst v11  }
0x138: {  	v11 =	vld.idx.msk [tilespmem:v7+s17+$0x0], $0xffff;
	_ =	sdelay $0x4  }
0x139: {  	[tilespmem:$0xA390] =	vst v11  }
0x13a: {  	v11 =	vld.idx.msk [tilespmem:v8+s17+$0x0], $0xffff;
	_ =	sdelay $0x4  }
0x13b: {  	[tilespmem:$0xA3A0] =	vst v11  }
0x13c: {  	v11 =	vld.idx.msk [tilespmem:v9+s17+$0x0], $0xffff;
	_ =	sdelay $0x4  }
0x13d: {  	[tilespmem:$0xA3B0] =	vst v11  }
0x13e: {  	v11 =	vld.idx.msk [tilespmem:v10+s17+$0x0], $0xffff;
	_ =	sdelay $0x4  }
0x13f: {  	[tilespmem:$0xA3C0] =	vst v11  }
0x140: {  	[spmem:s2] =	stream.indirect.scatter.add.f32 [tilespmem:s3], [sflag:$0x3], $0x80, s22, s21, $0xb8;
	[tilespmem:$0x1E500] =	vst v63  }
0x141: {  	_ = 	snop  }
0x142: {  	[spmem:s2] =	stream.indirect.scatter.add.f32 [tilespmem:s24], [sflag:$0x3], $0x80, s23, s21, $0xb8;
	[tilespmem:$0x1E500] =	vst v63  }
0x143: {  	_ =	swait.ge [sflag:s31], $0x2800  }
0x144: {  	[sflag:s31] =	ssyncset.done $0x0  }
0x145: {  	[sflag:s31] =	ssyncadd.s32 $0xFFFFD800  }
0x146: {  	_ =	swait.ge [sflag:s31], $0x2800  }
0x147: {  	[sflag:s31] =	ssyncset.done $0x0  }
0x148: {  	[sflag:s31] =	ssyncadd.s32 $0xFFFFD800  }
0x149: {  	_ =	swait.ge [sflag:s25], $0x2800  }
0x14a: {  	[sflag:s25] =	ssyncset.done $0x0  }
0x14b: {  	[sflag:s25] =	ssyncadd.s32 $0xFFFFD800  }
0x14c: {  	_ =	swait.ge [sflag:s25], $0x2800  }
0x14d: {  	[sflag:s25] =	ssyncset.done $0x0  }
0x14e: {  	[sflag:s25] =	ssyncadd.s32 $0xFFFFD800  }
0x14f: {  	[bflag:$0x0] =	sbarrier.arrive $0xFFFF  }
0x150: {  	[tilespmem:s3], [sflag:$0x5] =	stream.linear.gather [spmem:s4], $0x5000, $0x38;
	[tilespmem:$0x1E500] =	vst v63  }
0x151: {  	_ =	swait.ge [sflag:s16], $0x5000  }
0x152: {  	[sflag:s16] =	ssyncset.done $0x0  }
0x153: {  	s10 =	rddreg [dreg:$0x4];
	[sflag:s16] =	ssyncadd.s32 $0xFFFFB000  }
0x154: {  	[hbm4b:s10+s3] =	stream.linear.scatter [tilespmem:s3], [sflag:$0x5], $0x5000, $0x38;
	[tilespmem:$0x1E500] =	vst v63  }
0x155: {  	_ =	swait.ge [sflag:s16], $0x5000  }
0x156: {  	[sflag:s16] =	ssyncset.done $0x0  }
0x157: {  	[sflag:s16] =	ssyncadd.s32 $0xFFFFB000  }
0x158: {  	[tilespmem:s3], [sflag:$0x5] =	stream.linear.gather [spmem:s5], $0x5000, $0x38;
	[tilespmem:$0x1E500] =	vst v63  }
0x159: {  	_ =	swait.ge [sflag:s16], $0x5000  }
0x15a: {  	[sflag:s16] =	ssyncset.done $0x0  }
0x15b: {  	s11 =	rddreg [dreg:$0x5];
	[sflag:s16] =	ssyncadd.s32 $0xFFFFB000  }
0x15c: {  	[hbm4b:s11+s3] =	stream.linear.scatter [tilespmem:s3], [sflag:$0x5], $0x5000, $0x38;
	[tilespmem:$0x1E500] =	vst v63  }
0x15d: {  	_ =	swait.ge [sflag:s16], $0x5000  }
0x15e: {  	[sflag:s16] =	ssyncset.done $0x0  }
0x15f: {  	[sflag:s16] =	ssyncadd.s32 $0xFFFFB000  }
0x160: {  	[tilespmem:s3], [sflag:$0x5] =	stream.linear.gather [spmem:s6], $0x5000, $0x38;
	[tilespmem:$0x1E500] =	vst v63  }
0x161: {  	_ =	swait.ge [sflag:s16], $0x5000  }
0x162: {  	[sflag:s16] =	ssyncset.done $0x0  }
0x163: {  	s12 =	rddreg [dreg:$0x6];
	[sflag:s16] =	ssyncadd.s32 $0xFFFFB000  }
0x164: {  	[hbm4b:s12+s3] =	stream.linear.scatter [tilespmem:s3], [sflag:$0x5], $0x5000, $0x38;
	[tilespmem:$0x1E500] =	vst v63  }
0x165: {  	_ =	swait.ge [sflag:s16], $0x5000  }
0x166: {  	[sflag:s16] =	ssyncset.done $0x0  }
0x167: {  	[sflag:s16] =	ssyncadd.s32 $0xFFFFB000  }
0x168: {  	[tilespmem:s3], [sflag:$0x5] =	stream.linear.gather [spmem:s7], $0x5000, $0x38;
	[tilespmem:$0x1E500] =	vst v63  }
0x169: {  	_ =	swait.ge [sflag:s16], $0x5000  }
0x16a: {  	[sflag:s16] =	ssyncset.done $0x0  }
0x16b: {  	s13 =	rddreg [dreg:$0x7];
	[sflag:s16] =	ssyncadd.s32 $0xFFFFB000  }
0x16c: {  	[hbm4b:s13+s3] =	stream.linear.scatter [tilespmem:s3], [sflag:$0x5], $0x5000, $0x38;
	[tilespmem:$0x1E500] =	vst v63  }
0x16d: {  	_ =	swait.ge [sflag:s16], $0x5000  }
0x16e: {  	s0 =	sadd.s32 $0x1, s0;
	s15 =	rddreg [dreg:$0x8]  }
0x16f: {  	p0 =	sne.s32 s0, s15  }
.Ltmp2:
0x170: {  	_ = 	snop;
	(pc) =	sbr.rel @p0 .LBB2_1-.Ltmp2, $3  }
0x171: {  	_ =	sdelay $0x1  }
0x172: {  	[sflag:s16] =	ssyncset.done $0x0  }
0x173: {  	[sflag:s16] =	ssyncadd.s32 $0xFFFFB000  }
0x174: {  	_ =	sfence.sel $0x180000  }
0x175: {  	[bflag:$0x0] =	sbarrier.arrive $0xFFFF  }
0x176: {  	_ =	strace $0x9000004A  }
0x177: {  	s0 =	stileid.u32;
	[bflag:$0x2] =	sbarrier.arrive $0xFFFF  }
0x178: {  	p0 =	sne.s32 s0, $0x0;
	s0 =	rddreg [dreg:$0x3]  }
0x179: {  	s0 =	sadd.s32 @!p0 $0x100000, s0  }
0x17a: {  	[sflag:s0] =	ssyncadd.tile.s32 @!p0 $0x1;
	_ =	shalt  }
.Lfunc_end2:
_tile_overlayer_lowered:
.L_overlay_start_2:
0x17b: {  	(tag) =	ssettag $0x2  }
0x17c: {  	s0 =	rddreg [dreg:$0x0];
	s2 =	stileid.u32  }
0x17d: {  	s1 =	rddreg [dreg:$0x1];
	p0 =	sne.s32 s2, $0x0  }
0x17e: {  	s3 =	rddreg [dreg:$0x2];
	[bflag:$0x3] =	sbarrier.arrive $0xFFFF;
	s2 =	simm.s32 @!p0 $0x1C05  }
0x17f: {  	[timem:s3], [sflag:s2] =	dma.local @!p0 [hbm:s0], s1  }
0x180: {  	s0 =	simm.s32 @!p0 $0x5  }
0x181: {  	_ =	swait.ge @!p0 [sflag:s0], s1  }
0x182: {  	s1 =	ssub.s32 @!p0 $0x0, s1;
	[sflag:s0] =	ssyncset.done @!p0 $0x0  }
0x183: {  	[sflag:s0] =	ssyncadd.s32 @!p0 s1  }
0x184: {  	[bflag:$0x3] =	sbarrier.arrive $0xFFFF  }
0x185: {  	_ =	shalt  }

// kernel: kernel.7.cloned.1.call-start
scs
__scs_entry_jumppad:
0x0: {  	(pc) =	sbr.rel $0x88, $3  }
0x1: {  	(tag) =	ssettag $0x0;
	lr =	simm.s32 $0x1  }
0x2: {  	[smem:$0x3F97] =	sst lr;
	_ =	strace $0xD0000000  }
0x3: {  	_ = 	snop  }
0x4: {  	_ = 	snop  }
0x5: {  	_ = 	snop  }
0x6: {  	_ = 	snop  }
0x7: {  	_ = 	snop  }
__scs_overlays_trampoline_lowered:
0x8: {  	[smem:$0x3FA6] =	sst s0  }
0x9: {  	[smem:$0x3FA7] =	sst s1  }
0xa: {  	[smem:$0x3FA8] =	sst s2  }
0xb: {  	[smem:$0x3FA9] =	sst s3  }
0xc: {  	[smem:$0x3FAA] =	sst s4  }
0xd: {  	[smem:$0x3FAB] =	sst s5  }
0xe: {  	[smem:$0x3FAC] =	sst s6  }
0xf: {  	[smem:$0x3FAD] =	sst s7  }
0x10: {  	[smem:$0x3FAE] =	sst s8  }
0x11: {  	[smem:$0x3FAF] =	sst s9;
	s0 =	simm.s32 @!p0 $0x0  }
0x12: {  	s1 =	sld [smem:$0x3F95];
	s0 =	simm.s32 @p0 $0x1  }
0x13: {  	[smem:$0x3FB0] =	sst s0;
	s0 =	simm.s32 @!p1 $0x0  }
0x14: {  	s2 =	sld [smem:$0x3F94];
	s0 =	simm.s32 @p1 $0x1  }
0x15: {  	[smem:$0x3FB1] =	sst s0;
	s0 =	simm.s32 @!p2 $0x0  }
0x16: {  	s3 =	sld [smem:$0x3FDB];
	s0 =	simm.s32 @p2 $0x1  }
0x17: {  	s4 =	simm.s32 $0x1BF5;
	[smem:$0x3FB3] =	sst s0  }
0x18: {  	s0 =	sld [smem:$0x3F96];
	_ =	swait.ge [sflag:s4], $0x0  }
0x19: {  	s7 =	sld [smem:$0x3F97]  }
0x1a: {  	s8 =	sadd.s32 $0xFFFFE003, lr  }
0x1b: {  	s9 =	sadd.s32 $0xFFFFFEF7, lr;
	s5 =	simm.s32 $0xFFFFFFFF;
	p2 =	slt.u32 s8, $0xFFFFF086  }
0x1c: {  	p1 =	slt.u32 s9, $0xF7A;
	s5 =	simm.s32 @!p2 $0x0  }
0x1d: {  	s5 =	simm.s32 @p1 $0x1;
	p0 =	seq.s32 s7, s2  }
0x1e: {  	s7 =	smul.u32 @!p0 $0xF7A, s2;
	p2 =	seq.s32 @!p0 s5, $0x0  }
0x1f: {  	s9 =	smul.u32 $0xF7A, s1;
	s8 =	simm.s32 @!p0 $0x1BF5;
	p2 =	por !p2, p0  }
0x20: {  	[sflag:s8] =	ssyncset.s32 @!p0 $0xFFFFF086;
	s6 =	sadd.s32 @!p0 s3, s7;
	s7 =	simm.s32 @!p0 $0x108  }
0x21: {  	s3 =	sadd.s32 s3, s9;
	s6 =	sadd.s32 @!p0 $0x88, s6;
	s7 =	simm.s32 @p2 $0x1082  }
0x22: {  	[simem:s7], [sflag:s8] =	dma.local @!p0 [hbm:s6], $0xF7A  }
0x23: {  	s9 =	sor.u32 $0xD0000000, s2;
	s6 =	simm.s32 $0x108;
	_ =	swait.ge @!p0 [sflag:s8], $0x0  }
0x24: {  	s3 =	sadd.s32 $0x88, s3;
	s6 =	simm.s32 @!p1 $0x1082;
	[sflag:s4] =	ssyncset.s32 $0xFFFFF086  }
0x25: {  	[simem:s6], [sflag:s4] =	dma.local [hbm:s3], $0xF7A  }
0x26: {  	[smem:$0x3F97] =	sst s1;
	(tag) =	ssettag s2;
	_ =	strace s9  }
0x27: {  	s1 =	sld [smem:$0x3FA7]  }
0x28: {  	s2 =	sld [smem:$0x3FA8]  }
0x29: {  	s4 =	sld [smem:$0x3FAA]  }
0x2a: {  	p0 =	seq.s32 s5, $0x0;
	s5 =	sld [smem:$0x3FAB]  }
0x2b: {  	s6 =	sld [smem:$0x3FAC]  }
0x2c: {  	s7 =	sld [smem:$0x3FAD]  }
0x2d: {  	s3 =	simm.s32 $0x108;
	s8 =	sld [smem:$0x3FAE]  }
0x2e: {  	s3 =	simm.s32 @!p0 $0x1082;
	s9 =	sld [smem:$0x3FAF]  }
0x2f: {  	lr =	sadd.s32 s0, s3;
	s0 =	sld [smem:$0x3FA6]  }
0x30: {  	s3 =	sld [smem:$0x3FA9]  }
0x31: {  	[smem:$0x3FB2] =	sst s10  }
0x32: {  	s10 =	sld [smem:$0x3FB0];
	_ =	sdelay $0x3  }
0x33: {  	p0 =	seq.s32 s10, $0x1;
	s10 =	sld [smem:$0x3FB2];
	_ =	sdelay $0x3  }
0x34: {  	[smem:$0x3FB2] =	sst s10  }
0x35: {  	s10 =	sld [smem:$0x3FB1];
	_ =	sdelay $0x3  }
0x36: {  	p1 =	seq.s32 s10, $0x1;
	s10 =	sld [smem:$0x3FB2];
	_ =	sdelay $0x3  }
0x37: {  	[smem:$0x3FB2] =	sst s10  }
0x38: {  	s10 =	sld [smem:$0x3FB3]  }
0x39: {  	_ = 	snop;
	(pc) =	sbr.ind lr, $3  }
0x3a: {  	_ = 	snop  }
0x3b: {  	_ = 	snop  }
0x3c: {  	p2 =	seq.s32 s10, $0x1;
	s10 =	sld [smem:$0x3FB2]  }
0x3d: {  	_ =	shalt  }
0x3e: {  	_ =	shalt  }
0x3f: {  	_ =	shalt  }
0x40: {  	_ =	shalt  }
0x41: {  	_ =	shalt  }
0x42: {  	_ =	shalt  }
0x43: {  	_ =	shalt  }
0x44: {  	_ =	shalt  }
0x45: {  	_ =	shalt  }
0x46: {  	_ =	shalt  }
0x47: {  	_ =	shalt  }
0x48: {  	_ =	shalt  }
0x49: {  	_ =	shalt  }
0x4a: {  	_ =	shalt  }
0x4b: {  	_ =	shalt  }
0x4c: {  	_ =	shalt  }
0x4d: {  	_ =	shalt  }
0x4e: {  	_ =	shalt  }
0x4f: {  	_ =	shalt  }
0x50: {  	_ =	shalt  }
0x51: {  	_ =	shalt  }
0x52: {  	_ =	shalt  }
0x53: {  	_ =	shalt  }
0x54: {  	_ =	shalt  }
0x55: {  	_ =	shalt  }
0x56: {  	_ =	shalt  }
0x57: {  	_ =	shalt  }
0x58: {  	_ =	shalt  }
0x59: {  	_ =	shalt  }
0x5a: {  	_ =	shalt  }
0x5b: {  	_ =	shalt  }
0x5c: {  	_ =	shalt  }
0x5d: {  	_ =	shalt  }
0x5e: {  	_ =	shalt  }
0x5f: {  	_ =	shalt  }
0x60: {  	_ =	shalt  }
0x61: {  	_ =	shalt  }
0x62: {  	_ =	shalt  }
0x63: {  	_ =	shalt  }
0x64: {  	_ =	shalt  }
0x65: {  	_ =	shalt  }
0x66: {  	_ =	shalt  }
0x67: {  	_ =	shalt  }
0x68: {  	_ =	shalt  }
0x69: {  	_ =	shalt  }
0x6a: {  	_ =	shalt  }
0x6b: {  	_ =	shalt  }
0x6c: {  	_ =	shalt  }
0x6d: {  	_ =	shalt  }
0x6e: {  	_ =	shalt  }
0x6f: {  	_ =	shalt  }
0x70: {  	_ =	shalt  }
0x71: {  	_ =	shalt  }
0x72: {  	_ =	shalt  }
0x73: {  	_ =	shalt  }
0x74: {  	_ =	shalt  }
0x75: {  	_ =	shalt  }
0x76: {  	_ =	shalt  }
0x77: {  	_ =	shalt  }
0x78: {  	_ =	shalt  }
0x79: {  	_ =	shalt  }
0x7a: {  	_ =	shalt  }
0x7b: {  	_ =	shalt  }
0x7c: {  	_ =	shalt  }
0x7d: {  	_ =	shalt  }
0x7e: {  	_ =	shalt  }
0x7f: {  	_ =	shalt  }
0x80: {  	_ =	shalt  }
0x81: {  	_ =	shalt  }
0x82: {  	_ =	shalt  }
0x83: {  	_ =	shalt  }
0x84: {  	_ =	shalt  }
0x85: {  	_ =	shalt  }
0x86: {  	_ =	shalt  }
0x87: {  	_ =	shalt  }
.Lfunc_end0:
.L_simem_size_0:
called_computation_lowered:
.L_overlay_start_0:
0x88: {  	s2 =	sld [smem:$0x3FD9]  }
0x89: {  	s3 =	sld [smem:$0x3FFE];
	_ =	sdelay $0x1  }
0x8a: {  	s1 =	srdreg.scid  }
0x8b: {  	s0 =	sand.u32 $0x1, s1  }
0x8c: {  	s14 =	sshll.u32 s0, $0xA;
	s2 =	sadd.s32 s3, s2  }
0x8d: {  	s2 =	sadd.s32 s2, s14  }
0x8e: {  	[smem:$0x3FBE] =	sst s2  }
0x8f: {  	_ = 	snop  }
0x90: {  	s2 =	sld [smem:$0x3FD0];
	_ =	sdelay $0x2  }
0x91: {  	s15 =	simm.s32 $0xA;
	s4 =	simm.s32 $0x10  }
0x92: {  	[smem:s4], [sflag:s15] =	dma.local [hbm:s2], $0x1  }
0x93: {  	_ =	swait.eq [sflag:s15], $0x1  }
0x94: {  	[sflag:s15] =	ssyncset.done $0x0  }
0x95: {  	s16 =	sld [smem:$0x10];
	[sflag:s15] =	ssyncadd.s32 $0xFFFFFFFF  }
0x96: {  	s17 =	sld [smem:$0x11];
	(tm) =	ssettm $0x1  }
0x97: {  	s18 =	sld [smem:$0x3FFB];
	_ =	sdelay $0x3  }
0x98: {  	_ =	strace s18  }
0x99: {  	s4 =	sld [smem:$0x3FFC];
	_ =	sdelay $0x3  }
0x9a: {  	_ =	strace s4  }
0x9b: {  	s4 =	sld [smem:$0x3FFD];
	_ =	sdelay $0x3  }
0x9c: {  	_ =	strace s4  }
0x9d: {  	_ =	strace $0x8FFFFFFF  }
0x9e: {  	s19 =	sld [smem:$0x3FDB];
	_ =	sdelay $0x1  }
0x9f: {  	s5 =	simm.s32 $_scs_section_size  }
0xa0: {  	s6 =	simm.s32 $_size__tile_overlayer_lowered;
	s7 =	simm.s32 $_tile_overlayer_lowered  }
0xa1: {  	s22 =	simm.s32 $0x1BFF;
	s21 =	sshll.u32 s7, $0x1;
	s4 =	sadd.s32 s5, s19  }
0xa2: {  	s8 =	simm.s32 $0x0;
	s20 =	sshll.u32 s6, $0x1;
	s6 =	sadd.s32 s21, s4  }
0xa3: {  	[timem:s8], [sflag:s22] =	dma.local [hbm:s6], s20  }
0xa4: {  	_ =	swait.ge [sflag:s22], s20  }
0xa5: {  	s5 =	ssub.s32 $0x0, s20;
	[sflag:s22] =	ssyncset.done $0x0  }
0xa6: {  	[sflag:s22] =	ssyncadd.s32 s5;
	_ =	sdelay $0x1  }
0xa7: {  	s23 =	simm.s32 $0x1B8B  }
0xa8: {  	_ =	swait.ge [sflag:s23], $0x1  }
0xa9: {  	[sflag:s23] =	ssyncset.done $0x0  }
0xaa: {  	s25 =	simm.s32 $0x1B8E;
	s24 =	sld [smem:$0x3FFE];
	[sflag:s23] =	ssyncadd.s32 $0xFFFFFFFF  }
0xab: {  	s26 =	simm.s32 $execute0_lowered;
	[smem:$0x3FD2] =	sst s25  }
0xac: {  	s6 =	sshll.u32 s26, $0x1;
	_ =	strace $0x80000046;
	[dreg:$0x1] =	wrdreg $0xFFFFFFFF  }
0xad: {  	s28 =	simm.s32 $_size_execute0_lowered;
	s4 =	sadd.s32 s4, s6;
	[dreg:$0x0] =	wrdreg $0x0  }
0xae: {  	s6 =	sshll.u32 s28, $0x1;
	[dreg:$0x2] =	wrdreg s4  }
0xaf: {  	[dreg:$0x3] =	wrdreg s6  }
0xb0: {  	[dreg:$0x4] =	wrdreg $0xC0  }
0xb1: {  	_ =	task [dreg:s8], $0x5FFFF  }
0xb2: {  	[dreg:$0x1] =	wrdreg $0xFFFFFFFF  }
0xb3: {  	[dreg:$0x0] =	wrdreg $0x60  }
0xb4: {  	[dreg:$0x2] =	wrdreg s17  }
0xb5: {  	[dreg:$0x3] =	wrdreg s16  }
0xb6: {  	[dreg:$0x4] =	wrdreg s24  }
0xb7: {  	[dreg:$0x5] =	wrdreg $0x9  }
0xb8: {  	_ =	task.clear_ibuf [dreg:s8], $0x6FFFF;
	_ =	strace $0x90000046  }
0xb9: {  	s29 =	simm.s32 $0x9;
	_ =	strace $0x80000048  }
0xba: {  	_ =	swait.ge [sflag:s29], $0x1  }
0xbb: {  	[sflag:s29] =	ssyncadd.s32 $0xFFFFFFFF  }
0xbc: {  	_ =	strace $0x90000048  }
0xbd: {  	_ =	sfence  }
0xbe: {  	s30 =	sld [smem:$0x0];
	_ =	sdelay $0x2  }
0xbf: {  	s31 =	sshll.u32 s1, $0xD;
	s1 =	sshrl.u32 s1, $0x2  }
0xc0: {  	s3 =	sand.u32 $0x4000, s31;
	s1 =	sadd.s32 s1, s30  }
0xc1: {  	s0 =	sor.u32 s3, s0;
	s1 =	sshll.u32 s1, $0x11  }
0xc2: {  	s0 =	sor.u32 s1, s0  }
0xc3: {  	s0 =	sadd.s32 $0x8F2B, s0  }
0xc4: {  	[sflag:s0] =	ssyncadd.remote.s32 $0x1  }
0xc5: {  	_ =	sfence.sel $0xFFFF  }
0xc6: {  	[dreg:$0x0] =	wrdreg $0xFFFFFFFF;
	(pc) =	sbr.abs _section_cstart, $3  }
0xc7: {  	[dreg:$0x1] =	wrdreg $0xFFFFFFFF  }
0xc8: {  	_ =	task.clear_ibuf [dreg:s8], $0x2FFFF;
	_ =	strace $0x9FFFFFFF  }
0xc9: {  	(tm) =	ssettm $0x7FFFFFFF  }
tec
execute0_lowered:
.L_overlay_start_1:
0x0: {  	(tag) =	ssettag $0x1  }
0x1: {  	s1 =	rddreg [dreg:$0x0]  }
0x2: {  	s17 =	rddreg [dreg:$0x1]  }
0x3: {  	s0 =	rddreg [dreg:$0x2]  }
0x4: {  	s2 =	srdreg.scid;
	s9 =	stileid.u32  }
0x5: {  	s4 =	simm.s32 $0x0;
	s12 =	simm.s32 $0x1;
	s13 =	simm.s32 $0x50  }
0x6: {  	s18 =	simm.s32 $0x700;
	s15 =	simm.s32 $0xB00;
	s11 =	simm.s32 $0x750  }
0x7: {  	s14 =	simm.s32 $0x3300;
	s16 =	simm.s32 $0x7A0;
	s19 =	simm.s32 $0x5B00  }
0x8: {  	v0 =	vlaneseq.u32;
	s28 =	simm.s32 $0xD300;
	s29 =	simm.s32 $0x3300;
	s31 =	simm.s32 $0x840  }
0x9: {  	s2 =	sand.u32 $0x1, s2;
	s3 =	sshll.u32 s9, $0x1;
	v0 =	vmul.u32 $0x2, v0;
	s20 =	smul.u32 $0x4E200, s9  }
0xa: {  	[smem:$0x7FF] =	sst s4;
	s7 =	sadd.s32 $0x3800, s0;
	s9 =	smul.u32 $0x9C40, s9  }
0xb: {  	s0 =	sadd.s32 $0x4E5800, s0;
	s3 =	sor.u32 s2, s3;
	s21 =	smul.u32 $0x4E20, s2;
	v1 =	vor.u32 $0x20, v0  }
0xc: {  	_ =	strace $0x80000047;
	s5 =	ssub.s32 $0x2, s2;
	s6 =	smul.u32 $0x4E20, s3;
	v2 =	vor.u32 $0x40, v0;
	v3 =	vor.u32 $0x60, v0;
	v4 =	vor.u32 $0x80, v0  }
0xd: {  	s30 =	simm.s32 $0x8300;
	s8 =	sshrl.u32 s5, $0x1;
	s3 =	smul.u32 $0x138800, s3;
	v5 =	vor.u32 $0xA0, v0;
	v6 =	vor.u32 $0xC0, v0;
	v7 =	vor.u32 $0xE0, v0  }
0xe: {  	s2 =	smul.u32 $0x27100, s2;
	s23 =	sadd.s32 s20, s7;
	v8 =	vor.u32 $0x100, v0;
	v9 =	vor.u32 $0x120, v0;
	v10 =	vor.u32 $0x140, v0;
	s5 =	ssub.s32 s5, s8  }
0xf: {  	v11 =	vor.u32 $0x160, v0;
	v12 =	vor.u32 $0x180, v0;
	v13 =	vor.u32 $0x1A0, v0;
	s6 =	sshrl.u32 s6, $0x3;
	s3 =	sshrl.u32 s3, $0x3;
	s5 =	smax.u32 s5, $0x1  }
0x10: {  	v14 =	vor.u32 $0x1C0, v0;
	v15 =	vor.u32 $0x1E0, v0;
	v16 =	vor.u32 $0x200, v0;
	s10 =	sadd.s32 s17, s6;
	s3 =	sadd.s32 $0x25800, s3;
	s6 =	sadd.s32 s21, s9  }
0x11: {  	v17 =	vor.u32 $0x220, v0;
	v18 =	vor.u32 $0x240, v0;
	v19 =	vor.u32 $0x260, v0;
	[dreg:$0xa] =	wrdreg s5;
	s21 =	simm.s32 $0x8300;
	s5 =	simm.s32 $0x5  }
0x12: {  	v20 =	vor.u32 $0x280, v0;
	v21 =	vor.u32 $0x2A0, v0;
	v22 =	vor.u32 $0x2C0, v0;
	s9 =	simm.s32 $0x12300;
	[dreg:$0x6] =	wrdreg s10;
	s10 =	sadd.s32 $0x64, s10  }
0x13: {  	v23 =	vor.u32 $0x2E0, v0;
	v24 =	vor.u32 $0x300, v0;
	v25 =	vor.u32 $0x1, v0;
	s22 =	sadd.s32 s7, s3;
	s3 =	sadd.s32 s0, s3;
	s24 =	sadd.s32 $0x960, s6  }
0x14: {  	v26 =	vor.u32 $0x21, v0;
	v27 =	vor.u32 $0x41, v0;
	v28 =	vor.u32 $0x61, v0;
	s0 =	sadd.s32 s20, s0;
	s26 =	sadd.s32 $0x640, s6;
	[dreg:$0x7] =	wrdreg s10  }
0x15: {  	v29 =	vor.u32 $0x81, v0;
	v30 =	vor.u32 $0xA1, v0;
	v31 =	vor.u32 $0xC1, v0;
	s20 =	simm.s32 $0x7F0;
	s6 =	simm.s32 $0x3;
	[dreg:$0x8] =	wrdreg s22  }
0x16: {  	v32 =	vor.u32 $0xE1, v0;
	v33 =	vor.u32 $0x101, v0;
	v34 =	vor.u32 $0x121, v0;
	s7 =	simm.s32 $0xA40;
	[dreg:$0x9] =	wrdreg s3;
	s3 =	sadd.s32 s2, s23  }
0x17: {  	v35 =	vor.u32 $0x141, v0;
	v36 =	vor.u32 $0x161, v0;
	v37 =	vor.u32 $0x181, v0;
	s25 =	sshrl.u32 s24, $0x3;
	[dreg:$0xc] =	wrdreg s26;
	s0 =	sadd.s32 s2, s0  }
0x18: {  	v38 =	vor.u32 $0x1A1, v0;
	v39 =	vor.u32 $0x1C1, v0;
	v40 =	vor.u32 $0x1E1, v0;
	s22 =	simm.s32 $0x840;
	s24 =	simm.s32 $0x380;
	s10 =	simm.s32 $0x4  }
0x19: {  	v41 =	vor.u32 $0x201, v0;
	v42 =	vor.u32 $0x221, v0;
	v43 =	vor.u32 $0x241, v0;
	s2 =	simm.s32 $0x0;
	s23 =	simm.s32 $0x14B00;
	[dreg:$0x4] =	wrdreg s3  }
0x1a: {  	v44 =	vor.u32 $0x261, v0;
	v45 =	vor.u32 $0x281, v0;
	v46 =	vor.u32 $0x2A1, v0;
	s26 =	simm.s32 $0x17300;
	s3 =	sadd.s32 s25, s17;
	[dreg:$0x5] =	wrdreg s0  }
0x1b: {  	v47 =	vor.u32 $0x2C1, v0;
	v48 =	vor.u32 $0x2E1, v0;
	v49 =	vor.u32 $0x301, v0;
	s0 =	simm.s32 $0xAB00;
	s25 =	simm.s32 $0x2;
	[dreg:$0xb] =	wrdreg s3  }
.LBB2_1:
0x1c: {  	[dreg:$0xd] =	wrdreg s2  }
0x1d: {  	s3 =	rddreg [dreg:$0x6]  }
0x1e: {  	[tilespmem:s4], [sflag:$0x1] =	stream.linear.gather [hbm4b:s3+s4], $0x320, $0x38;
	[tilespmem:$0x19B00] =	vst v63  }
0x1f: {  	_ =	swait.ge [sflag:s12], $0x320  }
0x20: {  	[sflag:s12] =	ssyncset.done $0x0  }
0x21: {  	[sflag:s12] =	ssyncadd.s32 $0xFFFFFCE0  }
0x22: {  	v50 =	vld.idx.msk [tilespmem:v0+s4+$0x0], $0xffff;
	_ =	sdelay $0x4  }
0x23: {  	[tilespmem:$0x700] =	vst v50  }
0x24: {  	v50 =	vld.idx.msk [tilespmem:v1+s4+$0x0], $0xffff;
	_ =	sdelay $0x4  }
0x25: {  	[tilespmem:$0x710] =	vst v50  }
0x26: {  	v50 =	vld.idx.msk [tilespmem:v2+s4+$0x0], $0xffff;
	_ =	sdelay $0x4  }
0x27: {  	[tilespmem:$0x720] =	vst v50  }
0x28: {  	v50 =	vld.idx.msk [tilespmem:v3+s4+$0x0], $0xffff;
	_ =	sdelay $0x4  }
0x29: {  	[tilespmem:$0x730] =	vst v50  }
0x2a: {  	v50 =	vld.idx.msk [tilespmem:v4+s4+$0x0], $0xffff;
	_ =	sdelay $0x4  }
0x2b: {  	[tilespmem:$0x740] =	vst v50  }
0x2c: {  	v50 =	vld.idx.msk [tilespmem:v5+s4+$0x0], $0xffff;
	_ =	sdelay $0x4  }
0x2d: {  	[tilespmem:$0x750] =	vst v50  }
0x2e: {  	v50 =	vld.idx.msk [tilespmem:v6+s4+$0x0], $0xffff;
	_ =	sdelay $0x4  }
0x2f: {  	[tilespmem:$0x760] =	vst v50  }
0x30: {  	v50 =	vld.idx.msk [tilespmem:v7+s4+$0x0], $0xffff;
	_ =	sdelay $0x4  }
0x31: {  	[tilespmem:$0x770] =	vst v50  }
0x32: {  	v50 =	vld.idx.msk [tilespmem:v8+s4+$0x0], $0xffff;
	_ =	sdelay $0x4  }
0x33: {  	[tilespmem:$0x780] =	vst v50  }
0x34: {  	v50 =	vld.idx.msk [tilespmem:v9+s4+$0x0], $0xffff;
	_ =	sdelay $0x4  }
0x35: {  	[tilespmem:$0x790] =	vst v50  }
0x36: {  	v50 =	vld.idx.msk [tilespmem:v10+s4+$0x0], $0xffff;
	_ =	sdelay $0x4  }
0x37: {  	[tilespmem:$0x7A0] =	vst v50  }
0x38: {  	v50 =	vld.idx.msk [tilespmem:v11+s4+$0x0], $0xffff;
	_ =	sdelay $0x4  }
0x39: {  	[tilespmem:$0x7B0] =	vst v50  }
0x3a: {  	v50 =	vld.idx.msk [tilespmem:v12+s4+$0x0], $0xffff;
	_ =	sdelay $0x4  }
0x3b: {  	[tilespmem:$0x7C0] =	vst v50  }
0x3c: {  	v50 =	vld.idx.msk [tilespmem:v13+s4+$0x0], $0xffff;
	_ =	sdelay $0x4  }
0x3d: {  	[tilespmem:$0x7D0] =	vst v50  }
0x3e: {  	v50 =	vld.idx.msk [tilespmem:v14+s4+$0x0], $0xffff;
	_ =	sdelay $0x4  }
0x3f: {  	[tilespmem:$0x7E0] =	vst v50  }
0x40: {  	v50 =	vld.idx.msk [tilespmem:v15+s4+$0x0], $0xffff;
	_ =	sdelay $0x4  }
0x41: {  	[tilespmem:$0x7F0] =	vst v50  }
0x42: {  	v50 =	vld.idx.msk [tilespmem:v16+s4+$0x0], $0xffff;
	_ =	sdelay $0x4  }
0x43: {  	[tilespmem:$0x800] =	vst v50  }
0x44: {  	v50 =	vld.idx.msk [tilespmem:v17+s4+$0x0], $0xffff;
	_ =	sdelay $0x4  }
0x45: {  	[tilespmem:$0x810] =	vst v50  }
0x46: {  	v50 =	vld.idx.msk [tilespmem:v18+s4+$0x0], $0xffff;
	_ =	sdelay $0x4  }
0x47: {  	[tilespmem:$0x820] =	vst v50  }
0x48: {  	v50 =	vld.idx.msk [tilespmem:v19+s4+$0x0], $0xffff;
	_ =	sdelay $0x4  }
0x49: {  	[tilespmem:$0x830] =	vst v50  }
0x4a: {  	v50 =	vld.idx.msk [tilespmem:v20+s4+$0x0], $0xffff;
	_ =	sdelay $0x4  }
0x4b: {  	[tilespmem:$0x840] =	vst v50  }
0x4c: {  	v50 =	vld.idx.msk [tilespmem:v21+s4+$0x0], $0xffff;
	_ =	sdelay $0x4  }
0x4d: {  	[tilespmem:$0x850] =	vst v50  }
0x4e: {  	v50 =	vld.idx.msk [tilespmem:v22+s4+$0x0], $0xffff;
	_ =	sdelay $0x4  }
0x4f: {  	[tilespmem:$0x860] =	vst v50  }
0x50: {  	v50 =	vld.idx.msk [tilespmem:v23+s4+$0x0], $0xffff;
	_ =	sdelay $0x4  }
0x51: {  	[tilespmem:$0x870] =	vst v50  }
0x52: {  	v50 =	vld.idx.msk [tilespmem:v24+s4+$0x0], $0xffff;
	_ =	sdelay $0x4  }
0x53: {  	[tilespmem:$0x880] =	vst v50  }
0x54: {  	[tilespmem:s15], [sflag:$0x3] =	stream.indirect.gather [hbm4b:s1+s13], $0x80, s18, s13, $0xb8;
	[tilespmem:$0x19B00] =	vst v63  }
0x55: {  	_ = 	snop  }
0x56: {  	[tilespmem:s14], [sflag:$0x3] =	stream.indirect.gather [hbm4b:s1+s13], $0x80, s11, s13, $0xb8;
	[tilespmem:$0x19B00] =	vst v63  }
0x57: {  	_ = 	snop  }
0x58: {  	[tilespmem:s19], [sflag:$0x3] =	stream.indirect.gather [hbm4b:s1+s13], $0x80, s16, s13, $0xb8;
	[tilespmem:$0x19B00] =	vst v63  }
0x59: {  	s3 =	rddreg [dreg:$0xb]  }
0x5a: {  	[tilespmem:s21], [sflag:$0x3] =	stream.indirect.gather [hbm4b:s1+s13], $0x80, s20, s13, $0xb8;
	[tilespmem:$0x19B00] =	vst v63  }
0x5b: {  	s2 =	simm.s32 $0xAB00;
	s8 =	simm.s32 $0x9A0;
	s11 =	rddreg [dreg:$0xc]  }
0x5c: {  	[tilespmem:s0], [sflag:$0x3] =	stream.indirect.gather [hbm4b:s1+s13], $0x80, s22, s13, $0xb8;
	[tilespmem:$0x19B00] =	vst v63  }
0x5d: {  	s14 =	simm.s32 $0x0;
	s20 =	simm.s32 $0x7A0;
	s22 =	rddreg [dreg:$0x7]  }
0x5e: {  	[tilespmem:s24], [sflag:$0x2] =	stream.linear.gather [hbm4b:s22+s4], $0x320, $0x38;
	[tilespmem:$0x19B00] =	vst v63  }
0x5f: {  	s21 =	simm.s32 $0x5B00;
	s0 =	simm.s32 $0x9F0;
	s22 =	simm.s32 $0x7F0  }
.LBB2_2:
0x60: {  	p0 =	seq.s32 s14, $0x0  }
0x61: {  	s16 =	simm.s32 @!p0 $0x6  }
0x62: {  	_ =	swait.ge @!p0 [sflag:s16], $0xC800  }
0x63: {  	[sflag:s16] =	ssyncset.done @!p0 $0x0  }
0x64: {  	[sflag:s16] =	ssyncadd.s32 @!p0 $0xFFFF3800  }
0x65: {  	_ =	swait.ge [sflag:s25], $0x320  }
0x66: {  	[sflag:s25] =	ssyncset.done $0x0  }
0x67: {  	[sflag:s25] =	ssyncadd.s32 $0xFFFFFCE0  }
0x68: {  	v50 =	vld.idx.msk [tilespmem:v0+s24+$0x0], $0xffff;
	_ =	sdelay $0x4  }
0x69: {  	[tilespmem:$0x900] =	vst v50  }
0x6a: {  	v50 =	vld.idx.msk [tilespmem:v1+s24+$0x0], $0xffff;
	_ =	sdelay $0x4  }
0x6b: {  	[tilespmem:$0x910] =	vst v50  }
0x6c: {  	v50 =	vld.idx.msk [tilespmem:v2+s24+$0x0], $0xffff;
	_ =	sdelay $0x4  }
0x6d: {  	[tilespmem:$0x920] =	vst v50  }
0x6e: {  	v50 =	vld.idx.msk [tilespmem:v3+s24+$0x0], $0xffff;
	_ =	sdelay $0x4  }
0x6f: {  	[tilespmem:$0x930] =	vst v50  }
0x70: {  	v50 =	vld.idx.msk [tilespmem:v4+s24+$0x0], $0xffff;
	_ =	sdelay $0x4  }
0x71: {  	[tilespmem:$0x940] =	vst v50  }
0x72: {  	v50 =	vld.idx.msk [tilespmem:v5+s24+$0x0], $0xffff;
	_ =	sdelay $0x4  }
0x73: {  	[tilespmem:$0x950] =	vst v50  }
0x74: {  	v50 =	vld.idx.msk [tilespmem:v6+s24+$0x0], $0xffff;
	_ =	sdelay $0x4  }
0x75: {  	[tilespmem:$0x960] =	vst v50  }
0x76: {  	v50 =	vld.idx.msk [tilespmem:v7+s24+$0x0], $0xffff;
	_ =	sdelay $0x4  }
0x77: {  	[tilespmem:$0x970] =	vst v50  }
0x78: {  	v50 =	vld.idx.msk [tilespmem:v8+s24+$0x0], $0xffff;
	_ =	sdelay $0x4  }
0x79: {  	[tilespmem:$0x980] =	vst v50  }
0x7a: {  	v50 =	vld.idx.msk [tilespmem:v9+s24+$0x0], $0xffff;
	_ =	sdelay $0x4  }
0x7b: {  	[tilespmem:$0x990] =	vst v50  }
0x7c: {  	v50 =	vld.idx.msk [tilespmem:v10+s24+$0x0], $0xffff;
	_ =	sdelay $0x4  }
0x7d: {  	[tilespmem:$0x9A0] =	vst v50  }
0x7e: {  	v50 =	vld.idx.msk [tilespmem:v11+s24+$0x0], $0xffff;
	_ =	sdelay $0x4  }
0x7f: {  	[tilespmem:$0x9B0] =	vst v50  }
0x80: {  	v50 =	vld.idx.msk [tilespmem:v12+s24+$0x0], $0xffff;
	_ =	sdelay $0x4  }
0x81: {  	[tilespmem:$0x9C0] =	vst v50  }
0x82: {  	v50 =	vld.idx.msk [tilespmem:v13+s24+$0x0], $0xffff;
	_ =	sdelay $0x4  }
0x83: {  	[tilespmem:$0x9D0] =	vst v50  }
0x84: {  	v50 =	vld.idx.msk [tilespmem:v14+s24+$0x0], $0xffff;
	_ =	sdelay $0x4  }
0x85: {  	[tilespmem:$0x9E0] =	vst v50  }
0x86: {  	v50 =	vld.idx.msk [tilespmem:v15+s24+$0x0], $0xffff;
	_ =	sdelay $0x4  }
0x87: {  	[tilespmem:$0x9F0] =	vst v50  }
0x88: {  	v50 =	vld.idx.msk [tilespmem:v16+s24+$0x0], $0xffff;
	_ =	sdelay $0x4  }
0x89: {  	[tilespmem:$0xA00] =	vst v50  }
0x8a: {  	v50 =	vld.idx.msk [tilespmem:v17+s24+$0x0], $0xffff;
	_ =	sdelay $0x4  }
0x8b: {  	[tilespmem:$0xA10] =	vst v50  }
0x8c: {  	v50 =	vld.idx.msk [tilespmem:v18+s24+$0x0], $0xffff;
	_ =	sdelay $0x4  }
0x8d: {  	[tilespmem:$0xA20] =	vst v50  }
0x8e: {  	v50 =	vld.idx.msk [tilespmem:v19+s24+$0x0], $0xffff;
	_ =	sdelay $0x4  }
0x8f: {  	[tilespmem:$0xA30] =	vst v50  }
0x90: {  	v50 =	vld.idx.msk [tilespmem:v20+s24+$0x0], $0xffff;
	_ =	sdelay $0x4  }
0x91: {  	[tilespmem:$0xA40] =	vst v50  }
0x92: {  	v50 =	vld.idx.msk [tilespmem:v21+s24+$0x0], $0xffff;
	_ =	sdelay $0x4  }
0x93: {  	[tilespmem:$0xA50] =	vst v50  }
0x94: {  	v50 =	vld.idx.msk [tilespmem:v22+s24+$0x0], $0xffff;
	_ =	sdelay $0x4  }
0x95: {  	[tilespmem:$0xA60] =	vst v50  }
0x96: {  	v50 =	vld.idx.msk [tilespmem:v23+s24+$0x0], $0xffff;
	_ =	sdelay $0x4  }
0x97: {  	[tilespmem:$0xA70] =	vst v50  }
0x98: {  	v50 =	vld.idx.msk [tilespmem:v24+s24+$0x0], $0xffff;
	_ =	sdelay $0x4  }
0x99: {  	s19 =	simm.s32 $0x900;
	[tilespmem:$0xA80] =	vst v50  }
0x9a: {  	[tilespmem:s28], [sflag:$0x4] =	stream.indirect.gather [hbm4b:s1+s13], $0x80, s19, s13, $0xb8;
	[tilespmem:$0x19B00] =	vst v63  }
0x9b: {  	s16 =	simm.s32 $0x950;
	s19 =	simm.s32 $0xFB00  }
0x9c: {  	[tilespmem:s19], [sflag:$0x4] =	stream.indirect.gather [hbm4b:s1+s13], $0x80, s16, s13, $0xb8;
	[tilespmem:$0x19B00] =	vst v63  }
0x9d: {  	_ = 	snop  }
0x9e: {  	[tilespmem:s9], [sflag:$0x4] =	stream.indirect.gather [hbm4b:s1+s13], $0x80, s8, s13, $0xb8;
	[tilespmem:$0x19B00] =	vst v63  }
0x9f: {  	_ = 	snop  }
0xa0: {  	[tilespmem:s23], [sflag:$0x4] =	stream.indirect.gather [hbm4b:s1+s13], $0x80, s0, s13, $0xb8;
	[tilespmem:$0x19B00] =	vst v63  }
0xa1: {  	s19 =	sshrl.u32 s11, $0x3  }
0xa2: {  	[tilespmem:s26], [sflag:$0x4] =	stream.indirect.gather [hbm4b:s1+s13], $0x80, s7, s13, $0xb8;
	[tilespmem:$0x19B00] =	vst v63  }
0xa3: {  	s16 =	sadd.s32 s17, s19  }
0xa4: {  	[tilespmem:s4], [sflag:$0x1] =	stream.linear.gather [hbm4b:s16+s4], $0x320, $0x38;
	[tilespmem:$0x19B00] =	vst v63  }
0xa5: {  	_ =	swait.ge [sflag:s6], $0x2800  }
0xa6: {  	[sflag:s6] =	ssyncset.done $0x0  }
0xa7: {  	[sflag:s6] =	ssyncadd.s32 $0xFFFFD800  }
0xa8: {  	_ =	swait.ge [sflag:s6], $0x2800  }
0xa9: {  	[sflag:s6] =	ssyncset.done $0x0  }
0xaa: {  	[sflag:s6] =	ssyncadd.s32 $0xFFFFD800  }
0xab: {  	_ =	swait.ge [sflag:s6], $0x2800  }
0xac: {  	[sflag:s6] =	ssyncset.done $0x0  }
0xad: {  	[sflag:s6] =	ssyncadd.s32 $0xFFFFD800  }
0xae: {  	_ =	swait.ge [sflag:s6], $0x2800  }
0xaf: {  	[sflag:s6] =	ssyncset.done $0x0  }
0xb0: {  	[sflag:s6] =	ssyncadd.s32 $0xFFFFD800  }
0xb1: {  	_ =	swait.ge [sflag:s6], $0x2800  }
0xb2: {  	s19 =	rddreg [dreg:$0x4];
	[sflag:s6] =	ssyncset.done $0x0  }
0xb3: {  	[sflag:s6] =	ssyncadd.s32 $0xFFFFD800;
	s16 =	sadd.s32 s14, s19  }
0xb4: {  	[hbm4b:s16+s4] =	stream.linear.scatter [tilespmem:s15], [sflag:$0x5], $0xC800, $0x38;
	[tilespmem:$0x19B00] =	vst v63  }
0xb5: {  	_ =	swait.ge [sflag:s5], $0xC800  }
0xb6: {  	[sflag:s5] =	ssyncset.done $0x0  }
0xb7: {  	[sflag:s5] =	ssyncadd.s32 $0xFFFF3800  }
0xb8: {  	_ =	swait.ge [sflag:s12], $0x320  }
0xb9: {  	[sflag:s12] =	ssyncset.done $0x0  }
0xba: {  	[sflag:s12] =	ssyncadd.s32 $0xFFFFFCE0  }
0xbb: {  	v63 =	vld.idx.msk [tilespmem:v0+s4+$0x0], $0xffff;
	_ =	sdelay $0x4  }
0xbc: {  	[tilespmem:$0x700] =	vst v63  }
0xbd: {  	v50 =	vld.idx.msk [tilespmem:v1+s4+$0x0], $0xffff;
	_ =	sdelay $0x4  }
0xbe: {  	[tilespmem:$0x710] =	vst v50  }
0xbf: {  	v50 =	vld.idx.msk [tilespmem:v2+s4+$0x0], $0xffff;
	_ =	sdelay $0x4  }
0xc0: {  	[tilespmem:$0x720] =	vst v50  }
0xc1: {  	v50 =	vld.idx.msk [tilespmem:v3+s4+$0x0], $0xffff;
	_ =	sdelay $0x4  }
0xc2: {  	[tilespmem:$0x730] =	vst v50  }
0xc3: {  	v50 =	vld.idx.msk [tilespmem:v4+s4+$0x0], $0xffff;
	_ =	sdelay $0x4  }
0xc4: {  	[tilespmem:$0x740] =	vst v50  }
0xc5: {  	v50 =	vld.idx.msk [tilespmem:v5+s4+$0x0], $0xffff;
	_ =	sdelay $0x4  }
0xc6: {  	[tilespmem:$0x750] =	vst v50  }
0xc7: {  	v50 =	vld.idx.msk [tilespmem:v6+s4+$0x0], $0xffff;
	_ =	sdelay $0x4  }
0xc8: {  	[tilespmem:$0x760] =	vst v50  }
0xc9: {  	v50 =	vld.idx.msk [tilespmem:v7+s4+$0x0], $0xffff;
	_ =	sdelay $0x4  }
0xca: {  	[tilespmem:$0x770] =	vst v50  }
0xcb: {  	v50 =	vld.idx.msk [tilespmem:v8+s4+$0x0], $0xffff;
	_ =	sdelay $0x4  }
0xcc: {  	[tilespmem:$0x780] =	vst v50  }
0xcd: {  	v50 =	vld.idx.msk [tilespmem:v9+s4+$0x0], $0xffff;
	_ =	sdelay $0x4  }
0xce: {  	[tilespmem:$0x790] =	vst v50  }
0xcf: {  	v50 =	vld.idx.msk [tilespmem:v10+s4+$0x0], $0xffff;
	_ =	sdelay $0x4  }
0xd0: {  	[tilespmem:$0x7A0] =	vst v50  }
0xd1: {  	v50 =	vld.idx.msk [tilespmem:v11+s4+$0x0], $0xffff;
	_ =	sdelay $0x4  }
0xd2: {  	[tilespmem:$0x7B0] =	vst v50  }
0xd3: {  	v50 =	vld.idx.msk [tilespmem:v12+s4+$0x0], $0xffff;
	_ =	sdelay $0x4  }
0xd4: {  	[tilespmem:$0x7C0] =	vst v50  }
0xd5: {  	v50 =	vld.idx.msk [tilespmem:v13+s4+$0x0], $0xffff;
	_ =	sdelay $0x4  }
0xd6: {  	[tilespmem:$0x7D0] =	vst v50  }
0xd7: {  	v50 =	vld.idx.msk [tilespmem:v14+s4+$0x0], $0xffff;
	_ =	sdelay $0x4  }
0xd8: {  	[tilespmem:$0x7E0] =	vst v50  }
0xd9: {  	v50 =	vld.idx.msk [tilespmem:v15+s4+$0x0], $0xffff;
	_ =	sdelay $0x4  }
0xda: {  	[tilespmem:$0x7F0] =	vst v50  }
0xdb: {  	v50 =	vld.idx.msk [tilespmem:v16+s4+$0x0], $0xffff;
	_ =	sdelay $0x4  }
0xdc: {  	[tilespmem:$0x800] =	vst v50  }
0xdd: {  	v50 =	vld.idx.msk [tilespmem:v17+s4+$0x0], $0xffff;
	_ =	sdelay $0x4  }
0xde: {  	[tilespmem:$0x810] =	vst v50  }
0xdf: {  	v50 =	vld.idx.msk [tilespmem:v18+s4+$0x0], $0xffff;
	_ =	sdelay $0x4  }
0xe0: {  	[tilespmem:$0x820] =	vst v50  }
0xe1: {  	v50 =	vld.idx.msk [tilespmem:v19+s4+$0x0], $0xffff;
	_ =	sdelay $0x4  }
0xe2: {  	[tilespmem:$0x830] =	vst v50  }
0xe3: {  	v50 =	vld.idx.msk [tilespmem:v20+s4+$0x0], $0xffff;
	_ =	sdelay $0x4  }
0xe4: {  	[tilespmem:$0x840] =	vst v50  }
0xe5: {  	v50 =	vld.idx.msk [tilespmem:v21+s4+$0x0], $0xffff;
	_ =	sdelay $0x4  }
0xe6: {  	[tilespmem:$0x850] =	vst v50  }
0xe7: {  	v50 =	vld.idx.msk [tilespmem:v22+s4+$0x0], $0xffff;
	_ =	sdelay $0x4  }
0xe8: {  	[tilespmem:$0x860] =	vst v50  }
0xe9: {  	v50 =	vld.idx.msk [tilespmem:v23+s4+$0x0], $0xffff;
	_ =	sdelay $0x4  }
0xea: {  	[tilespmem:$0x870] =	vst v50  }
0xeb: {  	v50 =	vld.idx.msk [tilespmem:v24+s4+$0x0], $0xffff;
	_ =	sdelay $0x4  }
0xec: {  	[tilespmem:$0x880] =	vst v50  }
0xed: {  	[tilespmem:s15], [sflag:$0x3] =	stream.indirect.gather [hbm4b:s1+s13], $0x80, s18, s13, $0xb8;
	[tilespmem:$0x19B00] =	vst v63  }
0xee: {  	s19 =	simm.s32 $0x750  }
0xef: {  	[tilespmem:s29], [sflag:$0x3] =	stream.indirect.gather [hbm4b:s1+s13], $0x80, s19, s13, $0xb8;
	[tilespmem:$0x19B00] =	vst v63  }
0xf0: {  	_ = 	snop  }
0xf1: {  	[tilespmem:s21], [sflag:$0x3] =	stream.indirect.gather [hbm4b:s1+s13], $0x80, s20, s13, $0xb8;
	[tilespmem:$0x19B00] =	vst v63  }
0xf2: {  	_ = 	snop  }
0xf3: {  	[tilespmem:s30], [sflag:$0x3] =	stream.indirect.gather [hbm4b:s1+s13], $0x80, s22, s13, $0xb8;
	[tilespmem:$0x19B00] =	vst v63  }
0xf4: {  	p0 =	seq.s32 s14, $0x22600  }
0xf5: {  	[tilespmem:s2], [sflag:$0x3] =	stream.indirect.gather [hbm4b:s1+s13], $0x80, s31, s13, $0xb8;
	[tilespmem:$0x19B00] =	vst v63  }
0xf6: {  	s18 =	simm.s32 @!p0 $0x380;
	s19 =	smov.u32 s17;
	s17 =	simm.s32 @!p0 $0x0  }
0xf7: {  	[tilespmem:s18], [sflag:$0x2] =	stream.linear.gather @!p0 [hbm4b:s3+s17], $0x320, $0x38;
	[tilespmem:$0x19B00] =	vst v63  }
0xf8: {  	_ =	swait.ge [sflag:s10], $0x2800  }
0xf9: {  	[sflag:s10] =	ssyncset.done $0x0  }
0xfa: {  	[sflag:s10] =	ssyncadd.s32 $0xFFFFD800  }
0xfb: {  	_ =	swait.ge [sflag:s10], $0x2800  }
0xfc: {  	[sflag:s10] =	ssyncset.done $0x0  }
0xfd: {  	[sflag:s10] =	ssyncadd.s32 $0xFFFFD800  }
0xfe: {  	_ =	swait.ge [sflag:s10], $0x2800  }
0xff: {  	[sflag:s10] =	ssyncset.done $0x0  }
0x100: {  	[sflag:s10] =	ssyncadd.s32 $0xFFFFD800  }
0x101: {  	s14 =	sadd.s32 $0x3200, s14;
	_ =	swait.ge [sflag:s10], $0x2800  }
0x102: {  	p0 =	sne.s32 s14, $0x25800;
	[sflag:s10] =	ssyncset.done $0x0  }
.Ltmp0:
0x103: {  	[sflag:s10] =	ssyncadd.s32 $0xFFFFD800;
	(pc) =	sbr.rel @p0 .LBB2_2-.Ltmp0, $4  }
0x104: {  	s11 =	sadd.s32 $0x640, s11;
	_ =	swait.ge [sflag:s10], $0x2800  }
0x105: {  	s16 =	sadd.s32 $0x1900, s16;
	s18 =	simm.s32 $0x700;
	[sflag:s10] =	ssyncset.done $0x0  }
0x106: {  	s17 =	smov.u32 s19;
	s3 =	sadd.s32 $0xC8, s3;
	[sflag:s10] =	ssyncadd.s32 $0xFFFFD800  }
0x107: {  	[hbm4b:s16+s4] =	stream.linear.scatter [tilespmem:s28], [sflag:$0x6], $0xC800, $0x38;
	[tilespmem:$0x19B00] =	vst v63  }
0x108: {  	_ =	swait.ge [sflag:s6], $0x2800  }
0x109: {  	[sflag:s6] =	ssyncset.done $0x0  }
0x10a: {  	[sflag:s6] =	ssyncadd.s32 $0xFFFFD800  }
0x10b: {  	_ =	swait.ge [sflag:s6], $0x2800  }
0x10c: {  	[sflag:s6] =	ssyncset.done $0x0  }
0x10d: {  	[sflag:s6] =	ssyncadd.s32 $0xFFFFD800  }
0x10e: {  	_ =	swait.ge [sflag:s6], $0x2800  }
0x10f: {  	[sflag:s6] =	ssyncset.done $0x0  }
0x110: {  	[sflag:s6] =	ssyncadd.s32 $0xFFFFD800  }
0x111: {  	_ =	swait.ge [sflag:s6], $0x2800  }
0x112: {  	[sflag:s6] =	ssyncset.done $0x0  }
0x113: {  	[sflag:s6] =	ssyncadd.s32 $0xFFFFD800  }
0x114: {  	_ =	swait.ge [sflag:s6], $0x2800  }
0x115: {  	s11 =	simm.s32 $0x0;
	[sflag:s6] =	ssyncset.done $0x0  }
0x116: {  	s16 =	simm.s32 $0x6;
	s3 =	rddreg [dreg:$0x8];
	[sflag:s6] =	ssyncadd.s32 $0xFFFFD800  }
0x117: {  	[hbm4b:s3+s11] =	stream.linear.scatter [tilespmem:s15], [sflag:$0x5], $0xC800, $0x38;
	[tilespmem:$0x19B00] =	vst v63  }
0x118: {  	_ =	swait.ge [sflag:s16], $0xC800  }
0x119: {  	[sflag:s16] =	ssyncset.done $0x0  }
0x11a: {  	[sflag:s16] =	ssyncadd.s32 $0xFFFF3800  }
0x11b: {  	_ =	swait.ge [sflag:s5], $0xC800  }
0x11c: {  	[sflag:s5] =	ssyncset.done $0x0  }
0x11d: {  	s8 =	rddreg [dreg:$0x6];
	[sflag:s5] =	ssyncadd.s32 $0xFFFF3800  }
0x11e: {  	[tilespmem:s11], [sflag:$0x1] =	stream.linear.gather [hbm4b:s8+s11], $0x320, $0x38;
	[tilespmem:$0x19B00] =	vst v63  }
0x11f: {  	_ =	swait.ge [sflag:s12], $0x320  }
0x120: {  	[sflag:s12] =	ssyncset.done $0x0  }
0x121: {  	[sflag:s12] =	ssyncadd.s32 $0xFFFFFCE0  }
0x122: {  	v50 =	vld.idx.msk [tilespmem:v25+s11+$0x0], $0xffff;
	_ =	sdelay $0x4  }
0x123: {  	[tilespmem:$0x700] =	vst v50  }
0x124: {  	v50 =	vld.idx.msk [tilespmem:v26+s11+$0x0], $0xffff;
	_ =	sdelay $0x4  }
0x125: {  	[tilespmem:$0x710] =	vst v50  }
0x126: {  	v50 =	vld.idx.msk [tilespmem:v27+s11+$0x0], $0xffff;
	_ =	sdelay $0x4  }
0x127: {  	[tilespmem:$0x720] =	vst v50  }
0x128: {  	v50 =	vld.idx.msk [tilespmem:v28+s11+$0x0], $0xffff;
	_ =	sdelay $0x4  }
0x129: {  	[tilespmem:$0x730] =	vst v50  }
0x12a: {  	v50 =	vld.idx.msk [tilespmem:v29+s11+$0x0], $0xffff;
	_ =	sdelay $0x4  }
0x12b: {  	[tilespmem:$0x740] =	vst v50  }
0x12c: {  	v50 =	vld.idx.msk [tilespmem:v30+s11+$0x0], $0xffff;
	_ =	sdelay $0x4  }
0x12d: {  	[tilespmem:$0x750] =	vst v50  }
0x12e: {  	v50 =	vld.idx.msk [tilespmem:v31+s11+$0x0], $0xffff;
	_ =	sdelay $0x4  }
0x12f: {  	[tilespmem:$0x760] =	vst v50  }
0x130: {  	v50 =	vld.idx.msk [tilespmem:v32+s11+$0x0], $0xffff;
	_ =	sdelay $0x4  }
0x131: {  	[tilespmem:$0x770] =	vst v50  }
0x132: {  	v50 =	vld.idx.msk [tilespmem:v33+s11+$0x0], $0xffff;
	_ =	sdelay $0x4  }
0x133: {  	[tilespmem:$0x780] =	vst v50  }
0x134: {  	v50 =	vld.idx.msk [tilespmem:v34+s11+$0x0], $0xffff;
	_ =	sdelay $0x4  }
0x135: {  	[tilespmem:$0x790] =	vst v50  }
0x136: {  	v50 =	vld.idx.msk [tilespmem:v35+s11+$0x0], $0xffff;
	_ =	sdelay $0x4  }
0x137: {  	[tilespmem:$0x7A0] =	vst v50  }
0x138: {  	v50 =	vld.idx.msk [tilespmem:v36+s11+$0x0], $0xffff;
	_ =	sdelay $0x4  }
0x139: {  	[tilespmem:$0x7B0] =	vst v50  }
0x13a: {  	v50 =	vld.idx.msk [tilespmem:v37+s11+$0x0], $0xffff;
	_ =	sdelay $0x4  }
0x13b: {  	[tilespmem:$0x7C0] =	vst v50  }
0x13c: {  	v50 =	vld.idx.msk [tilespmem:v38+s11+$0x0], $0xffff;
	_ =	sdelay $0x4  }
0x13d: {  	[tilespmem:$0x7D0] =	vst v50  }
0x13e: {  	v50 =	vld.idx.msk [tilespmem:v39+s11+$0x0], $0xffff;
	_ =	sdelay $0x4  }
0x13f: {  	[tilespmem:$0x7E0] =	vst v50  }
0x140: {  	v50 =	vld.idx.msk [tilespmem:v40+s11+$0x0], $0xffff;
	_ =	sdelay $0x4  }
0x141: {  	[tilespmem:$0x7F0] =	vst v50  }
0x142: {  	v50 =	vld.idx.msk [tilespmem:v41+s11+$0x0], $0xffff;
	_ =	sdelay $0x4  }
0x143: {  	[tilespmem:$0x800] =	vst v50  }
0x144: {  	v50 =	vld.idx.msk [tilespmem:v42+s11+$0x0], $0xffff;
	_ =	sdelay $0x4  }
0x145: {  	[tilespmem:$0x810] =	vst v50  }
0x146: {  	v50 =	vld.idx.msk [tilespmem:v43+s11+$0x0], $0xffff;
	_ =	sdelay $0x4  }
0x147: {  	[tilespmem:$0x820] =	vst v50  }
0x148: {  	v50 =	vld.idx.msk [tilespmem:v44+s11+$0x0], $0xffff;
	_ =	sdelay $0x4  }
0x149: {  	[tilespmem:$0x830] =	vst v50  }
0x14a: {  	v50 =	vld.idx.msk [tilespmem:v45+s11+$0x0], $0xffff;
	_ =	sdelay $0x4  }
0x14b: {  	[tilespmem:$0x840] =	vst v50  }
0x14c: {  	v50 =	vld.idx.msk [tilespmem:v46+s11+$0x0], $0xffff;
	_ =	sdelay $0x4  }
0x14d: {  	[tilespmem:$0x850] =	vst v50  }
0x14e: {  	v50 =	vld.idx.msk [tilespmem:v47+s11+$0x0], $0xffff;
	_ =	sdelay $0x4  }
0x14f: {  	[tilespmem:$0x860] =	vst v50  }
0x150: {  	v50 =	vld.idx.msk [tilespmem:v48+s11+$0x0], $0xffff;
	_ =	sdelay $0x4  }
0x151: {  	[tilespmem:$0x870] =	vst v50  }
0x152: {  	v50 =	vld.idx.msk [tilespmem:v49+s11+$0x0], $0xffff;
	_ =	sdelay $0x4  }
0x153: {  	[tilespmem:$0x880] =	vst v50  }
0x154: {  	[tilespmem:s15], [sflag:$0x3] =	stream.indirect.gather [hbm4b:s1+s13], $0x80, s18, s13, $0xb8;
	[tilespmem:$0x19B00] =	vst v63  }
0x155: {  	s14 =	simm.s32 $0x750  }
0x156: {  	[tilespmem:s29], [sflag:$0x3] =	stream.indirect.gather [hbm4b:s1+s13], $0x80, s14, s13, $0xb8;
	[tilespmem:$0x19B00] =	vst v63  }
0x157: {  	_ = 	snop  }
0x158: {  	[tilespmem:s21], [sflag:$0x3] =	stream.indirect.gather [hbm4b:s1+s13], $0x80, s20, s13, $0xb8;
	[tilespmem:$0x19B00] =	vst v63  }
0x159: {  	s16 =	rddreg [dreg:$0x7]  }
0x15a: {  	[tilespmem:s30], [sflag:$0x3] =	stream.indirect.gather [hbm4b:s1+s13], $0x80, s22, s13, $0xb8;
	[tilespmem:$0x19B00] =	vst v63  }
0x15b: {  	s3 =	rddreg [dreg:$0xc]  }
0x15c: {  	[tilespmem:s2], [sflag:$0x3] =	stream.indirect.gather [hbm4b:s1+s13], $0x80, s31, s13, $0xb8;
	[tilespmem:$0x19B00] =	vst v63  }
0x15d: {  	s14 =	rddreg [dreg:$0xb]  }
0x15e: {  	[tilespmem:s24], [sflag:$0x2] =	stream.linear.gather [hbm4b:s16+s11], $0x320, $0x38;
	[tilespmem:$0x19B00] =	vst v63  }
.LBB2_4:
0x15f: {  	p0 =	seq.s32 s11, $0x0  }
0x160: {  	s16 =	simm.s32 @!p0 $0x6  }
0x161: {  	_ =	swait.ge @!p0 [sflag:s16], $0xC800  }
0x162: {  	[sflag:s16] =	ssyncset.done @!p0 $0x0  }
0x163: {  	[sflag:s16] =	ssyncadd.s32 @!p0 $0xFFFF3800  }
0x164: {  	_ =	swait.ge [sflag:s25], $0x320  }
0x165: {  	[sflag:s25] =	ssyncset.done $0x0  }
0x166: {  	[sflag:s25] =	ssyncadd.s32 $0xFFFFFCE0  }
0x167: {  	v50 =	vld.idx.msk [tilespmem:v25+s24+$0x0], $0xffff;
	_ =	sdelay $0x4  }
0x168: {  	[tilespmem:$0x900] =	vst v50  }
0x169: {  	v50 =	vld.idx.msk [tilespmem:v26+s24+$0x0], $0xffff;
	_ =	sdelay $0x4  }
0x16a: {  	[tilespmem:$0x910] =	vst v50  }
0x16b: {  	v50 =	vld.idx.msk [tilespmem:v27+s24+$0x0], $0xffff;
	_ =	sdelay $0x4  }
0x16c: {  	[tilespmem:$0x920] =	vst v50  }
0x16d: {  	v50 =	vld.idx.msk [tilespmem:v28+s24+$0x0], $0xffff;
	_ =	sdelay $0x4  }
0x16e: {  	[tilespmem:$0x930] =	vst v50  }
0x16f: {  	v50 =	vld.idx.msk [tilespmem:v29+s24+$0x0], $0xffff;
	_ =	sdelay $0x4  }
0x170: {  	[tilespmem:$0x940] =	vst v50  }
0x171: {  	v50 =	vld.idx.msk [tilespmem:v30+s24+$0x0], $0xffff;
	_ =	sdelay $0x4  }
0x172: {  	[tilespmem:$0x950] =	vst v50  }
0x173: {  	v50 =	vld.idx.msk [tilespmem:v31+s24+$0x0], $0xffff;
	_ =	sdelay $0x4  }
0x174: {  	[tilespmem:$0x960] =	vst v50  }
0x175: {  	v50 =	vld.idx.msk [tilespmem:v32+s24+$0x0], $0xffff;
	_ =	sdelay $0x4  }
0x176: {  	[tilespmem:$0x970] =	vst v50  }
0x177: {  	v50 =	vld.idx.msk [tilespmem:v33+s24+$0x0], $0xffff;
	_ =	sdelay $0x4  }
0x178: {  	[tilespmem:$0x980] =	vst v50  }
0x179: {  	v50 =	vld.idx.msk [tilespmem:v34+s24+$0x0], $0xffff;
	_ =	sdelay $0x4  }
0x17a: {  	[tilespmem:$0x990] =	vst v50  }
0x17b: {  	v50 =	vld.idx.msk [tilespmem:v35+s24+$0x0], $0xffff;
	_ =	sdelay $0x4  }
0x17c: {  	[tilespmem:$0x9A0] =	vst v50  }
0x17d: {  	v50 =	vld.idx.msk [tilespmem:v36+s24+$0x0], $0xffff;
	_ =	sdelay $0x4  }
0x17e: {  	[tilespmem:$0x9B0] =	vst v50  }
0x17f: {  	v50 =	vld.idx.msk [tilespmem:v37+s24+$0x0], $0xffff;
	_ =	sdelay $0x4  }
0x180: {  	[tilespmem:$0x9C0] =	vst v50  }
0x181: {  	v50 =	vld.idx.msk [tilespmem:v38+s24+$0x0], $0xffff;
	_ =	sdelay $0x4  }
0x182: {  	[tilespmem:$0x9D0] =	vst v50  }
0x183: {  	v50 =	vld.idx.msk [tilespmem:v39+s24+$0x0], $0xffff;
	_ =	sdelay $0x4  }
0x184: {  	[tilespmem:$0x9E0] =	vst v50  }
0x185: {  	v50 =	vld.idx.msk [tilespmem:v40+s24+$0x0], $0xffff;
	_ =	sdelay $0x4  }
0x186: {  	[tilespmem:$0x9F0] =	vst v50  }
0x187: {  	v50 =	vld.idx.msk [tilespmem:v41+s24+$0x0], $0xffff;
	_ =	sdelay $0x4  }
0x188: {  	[tilespmem:$0xA00] =	vst v50  }
0x189: {  	v50 =	vld.idx.msk [tilespmem:v42+s24+$0x0], $0xffff;
	_ =	sdelay $0x4  }
0x18a: {  	[tilespmem:$0xA10] =	vst v50  }
0x18b: {  	v50 =	vld.idx.msk [tilespmem:v43+s24+$0x0], $0xffff;
	_ =	sdelay $0x4  }
0x18c: {  	[tilespmem:$0xA20] =	vst v50  }
0x18d: {  	v50 =	vld.idx.msk [tilespmem:v44+s24+$0x0], $0xffff;
	_ =	sdelay $0x4  }
0x18e: {  	[tilespmem:$0xA30] =	vst v50  }
0x18f: {  	v50 =	vld.idx.msk [tilespmem:v45+s24+$0x0], $0xffff;
	_ =	sdelay $0x4  }
0x190: {  	[tilespmem:$0xA40] =	vst v50  }
0x191: {  	v50 =	vld.idx.msk [tilespmem:v46+s24+$0x0], $0xffff;
	_ =	sdelay $0x4  }
0x192: {  	[tilespmem:$0xA50] =	vst v50  }
0x193: {  	v50 =	vld.idx.msk [tilespmem:v47+s24+$0x0], $0xffff;
	_ =	sdelay $0x4  }
0x194: {  	[tilespmem:$0xA60] =	vst v50  }
0x195: {  	v50 =	vld.idx.msk [tilespmem:v48+s24+$0x0], $0xffff;
	_ =	sdelay $0x4  }
0x196: {  	[tilespmem:$0xA70] =	vst v50  }
0x197: {  	v50 =	vld.idx.msk [tilespmem:v49+s24+$0x0], $0xffff;
	_ =	sdelay $0x4  }
0x198: {  	s8 =	simm.s32 $0x900;
	[tilespmem:$0xA80] =	vst v50  }
0x199: {  	[tilespmem:s28], [sflag:$0x4] =	stream.indirect.gather [hbm4b:s1+s13], $0x80, s8, s13, $0xb8;
	[tilespmem:$0x19B00] =	vst v63  }
0x19a: {  	s16 =	simm.s32 $0x950;
	s8 =	simm.s32 $0xFB00  }
0x19b: {  	[tilespmem:s8], [sflag:$0x4] =	stream.indirect.gather [hbm4b:s1+s13], $0x80, s16, s13, $0xb8;
	[tilespmem:$0x19B00] =	vst v63  }
0x19c: {  	s16 =	simm.s32 $0x9A0  }
0x19d: {  	[tilespmem:s9], [sflag:$0x4] =	stream.indirect.gather [hbm4b:s1+s13], $0x80, s16, s13, $0xb8;
	[tilespmem:$0x19B00] =	vst v63  }
0x19e: {  	_ = 	snop  }
0x19f: {  	[tilespmem:s23], [sflag:$0x4] =	stream.indirect.gather [hbm4b:s1+s13], $0x80, s0, s13, $0xb8;
	[tilespmem:$0x19B00] =	vst v63  }
0x1a0: {  	s8 =	sshrl.u32 s3, $0x3  }
0x1a1: {  	[tilespmem:s26], [sflag:$0x4] =	stream.indirect.gather [hbm4b:s1+s13], $0x80, s7, s13, $0xb8;
	[tilespmem:$0x19B00] =	vst v63  }
0x1a2: {  	s16 =	sadd.s32 s17, s8  }
0x1a3: {  	[tilespmem:s4], [sflag:$0x1] =	stream.linear.gather [hbm4b:s16+s4], $0x320, $0x38;
	[tilespmem:$0x19B00] =	vst v63  }
0x1a4: {  	_ =	swait.ge [sflag:s6], $0x2800  }
0x1a5: {  	[sflag:s6] =	ssyncset.done $0x0  }
0x1a6: {  	[sflag:s6] =	ssyncadd.s32 $0xFFFFD800  }
0x1a7: {  	_ =	swait.ge [sflag:s6], $0x2800  }
0x1a8: {  	[sflag:s6] =	ssyncset.done $0x0  }
0x1a9: {  	[sflag:s6] =	ssyncadd.s32 $0xFFFFD800  }
0x1aa: {  	_ =	swait.ge [sflag:s6], $0x2800  }
0x1ab: {  	[sflag:s6] =	ssyncset.done $0x0  }
0x1ac: {  	[sflag:s6] =	ssyncadd.s32 $0xFFFFD800  }
0x1ad: {  	_ =	swait.ge [sflag:s6], $0x2800  }
0x1ae: {  	[sflag:s6] =	ssyncset.done $0x0  }
0x1af: {  	[sflag:s6] =	ssyncadd.s32 $0xFFFFD800  }
0x1b0: {  	_ =	swait.ge [sflag:s6], $0x2800  }
0x1b1: {  	s17 =	rddreg [dreg:$0x5];
	[sflag:s6] =	ssyncset.done $0x0  }
0x1b2: {  	[sflag:s6] =	ssyncadd.s32 $0xFFFFD800;
	s16 =	sadd.s32 s11, s17  }
0x1b3: {  	[hbm4b:s16+s4] =	stream.linear.scatter [tilespmem:s15], [sflag:$0x5], $0xC800, $0x38;
	[tilespmem:$0x19B00] =	vst v63  }
0x1b4: {  	_ =	swait.ge [sflag:s5], $0xC800  }
0x1b5: {  	[sflag:s5] =	ssyncset.done $0x0  }
0x1b6: {  	[sflag:s5] =	ssyncadd.s32 $0xFFFF3800  }
0x1b7: {  	_ =	swait.ge [sflag:s12], $0x320  }
0x1b8: {  	[sflag:s12] =	ssyncset.done $0x0  }
0x1b9: {  	[sflag:s12] =	ssyncadd.s32 $0xFFFFFCE0  }
0x1ba: {  	v63 =	vld.idx.msk [tilespmem:v25+s4+$0x0], $0xffff;
	_ =	sdelay $0x4  }
0x1bb: {  	[tilespmem:$0x700] =	vst v63  }
0x1bc: {  	v50 =	vld.idx.msk [tilespmem:v26+s4+$0x0], $0xffff;
	_ =	sdelay $0x4  }
0x1bd: {  	[tilespmem:$0x710] =	vst v50  }
0x1be: {  	v50 =	vld.idx.msk [tilespmem:v27+s4+$0x0], $0xffff;
	_ =	sdelay $0x4  }
0x1bf: {  	[tilespmem:$0x720] =	vst v50  }
0x1c0: {  	v50 =	vld.idx.msk [tilespmem:v28+s4+$0x0], $0xffff;
	_ =	sdelay $0x4  }
0x1c1: {  	[tilespmem:$0x730] =	vst v50  }
0x1c2: {  	v50 =	vld.idx.msk [tilespmem:v29+s4+$0x0], $0xffff;
	_ =	sdelay $0x4  }
0x1c3: {  	[tilespmem:$0x740] =	vst v50  }
0x1c4: {  	v50 =	vld.idx.msk [tilespmem:v30+s4+$0x0], $0xffff;
	_ =	sdelay $0x4  }
0x1c5: {  	[tilespmem:$0x750] =	vst v50  }
0x1c6: {  	v50 =	vld.idx.msk [tilespmem:v31+s4+$0x0], $0xffff;
	_ =	sdelay $0x4  }
0x1c7: {  	[tilespmem:$0x760] =	vst v50  }
0x1c8: {  	v50 =	vld.idx.msk [tilespmem:v32+s4+$0x0], $0xffff;
	_ =	sdelay $0x4  }
0x1c9: {  	[tilespmem:$0x770] =	vst v50  }
0x1ca: {  	v50 =	vld.idx.msk [tilespmem:v33+s4+$0x0], $0xffff;
	_ =	sdelay $0x4  }
0x1cb: {  	[tilespmem:$0x780] =	vst v50  }
0x1cc: {  	v50 =	vld.idx.msk [tilespmem:v34+s4+$0x0], $0xffff;
	_ =	sdelay $0x4  }
0x1cd: {  	[tilespmem:$0x790] =	vst v50  }
0x1ce: {  	v50 =	vld.idx.msk [tilespmem:v35+s4+$0x0], $0xffff;
	_ =	sdelay $0x4  }
0x1cf: {  	[tilespmem:$0x7A0] =	vst v50  }
0x1d0: {  	v50 =	vld.idx.msk [tilespmem:v36+s4+$0x0], $0xffff;
	_ =	sdelay $0x4  }
0x1d1: {  	[tilespmem:$0x7B0] =	vst v50  }
0x1d2: {  	v50 =	vld.idx.msk [tilespmem:v37+s4+$0x0], $0xffff;
	_ =	sdelay $0x4  }
0x1d3: {  	[tilespmem:$0x7C0] =	vst v50  }
0x1d4: {  	v50 =	vld.idx.msk [tilespmem:v38+s4+$0x0], $0xffff;
	_ =	sdelay $0x4  }
0x1d5: {  	[tilespmem:$0x7D0] =	vst v50  }
0x1d6: {  	v50 =	vld.idx.msk [tilespmem:v39+s4+$0x0], $0xffff;
	_ =	sdelay $0x4  }
0x1d7: {  	[tilespmem:$0x7E0] =	vst v50  }
0x1d8: {  	v50 =	vld.idx.msk [tilespmem:v40+s4+$0x0], $0xffff;
	_ =	sdelay $0x4  }
0x1d9: {  	[tilespmem:$0x7F0] =	vst v50  }
0x1da: {  	v50 =	vld.idx.msk [tilespmem:v41+s4+$0x0], $0xffff;
	_ =	sdelay $0x4  }
0x1db: {  	[tilespmem:$0x800] =	vst v50  }
0x1dc: {  	v50 =	vld.idx.msk [tilespmem:v42+s4+$0x0], $0xffff;
	_ =	sdelay $0x4  }
0x1dd: {  	[tilespmem:$0x810] =	vst v50  }
0x1de: {  	v50 =	vld.idx.msk [tilespmem:v43+s4+$0x0], $0xffff;
	_ =	sdelay $0x4  }
0x1df: {  	[tilespmem:$0x820] =	vst v50  }
0x1e0: {  	v50 =	vld.idx.msk [tilespmem:v44+s4+$0x0], $0xffff;
	_ =	sdelay $0x4  }
0x1e1: {  	[tilespmem:$0x830] =	vst v50  }
0x1e2: {  	v50 =	vld.idx.msk [tilespmem:v45+s4+$0x0], $0xffff;
	_ =	sdelay $0x4  }
0x1e3: {  	[tilespmem:$0x840] =	vst v50  }
0x1e4: {  	v50 =	vld.idx.msk [tilespmem:v46+s4+$0x0], $0xffff;
	_ =	sdelay $0x4  }
0x1e5: {  	[tilespmem:$0x850] =	vst v50  }
0x1e6: {  	v50 =	vld.idx.msk [tilespmem:v47+s4+$0x0], $0xffff;
	_ =	sdelay $0x4  }
0x1e7: {  	[tilespmem:$0x860] =	vst v50  }
0x1e8: {  	v50 =	vld.idx.msk [tilespmem:v48+s4+$0x0], $0xffff;
	_ =	sdelay $0x4  }
0x1e9: {  	[tilespmem:$0x870] =	vst v50  }
0x1ea: {  	v50 =	vld.idx.msk [tilespmem:v49+s4+$0x0], $0xffff;
	_ =	sdelay $0x4  }
0x1eb: {  	[tilespmem:$0x880] =	vst v50  }
0x1ec: {  	[tilespmem:s15], [sflag:$0x3] =	stream.indirect.gather [hbm4b:s1+s13], $0x80, s18, s13, $0xb8;
	[tilespmem:$0x19B00] =	vst v63  }
0x1ed: {  	s18 =	simm.s32 $0x750  }
0x1ee: {  	[tilespmem:s29], [sflag:$0x3] =	stream.indirect.gather [hbm4b:s1+s13], $0x80, s18, s13, $0xb8;
	[tilespmem:$0x19B00] =	vst v63  }
0x1ef: {  	_ = 	snop  }
0x1f0: {  	[tilespmem:s21], [sflag:$0x3] =	stream.indirect.gather [hbm4b:s1+s13], $0x80, s20, s13, $0xb8;
	[tilespmem:$0x19B00] =	vst v63  }
0x1f1: {  	_ = 	snop  }
0x1f2: {  	[tilespmem:s30], [sflag:$0x3] =	stream.indirect.gather [hbm4b:s1+s13], $0x80, s22, s13, $0xb8;
	[tilespmem:$0x19B00] =	vst v63  }
0x1f3: {  	p0 =	seq.s32 s11, $0x22600  }
0x1f4: {  	[tilespmem:s2], [sflag:$0x3] =	stream.indirect.gather [hbm4b:s1+s13], $0x80, s31, s13, $0xb8;
	[tilespmem:$0x19B00] =	vst v63  }
0x1f5: {  	s17 =	simm.s32 @!p0 $0x0;
	s18 =	simm.s32 @!p0 $0x380  }
0x1f6: {  	[tilespmem:s18], [sflag:$0x2] =	stream.linear.gather @!p0 [hbm4b:s14+s17], $0x320, $0x38;
	[tilespmem:$0x19B00] =	vst v63  }
0x1f7: {  	_ =	swait.ge [sflag:s10], $0x2800  }
0x1f8: {  	[sflag:s10] =	ssyncset.done $0x0  }
0x1f9: {  	[sflag:s10] =	ssyncadd.s32 $0xFFFFD800  }
0x1fa: {  	_ =	swait.ge [sflag:s10], $0x2800  }
0x1fb: {  	[sflag:s10] =	ssyncset.done $0x0  }
0x1fc: {  	[sflag:s10] =	ssyncadd.s32 $0xFFFFD800  }
0x1fd: {  	_ =	swait.ge [sflag:s10], $0x2800  }
0x1fe: {  	[sflag:s10] =	ssyncset.done $0x0  }
0x1ff: {  	[sflag:s10] =	ssyncadd.s32 $0xFFFFD800  }
0x200: {  	s11 =	sadd.s32 $0x3200, s11;
	_ =	swait.ge [sflag:s10], $0x2800  }
0x201: {  	p0 =	sne.s32 s11, $0x25800;
	[sflag:s10] =	ssyncset.done $0x0  }
.Ltmp1:
0x202: {  	[sflag:s10] =	ssyncadd.s32 $0xFFFFD800;
	(pc) =	sbr.rel @p0 .LBB2_4-.Ltmp1, $4  }
0x203: {  	s3 =	sadd.s32 $0x640, s3;
	_ =	swait.ge [sflag:s10], $0x2800  }
0x204: {  	s16 =	sadd.s32 $0x1900, s16;
	s18 =	simm.s32 $0x700;
	[sflag:s10] =	ssyncset.done $0x0  }
0x205: {  	s17 =	smov.u32 s19;
	s14 =	sadd.s32 $0xC8, s14;
	[sflag:s10] =	ssyncadd.s32 $0xFFFFD800  }
0x206: {  	[hbm4b:s16+s4] =	stream.linear.scatter [tilespmem:s28], [sflag:$0x6], $0xC800, $0x38;
	[tilespmem:$0x19B00] =	vst v63  }
0x207: {  	_ =	swait.ge [sflag:s6], $0x2800  }
0x208: {  	[sflag:s6] =	ssyncset.done $0x0  }
0x209: {  	[sflag:s6] =	ssyncadd.s32 $0xFFFFD800  }
0x20a: {  	_ =	swait.ge [sflag:s6], $0x2800  }
0x20b: {  	[sflag:s6] =	ssyncset.done $0x0  }
0x20c: {  	[sflag:s6] =	ssyncadd.s32 $0xFFFFD800  }
0x20d: {  	_ =	swait.ge [sflag:s6], $0x2800  }
0x20e: {  	[sflag:s6] =	ssyncset.done $0x0  }
0x20f: {  	[sflag:s6] =	ssyncadd.s32 $0xFFFFD800  }
0x210: {  	_ =	swait.ge [sflag:s6], $0x2800  }
0x211: {  	[sflag:s6] =	ssyncset.done $0x0  }
0x212: {  	[sflag:s6] =	ssyncadd.s32 $0xFFFFD800  }
0x213: {  	_ =	swait.ge [sflag:s6], $0x2800  }
0x214: {  	[sflag:s6] =	ssyncset.done $0x0  }
0x215: {  	s0 =	simm.s32 $0x6;
	s3 =	rddreg [dreg:$0x9];
	[sflag:s6] =	ssyncadd.s32 $0xFFFFD800  }
0x216: {  	[hbm4b:s3+s4] =	stream.linear.scatter [tilespmem:s15], [sflag:$0x5], $0xC800, $0x38;
	[tilespmem:$0x19B00] =	vst v63  }
0x217: {  	_ =	swait.ge [sflag:s0], $0xC800  }
0x218: {  	[sflag:s0] =	ssyncset.done $0x0  }
0x219: {  	[sflag:s0] =	ssyncadd.s32 $0xFFFF3800  }
0x21a: {  	_ =	swait.ge [sflag:s5], $0xC800  }
0x21b: {  	s2 =	rddreg [dreg:$0xd]  }
0x21c: {  	s22 =	rddreg [dreg:$0xa];
	s2 =	sadd.s32 $0x1, s2  }
0x21d: {  	p0 =	sne.s32 s2, s22  }
.Ltmp2:
0x21e: {  	_ = 	snop;
	(pc) =	sbr.rel @p0 .LBB2_1-.Ltmp2, $4  }
0x21f: {  	s11 =	simm.s32 $0x750  }
0x220: {  	s14 =	simm.s32 $0x3300;
	s16 =	simm.s32 $0x7A0;
	s19 =	simm.s32 $0x5B00  }
0x221: {  	s20 =	simm.s32 $0x7F0;
	s21 =	simm.s32 $0x8300;
	[sflag:s5] =	ssyncset.done $0x0  }
0x222: {  	s0 =	simm.s32 $0xAB00;
	[sflag:s5] =	ssyncadd.s32 $0xFFFF3800;
	s22 =	simm.s32 $0x840  }
0x223: {  	_ =	sfence.sel $0x180000  }
0x224: {  	[bflag:$0x0] =	sbarrier.arrive $0xFFFF  }
0x225: {  	_ =	strace $0x90000047  }
0x226: {  	s0 =	stileid.u32;
	[bflag:$0x2] =	sbarrier.arrive $0xFFFF  }
0x227: {  	p0 =	sne.s32 s0, $0x0;
	s0 =	rddreg [dreg:$0x3]  }
0x228: {  	s0 =	sadd.s32 @!p0 $0x100000, s0  }
0x229: {  	[sflag:s0] =	ssyncadd.tile.s32 @!p0 $0x1;
	_ =	shalt  }
.Lfunc_end2:
_tile_overlayer_lowered:
.L_overlay_start_2:
0x22a: {  	(tag) =	ssettag $0x2  }
0x22b: {  	s0 =	rddreg [dreg:$0x0];
	s2 =	stileid.u32  }
0x22c: {  	s1 =	rddreg [dreg:$0x1];
	p0 =	sne.s32 s2, $0x0  }
0x22d: {  	s3 =	rddreg [dreg:$0x2];
	[bflag:$0x3] =	sbarrier.arrive $0xFFFF;
	s2 =	simm.s32 @!p0 $0x1C07  }
0x22e: {  	[timem:s3], [sflag:s2] =	dma.local @!p0 [hbm:s0], s1  }
0x22f: {  	s0 =	simm.s32 @!p0 $0x7  }
0x230: {  	_ =	swait.ge @!p0 [sflag:s0], s1  }
0x231: {  	s1 =	ssub.s32 @!p0 $0x0, s1;
	[sflag:s0] =	ssyncset.done @!p0 $0x0  }
0x232: {  	[sflag:s0] =	ssyncadd.s32 @!p0 s1  }
0x233: {  	[bflag:$0x3] =	sbarrier.arrive $0xFFFF  }
0x234: {  	_ =	shalt  }

</sc_bundles>
